<compile_context>
chip_gen: v7x
topology: tpu7x:2x2x1
jax: 0.10.2.dev20260603
libtpu: 0.0.44.dev20260713+nightly
codegen_flags: <defaults>
</compile_context>

<pallas_src>
import functools

import jax
import jax.numpy as jnp
import numpy as np
from jax import lax
from jax.experimental import pallas as pl
from jax.experimental.pallas import tpu as pltpu
from jax.experimental.pallas import tpu_sc as plsc

B = 16
W = 64
H = 64
A = 5
C = 80
M = 100
ANCHORS = np.array([[1.19, 1.98], [2.79, 4.59], [4.53, 8.92], [8.06, 5.29], [10.32, 10.65]], dtype=np.float32)
IOU_THR = 0.5
SCALE_NOOBJ = 0.5
SCALE_OBJ = 5.0
ANCHOR_TRAIN_ITERS = 12000

MPAD = 128
HALF = 64
NW = 32
ROWS = W * H
PP = 32
L = 16
CLS_ROWS = B * W * A * H
PLANES = B * A * 5


def _splat_i(v):
    return jnp.full((L,), v, dtype=jnp.int32)


def _sigmoid(x):
    return 1.0 / (1.0 + jnp.exp(-x))


def _sc_body(clsT, pred4, predT2, labF, tobF, out_hbm,
             tob_v, cells_v, base_v, idxp_v, sub_v, clsbuf,
             predrows, planes_v, lab_v, msk_v, acc_v,
             semg, semb, semp, seml):
    nc = 2
    wid = lax.axis_index("s") * nc + lax.axis_index("c")
    b = wid // 2
    hh = wid % 2
    iota = lax.iota(jnp.int32, L)
    zf = jnp.zeros((L,), jnp.float32)

    plane_cps = []
    for a in range(A):
        src = predT2.at[pl.ds(pl.multiple_of(((b * A + a) * 5 + 4) * W + hh * 32, 32), 32), :]
        cp = pltpu.make_async_copy(src, planes_v.at[pl.ds(a * 32, 32), :], semp)
        cp.start()
        plane_cps.append(cp)

    pltpu.sync_copy(tobF.at[pl.ds(pl.multiple_of(b * 512, 512), 512)], tob_v)
    lab_cp = pltpu.make_async_copy(
        labF.at[pl.ds(pl.multiple_of(b * (MPAD * C) + hh * (HALF * C), HALF * C), HALF * C)], lab_v, seml)
    lab_cp.start()

    for k in range(MPAD // L):
        tx = tob_v[pl.ds(k * L, L)] * jnp.float32(W)
        ty = tob_v[pl.ds(MPAD + k * L, L)] * jnp.float32(H)
        cw = jnp.minimum(jnp.maximum(tx.astype(jnp.int32), 0), W - 1)
        ch = jnp.minimum(jnp.maximum(ty.astype(jnp.int32), 0), H - 1)
        mglob = iota + k * L
        cell = jnp.where(mglob < M, cw * H + ch, -1 - mglob)
        cells_v[pl.ds(k * L, L)] = cell

    for kl in range(HALF // L):
        base = pl.multiple_of(hh * HALF + kl * L, L)
        tx = tob_v[pl.ds(base, L)] * jnp.float32(W)
        ty = tob_v[pl.ds(MPAD + base, L)] * jnp.float32(H)
        cw = jnp.minimum(jnp.maximum(tx.astype(jnp.int32), 0), W - 1)
        ch = jnp.minimum(jnp.maximum(ty.astype(jnp.int32), 0), H - 1)
        base_v[pl.ds(kl * L, L)] = (b * (W * A * H) + cw * (A * H)) + ch
        base_v[pl.ds(HALF + kl * L, L)] = b * ROWS + cw * H + ch

    for kl in range(HALF // L):
        r32 = plsc.load_gather(base_v, [iota + (HALF + kl * L)])
        idxp_v[pl.ds(kl * L, L)] = r32 >> 2
        sub_v[pl.ds(kl * L, L)] = (r32 & 3) * PP

    pred_cp = pltpu.make_async_copy(pred4.at[idxp_v], predrows, semb)
    pred_cp.start()

    def fire(m, _):
        cb = jnp.max(plsc.load_gather(base_v, [_splat_i(0) + m]))
        for a in range(A):
            pltpu.make_async_copy(
                clsT.at[pl.ds(cb + a * H, 1), :],
                clsbuf.at[pl.ds(m * A + a, 1), :], semg).start()
        return 0

    lax.fori_loop(0, HALF, fire, 0)

    pred_cp.wait()

    corr_acc = zf
    obj_acc = zf
    prior_acc = zf
    true_acc = zf

    for cloc in range(HALF // L):
        kk = hh * (HALF // L) + cloc
        m_vec = iota + kk * L
        mycells = plsc.load_gather(cells_v, [m_vec])

        def loser_body(t, loser):
            j = t // L
            s = t - j * L
            rot_idx = (iota + s) & (L - 1)
            rot_cells = plsc.load_gather(cells_v, [rot_idx + j * L])
            mp_vec = rot_idx + j * L
            hit = (rot_cells == mycells) & (mp_vec > m_vec)
            return loser | hit.astype(jnp.int32)

        loser = lax.fori_loop(0, (MPAD // L) * L, loser_body, jnp.zeros((L,), jnp.int32))
        winner = (loser == 0) & (m_vec < M)

        base = pl.multiple_of(hh * HALF + cloc * L, L)
        tx = tob_v[pl.ds(base, L)] * jnp.float32(W)
        ty = tob_v[pl.ds(MPAD + base, L)] * jnp.float32(H)
        tw = tob_v[pl.ds(2 * MPAD + base, L)] * jnp.float32(W)
        th = tob_v[pl.ds(3 * MPAD + base, L)] * jnp.float32(H)
        ci_f = jnp.minimum(jnp.maximum(tx.astype(jnp.int32), 0), W - 1).astype(jnp.float32)
        cj_f = jnp.minimum(jnp.maximum(ty.astype(jnp.int32), 0), H - 1).astype(jnp.float32)
        mrow = iota + cloc * L
        scol = plsc.load_gather(sub_v, [mrow])

        for a in range(A):
            aw = float(ANCHORS[a, 0])
            ah = float(ANCHORS[a, 1])
            inter = jnp.minimum(tw, aw) * jnp.minimum(th, ah)
            union = tw * th + (aw * ah) - inter
            iou = inter / (union + 1e-9)
            maskb = winner & (iou > IOU_THR)
            maskf = jnp.where(maskb, 1.0, 0.0).astype(jnp.float32)
            msk_v[pl.ds(a * HALF + cloc * L, L)] = maskf

            p0 = plsc.load_gather(predrows, [mrow, scol + (a * 5 + 0)])
            p1 = plsc.load_gather(predrows, [mrow, scol + (a * 5 + 1)])
            p2 = plsc.load_gather(predrows, [mrow, scol + (a * 5 + 2)])
            p3 = plsc.load_gather(predrows, [mrow, scol + (a * 5 + 3)])
            p4 = plsc.load_gather(predrows, [mrow, scol + (a * 5 + 4)])

            obj = _sigmoid(p4)
            corr_acc = corr_acc + jnp.where(maskb, obj * obj, zf)
            d0 = obj - iou
            obj_acc = obj_acc + jnp.where(maskb, d0 * d0, zf)
            wx = jnp.exp(p2) * aw
            wy = jnp.exp(p3) * ah
            dpx = wx - aw
            dpy = wy - ah
            prior_acc = prior_acc + jnp.where(maskb, dpx * dpx + dpy * dpy, zf)
            bx = _sigmoid(p0) + ci_f
            by = _sigmoid(p1) + cj_f
            d1 = bx - tx
            d2 = by - ty
            d3 = wx - tw
            d4 = wy - th
            true_acc = true_acc + jnp.where(maskb, d1 * d1 + d2 * d2 + d3 * d3 + d4 * d4, zf)

    pltpu.make_async_copy(clsT.at[pl.ds(0, HALF * A), :], clsbuf, semg).wait()
    lab_cp.wait()

    def score_body(m, sc_acc):
        mc = pl.multiple_of(m * C, 16)
        labs = [lab_v[pl.ds(mc + k * L, L)] for k in range(C // L)]
        for a in range(A):
            ma = plsc.load_gather(msk_v, [_splat_i(a * HALF) + m])
            sacc = zf
            for k in range(C // L):
                d = clsbuf[m * A + a, pl.ds(k * L, L)] - labs[k]
                sacc = sacc + d * d
            sc_acc = sc_acc + ma * sacc
        return sc_acc

    score_acc = lax.fori_loop(0, HALF, score_body, zf)

    for cp in plane_cps:
        cp.wait()

    def dense_body(r, dn_acc):
        for k in range(W // L):
            s = _sigmoid(planes_v[r, pl.ds(k * L, L)])
            dn_acc = dn_acc + s * s
        return dn_acc

    dense_acc = lax.fori_loop(0, A * 32, dense_body, zf)

    accs = [corr_acc, obj_acc, prior_acc, true_acc, score_acc, dense_acc, zf, zf]
    for i, v in enumerate(accs):
        acc_v[pl.ds(i * L, L)] = v
    pltpu.sync_copy(acc_v, out_hbm.at[pl.ds(pl.multiple_of(wid * 128, 128), 128)])


@jax.jit
def _yolo_loss_sc(clsT, pred4, predT2, labF, tobF):
    mesh = plsc.VectorSubcoreMesh(core_axis_name="c", subcore_axis_name="s")
    run = functools.partial(
        pl.kernel,
        mesh=mesh,
        compiler_params=pltpu.CompilerParams(
            needs_layout_passes=False, use_tc_tiling_on_sc=True),
        out_type=jax.ShapeDtypeStruct((NW * 128,), jnp.float32),
        scratch_types=[
            pltpu.VMEM((4 * MPAD,), jnp.float32),
            pltpu.VMEM((MPAD,), jnp.int32),
            pltpu.VMEM((2 * HALF,), jnp.int32),
            pltpu.VMEM((HALF,), jnp.int32),
            pltpu.VMEM((HALF,), jnp.int32),
            pltpu.VMEM((HALF * A, C), jnp.float32),
            pltpu.VMEM((HALF, 4 * PP), jnp.float32),
            pltpu.VMEM((A * 32, W), jnp.float32),
            pltpu.VMEM((HALF * C,), jnp.float32),
            pltpu.VMEM((A * HALF,), jnp.float32),
            pltpu.VMEM((8 * L,), jnp.float32),
            pltpu.SemaphoreType.DMA,
            pltpu.SemaphoreType.DMA,
            pltpu.SemaphoreType.DMA,
            pltpu.SemaphoreType.DMA,
        ],
    )(_sc_body)
    return run(clsT, pred4, predT2, labF, tobF)


def kernel(cls_score, pred_object, true_label, true_object, iter_num):
    clsT = jnp.transpose(cls_score, (0, 1, 3, 2, 4)).reshape(CLS_ROWS, C)
    predT2 = jnp.transpose(pred_object, (0, 3, 4, 1, 2)).reshape(PLANES * W, H)
    pred4 = jnp.pad(pred_object.reshape(B * ROWS, A * 5), ((0, 0), (0, PP - A * 5))).reshape(B * ROWS // 4, 4 * PP)
    labF = jnp.pad(true_label, ((0, 0), (0, MPAD - M), (0, 0))).reshape(-1)
    tobF = jnp.pad(jnp.transpose(true_object, (0, 2, 1)), ((0, 0), (0, 0), (0, MPAD - M))).reshape(-1)

    out = _yolo_loss_sc(clsT, pred4, predT2, labF, tobF)
    sums = jnp.sum(out.reshape(NW, 8, L), axis=(0, 2))
    corr, obj_s, prior_s, true_s, score_s, dense_s = (sums[i] for i in range(6))

    n1 = float(B * W * H * A)
    need_prior = (iter_num < ANCHOR_TRAIN_ITERS).astype(jnp.float32)
    noobj_loss = SCALE_NOOBJ * 0.5 * (dense_s - corr) / n1
    obj_loss = SCALE_OBJ * 0.5 * obj_s / n1
    prior_loss = need_prior * SCALE_OBJ * 0.5 * prior_s / (n1 * 2)
    true_loss = SCALE_OBJ * 0.5 * true_s / (n1 * 4)
    score_loss = SCALE_OBJ * 0.5 * score_s / (n1 * C)
    return (noobj_loss + obj_loss + prior_loss + true_loss + score_loss) / 4.0

# --- scband reference (transcript-rebuilt; emitter-appended) ---
"""Pipeline reference for scband-yolo-loss-34617436406052 (READ-ONLY COPY).

The authoritative reference and input builder live on the scoring server;
editing this copy changes nothing except your own understanding.
"""

import jax, jax.numpy as jnp
import numpy as np

B = 16
W = 64
H = 64
A = 5
C = 80
M = 100
ANCHORS = np.array([[1.19, 1.98], [2.79, 4.59], [4.53, 8.92], [8.06, 5.29], [10.32, 10.65]], dtype=np.float32)
IOU_THR = 0.5
SCALE_NOOBJ = 0.5
SCALE_OBJ = 5.0
ANCHOR_TRAIN_ITERS = 12000


def setup_inputs(seed: int = 0):
    key = jax.random.key(seed)
    k1, k2, k3, k4 = jax.random.split(key, 4)
    cls_score = jax.random.normal(k1, (B, W, H, A, C), dtype=jnp.float32)
    pred_object = jax.random.normal(k2, (B, W, H, A, 5), dtype=jnp.float32)
    true_label = jax.random.normal(k3, (B, M, C), dtype=jnp.float32)
    true_object = jax.random.uniform(k4, (B, M, 4), dtype=jnp.float32)
    return {"cls_score": cls_score, "pred_object": pred_object, "true_label": true_label, "true_object": true_object, "iter_num": 100}


def reference(cls_score, pred_object, true_label, true_object, iter_num):
    anchors = jnp.asarray(ANCHORS)
    gx, gy = jnp.meshgrid(jnp.arange(W, dtype=jnp.float32), jnp.arange(H, dtype=jnp.float32), indexing='ij')
    fm_cord = jnp.stack([gx, gy], axis=-1)  # [W, H, 2]

    # decode predictions (sigmoid xy + cell offset, exp wh * anchor prior)
    xy = jax.nn.sigmoid(pred_object[..., :2]) + fm_cord[None, :, :, None, :]
    wh = jnp.exp(pred_object[..., 2:4]) * anchors[None, None, None, :, :]
    obj = jax.nn.sigmoid(pred_object[..., 4:5])
    pred_box = jnp.concatenate([xy, wh], axis=-1)  # [B, W, H, A, 4]

    # ground-truth boxes (normalized [0,1)) -> grid units
    tob = true_object * jnp.array([W, H, W, H], dtype=jnp.float32)  # [B, M, 4]
    ci = jnp.clip(jnp.floor(tob[..., 0]), 0, W - 1).astype(jnp.int32)  # [B, M]
    cj = jnp.clip(jnp.floor(tob[..., 1]), 0, H - 1).astype(jnp.int32)  # [B, M]

    # anchor-vs-gt wh IoU (shared-center IoU, standard YOLO anchor matching)
    tw = tob[..., 2:3]
    th = tob[..., 3:4]
    inter = jnp.minimum(tw, anchors[None, None, :, 0]) * jnp.minimum(th, anchors[None, None, :, 1])
    union = tw * th + anchors[None, None, :, 0] * anchors[None, None, :, 1] - inter
    iou_a = inter / (union + 1e-9)  # [B, M, A]

    bidx = jnp.broadcast_to(jnp.arange(B)[:, None], (B, M))

    # scatter gt info into dense grid buffers (scatter-overwrite)
    obj_mask = jnp.zeros((B, W, H, A, 1), dtype=jnp.float32).at[bidx, ci, cj].set((iou_a > IOU_THR).astype(jnp.float32)[..., None])
    iou_map = jnp.zeros((B, W, H, A, 1), dtype=jnp.float32).at[bidx, ci, cj].set(iou_a[..., None])
    tb = jnp.broadcast_to(tob[:, :, None, :], (B, M, A, 4))
    true_bbox = jnp.zeros((B, W, H, A, 4), dtype=jnp.float32).at[bidx, ci, cj].set(tb)
    ts = jnp.broadcast_to(true_label[:, :, None, :], (B, M, A, C))
    true_score = jnp.zeros((B, W, H, A, C), dtype=jnp.float32).at[bidx, ci, cj].set(ts)

    noobj_mask = 1.0 - obj_mask
    need_prior = jnp.float32(iter_num < ANCHOR_TRAIN_ITERS)

    noobj_loss = jnp.mean(SCALE_NOOBJ * noobj_mask * 0.5 * jnp.square(obj))
    obj_loss = jnp.mean(SCALE_OBJ * obj_mask * 0.5 * jnp.square(obj - iou_map))
    prior_loss = jnp.mean(need_prior * SCALE_OBJ * obj_mask * 0.5 * jnp.square(wh - anchors[None, None, None, :, :]))
    true_loss = jnp.mean(SCALE_OBJ * obj_mask * 0.5 * jnp.square(pred_box - true_bbox))
    score_loss = jnp.mean(SCALE_OBJ * obj_mask * 0.5 * jnp.square(cls_score - true_score))

    total_loss = (noobj_loss + obj_loss + prior_loss + true_loss + score_loss) / 4.0
    return total_loss

if __name__ == "__main__":
    import jax
    _d = setup_inputs()
    print(jax.jit(kernel)(*tuple(_d.values())))

</pallas_src>

<mosaic_0001>
#map = affine_map<(d0, d1) -> (0, 0)>
#map1 = affine_map<(d0, d1) -> (0)>
module attributes {stable_mosaic.version = 14 : i64} {
  func.func @_sc_body(%arg0: i32, %arg1: i32, %arg2: memref<327680x80xf32, #tpu.memory_space<hbm>>, %arg3: memref<16384x128xf32, #tpu.memory_space<hbm>>, %arg4: memref<25600x64xf32, #tpu.memory_space<hbm>>, %arg5: memref<163840xf32, #tpu.memory_space<hbm>>, %arg6: memref<8192xf32, #tpu.memory_space<hbm>>, %arg7: memref<4096xf32, #tpu.memory_space<hbm>>, %arg8: memref<512xf32, #tpu.memory_space<vmem>>, %arg9: memref<128xi32, #tpu.memory_space<vmem>>, %arg10: memref<128xi32, #tpu.memory_space<vmem>>, %arg11: memref<64xi32, #tpu.memory_space<vmem>>, %arg12: memref<64xi32, #tpu.memory_space<vmem>>, %arg13: memref<320x80xf32, #tpu.memory_space<vmem>>, %arg14: memref<64x128xf32, #tpu.memory_space<vmem>>, %arg15: memref<160x64xf32, #tpu.memory_space<vmem>>, %arg16: memref<5120xf32, #tpu.memory_space<vmem>>, %arg17: memref<320xf32, #tpu.memory_space<vmem>>, %arg18: memref<128xf32, #tpu.memory_space<vmem>>, %arg19: memref<!tpu.dma_semaphore, #tpu.memory_space<semaphore_mem>>, %arg20: memref<!tpu.dma_semaphore, #tpu.memory_space<semaphore_mem>>, %arg21: memref<!tpu.dma_semaphore, #tpu.memory_space<semaphore_mem>>, %arg22: memref<!tpu.dma_semaphore, #tpu.memory_space<semaphore_mem>>) attributes {dimension_semantics = [#tpu.dimension_semantics<core_parallel>, #tpu.dimension_semantics<subcore_parallel>], iteration_bounds = array<i64: 2, 16>, scalar_prefetch = 0 : i64, scratch_operands = 15 : i64, tpu.core_type = #tpu.core_type<sc_vector_subcore>, window_params = [{transform_indices = #map}, {transform_indices = #map}, {transform_indices = #map}, {transform_indices = #map1}, {transform_indices = #map1}, {transform_indices = #map1}]} {
    %mul3A = arith.constant 2 : i32
    %mul3A_0 = arith.muli %arg1, %mul3A : i32
    %add3A = arith.addi %mul3A_0, %arg0 : i32
    %jit3A = arith.constant 2 : i32
    %div3A = arith.divsi %add3A, %jit3A : i32
    %sign3A = arith.constant 0 : i32
    %sign3A_1 = arith.cmpi sgt, %add3A, %sign3A : i32
    %sign3A_2 = arith.extui %sign3A_1 : i1 to i32
    %sign3A_3 = arith.constant 0 : i32
    %sign3A_4 = arith.cmpi slt, %add3A, %sign3A_3 : i32
    %sign3A_5 = arith.extui %sign3A_4 : i1 to i32
    %sign3A_6 = arith.subi %sign3A_2, %sign3A_5 : i32
    %sign3A_7 = arith.constant 0 : i32
    %sign3A_8 = arith.cmpi sgt, %jit3A, %sign3A_7 : i32
    %sign3A_9 = arith.extui %sign3A_8 : i1 to i32
    %sign3A_10 = arith.constant 0 : i32
    %sign3A_11 = arith.cmpi slt, %jit3A, %sign3A_10 : i32
    %sign3A_12 = arith.extui %sign3A_11 : i1 to i32
    %sign3A_13 = arith.subi %sign3A_9, %sign3A_12 : i32
    %ne3A = arith.cmpi ne, %sign3A_6, %sign3A_13 : i32
    %rem3A = arith.remsi %add3A, %jit3A : i32
    %ne3A_14 = arith.constant 0 : i32
    %ne3A_15 = arith.cmpi ne, %rem3A, %ne3A_14 : i32
    %and3A = arith.andi %ne3A, %ne3A_15 : i1
    %sub3A = arith.constant 1 : i32
    %sub3A_16 = arith.subi %div3A, %sub3A : i32
    %select_n3A = arith.select %and3A, %sub3A_16, %div3A : i32
    %jit3A_17 = arith.constant 2 : i32
    %eq3A = arith.constant 0 : i32
    %eq3A_18 = arith.cmpi eq, %jit3A_17, %eq3A : i32
    %jit3A_19 = arith.constant 1 : i32
    %select_n3A_20 = arith.select %eq3A_18, %jit3A_19, %jit3A_17 : i32
    %rem3A_21 = arith.remsi %add3A, %select_n3A_20 : i32
    %ne3A_22 = arith.constant 0 : i32
    %ne3A_23 = arith.cmpi ne, %rem3A_21, %ne3A_22 : i32
    %lt3A = arith.constant 0 : i32
    %lt3A_24 = arith.cmpi slt, %rem3A_21, %lt3A : i32
    %lt3A_25 = arith.constant 0 : i32
    %lt3A_26 = arith.cmpi slt, %select_n3A_20, %lt3A_25 : i32
    %ne3A_27 = arith.xori %lt3A_24, %lt3A_26 : i1
    %and3A_28 = arith.andi %ne3A_27, %ne3A_23 : i1
    %add3A_29 = arith.addi %rem3A_21, %select_n3A_20 : i32
    %select_n3A_30 = arith.select %and3A_28, %add3A_29, %rem3A_21 : i32
    %iota3A = tpu.iota {dimensions = array<i32: 0>} : vector<16xi32>
    %broadcast_in_dim3A = arith.constant 0.000000e+00 : f32
    %broadcast_in_dim3A_31 = vector.broadcast %broadcast_in_dim3A : f32 to vector<16xf32>
    %mul3A_32 = arith.constant 5 : i32
    %mul3A_33 = arith.muli %select_n3A, %mul3A_32 : i32
    %add3A_34 = arith.constant 0 : i32
    %add3A_35 = arith.addi %mul3A_33, %add3A_34 : i32
    %mul3A_36 = arith.constant 5 : i32
    %mul3A_37 = arith.muli %add3A_35, %mul3A_36 : i32
    %add3A_38 = arith.constant 4 : i32
    %add3A_39 = arith.addi %mul3A_37, %add3A_38 : i32
    %mul3A_40 = arith.constant 64 : i32
    %mul3A_41 = arith.muli %add3A_39, %mul3A_40 : i32
    %mul3A_42 = arith.constant 32 : i32
    %mul3A_43 = arith.muli %select_n3A_30, %mul3A_42 : i32
    %add3A_44 = arith.addi %mul3A_41, %mul3A_43 : i32
    %multiple_of3A = tpu.assume_multiple %add3A_44, 32 : i32
    %dma_start3A = arith.constant 0 : i32
    %dma_start3A_45 = arith.constant 0 : i32
    %dma_start3A_46 = tpu.memref_slice %arg15[%dma_start3A, %dma_start3A_45] : memref<160x64xf32, #tpu.memory_space<vmem>> -> memref<32x64xf32, #tpu.memory_space<vmem>>
    %dma_start3A_47 = arith.constant 0 : i32
    %dma_start3A_48 = tpu.memref_slice %arg4[%multiple_of3A, %dma_start3A_47] : memref<25600x64xf32, #tpu.memory_space<hbm>> -> memref<32x64xf32, #tpu.memory_space<hbm>>
    %dma_start3A_49 = arith.constant 0 : i32
    %dma_start3A_50 = arith.constant 0 : i32
    %dma_start3A_51 = tpu.memref_slice %arg15[%dma_start3A_49, %dma_start3A_50] : memref<160x64xf32, #tpu.memory_space<vmem>> -> memref<32x64xf32, #tpu.memory_space<vmem>>
    %dma_start3A_52 = arith.constant 0 : i32
    %dma_start3A_53 = tpu.memref_slice %arg4[%multiple_of3A, %dma_start3A_52] : memref<25600x64xf32, #tpu.memory_space<hbm>> -> memref<32x64xf32, #tpu.memory_space<hbm>>
    tpu.enqueue_dma source(%dma_start3A_53 : memref<32x64xf32, #tpu.memory_space<hbm>>) target(%dma_start3A_51 : memref<32x64xf32, #tpu.memory_space<vmem>>) target_semaphore(%arg21 : memref<!tpu.dma_semaphore, #tpu.memory_space<semaphore_mem>>)
    %mul3A_54 = arith.constant 5 : i32
    %mul3A_55 = arith.muli %select_n3A, %mul3A_54 : i32
    %add3A_56 = arith.constant 1 : i32
    %add3A_57 = arith.addi %mul3A_55, %add3A_56 : i32
    %mul3A_58 = arith.constant 5 : i32
    %mul3A_59 = arith.muli %add3A_57, %mul3A_58 : i32
    %add3A_60 = arith.constant 4 : i32
    %add3A_61 = arith.addi %mul3A_59, %add3A_60 : i32
    %mul3A_62 = arith.constant 64 : i32
    %mul3A_63 = arith.muli %add3A_61, %mul3A_62 : i32
    %mul3A_64 = arith.constant 32 : i32
    %mul3A_65 = arith.muli %select_n3A_30, %mul3A_64 : i32
    %add3A_66 = arith.addi %mul3A_63, %mul3A_65 : i32
    %multiple_of3A_67 = tpu.assume_multiple %add3A_66, 32 : i32
    %dma_start3A_68 = arith.constant 32 : i32
    %dma_start3A_69 = arith.constant 0 : i32
    %dma_start3A_70 = tpu.memref_slice %arg15[%dma_start3A_68, %dma_start3A_69] : memref<160x64xf32, #tpu.memory_space<vmem>> -> memref<32x64xf32, #tpu.memory_space<vmem>>
    %dma_start3A_71 = arith.constant 0 : i32
    %dma_start3A_72 = tpu.memref_slice %arg4[%multiple_of3A_67, %dma_start3A_71] : memref<25600x64xf32, #tpu.memory_space<hbm>> -> memref<32x64xf32, #tpu.memory_space<hbm>>
    %dma_start3A_73 = arith.constant 32 : i32
    %dma_start3A_74 = arith.constant 0 : i32
    %dma_start3A_75 = tpu.memref_slice %arg15[%dma_start3A_73, %dma_start3A_74] : memref<160x64xf32, #tpu.memory_space<vmem>> -> memref<32x64xf32, #tpu.memory_space<vmem>>
    %dma_start3A_76 = arith.constant 0 : i32
    %dma_start3A_77 = tpu.memref_slice %arg4[%multiple_of3A_67, %dma_start3A_76] : memref<25600x64xf32, #tpu.memory_space<hbm>> -> memref<32x64xf32, #tpu.memory_space<hbm>>
    tpu.enqueue_dma source(%dma_start3A_77 : memref<32x64xf32, #tpu.memory_space<hbm>>) target(%dma_start3A_75 : memref<32x64xf32, #tpu.memory_space<vmem>>) target_semaphore(%arg21 : memref<!tpu.dma_semaphore, #tpu.memory_space<semaphore_mem>>)
    %mul3A_78 = arith.constant 5 : i32
    %mul3A_79 = arith.muli %select_n3A, %mul3A_78 : i32
    %add3A_80 = arith.constant 2 : i32
    %add3A_81 = arith.addi %mul3A_79, %add3A_80 : i32
    %mul3A_82 = arith.constant 5 : i32
    %mul3A_83 = arith.muli %add3A_81, %mul3A_82 : i32
    %add3A_84 = arith.constant 4 : i32
    %add3A_85 = arith.addi %mul3A_83, %add3A_84 : i32
    %mul3A_86 = arith.constant 64 : i32
    %mul3A_87 = arith.muli %add3A_85, %mul3A_86 : i32
    %mul3A_88 = arith.constant 32 : i32
    %mul3A_89 = arith.muli %select_n3A_30, %mul3A_88 : i32
    %add3A_90 = arith.addi %mul3A_87, %mul3A_89 : i32
    %multiple_of3A_91 = tpu.assume_multiple %add3A_90, 32 : i32
    %dma_start3A_92 = arith.constant 64 : i32
    %dma_start3A_93 = arith.constant 0 : i32
    %dma_start3A_94 = tpu.memref_slice %arg15[%dma_start3A_92, %dma_start3A_93] : memref<160x64xf32, #tpu.memory_space<vmem>> -> memref<32x64xf32, #tpu.memory_space<vmem>>
    %dma_start3A_95 = arith.constant 0 : i32
    %dma_start3A_96 = tpu.memref_slice %arg4[%multiple_of3A_91, %dma_start3A_95] : memref<25600x64xf32, #tpu.memory_space<hbm>> -> memref<32x64xf32, #tpu.memory_space<hbm>>
    %dma_start3A_97 = arith.constant 64 : i32
    %dma_start3A_98 = arith.constant 0 : i32
    %dma_start3A_99 = tpu.memref_slice %arg15[%dma_start3A_97, %dma_start3A_98] : memref<160x64xf32, #tpu.memory_space<vmem>> -> memref<32x64xf32, #tpu.memory_space<vmem>>
    %dma_start3A_100 = arith.constant 0 : i32
    %dma_start3A_101 = tpu.memref_slice %arg4[%multiple_of3A_91, %dma_start3A_100] : memref<25600x64xf32, #tpu.memory_space<hbm>> -> memref<32x64xf32, #tpu.memory_space<hbm>>
    tpu.enqueue_dma source(%dma_start3A_101 : memref<32x64xf32, #tpu.memory_space<hbm>>) target(%dma_start3A_99 : memref<32x64xf32, #tpu.memory_space<vmem>>) target_semaphore(%arg21 : memref<!tpu.dma_semaphore, #tpu.memory_space<semaphore_mem>>)
    %mul3A_102 = arith.constant 5 : i32
    %mul3A_103 = arith.muli %select_n3A, %mul3A_102 : i32
    %add3A_104 = arith.constant 3 : i32
    %add3A_105 = arith.addi %mul3A_103, %add3A_104 : i32
    %mul3A_106 = arith.constant 5 : i32
    %mul3A_107 = arith.muli %add3A_105, %mul3A_106 : i32
    %add3A_108 = arith.constant 4 : i32
    %add3A_109 = arith.addi %mul3A_107, %add3A_108 : i32
    %mul3A_110 = arith.constant 64 : i32
    %mul3A_111 = arith.muli %add3A_109, %mul3A_110 : i32
    %mul3A_112 = arith.constant 32 : i32
    %mul3A_113 = arith.muli %select_n3A_30, %mul3A_112 : i32
    %add3A_114 = arith.addi %mul3A_111, %mul3A_113 : i32
    %multiple_of3A_115 = tpu.assume_multiple %add3A_114, 32 : i32
    %dma_start3A_116 = arith.constant 96 : i32
    %dma_start3A_117 = arith.constant 0 : i32
    %dma_start3A_118 = tpu.memref_slice %arg15[%dma_start3A_116, %dma_start3A_117] : memref<160x64xf32, #tpu.memory_space<vmem>> -> memref<32x64xf32, #tpu.memory_space<vmem>>
    %dma_start3A_119 = arith.constant 0 : i32
    %dma_start3A_120 = tpu.memref_slice %arg4[%multiple_of3A_115, %dma_start3A_119] : memref<25600x64xf32, #tpu.memory_space<hbm>> -> memref<32x64xf32, #tpu.memory_space<hbm>>
    %dma_start3A_121 = arith.constant 96 : i32
    %dma_start3A_122 = arith.constant 0 : i32
    %dma_start3A_123 = tpu.memref_slice %arg15[%dma_start3A_121, %dma_start3A_122] : memref<160x64xf32, #tpu.memory_space<vmem>> -> memref<32x64xf32, #tpu.memory_space<vmem>>
    %dma_start3A_124 = arith.constant 0 : i32
    %dma_start3A_125 = tpu.memref_slice %arg4[%multiple_of3A_115, %dma_start3A_124] : memref<25600x64xf32, #tpu.memory_space<hbm>> -> memref<32x64xf32, #tpu.memory_space<hbm>>
    tpu.enqueue_dma source(%dma_start3A_125 : memref<32x64xf32, #tpu.memory_space<hbm>>) target(%dma_start3A_123 : memref<32x64xf32, #tpu.memory_space<vmem>>) target_semaphore(%arg21 : memref<!tpu.dma_semaphore, #tpu.memory_space<semaphore_mem>>)
    %mul3A_126 = arith.constant 5 : i32
    %mul3A_127 = arith.muli %select_n3A, %mul3A_126 : i32
    %add3A_128 = arith.constant 4 : i32
    %add3A_129 = arith.addi %mul3A_127, %add3A_128 : i32
    %mul3A_130 = arith.constant 5 : i32
    %mul3A_131 = arith.muli %add3A_129, %mul3A_130 : i32
    %add3A_132 = arith.constant 4 : i32
    %add3A_133 = arith.addi %mul3A_131, %add3A_132 : i32
    %mul3A_134 = arith.constant 64 : i32
    %mul3A_135 = arith.muli %add3A_133, %mul3A_134 : i32
    %mul3A_136 = arith.constant 32 : i32
    %mul3A_137 = arith.muli %select_n3A_30, %mul3A_136 : i32
    %add3A_138 = arith.addi %mul3A_135, %mul3A_137 : i32
    %multiple_of3A_139 = tpu.assume_multiple %add3A_138, 32 : i32
    %dma_start3A_140 = arith.constant 128 : i32
    %dma_start3A_141 = arith.constant 0 : i32
    %dma_start3A_142 = tpu.memref_slice %arg15[%dma_start3A_140, %dma_start3A_141] : memref<160x64xf32, #tpu.memory_space<vmem>> -> memref<32x64xf32, #tpu.memory_space<vmem>>
    %dma_start3A_143 = arith.constant 0 : i32
    %dma_start3A_144 = tpu.memref_slice %arg4[%multiple_of3A_139, %dma_start3A_143] : memref<25600x64xf32, #tpu.memory_space<hbm>> -> memref<32x64xf32, #tpu.memory_space<hbm>>
    %dma_start3A_145 = arith.constant 128 : i32
    %dma_start3A_146 = arith.constant 0 : i32
    %dma_start3A_147 = tpu.memref_slice %arg15[%dma_start3A_145, %dma_start3A_146] : memref<160x64xf32, #tpu.memory_space<vmem>> -> memref<32x64xf32, #tpu.memory_space<vmem>>
    %dma_start3A_148 = arith.constant 0 : i32
    %dma_start3A_149 = tpu.memref_slice %arg4[%multiple_of3A_139, %dma_start3A_148] : memref<25600x64xf32, #tpu.memory_space<hbm>> -> memref<32x64xf32, #tpu.memory_space<hbm>>
    tpu.enqueue_dma source(%dma_start3A_149 : memref<32x64xf32, #tpu.memory_space<hbm>>) target(%dma_start3A_147 : memref<32x64xf32, #tpu.memory_space<vmem>>) target_semaphore(%arg21 : memref<!tpu.dma_semaphore, #tpu.memory_space<semaphore_mem>>)
    %mul3A_150 = arith.constant 512 : i32
    %mul3A_151 = arith.muli %select_n3A, %mul3A_150 : i32
    %multiple_of3A_152 = tpu.assume_multiple %mul3A_151, 512 : i32
    "tpu.region"() ({
      %run_scoped3A = tpu.sem_alloc : memref<!tpu.dma_semaphore, #tpu.memory_space<semaphore_mem>>
      %dma_start3A_3503 = tpu.memref_slice %arg6[%multiple_of3A_152] : memref<8192xf32, #tpu.memory_space<hbm>> -> memref<512xf32, #tpu.memory_space<hbm>>
      %dma_start3A_3504 = tpu.memref_slice %arg6[%multiple_of3A_152] : memref<8192xf32, #tpu.memory_space<hbm>> -> memref<512xf32, #tpu.memory_space<hbm>>
      tpu.enqueue_dma source(%dma_start3A_3504 : memref<512xf32, #tpu.memory_space<hbm>>) target(%arg8 : memref<512xf32, #tpu.memory_space<vmem>>) target_semaphore(%run_scoped3A : memref<!tpu.dma_semaphore, #tpu.memory_space<semaphore_mem>>)
      %dma_wait3A_3505 = tpu.memref_slice %arg6[%multiple_of3A_152] : memref<8192xf32, #tpu.memory_space<hbm>> -> memref<512xf32, #tpu.memory_space<hbm>>
      %dma_wait3A_3506 = tpu.memref_slice %arg6[%multiple_of3A_152] : memref<8192xf32, #tpu.memory_space<hbm>> -> memref<512xf32, #tpu.memory_space<hbm>>
      tpu.wait_dma2 semaphore(%run_scoped3A : memref<!tpu.dma_semaphore, #tpu.memory_space<semaphore_mem>>) src(%dma_wait3A_3506 : memref<512xf32, #tpu.memory_space<hbm>>) dst(%arg8 : memref<512xf32, #tpu.memory_space<vmem>>)
      tpu.yield
    }) : () -> ()
    %mul3A_153 = arith.constant 10240 : i32
    %mul3A_154 = arith.muli %select_n3A, %mul3A_153 : i32
    %mul3A_155 = arith.constant 5120 : i32
    %mul3A_156 = arith.muli %select_n3A_30, %mul3A_155 : i32
    %add3A_157 = arith.addi %mul3A_154, %mul3A_156 : i32
    %multiple_of3A_158 = tpu.assume_multiple %add3A_157, 5120 : i32
    %dma_start3A_159 = tpu.memref_slice %arg5[%multiple_of3A_158] : memref<163840xf32, #tpu.memory_space<hbm>> -> memref<5120xf32, #tpu.memory_space<hbm>>
    %dma_start3A_160 = tpu.memref_slice %arg5[%multiple_of3A_158] : memref<163840xf32, #tpu.memory_space<hbm>> -> memref<5120xf32, #tpu.memory_space<hbm>>
    tpu.enqueue_dma source(%dma_start3A_160 : memref<5120xf32, #tpu.memory_space<hbm>>) target(%arg16 : memref<5120xf32, #tpu.memory_space<vmem>>) target_semaphore(%arg22 : memref<!tpu.dma_semaphore, #tpu.memory_space<semaphore_mem>>)
    %get3A = arith.constant 0 : index
    %get3A_161 = tpu.vector_load %arg8[%get3A] {strides = array<i32>} : memref<512xf32, #tpu.memory_space<vmem>>, vector<16xf32>,
    %mul3A_162 = arith.constant 6.400000e+01 : f32
    %mul3A_163 = vector.broadcast %mul3A_162 : f32 to vector<16xf32>
    %mul3A_164 = arith.mulf %get3A_161, %mul3A_163 : vector<16xf32>
    %get3A_165 = arith.constant 128 : index
    %get3A_166 = tpu.vector_load %arg8[%get3A_165] {strides = array<i32>} : memref<512xf32, #tpu.memory_space<vmem>>, vector<16xf32>,
    %mul3A_167 = arith.constant 6.400000e+01 : f32
    %mul3A_168 = vector.broadcast %mul3A_167 : f32 to vector<16xf32>
    %mul3A_169 = arith.mulf %get3A_166, %mul3A_168 : vector<16xf32>
    %convert_element_type3A = arith.fptosi %mul3A_164 : vector<16xf32> to vector<16xi32>
    %max3A = arith.constant 0 : i32
    %max3A_170 = vector.broadcast %max3A : i32 to vector<16xi32>
    %max3A_171 = arith.maxsi %convert_element_type3A, %max3A_170 : vector<16xi32>
    %min3A = arith.constant 63 : i32
    %min3A_172 = vector.broadcast %min3A : i32 to vector<16xi32>
    %min3A_173 = arith.minsi %max3A_171, %min3A_172 : vector<16xi32>
    %convert_element_type3A_174 = arith.fptosi %mul3A_169 : vector<16xf32> to vector<16xi32>
    %max3A_175 = arith.constant 0 : i32
    %max3A_176 = vector.broadcast %max3A_175 : i32 to vector<16xi32>
    %max3A_177 = arith.maxsi %convert_element_type3A_174, %max3A_176 : vector<16xi32>
    %min3A_178 = arith.constant 63 : i32
    %min3A_179 = vector.broadcast %min3A_178 : i32 to vector<16xi32>
    %min3A_180 = arith.minsi %max3A_177, %min3A_179 : vector<16xi32>
    %add3A_181 = arith.constant 0 : i32
    %add3A_182 = vector.broadcast %add3A_181 : i32 to vector<16xi32>
    %add3A_183 = arith.addi %iota3A, %add3A_182 : vector<16xi32>
    %lt3A_184 = arith.constant 100 : i32
    %lt3A_185 = vector.broadcast %lt3A_184 : i32 to vector<16xi32>
    %lt3A_186 = arith.cmpi slt, %add3A_183, %lt3A_185 : vector<16xi32>
    %mul3A_187 = arith.constant 64 : i32
    %mul3A_188 = vector.broadcast %mul3A_187 : i32 to vector<16xi32>
    %mul3A_189 = arith.muli %min3A_173, %mul3A_188 : vector<16xi32>
    %add3A_190 = arith.addi %mul3A_189, %min3A_180 : vector<16xi32>
    %sub3A_191 = arith.constant -1 : i32
    %sub3A_192 = vector.broadcast %sub3A_191 : i32 to vector<16xi32>
    %sub3A_193 = arith.subi %sub3A_192, %add3A_183 : vector<16xi32>
    %select_n3A_194 = arith.select %lt3A_186, %add3A_190, %sub3A_193 : vector<16xi1>, vector<16xi32>
    %swap3A = arith.constant 0 : index
    %swap3A_195 = tpu.vector_load %arg9[%swap3A] {strides = array<i32>} : memref<128xi32, #tpu.memory_space<vmem>>, vector<16xi32>,
    tpu.vector_store %arg9[%swap3A], %select_n3A_194 {strides = array<i32>} : memref<128xi32, #tpu.memory_space<vmem>>, vector<16xi32>,
    %get3A_196 = arith.constant 16 : index
    %get3A_197 = tpu.vector_load %arg8[%get3A_196] {strides = array<i32>} : memref<512xf32, #tpu.memory_space<vmem>>, vector<16xf32>,
    %mul3A_198 = arith.constant 6.400000e+01 : f32
    %mul3A_199 = vector.broadcast %mul3A_198 : f32 to vector<16xf32>
    %mul3A_200 = arith.mulf %get3A_197, %mul3A_199 : vector<16xf32>
    %get3A_201 = arith.constant 144 : index
    %get3A_202 = tpu.vector_load %arg8[%get3A_201] {strides = array<i32>} : memref<512xf32, #tpu.memory_space<vmem>>, vector<16xf32>,
    %mul3A_203 = arith.constant 6.400000e+01 : f32
    %mul3A_204 = vector.broadcast %mul3A_203 : f32 to vector<16xf32>
    %mul3A_205 = arith.mulf %get3A_202, %mul3A_204 : vector<16xf32>
    %convert_element_type3A_206 = arith.fptosi %mul3A_200 : vector<16xf32> to vector<16xi32>
    %max3A_207 = arith.constant 0 : i32
    %max3A_208 = vector.broadcast %max3A_207 : i32 to vector<16xi32>
    %max3A_209 = arith.maxsi %convert_element_type3A_206, %max3A_208 : vector<16xi32>
    %min3A_210 = arith.constant 63 : i32
    %min3A_211 = vector.broadcast %min3A_210 : i32 to vector<16xi32>
    %min3A_212 = arith.minsi %max3A_209, %min3A_211 : vector<16xi32>
    %convert_element_type3A_213 = arith.fptosi %mul3A_205 : vector<16xf32> to vector<16xi32>
    %max3A_214 = arith.constant 0 : i32
    %max3A_215 = vector.broadcast %max3A_214 : i32 to vector<16xi32>
    %max3A_216 = arith.maxsi %convert_element_type3A_213, %max3A_215 : vector<16xi32>
    %min3A_217 = arith.constant 63 : i32
    %min3A_218 = vector.broadcast %min3A_217 : i32 to vector<16xi32>
    %min3A_219 = arith.minsi %max3A_216, %min3A_218 : vector<16xi32>
    %add3A_220 = arith.constant 16 : i32
    %add3A_221 = vector.broadcast %add3A_220 : i32 to vector<16xi32>
    %add3A_222 = arith.addi %iota3A, %add3A_221 : vector<16xi32>
    %lt3A_223 = arith.constant 100 : i32
    %lt3A_224 = vector.broadcast %lt3A_223 : i32 to vector<16xi32>
    %lt3A_225 = arith.cmpi slt, %add3A_222, %lt3A_224 : vector<16xi32>
    %mul3A_226 = arith.constant 64 : i32
    %mul3A_227 = vector.broadcast %mul3A_226 : i32 to vector<16xi32>
    %mul3A_228 = arith.muli %min3A_212, %mul3A_227 : vector<16xi32>
    %add3A_229 = arith.addi %mul3A_228, %min3A_219 : vector<16xi32>
    %sub3A_230 = arith.constant -1 : i32
    %sub3A_231 = vector.broadcast %sub3A_230 : i32 to vector<16xi32>
    %sub3A_232 = arith.subi %sub3A_231, %add3A_222 : vector<16xi32>
    %select_n3A_233 = arith.select %lt3A_225, %add3A_229, %sub3A_232 : vector<16xi1>, vector<16xi32>
    %swap3A_234 = arith.constant 16 : index
    %swap3A_235 = tpu.vector_load %arg9[%swap3A_234] {strides = array<i32>} : memref<128xi32, #tpu.memory_space<vmem>>, vector<16xi32>,
    tpu.vector_store %arg9[%swap3A_234], %select_n3A_233 {strides = array<i32>} : memref<128xi32, #tpu.memory_space<vmem>>, vector<16xi32>,
    %get3A_236 = arith.constant 32 : index
    %get3A_237 = tpu.vector_load %arg8[%get3A_236] {strides = array<i32>} : memref<512xf32, #tpu.memory_space<vmem>>, vector<16xf32>,
    %mul3A_238 = arith.constant 6.400000e+01 : f32
    %mul3A_239 = vector.broadcast %mul3A_238 : f32 to vector<16xf32>
    %mul3A_240 = arith.mulf %get3A_237, %mul3A_239 : vector<16xf32>
    %get3A_241 = arith.constant 160 : index
    %get3A_242 = tpu.vector_load %arg8[%get3A_241] {strides = array<i32>} : memref<512xf32, #tpu.memory_space<vmem>>, vector<16xf32>,
    %mul3A_243 = arith.constant 6.400000e+01 : f32
    %mul3A_244 = vector.broadcast %mul3A_243 : f32 to vector<16xf32>
    %mul3A_245 = arith.mulf %get3A_242, %mul3A_244 : vector<16xf32>
    %convert_element_type3A_246 = arith.fptosi %mul3A_240 : vector<16xf32> to vector<16xi32>
    %max3A_247 = arith.constant 0 : i32
    %max3A_248 = vector.broadcast %max3A_247 : i32 to vector<16xi32>
    %max3A_249 = arith.maxsi %convert_element_type3A_246, %max3A_248 : vector<16xi32>
    %min3A_250 = arith.constant 63 : i32
    %min3A_251 = vector.broadcast %min3A_250 : i32 to vector<16xi32>
    %min3A_252 = arith.minsi %max3A_249, %min3A_251 : vector<16xi32>
    %convert_element_type3A_253 = arith.fptosi %mul3A_245 : vector<16xf32> to vector<16xi32>
    %max3A_254 = arith.constant 0 : i32
    %max3A_255 = vector.broadcast %max3A_254 : i32 to vector<16xi32>
    %max3A_256 = arith.maxsi %convert_element_type3A_253, %max3A_255 : vector<16xi32>
    %min3A_257 = arith.constant 63 : i32
    %min3A_258 = vector.broadcast %min3A_257 : i32 to vector<16xi32>
    %min3A_259 = arith.minsi %max3A_256, %min3A_258 : vector<16xi32>
    %add3A_260 = arith.constant 32 : i32
    %add3A_261 = vector.broadcast %add3A_260 : i32 to vector<16xi32>
    %add3A_262 = arith.addi %iota3A, %add3A_261 : vector<16xi32>
    %lt3A_263 = arith.constant 100 : i32
    %lt3A_264 = vector.broadcast %lt3A_263 : i32 to vector<16xi32>
    %lt3A_265 = arith.cmpi slt, %add3A_262, %lt3A_264 : vector<16xi32>
    %mul3A_266 = arith.constant 64 : i32
    %mul3A_267 = vector.broadcast %mul3A_266 : i32 to vector<16xi32>
    %mul3A_268 = arith.muli %min3A_252, %mul3A_267 : vector<16xi32>
    %add3A_269 = arith.addi %mul3A_268, %min3A_259 : vector<16xi32>
    %sub3A_270 = arith.constant -1 : i32
    %sub3A_271 = vector.broadcast %sub3A_270 : i32 to vector<16xi32>
    %sub3A_272 = arith.subi %sub3A_271, %add3A_262 : vector<16xi32>
    %select_n3A_273 = arith.select %lt3A_265, %add3A_269, %sub3A_272 : vector<16xi1>, vector<16xi32>
    %swap3A_274 = arith.constant 32 : index
    %swap3A_275 = tpu.vector_load %arg9[%swap3A_274] {strides = array<i32>} : memref<128xi32, #tpu.memory_space<vmem>>, vector<16xi32>,
    tpu.vector_store %arg9[%swap3A_274], %select_n3A_273 {strides = array<i32>} : memref<128xi32, #tpu.memory_space<vmem>>, vector<16xi32>,
    %get3A_276 = arith.constant 48 : index
    %get3A_277 = tpu.vector_load %arg8[%get3A_276] {strides = array<i32>} : memref<512xf32, #tpu.memory_space<vmem>>, vector<16xf32>,
    %mul3A_278 = arith.constant 6.400000e+01 : f32
    %mul3A_279 = vector.broadcast %mul3A_278 : f32 to vector<16xf32>
    %mul3A_280 = arith.mulf %get3A_277, %mul3A_279 : vector<16xf32>
    %get3A_281 = arith.constant 176 : index
    %get3A_282 = tpu.vector_load %arg8[%get3A_281] {strides = array<i32>} : memref<512xf32, #tpu.memory_space<vmem>>, vector<16xf32>,
    %mul3A_283 = arith.constant 6.400000e+01 : f32
    %mul3A_284 = vector.broadcast %mul3A_283 : f32 to vector<16xf32>
    %mul3A_285 = arith.mulf %get3A_282, %mul3A_284 : vector<16xf32>
    %convert_element_type3A_286 = arith.fptosi %mul3A_280 : vector<16xf32> to vector<16xi32>
    %max3A_287 = arith.constant 0 : i32
    %max3A_288 = vector.broadcast %max3A_287 : i32 to vector<16xi32>
    %max3A_289 = arith.maxsi %convert_element_type3A_286, %max3A_288 : vector<16xi32>
    %min3A_290 = arith.constant 63 : i32
    %min3A_291 = vector.broadcast %min3A_290 : i32 to vector<16xi32>
    %min3A_292 = arith.minsi %max3A_289, %min3A_291 : vector<16xi32>
    %convert_element_type3A_293 = arith.fptosi %mul3A_285 : vector<16xf32> to vector<16xi32>
    %max3A_294 = arith.constant 0 : i32
    %max3A_295 = vector.broadcast %max3A_294 : i32 to vector<16xi32>
    %max3A_296 = arith.maxsi %convert_element_type3A_293, %max3A_295 : vector<16xi32>
    %min3A_297 = arith.constant 63 : i32
    %min3A_298 = vector.broadcast %min3A_297 : i32 to vector<16xi32>
    %min3A_299 = arith.minsi %max3A_296, %min3A_298 : vector<16xi32>
    %add3A_300 = arith.constant 48 : i32
    %add3A_301 = vector.broadcast %add3A_300 : i32 to vector<16xi32>
    %add3A_302 = arith.addi %iota3A, %add3A_301 : vector<16xi32>
    %lt3A_303 = arith.constant 100 : i32
    %lt3A_304 = vector.broadcast %lt3A_303 : i32 to vector<16xi32>
    %lt3A_305 = arith.cmpi slt, %add3A_302, %lt3A_304 : vector<16xi32>
    %mul3A_306 = arith.constant 64 : i32
    %mul3A_307 = vector.broadcast %mul3A_306 : i32 to vector<16xi32>
    %mul3A_308 = arith.muli %min3A_292, %mul3A_307 : vector<16xi32>
    %add3A_309 = arith.addi %mul3A_308, %min3A_299 : vector<16xi32>
    %sub3A_310 = arith.constant -1 : i32
    %sub3A_311 = vector.broadcast %sub3A_310 : i32 to vector<16xi32>
    %sub3A_312 = arith.subi %sub3A_311, %add3A_302 : vector<16xi32>
    %select_n3A_313 = arith.select %lt3A_305, %add3A_309, %sub3A_312 : vector<16xi1>, vector<16xi32>
    %swap3A_314 = arith.constant 48 : index
    %swap3A_315 = tpu.vector_load %arg9[%swap3A_314] {strides = array<i32>} : memref<128xi32, #tpu.memory_space<vmem>>, vector<16xi32>,
    tpu.vector_store %arg9[%swap3A_314], %select_n3A_313 {strides = array<i32>} : memref<128xi32, #tpu.memory_space<vmem>>, vector<16xi32>,
    %get3A_316 = arith.constant 64 : index
    %get3A_317 = tpu.vector_load %arg8[%get3A_316] {strides = array<i32>} : memref<512xf32, #tpu.memory_space<vmem>>, vector<16xf32>,
    %mul3A_318 = arith.constant 6.400000e+01 : f32
    %mul3A_319 = vector.broadcast %mul3A_318 : f32 to vector<16xf32>
    %mul3A_320 = arith.mulf %get3A_317, %mul3A_319 : vector<16xf32>
    %get3A_321 = arith.constant 192 : index
    %get3A_322 = tpu.vector_load %arg8[%get3A_321] {strides = array<i32>} : memref<512xf32, #tpu.memory_space<vmem>>, vector<16xf32>,
    %mul3A_323 = arith.constant 6.400000e+01 : f32
    %mul3A_324 = vector.broadcast %mul3A_323 : f32 to vector<16xf32>
    %mul3A_325 = arith.mulf %get3A_322, %mul3A_324 : vector<16xf32>
    %convert_element_type3A_326 = arith.fptosi %mul3A_320 : vector<16xf32> to vector<16xi32>
    %max3A_327 = arith.constant 0 : i32
    %max3A_328 = vector.broadcast %max3A_327 : i32 to vector<16xi32>
    %max3A_329 = arith.maxsi %convert_element_type3A_326, %max3A_328 : vector<16xi32>
    %min3A_330 = arith.constant 63 : i32
    %min3A_331 = vector.broadcast %min3A_330 : i32 to vector<16xi32>
    %min3A_332 = arith.minsi %max3A_329, %min3A_331 : vector<16xi32>
    %convert_element_type3A_333 = arith.fptosi %mul3A_325 : vector<16xf32> to vector<16xi32>
    %max3A_334 = arith.constant 0 : i32
    %max3A_335 = vector.broadcast %max3A_334 : i32 to vector<16xi32>
    %max3A_336 = arith.maxsi %convert_element_type3A_333, %max3A_335 : vector<16xi32>
    %min3A_337 = arith.constant 63 : i32
    %min3A_338 = vector.broadcast %min3A_337 : i32 to vector<16xi32>
    %min3A_339 = arith.minsi %max3A_336, %min3A_338 : vector<16xi32>
    %add3A_340 = arith.constant 64 : i32
    %add3A_341 = vector.broadcast %add3A_340 : i32 to vector<16xi32>
    %add3A_342 = arith.addi %iota3A, %add3A_341 : vector<16xi32>
    %lt3A_343 = arith.constant 100 : i32
    %lt3A_344 = vector.broadcast %lt3A_343 : i32 to vector<16xi32>
    %lt3A_345 = arith.cmpi slt, %add3A_342, %lt3A_344 : vector<16xi32>
    %mul3A_346 = arith.constant 64 : i32
    %mul3A_347 = vector.broadcast %mul3A_346 : i32 to vector<16xi32>
    %mul3A_348 = arith.muli %min3A_332, %mul3A_347 : vector<16xi32>
    %add3A_349 = arith.addi %mul3A_348, %min3A_339 : vector<16xi32>
    %sub3A_350 = arith.constant -1 : i32
    %sub3A_351 = vector.broadcast %sub3A_350 : i32 to vector<16xi32>
    %sub3A_352 = arith.subi %sub3A_351, %add3A_342 : vector<16xi32>
    %select_n3A_353 = arith.select %lt3A_345, %add3A_349, %sub3A_352 : vector<16xi1>, vector<16xi32>
    %swap3A_354 = arith.constant 64 : index
    %swap3A_355 = tpu.vector_load %arg9[%swap3A_354] {strides = array<i32>} : memref<128xi32, #tpu.memory_space<vmem>>, vector<16xi32>,
    tpu.vector_store %arg9[%swap3A_354], %select_n3A_353 {strides = array<i32>} : memref<128xi32, #tpu.memory_space<vmem>>, vector<16xi32>,
    %get3A_356 = arith.constant 80 : index
    %get3A_357 = tpu.vector_load %arg8[%get3A_356] {strides = array<i32>} : memref<512xf32, #tpu.memory_space<vmem>>, vector<16xf32>,
    %mul3A_358 = arith.constant 6.400000e+01 : f32
    %mul3A_359 = vector.broadcast %mul3A_358 : f32 to vector<16xf32>
    %mul3A_360 = arith.mulf %get3A_357, %mul3A_359 : vector<16xf32>
    %get3A_361 = arith.constant 208 : index
    %get3A_362 = tpu.vector_load %arg8[%get3A_361] {strides = array<i32>} : memref<512xf32, #tpu.memory_space<vmem>>, vector<16xf32>,
    %mul3A_363 = arith.constant 6.400000e+01 : f32
    %mul3A_364 = vector.broadcast %mul3A_363 : f32 to vector<16xf32>
    %mul3A_365 = arith.mulf %get3A_362, %mul3A_364 : vector<16xf32>
    %convert_element_type3A_366 = arith.fptosi %mul3A_360 : vector<16xf32> to vector<16xi32>
    %max3A_367 = arith.constant 0 : i32
    %max3A_368 = vector.broadcast %max3A_367 : i32 to vector<16xi32>
    %max3A_369 = arith.maxsi %convert_element_type3A_366, %max3A_368 : vector<16xi32>
    %min3A_370 = arith.constant 63 : i32
    %min3A_371 = vector.broadcast %min3A_370 : i32 to vector<16xi32>
    %min3A_372 = arith.minsi %max3A_369, %min3A_371 : vector<16xi32>
    %convert_element_type3A_373 = arith.fptosi %mul3A_365 : vector<16xf32> to vector<16xi32>
    %max3A_374 = arith.constant 0 : i32
    %max3A_375 = vector.broadcast %max3A_374 : i32 to vector<16xi32>
    %max3A_376 = arith.maxsi %convert_element_type3A_373, %max3A_375 : vector<16xi32>
    %min3A_377 = arith.constant 63 : i32
    %min3A_378 = vector.broadcast %min3A_377 : i32 to vector<16xi32>
    %min3A_379 = arith.minsi %max3A_376, %min3A_378 : vector<16xi32>
    %add3A_380 = arith.constant 80 : i32
    %add3A_381 = vector.broadcast %add3A_380 : i32 to vector<16xi32>
    %add3A_382 = arith.addi %iota3A, %add3A_381 : vector<16xi32>
    %lt3A_383 = arith.constant 100 : i32
    %lt3A_384 = vector.broadcast %lt3A_383 : i32 to vector<16xi32>
    %lt3A_385 = arith.cmpi slt, %add3A_382, %lt3A_384 : vector<16xi32>
    %mul3A_386 = arith.constant 64 : i32
    %mul3A_387 = vector.broadcast %mul3A_386 : i32 to vector<16xi32>
    %mul3A_388 = arith.muli %min3A_372, %mul3A_387 : vector<16xi32>
    %add3A_389 = arith.addi %mul3A_388, %min3A_379 : vector<16xi32>
    %sub3A_390 = arith.constant -1 : i32
    %sub3A_391 = vector.broadcast %sub3A_390 : i32 to vector<16xi32>
    %sub3A_392 = arith.subi %sub3A_391, %add3A_382 : vector<16xi32>
    %select_n3A_393 = arith.select %lt3A_385, %add3A_389, %sub3A_392 : vector<16xi1>, vector<16xi32>
    %swap3A_394 = arith.constant 80 : index
    %swap3A_395 = tpu.vector_load %arg9[%swap3A_394] {strides = array<i32>} : memref<128xi32, #tpu.memory_space<vmem>>, vector<16xi32>,
    tpu.vector_store %arg9[%swap3A_394], %select_n3A_393 {strides = array<i32>} : memref<128xi32, #tpu.memory_space<vmem>>, vector<16xi32>,
    %get3A_396 = arith.constant 96 : index
    %get3A_397 = tpu.vector_load %arg8[%get3A_396] {strides = array<i32>} : memref<512xf32, #tpu.memory_space<vmem>>, vector<16xf32>,
    %mul3A_398 = arith.constant 6.400000e+01 : f32
    %mul3A_399 = vector.broadcast %mul3A_398 : f32 to vector<16xf32>
    %mul3A_400 = arith.mulf %get3A_397, %mul3A_399 : vector<16xf32>
    %get3A_401 = arith.constant 224 : index
    %get3A_402 = tpu.vector_load %arg8[%get3A_401] {strides = array<i32>} : memref<512xf32, #tpu.memory_space<vmem>>, vector<16xf32>,
    %mul3A_403 = arith.constant 6.400000e+01 : f32
    %mul3A_404 = vector.broadcast %mul3A_403 : f32 to vector<16xf32>
    %mul3A_405 = arith.mulf %get3A_402, %mul3A_404 : vector<16xf32>
    %convert_element_type3A_406 = arith.fptosi %mul3A_400 : vector<16xf32> to vector<16xi32>
    %max3A_407 = arith.constant 0 : i32
    %max3A_408 = vector.broadcast %max3A_407 : i32 to vector<16xi32>
    %max3A_409 = arith.maxsi %convert_element_type3A_406, %max3A_408 : vector<16xi32>
    %min3A_410 = arith.constant 63 : i32
    %min3A_411 = vector.broadcast %min3A_410 : i32 to vector<16xi32>
    %min3A_412 = arith.minsi %max3A_409, %min3A_411 : vector<16xi32>
    %convert_element_type3A_413 = arith.fptosi %mul3A_405 : vector<16xf32> to vector<16xi32>
    %max3A_414 = arith.constant 0 : i32
    %max3A_415 = vector.broadcast %max3A_414 : i32 to vector<16xi32>
    %max3A_416 = arith.maxsi %convert_element_type3A_413, %max3A_415 : vector<16xi32>
    %min3A_417 = arith.constant 63 : i32
    %min3A_418 = vector.broadcast %min3A_417 : i32 to vector<16xi32>
    %min3A_419 = arith.minsi %max3A_416, %min3A_418 : vector<16xi32>
    %add3A_420 = arith.constant 96 : i32
    %add3A_421 = vector.broadcast %add3A_420 : i32 to vector<16xi32>
    %add3A_422 = arith.addi %iota3A, %add3A_421 : vector<16xi32>
    %lt3A_423 = arith.constant 100 : i32
    %lt3A_424 = vector.broadcast %lt3A_423 : i32 to vector<16xi32>
    %lt3A_425 = arith.cmpi slt, %add3A_422, %lt3A_424 : vector<16xi32>
    %mul3A_426 = arith.constant 64 : i32
    %mul3A_427 = vector.broadcast %mul3A_426 : i32 to vector<16xi32>
    %mul3A_428 = arith.muli %min3A_412, %mul3A_427 : vector<16xi32>
    %add3A_429 = arith.addi %mul3A_428, %min3A_419 : vector<16xi32>
    %sub3A_430 = arith.constant -1 : i32
    %sub3A_431 = vector.broadcast %sub3A_430 : i32 to vector<16xi32>
    %sub3A_432 = arith.subi %sub3A_431, %add3A_422 : vector<16xi32>
    %select_n3A_433 = arith.select %lt3A_425, %add3A_429, %sub3A_432 : vector<16xi1>, vector<16xi32>
    %swap3A_434 = arith.constant 96 : index
    %swap3A_435 = tpu.vector_load %arg9[%swap3A_434] {strides = array<i32>} : memref<128xi32, #tpu.memory_space<vmem>>, vector<16xi32>,
    tpu.vector_store %arg9[%swap3A_434], %select_n3A_433 {strides = array<i32>} : memref<128xi32, #tpu.memory_space<vmem>>, vector<16xi32>,
    %get3A_436 = arith.constant 112 : index
    %get3A_437 = tpu.vector_load %arg8[%get3A_436] {strides = array<i32>} : memref<512xf32, #tpu.memory_space<vmem>>, vector<16xf32>,
    %mul3A_438 = arith.constant 6.400000e+01 : f32
    %mul3A_439 = vector.broadcast %mul3A_438 : f32 to vector<16xf32>
    %mul3A_440 = arith.mulf %get3A_437, %mul3A_439 : vector<16xf32>
    %get3A_441 = arith.constant 240 : index
    %get3A_442 = tpu.vector_load %arg8[%get3A_441] {strides = array<i32>} : memref<512xf32, #tpu.memory_space<vmem>>, vector<16xf32>,
    %mul3A_443 = arith.constant 6.400000e+01 : f32
    %mul3A_444 = vector.broadcast %mul3A_443 : f32 to vector<16xf32>
    %mul3A_445 = arith.mulf %get3A_442, %mul3A_444 : vector<16xf32>
    %convert_element_type3A_446 = arith.fptosi %mul3A_440 : vector<16xf32> to vector<16xi32>
    %max3A_447 = arith.constant 0 : i32
    %max3A_448 = vector.broadcast %max3A_447 : i32 to vector<16xi32>
    %max3A_449 = arith.maxsi %convert_element_type3A_446, %max3A_448 : vector<16xi32>
    %min3A_450 = arith.constant 63 : i32
    %min3A_451 = vector.broadcast %min3A_450 : i32 to vector<16xi32>
    %min3A_452 = arith.minsi %max3A_449, %min3A_451 : vector<16xi32>
    %convert_element_type3A_453 = arith.fptosi %mul3A_445 : vector<16xf32> to vector<16xi32>
    %max3A_454 = arith.constant 0 : i32
    %max3A_455 = vector.broadcast %max3A_454 : i32 to vector<16xi32>
    %max3A_456 = arith.maxsi %convert_element_type3A_453, %max3A_455 : vector<16xi32>
    %min3A_457 = arith.constant 63 : i32
    %min3A_458 = vector.broadcast %min3A_457 : i32 to vector<16xi32>
    %min3A_459 = arith.minsi %max3A_456, %min3A_458 : vector<16xi32>
    %add3A_460 = arith.constant 112 : i32
    %add3A_461 = vector.broadcast %add3A_460 : i32 to vector<16xi32>
    %add3A_462 = arith.addi %iota3A, %add3A_461 : vector<16xi32>
    %lt3A_463 = arith.constant 100 : i32
    %lt3A_464 = vector.broadcast %lt3A_463 : i32 to vector<16xi32>
    %lt3A_465 = arith.cmpi slt, %add3A_462, %lt3A_464 : vector<16xi32>
    %mul3A_466 = arith.constant 64 : i32
    %mul3A_467 = vector.broadcast %mul3A_466 : i32 to vector<16xi32>
    %mul3A_468 = arith.muli %min3A_452, %mul3A_467 : vector<16xi32>
    %add3A_469 = arith.addi %mul3A_468, %min3A_459 : vector<16xi32>
    %sub3A_470 = arith.constant -1 : i32
    %sub3A_471 = vector.broadcast %sub3A_470 : i32 to vector<16xi32>
    %sub3A_472 = arith.subi %sub3A_471, %add3A_462 : vector<16xi32>
    %select_n3A_473 = arith.select %lt3A_465, %add3A_469, %sub3A_472 : vector<16xi1>, vector<16xi32>
    %swap3A_474 = arith.constant 112 : index
    %swap3A_475 = tpu.vector_load %arg9[%swap3A_474] {strides = array<i32>} : memref<128xi32, #tpu.memory_space<vmem>>, vector<16xi32>,
    tpu.vector_store %arg9[%swap3A_474], %select_n3A_473 {strides = array<i32>} : memref<128xi32, #tpu.memory_space<vmem>>, vector<16xi32>,
    %mul3A_476 = arith.constant 64 : i32
    %mul3A_477 = arith.muli %select_n3A_30, %mul3A_476 : i32
    %add3A_478 = arith.constant 0 : i32
    %add3A_479 = arith.addi %mul3A_477, %add3A_478 : i32
    %multiple_of3A_480 = tpu.assume_multiple %add3A_479, 16 : i32
    %get3A_481 = arith.index_cast %multiple_of3A_480 : i32 to index
    %get3A_482 = tpu.vector_load %arg8[%get3A_481] {strides = array<i32>} : memref<512xf32, #tpu.memory_space<vmem>>, vector<16xf32>,
    %mul3A_483 = arith.constant 6.400000e+01 : f32
    %mul3A_484 = vector.broadcast %mul3A_483 : f32 to vector<16xf32>
    %mul3A_485 = arith.mulf %get3A_482, %mul3A_484 : vector<16xf32>
    %add3A_486 = arith.constant 128 : i32
    %add3A_487 = arith.addi %add3A_486, %multiple_of3A_480 : i32
    %get3A_488 = arith.index_cast %add3A_487 : i32 to index
    %get3A_489 = tpu.vector_load %arg8[%get3A_488] {strides = array<i32>} : memref<512xf32, #tpu.memory_space<vmem>>, vector<16xf32>,
    %mul3A_490 = arith.constant 6.400000e+01 : f32
    %mul3A_491 = vector.broadcast %mul3A_490 : f32 to vector<16xf32>
    %mul3A_492 = arith.mulf %get3A_489, %mul3A_491 : vector<16xf32>
    %convert_element_type3A_493 = arith.fptosi %mul3A_485 : vector<16xf32> to vector<16xi32>
    %max3A_494 = arith.constant 0 : i32
    %max3A_495 = vector.broadcast %max3A_494 : i32 to vector<16xi32>
    %max3A_496 = arith.maxsi %convert_element_type3A_493, %max3A_495 : vector<16xi32>
    %min3A_497 = arith.constant 63 : i32
    %min3A_498 = vector.broadcast %min3A_497 : i32 to vector<16xi32>
    %min3A_499 = arith.minsi %max3A_496, %min3A_498 : vector<16xi32>
    %convert_element_type3A_500 = arith.fptosi %mul3A_492 : vector<16xf32> to vector<16xi32>
    %max3A_501 = arith.constant 0 : i32
    %max3A_502 = vector.broadcast %max3A_501 : i32 to vector<16xi32>
    %max3A_503 = arith.maxsi %convert_element_type3A_500, %max3A_502 : vector<16xi32>
    %min3A_504 = arith.constant 63 : i32
    %min3A_505 = vector.broadcast %min3A_504 : i32 to vector<16xi32>
    %min3A_506 = arith.minsi %max3A_503, %min3A_505 : vector<16xi32>
    %mul3A_507 = arith.constant 20480 : i32
    %mul3A_508 = arith.muli %select_n3A, %mul3A_507 : i32
    %mul3A_509 = arith.constant 320 : i32
    %mul3A_510 = vector.broadcast %mul3A_509 : i32 to vector<16xi32>
    %mul3A_511 = arith.muli %min3A_499, %mul3A_510 : vector<16xi32>
    %add3A_512 = vector.broadcast %mul3A_508 : i32 to vector<16xi32>
    %add3A_513 = arith.addi %add3A_512, %mul3A_511 : vector<16xi32>
    %add3A_514 = arith.addi %add3A_513, %min3A_506 : vector<16xi32>
    %swap3A_515 = arith.constant 0 : index
    %swap3A_516 = tpu.vector_load %arg10[%swap3A_515] {strides = array<i32>} : memref<128xi32, #tpu.memory_space<vmem>>, vector<16xi32>,
    tpu.vector_store %arg10[%swap3A_515], %add3A_514 {strides = array<i32>} : memref<128xi32, #tpu.memory_space<vmem>>, vector<16xi32>,
    %mul3A_517 = arith.constant 4096 : i32
    %mul3A_518 = arith.muli %select_n3A, %mul3A_517 : i32
    %mul3A_519 = arith.constant 64 : i32
    %mul3A_520 = vector.broadcast %mul3A_519 : i32 to vector<16xi32>
    %mul3A_521 = arith.muli %min3A_499, %mul3A_520 : vector<16xi32>
    %add3A_522 = vector.broadcast %mul3A_518 : i32 to vector<16xi32>
    %add3A_523 = arith.addi %add3A_522, %mul3A_521 : vector<16xi32>
    %add3A_524 = arith.addi %add3A_523, %min3A_506 : vector<16xi32>
    %swap3A_525 = arith.constant 64 : index
    %swap3A_526 = tpu.vector_load %arg10[%swap3A_525] {strides = array<i32>} : memref<128xi32, #tpu.memory_space<vmem>>, vector<16xi32>,
    tpu.vector_store %arg10[%swap3A_525], %add3A_524 {strides = array<i32>} : memref<128xi32, #tpu.memory_space<vmem>>, vector<16xi32>,
    %mul3A_527 = arith.constant 64 : i32
    %mul3A_528 = arith.muli %select_n3A_30, %mul3A_527 : i32
    %add3A_529 = arith.constant 16 : i32
    %add3A_530 = arith.addi %mul3A_528, %add3A_529 : i32
    %multiple_of3A_531 = tpu.assume_multiple %add3A_530, 16 : i32
    %get3A_532 = arith.index_cast %multiple_of3A_531 : i32 to index
    %get3A_533 = tpu.vector_load %arg8[%get3A_532] {strides = array<i32>} : memref<512xf32, #tpu.memory_space<vmem>>, vector<16xf32>,
    %mul3A_534 = arith.constant 6.400000e+01 : f32
    %mul3A_535 = vector.broadcast %mul3A_534 : f32 to vector<16xf32>
    %mul3A_536 = arith.mulf %get3A_533, %mul3A_535 : vector<16xf32>
    %add3A_537 = arith.constant 128 : i32
    %add3A_538 = arith.addi %add3A_537, %multiple_of3A_531 : i32
    %get3A_539 = arith.index_cast %add3A_538 : i32 to index
    %get3A_540 = tpu.vector_load %arg8[%get3A_539] {strides = array<i32>} : memref<512xf32, #tpu.memory_space<vmem>>, vector<16xf32>,
    %mul3A_541 = arith.constant 6.400000e+01 : f32
    %mul3A_542 = vector.broadcast %mul3A_541 : f32 to vector<16xf32>
    %mul3A_543 = arith.mulf %get3A_540, %mul3A_542 : vector<16xf32>
    %convert_element_type3A_544 = arith.fptosi %mul3A_536 : vector<16xf32> to vector<16xi32>
    %max3A_545 = arith.constant 0 : i32
    %max3A_546 = vector.broadcast %max3A_545 : i32 to vector<16xi32>
    %max3A_547 = arith.maxsi %convert_element_type3A_544, %max3A_546 : vector<16xi32>
    %min3A_548 = arith.constant 63 : i32
    %min3A_549 = vector.broadcast %min3A_548 : i32 to vector<16xi32>
    %min3A_550 = arith.minsi %max3A_547, %min3A_549 : vector<16xi32>
    %convert_element_type3A_551 = arith.fptosi %mul3A_543 : vector<16xf32> to vector<16xi32>
    %max3A_552 = arith.constant 0 : i32
    %max3A_553 = vector.broadcast %max3A_552 : i32 to vector<16xi32>
    %max3A_554 = arith.maxsi %convert_element_type3A_551, %max3A_553 : vector<16xi32>
    %min3A_555 = arith.constant 63 : i32
    %min3A_556 = vector.broadcast %min3A_555 : i32 to vector<16xi32>
    %min3A_557 = arith.minsi %max3A_554, %min3A_556 : vector<16xi32>
    %mul3A_558 = arith.constant 20480 : i32
    %mul3A_559 = arith.muli %select_n3A, %mul3A_558 : i32
    %mul3A_560 = arith.constant 320 : i32
    %mul3A_561 = vector.broadcast %mul3A_560 : i32 to vector<16xi32>
    %mul3A_562 = arith.muli %min3A_550, %mul3A_561 : vector<16xi32>
    %add3A_563 = vector.broadcast %mul3A_559 : i32 to vector<16xi32>
    %add3A_564 = arith.addi %add3A_563, %mul3A_562 : vector<16xi32>
    %add3A_565 = arith.addi %add3A_564, %min3A_557 : vector<16xi32>
    %swap3A_566 = arith.constant 16 : index
    %swap3A_567 = tpu.vector_load %arg10[%swap3A_566] {strides = array<i32>} : memref<128xi32, #tpu.memory_space<vmem>>, vector<16xi32>,
    tpu.vector_store %arg10[%swap3A_566], %add3A_565 {strides = array<i32>} : memref<128xi32, #tpu.memory_space<vmem>>, vector<16xi32>,
    %mul3A_568 = arith.constant 4096 : i32
    %mul3A_569 = arith.muli %select_n3A, %mul3A_568 : i32
    %mul3A_570 = arith.constant 64 : i32
    %mul3A_571 = vector.broadcast %mul3A_570 : i32 to vector<16xi32>
    %mul3A_572 = arith.muli %min3A_550, %mul3A_571 : vector<16xi32>
    %add3A_573 = vector.broadcast %mul3A_569 : i32 to vector<16xi32>
    %add3A_574 = arith.addi %add3A_573, %mul3A_572 : vector<16xi32>
    %add3A_575 = arith.addi %add3A_574, %min3A_557 : vector<16xi32>
    %swap3A_576 = arith.constant 80 : index
    %swap3A_577 = tpu.vector_load %arg10[%swap3A_576] {strides = array<i32>} : memref<128xi32, #tpu.memory_space<vmem>>, vector<16xi32>,
    tpu.vector_store %arg10[%swap3A_576], %add3A_575 {strides = array<i32>} : memref<128xi32, #tpu.memory_space<vmem>>, vector<16xi32>,
    %mul3A_578 = arith.constant 64 : i32
    %mul3A_579 = arith.muli %select_n3A_30, %mul3A_578 : i32
    %add3A_580 = arith.constant 32 : i32
    %add3A_581 = arith.addi %mul3A_579, %add3A_580 : i32
    %multiple_of3A_582 = tpu.assume_multiple %add3A_581, 16 : i32
    %get3A_583 = arith.index_cast %multiple_of3A_582 : i32 to index
    %get3A_584 = tpu.vector_load %arg8[%get3A_583] {strides = array<i32>} : memref<512xf32, #tpu.memory_space<vmem>>, vector<16xf32>,
    %mul3A_585 = arith.constant 6.400000e+01 : f32
    %mul3A_586 = vector.broadcast %mul3A_585 : f32 to vector<16xf32>
    %mul3A_587 = arith.mulf %get3A_584, %mul3A_586 : vector<16xf32>
    %add3A_588 = arith.constant 128 : i32
    %add3A_589 = arith.addi %add3A_588, %multiple_of3A_582 : i32
    %get3A_590 = arith.index_cast %add3A_589 : i32 to index
    %get3A_591 = tpu.vector_load %arg8[%get3A_590] {strides = array<i32>} : memref<512xf32, #tpu.memory_space<vmem>>, vector<16xf32>,
    %mul3A_592 = arith.constant 6.400000e+01 : f32
    %mul3A_593 = vector.broadcast %mul3A_592 : f32 to vector<16xf32>
    %mul3A_594 = arith.mulf %get3A_591, %mul3A_593 : vector<16xf32>
    %convert_element_type3A_595 = arith.fptosi %mul3A_587 : vector<16xf32> to vector<16xi32>
    %max3A_596 = arith.constant 0 : i32
    %max3A_597 = vector.broadcast %max3A_596 : i32 to vector<16xi32>
    %max3A_598 = arith.maxsi %convert_element_type3A_595, %max3A_597 : vector<16xi32>
    %min3A_599 = arith.constant 63 : i32
    %min3A_600 = vector.broadcast %min3A_599 : i32 to vector<16xi32>
    %min3A_601 = arith.minsi %max3A_598, %min3A_600 : vector<16xi32>
    %convert_element_type3A_602 = arith.fptosi %mul3A_594 : vector<16xf32> to vector<16xi32>
    %max3A_603 = arith.constant 0 : i32
    %max3A_604 = vector.broadcast %max3A_603 : i32 to vector<16xi32>
    %max3A_605 = arith.maxsi %convert_element_type3A_602, %max3A_604 : vector<16xi32>
    %min3A_606 = arith.constant 63 : i32
    %min3A_607 = vector.broadcast %min3A_606 : i32 to vector<16xi32>
    %min3A_608 = arith.minsi %max3A_605, %min3A_607 : vector<16xi32>
    %mul3A_609 = arith.constant 20480 : i32
    %mul3A_610 = arith.muli %select_n3A, %mul3A_609 : i32
    %mul3A_611 = arith.constant 320 : i32
    %mul3A_612 = vector.broadcast %mul3A_611 : i32 to vector<16xi32>
    %mul3A_613 = arith.muli %min3A_601, %mul3A_612 : vector<16xi32>
    %add3A_614 = vector.broadcast %mul3A_610 : i32 to vector<16xi32>
    %add3A_615 = arith.addi %add3A_614, %mul3A_613 : vector<16xi32>
    %add3A_616 = arith.addi %add3A_615, %min3A_608 : vector<16xi32>
    %swap3A_617 = arith.constant 32 : index
    %swap3A_618 = tpu.vector_load %arg10[%swap3A_617] {strides = array<i32>} : memref<128xi32, #tpu.memory_space<vmem>>, vector<16xi32>,
    tpu.vector_store %arg10[%swap3A_617], %add3A_616 {strides = array<i32>} : memref<128xi32, #tpu.memory_space<vmem>>, vector<16xi32>,
    %mul3A_619 = arith.constant 4096 : i32
    %mul3A_620 = arith.muli %select_n3A, %mul3A_619 : i32
    %mul3A_621 = arith.constant 64 : i32
    %mul3A_622 = vector.broadcast %mul3A_621 : i32 to vector<16xi32>
    %mul3A_623 = arith.muli %min3A_601, %mul3A_622 : vector<16xi32>
    %add3A_624 = vector.broadcast %mul3A_620 : i32 to vector<16xi32>
    %add3A_625 = arith.addi %add3A_624, %mul3A_623 : vector<16xi32>
    %add3A_626 = arith.addi %add3A_625, %min3A_608 : vector<16xi32>
    %swap3A_627 = arith.constant 96 : index
    %swap3A_628 = tpu.vector_load %arg10[%swap3A_627] {strides = array<i32>} : memref<128xi32, #tpu.memory_space<vmem>>, vector<16xi32>,
    tpu.vector_store %arg10[%swap3A_627], %add3A_626 {strides = array<i32>} : memref<128xi32, #tpu.memory_space<vmem>>, vector<16xi32>,
    %mul3A_629 = arith.constant 64 : i32
    %mul3A_630 = arith.muli %select_n3A_30, %mul3A_629 : i32
    %add3A_631 = arith.constant 48 : i32
    %add3A_632 = arith.addi %mul3A_630, %add3A_631 : i32
    %multiple_of3A_633 = tpu.assume_multiple %add3A_632, 16 : i32
    %get3A_634 = arith.index_cast %multiple_of3A_633 : i32 to index
    %get3A_635 = tpu.vector_load %arg8[%get3A_634] {strides = array<i32>} : memref<512xf32, #tpu.memory_space<vmem>>, vector<16xf32>,
    %mul3A_636 = arith.constant 6.400000e+01 : f32
    %mul3A_637 = vector.broadcast %mul3A_636 : f32 to vector<16xf32>
    %mul3A_638 = arith.mulf %get3A_635, %mul3A_637 : vector<16xf32>
    %add3A_639 = arith.constant 128 : i32
    %add3A_640 = arith.addi %add3A_639, %multiple_of3A_633 : i32
    %get3A_641 = arith.index_cast %add3A_640 : i32 to index
    %get3A_642 = tpu.vector_load %arg8[%get3A_641] {strides = array<i32>} : memref<512xf32, #tpu.memory_space<vmem>>, vector<16xf32>,
    %mul3A_643 = arith.constant 6.400000e+01 : f32
    %mul3A_644 = vector.broadcast %mul3A_643 : f32 to vector<16xf32>
    %mul3A_645 = arith.mulf %get3A_642, %mul3A_644 : vector<16xf32>
    %convert_element_type3A_646 = arith.fptosi %mul3A_638 : vector<16xf32> to vector<16xi32>
    %max3A_647 = arith.constant 0 : i32
    %max3A_648 = vector.broadcast %max3A_647 : i32 to vector<16xi32>
    %max3A_649 = arith.maxsi %convert_element_type3A_646, %max3A_648 : vector<16xi32>
    %min3A_650 = arith.constant 63 : i32
    %min3A_651 = vector.broadcast %min3A_650 : i32 to vector<16xi32>
    %min3A_652 = arith.minsi %max3A_649, %min3A_651 : vector<16xi32>
    %convert_element_type3A_653 = arith.fptosi %mul3A_645 : vector<16xf32> to vector<16xi32>
    %max3A_654 = arith.constant 0 : i32
    %max3A_655 = vector.broadcast %max3A_654 : i32 to vector<16xi32>
    %max3A_656 = arith.maxsi %convert_element_type3A_653, %max3A_655 : vector<16xi32>
    %min3A_657 = arith.constant 63 : i32
    %min3A_658 = vector.broadcast %min3A_657 : i32 to vector<16xi32>
    %min3A_659 = arith.minsi %max3A_656, %min3A_658 : vector<16xi32>
    %mul3A_660 = arith.constant 20480 : i32
    %mul3A_661 = arith.muli %select_n3A, %mul3A_660 : i32
    %mul3A_662 = arith.constant 320 : i32
    %mul3A_663 = vector.broadcast %mul3A_662 : i32 to vector<16xi32>
    %mul3A_664 = arith.muli %min3A_652, %mul3A_663 : vector<16xi32>
    %add3A_665 = vector.broadcast %mul3A_661 : i32 to vector<16xi32>
    %add3A_666 = arith.addi %add3A_665, %mul3A_664 : vector<16xi32>
    %add3A_667 = arith.addi %add3A_666, %min3A_659 : vector<16xi32>
    %swap3A_668 = arith.constant 48 : index
    %swap3A_669 = tpu.vector_load %arg10[%swap3A_668] {strides = array<i32>} : memref<128xi32, #tpu.memory_space<vmem>>, vector<16xi32>,
    tpu.vector_store %arg10[%swap3A_668], %add3A_667 {strides = array<i32>} : memref<128xi32, #tpu.memory_space<vmem>>, vector<16xi32>,
    %mul3A_670 = arith.constant 4096 : i32
    %mul3A_671 = arith.muli %select_n3A, %mul3A_670 : i32
    %mul3A_672 = arith.constant 64 : i32
    %mul3A_673 = vector.broadcast %mul3A_672 : i32 to vector<16xi32>
    %mul3A_674 = arith.muli %min3A_652, %mul3A_673 : vector<16xi32>
    %add3A_675 = vector.broadcast %mul3A_671 : i32 to vector<16xi32>
    %add3A_676 = arith.addi %add3A_675, %mul3A_674 : vector<16xi32>
    %add3A_677 = arith.addi %add3A_676, %min3A_659 : vector<16xi32>
    %swap3A_678 = arith.constant 112 : index
    %swap3A_679 = tpu.vector_load %arg10[%swap3A_678] {strides = array<i32>} : memref<128xi32, #tpu.memory_space<vmem>>, vector<16xi32>,
    tpu.vector_store %arg10[%swap3A_678], %add3A_677 {strides = array<i32>} : memref<128xi32, #tpu.memory_space<vmem>>, vector<16xi32>,
    %add3A_680 = arith.constant 64 : i32
    %add3A_681 = vector.broadcast %add3A_680 : i32 to vector<16xi32>
    %add3A_682 = arith.addi %iota3A, %add3A_681 : vector<16xi32>
    %gather3A = tpu.vector_load_idx %arg10[%add3A_682] : memref<128xi32, #tpu.memory_space<vmem>>[vector<16xi32>], vector<16xi32>,
    %shift_right_arithmetic3A = arith.constant 2 : i32
    %shift_right_arithmetic3A_683 = vector.broadcast %shift_right_arithmetic3A : i32 to vector<16xi32>
    %shift_right_arithmetic3A_684 = arith.shrsi %gather3A, %shift_right_arithmetic3A_683 : vector<16xi32>
    %swap3A_685 = arith.constant 0 : index
    %swap3A_686 = tpu.vector_load %arg11[%swap3A_685] {strides = array<i32>} : memref<64xi32, #tpu.memory_space<vmem>>, vector<16xi32>,
    tpu.vector_store %arg11[%swap3A_685], %shift_right_arithmetic3A_684 {strides = array<i32>} : memref<64xi32, #tpu.memory_space<vmem>>, vector<16xi32>,
    %and3A_687 = arith.constant 3 : i32
    %and3A_688 = vector.broadcast %and3A_687 : i32 to vector<16xi32>
    %and3A_689 = arith.andi %gather3A, %and3A_688 : vector<16xi32>
    %mul3A_690 = arith.constant 32 : i32
    %mul3A_691 = vector.broadcast %mul3A_690 : i32 to vector<16xi32>
    %mul3A_692 = arith.muli %and3A_689, %mul3A_691 : vector<16xi32>
    %swap3A_693 = arith.constant 0 : index
    %swap3A_694 = tpu.vector_load %arg12[%swap3A_693] {strides = array<i32>} : memref<64xi32, #tpu.memory_space<vmem>>, vector<16xi32>,
    tpu.vector_store %arg12[%swap3A_693], %mul3A_692 {strides = array<i32>} : memref<64xi32, #tpu.memory_space<vmem>>, vector<16xi32>,
    %add3A_695 = arith.constant 80 : i32
    %add3A_696 = vector.broadcast %add3A_695 : i32 to vector<16xi32>
    %add3A_697 = arith.addi %iota3A, %add3A_696 : vector<16xi32>
    %gather3A_698 = tpu.vector_load_idx %arg10[%add3A_697] : memref<128xi32, #tpu.memory_space<vmem>>[vector<16xi32>], vector<16xi32>,
    %shift_right_arithmetic3A_699 = arith.constant 2 : i32
    %shift_right_arithmetic3A_700 = vector.broadcast %shift_right_arithmetic3A_699 : i32 to vector<16xi32>
    %shift_right_arithmetic3A_701 = arith.shrsi %gather3A_698, %shift_right_arithmetic3A_700 : vector<16xi32>
    %swap3A_702 = arith.constant 16 : index
    %swap3A_703 = tpu.vector_load %arg11[%swap3A_702] {strides = array<i32>} : memref<64xi32, #tpu.memory_space<vmem>>, vector<16xi32>,
    tpu.vector_store %arg11[%swap3A_702], %shift_right_arithmetic3A_701 {strides = array<i32>} : memref<64xi32, #tpu.memory_space<vmem>>, vector<16xi32>,
    %and3A_704 = arith.constant 3 : i32
    %and3A_705 = vector.broadcast %and3A_704 : i32 to vector<16xi32>
    %and3A_706 = arith.andi %gather3A_698, %and3A_705 : vector<16xi32>
    %mul3A_707 = arith.constant 32 : i32
    %mul3A_708 = vector.broadcast %mul3A_707 : i32 to vector<16xi32>
    %mul3A_709 = arith.muli %and3A_706, %mul3A_708 : vector<16xi32>
    %swap3A_710 = arith.constant 16 : index
    %swap3A_711 = tpu.vector_load %arg12[%swap3A_710] {strides = array<i32>} : memref<64xi32, #tpu.memory_space<vmem>>, vector<16xi32>,
    tpu.vector_store %arg12[%swap3A_710], %mul3A_709 {strides = array<i32>} : memref<64xi32, #tpu.memory_space<vmem>>, vector<16xi32>,
    %add3A_712 = arith.constant 96 : i32
    %add3A_713 = vector.broadcast %add3A_712 : i32 to vector<16xi32>
    %add3A_714 = arith.addi %iota3A, %add3A_713 : vector<16xi32>
    %gather3A_715 = tpu.vector_load_idx %arg10[%add3A_714] : memref<128xi32, #tpu.memory_space<vmem>>[vector<16xi32>], vector<16xi32>,
    %shift_right_arithmetic3A_716 = arith.constant 2 : i32
    %shift_right_arithmetic3A_717 = vector.broadcast %shift_right_arithmetic3A_716 : i32 to vector<16xi32>
    %shift_right_arithmetic3A_718 = arith.shrsi %gather3A_715, %shift_right_arithmetic3A_717 : vector<16xi32>
    %swap3A_719 = arith.constant 32 : index
    %swap3A_720 = tpu.vector_load %arg11[%swap3A_719] {strides = array<i32>} : memref<64xi32, #tpu.memory_space<vmem>>, vector<16xi32>,
    tpu.vector_store %arg11[%swap3A_719], %shift_right_arithmetic3A_718 {strides = array<i32>} : memref<64xi32, #tpu.memory_space<vmem>>, vector<16xi32>,
    %and3A_721 = arith.constant 3 : i32
    %and3A_722 = vector.broadcast %and3A_721 : i32 to vector<16xi32>
    %and3A_723 = arith.andi %gather3A_715, %and3A_722 : vector<16xi32>
    %mul3A_724 = arith.constant 32 : i32
    %mul3A_725 = vector.broadcast %mul3A_724 : i32 to vector<16xi32>
    %mul3A_726 = arith.muli %and3A_723, %mul3A_725 : vector<16xi32>
    %swap3A_727 = arith.constant 32 : index
    %swap3A_728 = tpu.vector_load %arg12[%swap3A_727] {strides = array<i32>} : memref<64xi32, #tpu.memory_space<vmem>>, vector<16xi32>,
    tpu.vector_store %arg12[%swap3A_727], %mul3A_726 {strides = array<i32>} : memref<64xi32, #tpu.memory_space<vmem>>, vector<16xi32>,
    %add3A_729 = arith.constant 112 : i32
    %add3A_730 = vector.broadcast %add3A_729 : i32 to vector<16xi32>
    %add3A_731 = arith.addi %iota3A, %add3A_730 : vector<16xi32>
    %gather3A_732 = tpu.vector_load_idx %arg10[%add3A_731] : memref<128xi32, #tpu.memory_space<vmem>>[vector<16xi32>], vector<16xi32>,
    %shift_right_arithmetic3A_733 = arith.constant 2 : i32
    %shift_right_arithmetic3A_734 = vector.broadcast %shift_right_arithmetic3A_733 : i32 to vector<16xi32>
    %shift_right_arithmetic3A_735 = arith.shrsi %gather3A_732, %shift_right_arithmetic3A_734 : vector<16xi32>
    %swap3A_736 = arith.constant 48 : index
    %swap3A_737 = tpu.vector_load %arg11[%swap3A_736] {strides = array<i32>} : memref<64xi32, #tpu.memory_space<vmem>>, vector<16xi32>,
    tpu.vector_store %arg11[%swap3A_736], %shift_right_arithmetic3A_735 {strides = array<i32>} : memref<64xi32, #tpu.memory_space<vmem>>, vector<16xi32>,
    %and3A_738 = arith.constant 3 : i32
    %and3A_739 = vector.broadcast %and3A_738 : i32 to vector<16xi32>
    %and3A_740 = arith.andi %gather3A_732, %and3A_739 : vector<16xi32>
    %mul3A_741 = arith.constant 32 : i32
    %mul3A_742 = vector.broadcast %mul3A_741 : i32 to vector<16xi32>
    %mul3A_743 = arith.muli %and3A_740, %mul3A_742 : vector<16xi32>
    %swap3A_744 = arith.constant 48 : index
    %swap3A_745 = tpu.vector_load %arg12[%swap3A_744] {strides = array<i32>} : memref<64xi32, #tpu.memory_space<vmem>>, vector<16xi32>,
    tpu.vector_store %arg12[%swap3A_744], %mul3A_743 {strides = array<i32>} : memref<64xi32, #tpu.memory_space<vmem>>, vector<16xi32>,
    %dma_start3A_746 = arith.constant 0 : i32
    %dma_start3A_747 = arith.constant 0 : i32
    %dma_start3A_748 = tpu.memref_slice %arg3[%dma_start3A_746, %dma_start3A_747] : memref<16384x128xf32, #tpu.memory_space<hbm>> -> memref<16384x128xf32, #tpu.memory_space<hbm>>
    tpu.enqueue_indirect_dma source(%dma_start3A_748 : memref<16384x128xf32, #tpu.memory_space<hbm>>) target(%arg14 : memref<64x128xf32, #tpu.memory_space<vmem>>) offsets(%arg11 : memref<64xi32, #tpu.memory_space<vmem>>) semaphore(%arg20 : memref<!tpu.dma_semaphore, #tpu.memory_space<semaphore_mem>>)
    %scan3A = arith.constant 0 : i32
    %scan3A_749 = arith.constant 0 : i32
    %scan3A_750 = arith.constant 64 : i32
    %scan3A_751 = arith.addi %scan3A_749, %scan3A_750 : i32
    %scan3A_752 = arith.constant 1 : i32
    %scan3A_753 = scf.for %scan3A_3503 = %scan3A_749 to %scan3A_751 step %scan3A_752 iter_args(%scan3A_3504 = %scan3A) -> (i32)  : i32 {
      %broadcast_in_dim3A_3505 = arith.constant 0 : i32
      %broadcast_in_dim3A_3506 = vector.broadcast %broadcast_in_dim3A_3505 : i32 to vector<16xi32>
      %add3A_3507 = vector.broadcast %scan3A_3503 : i32 to vector<16xi32>
      %add3A_3508 = arith.addi %broadcast_in_dim3A_3506, %add3A_3507 : vector<16xi32>
      %gather3A_3509 = tpu.vector_load_idx %arg10[%add3A_3508] : memref<128xi32, #tpu.memory_space<vmem>>[vector<16xi32>], vector<16xi32>,
      %reduce_max3A = arith.constant true
      %reduce_max3A_3510 = vector.broadcast %reduce_max3A : i1 to vector<16xi1>
      %reduce_max3A_3511 = arith.constant -2147483648 : i32
      %reduce_max3A_3512 = vector.broadcast %reduce_max3A_3511 : i32 to vector<16xi32>
      %reduce_max3A_3513 = arith.xori %gather3A_3509, %reduce_max3A_3512 : vector<16xi32>
      %reduce_max3A_3514 = tpu.scan <max>, %reduce_max3A_3513 masked %reduce_max3A_3510 : vector<16xi32>, vector<16xi1> -> vector<16xi32>
      %reduce_max3A_3515 = arith.xori %reduce_max3A_3514, %reduce_max3A_3512 : vector<16xi32>
      %reduce_max3A_3516 = vector.extract %reduce_max3A_3515[15] : i32 from vector<16xi32>
      %add3A_3517 = arith.constant 0 : i32
      %add3A_3518 = arith.addi %reduce_max3A_3516, %add3A_3517 : i32
      %mul3A_3519 = arith.constant 5 : i32
      %mul3A_3520 = arith.muli %scan3A_3503, %mul3A_3519 : i32
      %add3A_3521 = arith.constant 0 : i32
      %add3A_3522 = arith.addi %mul3A_3520, %add3A_3521 : i32
      %dma_start3A_3523 = arith.constant 0 : i32
      %dma_start3A_3524 = tpu.memref_slice %arg13[%add3A_3522, %dma_start3A_3523] : memref<320x80xf32, #tpu.memory_space<vmem>> -> memref<1x80xf32, #tpu.memory_space<vmem>>
      %dma_start3A_3525 = arith.constant 0 : i32
      %dma_start3A_3526 = tpu.memref_slice %arg2[%add3A_3518, %dma_start3A_3525] : memref<327680x80xf32, #tpu.memory_space<hbm>> -> memref<1x80xf32, #tpu.memory_space<hbm>>
      %dma_start3A_3527 = arith.constant 0 : i32
      %dma_start3A_3528 = tpu.memref_slice %arg13[%add3A_3522, %dma_start3A_3527] : memref<320x80xf32, #tpu.memory_space<vmem>> -> memref<1x80xf32, #tpu.memory_space<vmem>>
      %dma_start3A_3529 = arith.constant 0 : i32
      %dma_start3A_3530 = tpu.memref_slice %arg2[%add3A_3518, %dma_start3A_3529] : memref<327680x80xf32, #tpu.memory_space<hbm>> -> memref<1x80xf32, #tpu.memory_space<hbm>>
      tpu.enqueue_dma source(%dma_start3A_3530 : memref<1x80xf32, #tpu.memory_space<hbm>>) target(%dma_start3A_3528 : memref<1x80xf32, #tpu.memory_space<vmem>>) target_semaphore(%arg19 : memref<!tpu.dma_semaphore, #tpu.memory_space<semaphore_mem>>)
      %add3A_3531 = arith.constant 64 : i32
      %add3A_3532 = arith.addi %reduce_max3A_3516, %add3A_3531 : i32
      %mul3A_3533 = arith.constant 5 : i32
      %mul3A_3534 = arith.muli %scan3A_3503, %mul3A_3533 : i32
      %add3A_3535 = arith.constant 1 : i32
      %add3A_3536 = arith.addi %mul3A_3534, %add3A_3535 : i32
      %dma_start3A_3537 = arith.constant 0 : i32
      %dma_start3A_3538 = tpu.memref_slice %arg13[%add3A_3536, %dma_start3A_3537] : memref<320x80xf32, #tpu.memory_space<vmem>> -> memref<1x80xf32, #tpu.memory_space<vmem>>
      %dma_start3A_3539 = arith.constant 0 : i32
      %dma_start3A_3540 = tpu.memref_slice %arg2[%add3A_3532, %dma_start3A_3539] : memref<327680x80xf32, #tpu.memory_space<hbm>> -> memref<1x80xf32, #tpu.memory_space<hbm>>
      %dma_start3A_3541 = arith.constant 0 : i32
      %dma_start3A_3542 = tpu.memref_slice %arg13[%add3A_3536, %dma_start3A_3541] : memref<320x80xf32, #tpu.memory_space<vmem>> -> memref<1x80xf32, #tpu.memory_space<vmem>>
      %dma_start3A_3543 = arith.constant 0 : i32
      %dma_start3A_3544 = tpu.memref_slice %arg2[%add3A_3532, %dma_start3A_3543] : memref<327680x80xf32, #tpu.memory_space<hbm>> -> memref<1x80xf32, #tpu.memory_space<hbm>>
      tpu.enqueue_dma source(%dma_start3A_3544 : memref<1x80xf32, #tpu.memory_space<hbm>>) target(%dma_start3A_3542 : memref<1x80xf32, #tpu.memory_space<vmem>>) target_semaphore(%arg19 : memref<!tpu.dma_semaphore, #tpu.memory_space<semaphore_mem>>)
      %add3A_3545 = arith.constant 128 : i32
      %add3A_3546 = arith.addi %reduce_max3A_3516, %add3A_3545 : i32
      %mul3A_3547 = arith.constant 5 : i32
      %mul3A_3548 = arith.muli %scan3A_3503, %mul3A_3547 : i32
      %add3A_3549 = arith.constant 2 : i32
      %add3A_3550 = arith.addi %mul3A_3548, %add3A_3549 : i32
      %dma_start3A_3551 = arith.constant 0 : i32
      %dma_start3A_3552 = tpu.memref_slice %arg13[%add3A_3550, %dma_start3A_3551] : memref<320x80xf32, #tpu.memory_space<vmem>> -> memref<1x80xf32, #tpu.memory_space<vmem>>
      %dma_start3A_3553 = arith.constant 0 : i32
      %dma_start3A_3554 = tpu.memref_slice %arg2[%add3A_3546, %dma_start3A_3553] : memref<327680x80xf32, #tpu.memory_space<hbm>> -> memref<1x80xf32, #tpu.memory_space<hbm>>
      %dma_start3A_3555 = arith.constant 0 : i32
      %dma_start3A_3556 = tpu.memref_slice %arg13[%add3A_3550, %dma_start3A_3555] : memref<320x80xf32, #tpu.memory_space<vmem>> -> memref<1x80xf32, #tpu.memory_space<vmem>>
      %dma_start3A_3557 = arith.constant 0 : i32
      %dma_start3A_3558 = tpu.memref_slice %arg2[%add3A_3546, %dma_start3A_3557] : memref<327680x80xf32, #tpu.memory_space<hbm>> -> memref<1x80xf32, #tpu.memory_space<hbm>>
      tpu.enqueue_dma source(%dma_start3A_3558 : memref<1x80xf32, #tpu.memory_space<hbm>>) target(%dma_start3A_3556 : memref<1x80xf32, #tpu.memory_space<vmem>>) target_semaphore(%arg19 : memref<!tpu.dma_semaphore, #tpu.memory_space<semaphore_mem>>)
      %add3A_3559 = arith.constant 192 : i32
      %add3A_3560 = arith.addi %reduce_max3A_3516, %add3A_3559 : i32
      %mul3A_3561 = arith.constant 5 : i32
      %mul3A_3562 = arith.muli %scan3A_3503, %mul3A_3561 : i32
      %add3A_3563 = arith.constant 3 : i32
      %add3A_3564 = arith.addi %mul3A_3562, %add3A_3563 : i32
      %dma_start3A_3565 = arith.constant 0 : i32
      %dma_start3A_3566 = tpu.memref_slice %arg13[%add3A_3564, %dma_start3A_3565] : memref<320x80xf32, #tpu.memory_space<vmem>> -> memref<1x80xf32, #tpu.memory_space<vmem>>
      %dma_start3A_3567 = arith.constant 0 : i32
      %dma_start3A_3568 = tpu.memref_slice %arg2[%add3A_3560, %dma_start3A_3567] : memref<327680x80xf32, #tpu.memory_space<hbm>> -> memref<1x80xf32, #tpu.memory_space<hbm>>
      %dma_start3A_3569 = arith.constant 0 : i32
      %dma_start3A_3570 = tpu.memref_slice %arg13[%add3A_3564, %dma_start3A_3569] : memref<320x80xf32, #tpu.memory_space<vmem>> -> memref<1x80xf32, #tpu.memory_space<vmem>>
      %dma_start3A_3571 = arith.constant 0 : i32
      %dma_start3A_3572 = tpu.memref_slice %arg2[%add3A_3560, %dma_start3A_3571] : memref<327680x80xf32, #tpu.memory_space<hbm>> -> memref<1x80xf32, #tpu.memory_space<hbm>>
      tpu.enqueue_dma source(%dma_start3A_3572 : memref<1x80xf32, #tpu.memory_space<hbm>>) target(%dma_start3A_3570 : memref<1x80xf32, #tpu.memory_space<vmem>>) target_semaphore(%arg19 : memref<!tpu.dma_semaphore, #tpu.memory_space<semaphore_mem>>)
      %add3A_3573 = arith.constant 256 : i32
      %add3A_3574 = arith.addi %reduce_max3A_3516, %add3A_3573 : i32
      %mul3A_3575 = arith.constant 5 : i32
      %mul3A_3576 = arith.muli %scan3A_3503, %mul3A_3575 : i32
      %add3A_3577 = arith.constant 4 : i32
      %add3A_3578 = arith.addi %mul3A_3576, %add3A_3577 : i32
      %dma_start3A_3579 = arith.constant 0 : i32
      %dma_start3A_3580 = tpu.memref_slice %arg13[%add3A_3578, %dma_start3A_3579] : memref<320x80xf32, #tpu.memory_space<vmem>> -> memref<1x80xf32, #tpu.memory_space<vmem>>
      %dma_start3A_3581 = arith.constant 0 : i32
      %dma_start3A_3582 = tpu.memref_slice %arg2[%add3A_3574, %dma_start3A_3581] : memref<327680x80xf32, #tpu.memory_space<hbm>> -> memref<1x80xf32, #tpu.memory_space<hbm>>
      %dma_start3A_3583 = arith.constant 0 : i32
      %dma_start3A_3584 = tpu.memref_slice %arg13[%add3A_3578, %dma_start3A_3583] : memref<320x80xf32, #tpu.memory_space<vmem>> -> memref<1x80xf32, #tpu.memory_space<vmem>>
      %dma_start3A_3585 = arith.constant 0 : i32
      %dma_start3A_3586 = tpu.memref_slice %arg2[%add3A_3574, %dma_start3A_3585] : memref<327680x80xf32, #tpu.memory_space<hbm>> -> memref<1x80xf32, #tpu.memory_space<hbm>>
      tpu.enqueue_dma source(%dma_start3A_3586 : memref<1x80xf32, #tpu.memory_space<hbm>>) target(%dma_start3A_3584 : memref<1x80xf32, #tpu.memory_space<vmem>>) target_semaphore(%arg19 : memref<!tpu.dma_semaphore, #tpu.memory_space<semaphore_mem>>)
      %scan3A_3587 = arith.constant 0 : i32
      scf.yield %scan3A_3587 : i32
    }
    %scan3A_754 = arith.constant 64 : i32
    %dma_wait3A = arith.constant 0 : i32
    %dma_wait3A_755 = arith.constant 0 : i32
    %dma_wait3A_756 = tpu.memref_slice %arg3[%dma_wait3A, %dma_wait3A_755] : memref<16384x128xf32, #tpu.memory_space<hbm>> -> memref<16384x128xf32, #tpu.memory_space<hbm>>
    tpu.wait_indirect_dma semaphore(%arg20 : memref<!tpu.dma_semaphore, #tpu.memory_space<semaphore_mem>>) src(%dma_wait3A_756 : memref<16384x128xf32, #tpu.memory_space<hbm>>) dst(%arg14 : memref<64x128xf32, #tpu.memory_space<vmem>>)
    %mul3A_757 = arith.constant 4 : i32
    %mul3A_758 = arith.muli %select_n3A_30, %mul3A_757 : i32
    %add3A_759 = arith.constant 0 : i32
    %add3A_760 = arith.addi %mul3A_758, %add3A_759 : i32
    %mul3A_761 = arith.constant 16 : i32
    %mul3A_762 = arith.muli %add3A_760, %mul3A_761 : i32
    %add3A_763 = vector.broadcast %mul3A_762 : i32 to vector<16xi32>
    %add3A_764 = arith.addi %iota3A, %add3A_763 : vector<16xi32>
    %gather3A_765 = tpu.vector_load_idx %arg9[%add3A_764] : memref<128xi32, #tpu.memory_space<vmem>>[vector<16xi32>], vector<16xi32>,
    %broadcast_in_dim3A_766 = arith.constant 0 : i32
    %broadcast_in_dim3A_767 = vector.broadcast %broadcast_in_dim3A_766 : i32 to vector<16xi32>
    %scan3A_768 = arith.constant 0 : i32
    %scan3A_769 = arith.constant 128 : i32
    %scan3A_770 = arith.addi %scan3A_768, %scan3A_769 : i32
    %scan3A_771 = arith.constant 1 : i32
    %scan3A_772 = scf.for %scan3A_3503 = %scan3A_768 to %scan3A_770 step %scan3A_771 iter_args(%scan3A_3504 = %broadcast_in_dim3A_767) -> (vector<16xi32>)  : i32 {
      %jit3A_3505 = arith.constant 16 : i32
      %div3A_3506 = arith.divsi %scan3A_3503, %jit3A_3505 : i32
      %sign3A_3507 = arith.constant 0 : i32
      %sign3A_3508 = arith.cmpi sgt, %scan3A_3503, %sign3A_3507 : i32
      %sign3A_3509 = arith.extui %sign3A_3508 : i1 to i32
      %sign3A_3510 = arith.constant 0 : i32
      %sign3A_3511 = arith.cmpi slt, %scan3A_3503, %sign3A_3510 : i32
      %sign3A_3512 = arith.extui %sign3A_3511 : i1 to i32
      %sign3A_3513 = arith.subi %sign3A_3509, %sign3A_3512 : i32
      %sign3A_3514 = arith.constant 0 : i32
      %sign3A_3515 = arith.cmpi sgt, %jit3A_3505, %sign3A_3514 : i32
      %sign3A_3516 = arith.extui %sign3A_3515 : i1 to i32
      %sign3A_3517 = arith.constant 0 : i32
      %sign3A_3518 = arith.cmpi slt, %jit3A_3505, %sign3A_3517 : i32
      %sign3A_3519 = arith.extui %sign3A_3518 : i1 to i32
      %sign3A_3520 = arith.subi %sign3A_3516, %sign3A_3519 : i32
      %ne3A_3521 = arith.cmpi ne, %sign3A_3513, %sign3A_3520 : i32
      %rem3A_3522 = arith.remsi %scan3A_3503, %jit3A_3505 : i32
      %ne3A_3523 = arith.constant 0 : i32
      %ne3A_3524 = arith.cmpi ne, %rem3A_3522, %ne3A_3523 : i32
      %and3A_3525 = arith.andi %ne3A_3521, %ne3A_3524 : i1
      %sub3A_3526 = arith.constant 1 : i32
      %sub3A_3527 = arith.subi %div3A_3506, %sub3A_3526 : i32
      %select_n3A_3528 = arith.select %and3A_3525, %sub3A_3527, %div3A_3506 : i32
      %mul3A_3529 = arith.constant 16 : i32
      %mul3A_3530 = arith.muli %select_n3A_3528, %mul3A_3529 : i32
      %sub3A_3531 = arith.subi %scan3A_3503, %mul3A_3530 : i32
      %add3A_3532 = vector.broadcast %sub3A_3531 : i32 to vector<16xi32>
      %add3A_3533 = arith.addi %iota3A, %add3A_3532 : vector<16xi32>
      %and3A_3534 = arith.constant 15 : i32
      %and3A_3535 = vector.broadcast %and3A_3534 : i32 to vector<16xi32>
      %and3A_3536 = arith.andi %add3A_3533, %and3A_3535 : vector<16xi32>
      %mul3A_3537 = arith.constant 16 : i32
      %mul3A_3538 = arith.muli %select_n3A_3528, %mul3A_3537 : i32
      %add3A_3539 = vector.broadcast %mul3A_3538 : i32 to vector<16xi32>
      %add3A_3540 = arith.addi %and3A_3536, %add3A_3539 : vector<16xi32>
      %gather3A_3541 = tpu.vector_load_idx %arg9[%add3A_3540] : memref<128xi32, #tpu.memory_space<vmem>>[vector<16xi32>], vector<16xi32>,
      %mul3A_3542 = arith.constant 16 : i32
      %mul3A_3543 = arith.muli %select_n3A_3528, %mul3A_3542 : i32
      %add3A_3544 = vector.broadcast %mul3A_3543 : i32 to vector<16xi32>
      %add3A_3545 = arith.addi %and3A_3536, %add3A_3544 : vector<16xi32>
      %eq3A_3546 = arith.cmpi eq, %gather3A_3541, %gather3A_765 : vector<16xi32>
      %gt3A_3547 = arith.cmpi sgt, %add3A_3545, %add3A_764 : vector<16xi32>
      %and3A_3548 = arith.andi %eq3A_3546, %gt3A_3547 : vector<16xi1>
      %convert_element_type3A_3549 = arith.extui %and3A_3548 : vector<16xi1> to vector<16xi32>
      %or3A = arith.ori %scan3A_3504, %convert_element_type3A_3549 : vector<16xi32>
      scf.yield %or3A : vector<16xi32>
    }
    %scan3A_773 = arith.constant 128 : i32
    %eq3A_774 = arith.constant 0 : i32
    %eq3A_775 = vector.broadcast %eq3A_774 : i32 to vector<16xi32>
    %eq3A_776 = arith.cmpi eq, %scan3A_772, %eq3A_775 : vector<16xi32>
    %lt3A_777 = arith.constant 100 : i32
    %lt3A_778 = vector.broadcast %lt3A_777 : i32 to vector<16xi32>
    %lt3A_779 = arith.cmpi slt, %add3A_764, %lt3A_778 : vector<16xi32>
    %and3A_780 = arith.andi %eq3A_776, %lt3A_779 : vector<16xi1>
    %mul3A_781 = arith.constant 64 : i32
    %mul3A_782 = arith.muli %select_n3A_30, %mul3A_781 : i32
    %add3A_783 = arith.constant 0 : i32
    %add3A_784 = arith.addi %mul3A_782, %add3A_783 : i32
    %multiple_of3A_785 = tpu.assume_multiple %add3A_784, 16 : i32
    %get3A_786 = arith.index_cast %multiple_of3A_785 : i32 to index
    %get3A_787 = tpu.vector_load %arg8[%get3A_786] {strides = array<i32>} : memref<512xf32, #tpu.memory_space<vmem>>, vector<16xf32>,
    %mul3A_788 = arith.constant 6.400000e+01 : f32
    %mul3A_789 = vector.broadcast %mul3A_788 : f32 to vector<16xf32>
    %mul3A_790 = arith.mulf %get3A_787, %mul3A_789 : vector<16xf32>
    %add3A_791 = arith.constant 128 : i32
    %add3A_792 = arith.addi %add3A_791, %multiple_of3A_785 : i32
    %get3A_793 = arith.index_cast %add3A_792 : i32 to index
    %get3A_794 = tpu.vector_load %arg8[%get3A_793] {strides = array<i32>} : memref<512xf32, #tpu.memory_space<vmem>>, vector<16xf32>,
    %mul3A_795 = arith.constant 6.400000e+01 : f32
    %mul3A_796 = vector.broadcast %mul3A_795 : f32 to vector<16xf32>
    %mul3A_797 = arith.mulf %get3A_794, %mul3A_796 : vector<16xf32>
    %add3A_798 = arith.constant 256 : i32
    %add3A_799 = arith.addi %add3A_798, %multiple_of3A_785 : i32
    %get3A_800 = arith.index_cast %add3A_799 : i32 to index
    %get3A_801 = tpu.vector_load %arg8[%get3A_800] {strides = array<i32>} : memref<512xf32, #tpu.memory_space<vmem>>, vector<16xf32>,
    %mul3A_802 = arith.constant 6.400000e+01 : f32
    %mul3A_803 = vector.broadcast %mul3A_802 : f32 to vector<16xf32>
    %mul3A_804 = arith.mulf %get3A_801, %mul3A_803 : vector<16xf32>
    %add3A_805 = arith.constant 384 : i32
    %add3A_806 = arith.addi %add3A_805, %multiple_of3A_785 : i32
    %get3A_807 = arith.index_cast %add3A_806 : i32 to index
    %get3A_808 = tpu.vector_load %arg8[%get3A_807] {strides = array<i32>} : memref<512xf32, #tpu.memory_space<vmem>>, vector<16xf32>,
    %mul3A_809 = arith.constant 6.400000e+01 : f32
    %mul3A_810 = vector.broadcast %mul3A_809 : f32 to vector<16xf32>
    %mul3A_811 = arith.mulf %get3A_808, %mul3A_810 : vector<16xf32>
    %convert_element_type3A_812 = arith.fptosi %mul3A_790 : vector<16xf32> to vector<16xi32>
    %max3A_813 = arith.constant 0 : i32
    %max3A_814 = vector.broadcast %max3A_813 : i32 to vector<16xi32>
    %max3A_815 = arith.maxsi %convert_element_type3A_812, %max3A_814 : vector<16xi32>
    %min3A_816 = arith.constant 63 : i32
    %min3A_817 = vector.broadcast %min3A_816 : i32 to vector<16xi32>
    %min3A_818 = arith.minsi %max3A_815, %min3A_817 : vector<16xi32>
    %convert_element_type3A_819 = arith.sitofp %min3A_818 : vector<16xi32> to vector<16xf32>
    %convert_element_type3A_820 = arith.fptosi %mul3A_797 : vector<16xf32> to vector<16xi32>
    %max3A_821 = arith.constant 0 : i32
    %max3A_822 = vector.broadcast %max3A_821 : i32 to vector<16xi32>
    %max3A_823 = arith.maxsi %convert_element_type3A_820, %max3A_822 : vector<16xi32>
    %min3A_824 = arith.constant 63 : i32
    %min3A_825 = vector.broadcast %min3A_824 : i32 to vector<16xi32>
    %min3A_826 = arith.minsi %max3A_823, %min3A_825 : vector<16xi32>
    %convert_element_type3A_827 = arith.sitofp %min3A_826 : vector<16xi32> to vector<16xf32>
    %add3A_828 = arith.constant 0 : i32
    %add3A_829 = vector.broadcast %add3A_828 : i32 to vector<16xi32>
    %add3A_830 = arith.addi %iota3A, %add3A_829 : vector<16xi32>
    %gather3A_831 = tpu.vector_load_idx %arg12[%add3A_830] : memref<64xi32, #tpu.memory_space<vmem>>[vector<16xi32>], vector<16xi32>,
    %min3A_832 = arith.constant 1.190000e+00 : f32
    %min3A_833 = vector.broadcast %min3A_832 : f32 to vector<16xf32>
    %min3A_834 = arith.minimumf %mul3A_804, %min3A_833 : vector<16xf32>
    %min3A_835 = arith.constant 1.980000e+00 : f32
    %min3A_836 = vector.broadcast %min3A_835 : f32 to vector<16xf32>
    %min3A_837 = arith.minimumf %mul3A_811, %min3A_836 : vector<16xf32>
    %mul3A_838 = arith.mulf %min3A_834, %min3A_837 : vector<16xf32>
    %mul3A_839 = arith.mulf %mul3A_804, %mul3A_811 : vector<16xf32>
    %add3A_840 = arith.constant 2.35620022 : f32
    %add3A_841 = vector.broadcast %add3A_840 : f32 to vector<16xf32>
    %add3A_842 = arith.addf %mul3A_839, %add3A_841 : vector<16xf32>
    %sub3A_843 = arith.subf %add3A_842, %mul3A_838 : vector<16xf32>
    %add3A_844 = arith.constant 9.99999971E-10 : f32
    %add3A_845 = vector.broadcast %add3A_844 : f32 to vector<16xf32>
    %add3A_846 = arith.addf %sub3A_843, %add3A_845 : vector<16xf32>
    %div3A_847 = arith.divf %mul3A_838, %add3A_846 : vector<16xf32>
    %gt3A = arith.constant 5.000000e-01 : f32
    %gt3A_848 = vector.broadcast %gt3A : f32 to vector<16xf32>
    %gt3A_849 = arith.cmpf ogt, %div3A_847, %gt3A_848 : vector<16xf32>
    %and3A_850 = arith.andi %and3A_780, %gt3A_849 : vector<16xi1>
    %jit3A_851 = arith.constant 1.000000e+00 : f32
    %jit3A_852 = arith.constant 0.000000e+00 : f32
    %broadcast_in_dim3A_853 = vector.broadcast %jit3A_851 : f32 to vector<16xf32>
    %broadcast_in_dim3A_854 = vector.broadcast %jit3A_852 : f32 to vector<16xf32>
    %select_n3A_855 = arith.select %and3A_850, %broadcast_in_dim3A_853, %broadcast_in_dim3A_854 : vector<16xi1>, vector<16xf32>
    %swap3A_856 = arith.constant 0 : index
    %swap3A_857 = tpu.vector_load %arg17[%swap3A_856] {strides = array<i32>} : memref<320xf32, #tpu.memory_space<vmem>>, vector<16xf32>,
    tpu.vector_store %arg17[%swap3A_856], %select_n3A_855 {strides = array<i32>} : memref<320xf32, #tpu.memory_space<vmem>>, vector<16xf32>,
    %add3A_858 = arith.constant 0 : i32
    %add3A_859 = vector.broadcast %add3A_858 : i32 to vector<16xi32>
    %add3A_860 = arith.addi %gather3A_831, %add3A_859 : vector<16xi32>
    %gather3A_861 = tpu.vector_load_idx %arg14[%add3A_830, %add3A_860] : memref<64x128xf32, #tpu.memory_space<vmem>>[vector<16xi32>, vector<16xi32>], vector<16xf32>,
    %add3A_862 = arith.constant 1 : i32
    %add3A_863 = vector.broadcast %add3A_862 : i32 to vector<16xi32>
    %add3A_864 = arith.addi %gather3A_831, %add3A_863 : vector<16xi32>
    %gather3A_865 = tpu.vector_load_idx %arg14[%add3A_830, %add3A_864] : memref<64x128xf32, #tpu.memory_space<vmem>>[vector<16xi32>, vector<16xi32>], vector<16xf32>,
    %add3A_866 = arith.constant 2 : i32
    %add3A_867 = vector.broadcast %add3A_866 : i32 to vector<16xi32>
    %add3A_868 = arith.addi %gather3A_831, %add3A_867 : vector<16xi32>
    %gather3A_869 = tpu.vector_load_idx %arg14[%add3A_830, %add3A_868] : memref<64x128xf32, #tpu.memory_space<vmem>>[vector<16xi32>, vector<16xi32>], vector<16xf32>,
    %add3A_870 = arith.constant 3 : i32
    %add3A_871 = vector.broadcast %add3A_870 : i32 to vector<16xi32>
    %add3A_872 = arith.addi %gather3A_831, %add3A_871 : vector<16xi32>
    %gather3A_873 = tpu.vector_load_idx %arg14[%add3A_830, %add3A_872] : memref<64x128xf32, #tpu.memory_space<vmem>>[vector<16xi32>, vector<16xi32>], vector<16xf32>,
    %add3A_874 = arith.constant 4 : i32
    %add3A_875 = vector.broadcast %add3A_874 : i32 to vector<16xi32>
    %add3A_876 = arith.addi %gather3A_831, %add3A_875 : vector<16xi32>
    %gather3A_877 = tpu.vector_load_idx %arg14[%add3A_830, %add3A_876] : memref<64x128xf32, #tpu.memory_space<vmem>>[vector<16xi32>, vector<16xi32>], vector<16xf32>,
    %neg3A = arith.constant 0.000000e+00 : f32
    %neg3A_878 = vector.broadcast %neg3A : f32 to vector<16xf32>
    %neg3A_879 = arith.subf %neg3A_878, %gather3A_877 : vector<16xf32>
    %exp3A = math.exp %neg3A_879 : vector<16xf32>
    %add3A_880 = arith.constant 1.000000e+00 : f32
    %add3A_881 = vector.broadcast %add3A_880 : f32 to vector<16xf32>
    %add3A_882 = arith.addf %add3A_881, %exp3A : vector<16xf32>
    %div3A_883 = arith.constant 1.000000e+00 : f32
    %div3A_884 = vector.broadcast %div3A_883 : f32 to vector<16xf32>
    %div3A_885 = arith.divf %div3A_884, %add3A_882 : vector<16xf32>
    %mul3A_886 = arith.mulf %div3A_885, %div3A_885 : vector<16xf32>
    %select_n3A_887 = arith.select %and3A_850, %mul3A_886, %broadcast_in_dim3A_31 : vector<16xi1>, vector<16xf32>
    %add3A_888 = arith.addf %broadcast_in_dim3A_31, %select_n3A_887 : vector<16xf32>
    %sub3A_889 = arith.subf %div3A_885, %div3A_847 : vector<16xf32>
    %mul3A_890 = arith.mulf %sub3A_889, %sub3A_889 : vector<16xf32>
    %select_n3A_891 = arith.select %and3A_850, %mul3A_890, %broadcast_in_dim3A_31 : vector<16xi1>, vector<16xf32>
    %add3A_892 = arith.addf %broadcast_in_dim3A_31, %select_n3A_891 : vector<16xf32>
    %exp3A_893 = math.exp %gather3A_869 : vector<16xf32>
    %mul3A_894 = arith.constant 1.190000e+00 : f32
    %mul3A_895 = vector.broadcast %mul3A_894 : f32 to vector<16xf32>
    %mul3A_896 = arith.mulf %exp3A_893, %mul3A_895 : vector<16xf32>
    %exp3A_897 = math.exp %gather3A_873 : vector<16xf32>
    %mul3A_898 = arith.constant 1.980000e+00 : f32
    %mul3A_899 = vector.broadcast %mul3A_898 : f32 to vector<16xf32>
    %mul3A_900 = arith.mulf %exp3A_897, %mul3A_899 : vector<16xf32>
    %sub3A_901 = arith.constant 1.190000e+00 : f32
    %sub3A_902 = vector.broadcast %sub3A_901 : f32 to vector<16xf32>
    %sub3A_903 = arith.subf %mul3A_896, %sub3A_902 : vector<16xf32>
    %sub3A_904 = arith.constant 1.980000e+00 : f32
    %sub3A_905 = vector.broadcast %sub3A_904 : f32 to vector<16xf32>
    %sub3A_906 = arith.subf %mul3A_900, %sub3A_905 : vector<16xf32>
    %mul3A_907 = arith.mulf %sub3A_903, %sub3A_903 : vector<16xf32>
    %mul3A_908 = arith.mulf %sub3A_906, %sub3A_906 : vector<16xf32>
    %add3A_909 = arith.addf %mul3A_907, %mul3A_908 : vector<16xf32>
    %select_n3A_910 = arith.select %and3A_850, %add3A_909, %broadcast_in_dim3A_31 : vector<16xi1>, vector<16xf32>
    %add3A_911 = arith.addf %broadcast_in_dim3A_31, %select_n3A_910 : vector<16xf32>
    %neg3A_912 = arith.constant 0.000000e+00 : f32
    %neg3A_913 = vector.broadcast %neg3A_912 : f32 to vector<16xf32>
    %neg3A_914 = arith.subf %neg3A_913, %gather3A_861 : vector<16xf32>
    %exp3A_915 = math.exp %neg3A_914 : vector<16xf32>
    %add3A_916 = arith.constant 1.000000e+00 : f32
    %add3A_917 = vector.broadcast %add3A_916 : f32 to vector<16xf32>
    %add3A_918 = arith.addf %add3A_917, %exp3A_915 : vector<16xf32>
    %div3A_919 = arith.constant 1.000000e+00 : f32
    %div3A_920 = vector.broadcast %div3A_919 : f32 to vector<16xf32>
    %div3A_921 = arith.divf %div3A_920, %add3A_918 : vector<16xf32>
    %add3A_922 = arith.addf %div3A_921, %convert_element_type3A_819 : vector<16xf32>
    %neg3A_923 = arith.constant 0.000000e+00 : f32
    %neg3A_924 = vector.broadcast %neg3A_923 : f32 to vector<16xf32>
    %neg3A_925 = arith.subf %neg3A_924, %gather3A_865 : vector<16xf32>
    %exp3A_926 = math.exp %neg3A_925 : vector<16xf32>
    %add3A_927 = arith.constant 1.000000e+00 : f32
    %add3A_928 = vector.broadcast %add3A_927 : f32 to vector<16xf32>
    %add3A_929 = arith.addf %add3A_928, %exp3A_926 : vector<16xf32>
    %div3A_930 = arith.constant 1.000000e+00 : f32
    %div3A_931 = vector.broadcast %div3A_930 : f32 to vector<16xf32>
    %div3A_932 = arith.divf %div3A_931, %add3A_929 : vector<16xf32>
    %add3A_933 = arith.addf %div3A_932, %convert_element_type3A_827 : vector<16xf32>
    %sub3A_934 = arith.subf %add3A_922, %mul3A_790 : vector<16xf32>
    %sub3A_935 = arith.subf %add3A_933, %mul3A_797 : vector<16xf32>
    %sub3A_936 = arith.subf %mul3A_896, %mul3A_804 : vector<16xf32>
    %sub3A_937 = arith.subf %mul3A_900, %mul3A_811 : vector<16xf32>
    %mul3A_938 = arith.mulf %sub3A_934, %sub3A_934 : vector<16xf32>
    %mul3A_939 = arith.mulf %sub3A_935, %sub3A_935 : vector<16xf32>
    %add3A_940 = arith.addf %mul3A_938, %mul3A_939 : vector<16xf32>
    %mul3A_941 = arith.mulf %sub3A_936, %sub3A_936 : vector<16xf32>
    %add3A_942 = arith.addf %add3A_940, %mul3A_941 : vector<16xf32>
    %mul3A_943 = arith.mulf %sub3A_937, %sub3A_937 : vector<16xf32>
    %add3A_944 = arith.addf %add3A_942, %mul3A_943 : vector<16xf32>
    %select_n3A_945 = arith.select %and3A_850, %add3A_944, %broadcast_in_dim3A_31 : vector<16xi1>, vector<16xf32>
    %add3A_946 = arith.addf %broadcast_in_dim3A_31, %select_n3A_945 : vector<16xf32>
    %min3A_947 = arith.constant 2.790000e+00 : f32
    %min3A_948 = vector.broadcast %min3A_947 : f32 to vector<16xf32>
    %min3A_949 = arith.minimumf %mul3A_804, %min3A_948 : vector<16xf32>
    %min3A_950 = arith.constant 4.590000e+00 : f32
    %min3A_951 = vector.broadcast %min3A_950 : f32 to vector<16xf32>
    %min3A_952 = arith.minimumf %mul3A_811, %min3A_951 : vector<16xf32>
    %mul3A_953 = arith.mulf %min3A_949, %min3A_952 : vector<16xf32>
    %mul3A_954 = arith.mulf %mul3A_804, %mul3A_811 : vector<16xf32>
    %add3A_955 = arith.constant 1.280610e+01 : f32
    %add3A_956 = vector.broadcast %add3A_955 : f32 to vector<16xf32>
    %add3A_957 = arith.addf %mul3A_954, %add3A_956 : vector<16xf32>
    %sub3A_958 = arith.subf %add3A_957, %mul3A_953 : vector<16xf32>
    %add3A_959 = arith.constant 9.99999971E-10 : f32
    %add3A_960 = vector.broadcast %add3A_959 : f32 to vector<16xf32>
    %add3A_961 = arith.addf %sub3A_958, %add3A_960 : vector<16xf32>
    %div3A_962 = arith.divf %mul3A_953, %add3A_961 : vector<16xf32>
    %gt3A_963 = arith.constant 5.000000e-01 : f32
    %gt3A_964 = vector.broadcast %gt3A_963 : f32 to vector<16xf32>
    %gt3A_965 = arith.cmpf ogt, %div3A_962, %gt3A_964 : vector<16xf32>
    %and3A_966 = arith.andi %and3A_780, %gt3A_965 : vector<16xi1>
    %jit3A_967 = arith.constant 1.000000e+00 : f32
    %jit3A_968 = arith.constant 0.000000e+00 : f32
    %broadcast_in_dim3A_969 = vector.broadcast %jit3A_967 : f32 to vector<16xf32>
    %broadcast_in_dim3A_970 = vector.broadcast %jit3A_968 : f32 to vector<16xf32>
    %select_n3A_971 = arith.select %and3A_966, %broadcast_in_dim3A_969, %broadcast_in_dim3A_970 : vector<16xi1>, vector<16xf32>
    %swap3A_972 = arith.constant 64 : index
    %swap3A_973 = tpu.vector_load %arg17[%swap3A_972] {strides = array<i32>} : memref<320xf32, #tpu.memory_space<vmem>>, vector<16xf32>,
    tpu.vector_store %arg17[%swap3A_972], %select_n3A_971 {strides = array<i32>} : memref<320xf32, #tpu.memory_space<vmem>>, vector<16xf32>,
    %add3A_974 = arith.constant 5 : i32
    %add3A_975 = vector.broadcast %add3A_974 : i32 to vector<16xi32>
    %add3A_976 = arith.addi %gather3A_831, %add3A_975 : vector<16xi32>
    %gather3A_977 = tpu.vector_load_idx %arg14[%add3A_830, %add3A_976] : memref<64x128xf32, #tpu.memory_space<vmem>>[vector<16xi32>, vector<16xi32>], vector<16xf32>,
    %add3A_978 = arith.constant 6 : i32
    %add3A_979 = vector.broadcast %add3A_978 : i32 to vector<16xi32>
    %add3A_980 = arith.addi %gather3A_831, %add3A_979 : vector<16xi32>
    %gather3A_981 = tpu.vector_load_idx %arg14[%add3A_830, %add3A_980] : memref<64x128xf32, #tpu.memory_space<vmem>>[vector<16xi32>, vector<16xi32>], vector<16xf32>,
    %add3A_982 = arith.constant 7 : i32
    %add3A_983 = vector.broadcast %add3A_982 : i32 to vector<16xi32>
    %add3A_984 = arith.addi %gather3A_831, %add3A_983 : vector<16xi32>
    %gather3A_985 = tpu.vector_load_idx %arg14[%add3A_830, %add3A_984] : memref<64x128xf32, #tpu.memory_space<vmem>>[vector<16xi32>, vector<16xi32>], vector<16xf32>,
    %add3A_986 = arith.constant 8 : i32
    %add3A_987 = vector.broadcast %add3A_986 : i32 to vector<16xi32>
    %add3A_988 = arith.addi %gather3A_831, %add3A_987 : vector<16xi32>
    %gather3A_989 = tpu.vector_load_idx %arg14[%add3A_830, %add3A_988] : memref<64x128xf32, #tpu.memory_space<vmem>>[vector<16xi32>, vector<16xi32>], vector<16xf32>,
    %add3A_990 = arith.constant 9 : i32
    %add3A_991 = vector.broadcast %add3A_990 : i32 to vector<16xi32>
    %add3A_992 = arith.addi %gather3A_831, %add3A_991 : vector<16xi32>
    %gather3A_993 = tpu.vector_load_idx %arg14[%add3A_830, %add3A_992] : memref<64x128xf32, #tpu.memory_space<vmem>>[vector<16xi32>, vector<16xi32>], vector<16xf32>,
    %neg3A_994 = arith.constant 0.000000e+00 : f32
    %neg3A_995 = vector.broadcast %neg3A_994 : f32 to vector<16xf32>
    %neg3A_996 = arith.subf %neg3A_995, %gather3A_993 : vector<16xf32>
    %exp3A_997 = math.exp %neg3A_996 : vector<16xf32>
    %add3A_998 = arith.constant 1.000000e+00 : f32
    %add3A_999 = vector.broadcast %add3A_998 : f32 to vector<16xf32>
    %add3A_1000 = arith.addf %add3A_999, %exp3A_997 : vector<16xf32>
    %div3A_1001 = arith.constant 1.000000e+00 : f32
    %div3A_1002 = vector.broadcast %div3A_1001 : f32 to vector<16xf32>
    %div3A_1003 = arith.divf %div3A_1002, %add3A_1000 : vector<16xf32>
    %mul3A_1004 = arith.mulf %div3A_1003, %div3A_1003 : vector<16xf32>
    %select_n3A_1005 = arith.select %and3A_966, %mul3A_1004, %broadcast_in_dim3A_31 : vector<16xi1>, vector<16xf32>
    %add3A_1006 = arith.addf %add3A_888, %select_n3A_1005 : vector<16xf32>
    %sub3A_1007 = arith.subf %div3A_1003, %div3A_962 : vector<16xf32>
    %mul3A_1008 = arith.mulf %sub3A_1007, %sub3A_1007 : vector<16xf32>
    %select_n3A_1009 = arith.select %and3A_966, %mul3A_1008, %broadcast_in_dim3A_31 : vector<16xi1>, vector<16xf32>
    %add3A_1010 = arith.addf %add3A_892, %select_n3A_1009 : vector<16xf32>
    %exp3A_1011 = math.exp %gather3A_985 : vector<16xf32>
    %mul3A_1012 = arith.constant 2.790000e+00 : f32
    %mul3A_1013 = vector.broadcast %mul3A_1012 : f32 to vector<16xf32>
    %mul3A_1014 = arith.mulf %exp3A_1011, %mul3A_1013 : vector<16xf32>
    %exp3A_1015 = math.exp %gather3A_989 : vector<16xf32>
    %mul3A_1016 = arith.constant 4.590000e+00 : f32
    %mul3A_1017 = vector.broadcast %mul3A_1016 : f32 to vector<16xf32>
    %mul3A_1018 = arith.mulf %exp3A_1015, %mul3A_1017 : vector<16xf32>
    %sub3A_1019 = arith.constant 2.790000e+00 : f32
    %sub3A_1020 = vector.broadcast %sub3A_1019 : f32 to vector<16xf32>
    %sub3A_1021 = arith.subf %mul3A_1014, %sub3A_1020 : vector<16xf32>
    %sub3A_1022 = arith.constant 4.590000e+00 : f32
    %sub3A_1023 = vector.broadcast %sub3A_1022 : f32 to vector<16xf32>
    %sub3A_1024 = arith.subf %mul3A_1018, %sub3A_1023 : vector<16xf32>
    %mul3A_1025 = arith.mulf %sub3A_1021, %sub3A_1021 : vector<16xf32>
    %mul3A_1026 = arith.mulf %sub3A_1024, %sub3A_1024 : vector<16xf32>
    %add3A_1027 = arith.addf %mul3A_1025, %mul3A_1026 : vector<16xf32>
    %select_n3A_1028 = arith.select %and3A_966, %add3A_1027, %broadcast_in_dim3A_31 : vector<16xi1>, vector<16xf32>
    %add3A_1029 = arith.addf %add3A_911, %select_n3A_1028 : vector<16xf32>
    %neg3A_1030 = arith.constant 0.000000e+00 : f32
    %neg3A_1031 = vector.broadcast %neg3A_1030 : f32 to vector<16xf32>
    %neg3A_1032 = arith.subf %neg3A_1031, %gather3A_977 : vector<16xf32>
    %exp3A_1033 = math.exp %neg3A_1032 : vector<16xf32>
    %add3A_1034 = arith.constant 1.000000e+00 : f32
    %add3A_1035 = vector.broadcast %add3A_1034 : f32 to vector<16xf32>
    %add3A_1036 = arith.addf %add3A_1035, %exp3A_1033 : vector<16xf32>
    %div3A_1037 = arith.constant 1.000000e+00 : f32
    %div3A_1038 = vector.broadcast %div3A_1037 : f32 to vector<16xf32>
    %div3A_1039 = arith.divf %div3A_1038, %add3A_1036 : vector<16xf32>
    %add3A_1040 = arith.addf %div3A_1039, %convert_element_type3A_819 : vector<16xf32>
    %neg3A_1041 = arith.constant 0.000000e+00 : f32
    %neg3A_1042 = vector.broadcast %neg3A_1041 : f32 to vector<16xf32>
    %neg3A_1043 = arith.subf %neg3A_1042, %gather3A_981 : vector<16xf32>
    %exp3A_1044 = math.exp %neg3A_1043 : vector<16xf32>
    %add3A_1045 = arith.constant 1.000000e+00 : f32
    %add3A_1046 = vector.broadcast %add3A_1045 : f32 to vector<16xf32>
    %add3A_1047 = arith.addf %add3A_1046, %exp3A_1044 : vector<16xf32>
    %div3A_1048 = arith.constant 1.000000e+00 : f32
    %div3A_1049 = vector.broadcast %div3A_1048 : f32 to vector<16xf32>
    %div3A_1050 = arith.divf %div3A_1049, %add3A_1047 : vector<16xf32>
    %add3A_1051 = arith.addf %div3A_1050, %convert_element_type3A_827 : vector<16xf32>
    %sub3A_1052 = arith.subf %add3A_1040, %mul3A_790 : vector<16xf32>
    %sub3A_1053 = arith.subf %add3A_1051, %mul3A_797 : vector<16xf32>
    %sub3A_1054 = arith.subf %mul3A_1014, %mul3A_804 : vector<16xf32>
    %sub3A_1055 = arith.subf %mul3A_1018, %mul3A_811 : vector<16xf32>
    %mul3A_1056 = arith.mulf %sub3A_1052, %sub3A_1052 : vector<16xf32>
    %mul3A_1057 = arith.mulf %sub3A_1053, %sub3A_1053 : vector<16xf32>
    %add3A_1058 = arith.addf %mul3A_1056, %mul3A_1057 : vector<16xf32>
    %mul3A_1059 = arith.mulf %sub3A_1054, %sub3A_1054 : vector<16xf32>
    %add3A_1060 = arith.addf %add3A_1058, %mul3A_1059 : vector<16xf32>
    %mul3A_1061 = arith.mulf %sub3A_1055, %sub3A_1055 : vector<16xf32>
    %add3A_1062 = arith.addf %add3A_1060, %mul3A_1061 : vector<16xf32>
    %select_n3A_1063 = arith.select %and3A_966, %add3A_1062, %broadcast_in_dim3A_31 : vector<16xi1>, vector<16xf32>
    %add3A_1064 = arith.addf %add3A_946, %select_n3A_1063 : vector<16xf32>
    %min3A_1065 = arith.constant 4.530000e+00 : f32
    %min3A_1066 = vector.broadcast %min3A_1065 : f32 to vector<16xf32>
    %min3A_1067 = arith.minimumf %mul3A_804, %min3A_1066 : vector<16xf32>
    %min3A_1068 = arith.constant 8.920000e+00 : f32
    %min3A_1069 = vector.broadcast %min3A_1068 : f32 to vector<16xf32>
    %min3A_1070 = arith.minimumf %mul3A_811, %min3A_1069 : vector<16xf32>
    %mul3A_1071 = arith.mulf %min3A_1067, %min3A_1070 : vector<16xf32>
    %mul3A_1072 = arith.mulf %mul3A_804, %mul3A_811 : vector<16xf32>
    %add3A_1073 = arith.constant 4.040760e+01 : f32
    %add3A_1074 = vector.broadcast %add3A_1073 : f32 to vector<16xf32>
    %add3A_1075 = arith.addf %mul3A_1072, %add3A_1074 : vector<16xf32>
    %sub3A_1076 = arith.subf %add3A_1075, %mul3A_1071 : vector<16xf32>
    %add3A_1077 = arith.constant 9.99999971E-10 : f32
    %add3A_1078 = vector.broadcast %add3A_1077 : f32 to vector<16xf32>
    %add3A_1079 = arith.addf %sub3A_1076, %add3A_1078 : vector<16xf32>
    %div3A_1080 = arith.divf %mul3A_1071, %add3A_1079 : vector<16xf32>
    %gt3A_1081 = arith.constant 5.000000e-01 : f32
    %gt3A_1082 = vector.broadcast %gt3A_1081 : f32 to vector<16xf32>
    %gt3A_1083 = arith.cmpf ogt, %div3A_1080, %gt3A_1082 : vector<16xf32>
    %and3A_1084 = arith.andi %and3A_780, %gt3A_1083 : vector<16xi1>
    %jit3A_1085 = arith.constant 1.000000e+00 : f32
    %jit3A_1086 = arith.constant 0.000000e+00 : f32
    %broadcast_in_dim3A_1087 = vector.broadcast %jit3A_1085 : f32 to vector<16xf32>
    %broadcast_in_dim3A_1088 = vector.broadcast %jit3A_1086 : f32 to vector<16xf32>
    %select_n3A_1089 = arith.select %and3A_1084, %broadcast_in_dim3A_1087, %broadcast_in_dim3A_1088 : vector<16xi1>, vector<16xf32>
    %swap3A_1090 = arith.constant 128 : index
    %swap3A_1091 = tpu.vector_load %arg17[%swap3A_1090] {strides = array<i32>} : memref<320xf32, #tpu.memory_space<vmem>>, vector<16xf32>,
    tpu.vector_store %arg17[%swap3A_1090], %select_n3A_1089 {strides = array<i32>} : memref<320xf32, #tpu.memory_space<vmem>>, vector<16xf32>,
    %add3A_1092 = arith.constant 10 : i32
    %add3A_1093 = vector.broadcast %add3A_1092 : i32 to vector<16xi32>
    %add3A_1094 = arith.addi %gather3A_831, %add3A_1093 : vector<16xi32>
    %gather3A_1095 = tpu.vector_load_idx %arg14[%add3A_830, %add3A_1094] : memref<64x128xf32, #tpu.memory_space<vmem>>[vector<16xi32>, vector<16xi32>], vector<16xf32>,
    %add3A_1096 = arith.constant 11 : i32
    %add3A_1097 = vector.broadcast %add3A_1096 : i32 to vector<16xi32>
    %add3A_1098 = arith.addi %gather3A_831, %add3A_1097 : vector<16xi32>
    %gather3A_1099 = tpu.vector_load_idx %arg14[%add3A_830, %add3A_1098] : memref<64x128xf32, #tpu.memory_space<vmem>>[vector<16xi32>, vector<16xi32>], vector<16xf32>,
    %add3A_1100 = arith.constant 12 : i32
    %add3A_1101 = vector.broadcast %add3A_1100 : i32 to vector<16xi32>
    %add3A_1102 = arith.addi %gather3A_831, %add3A_1101 : vector<16xi32>
    %gather3A_1103 = tpu.vector_load_idx %arg14[%add3A_830, %add3A_1102] : memref<64x128xf32, #tpu.memory_space<vmem>>[vector<16xi32>, vector<16xi32>], vector<16xf32>,
    %add3A_1104 = arith.constant 13 : i32
    %add3A_1105 = vector.broadcast %add3A_1104 : i32 to vector<16xi32>
    %add3A_1106 = arith.addi %gather3A_831, %add3A_1105 : vector<16xi32>
    %gather3A_1107 = tpu.vector_load_idx %arg14[%add3A_830, %add3A_1106] : memref<64x128xf32, #tpu.memory_space<vmem>>[vector<16xi32>, vector<16xi32>], vector<16xf32>,
    %add3A_1108 = arith.constant 14 : i32
    %add3A_1109 = vector.broadcast %add3A_1108 : i32 to vector<16xi32>
    %add3A_1110 = arith.addi %gather3A_831, %add3A_1109 : vector<16xi32>
    %gather3A_1111 = tpu.vector_load_idx %arg14[%add3A_830, %add3A_1110] : memref<64x128xf32, #tpu.memory_space<vmem>>[vector<16xi32>, vector<16xi32>], vector<16xf32>,
    %neg3A_1112 = arith.constant 0.000000e+00 : f32
    %neg3A_1113 = vector.broadcast %neg3A_1112 : f32 to vector<16xf32>
    %neg3A_1114 = arith.subf %neg3A_1113, %gather3A_1111 : vector<16xf32>
    %exp3A_1115 = math.exp %neg3A_1114 : vector<16xf32>
    %add3A_1116 = arith.constant 1.000000e+00 : f32
    %add3A_1117 = vector.broadcast %add3A_1116 : f32 to vector<16xf32>
    %add3A_1118 = arith.addf %add3A_1117, %exp3A_1115 : vector<16xf32>
    %div3A_1119 = arith.constant 1.000000e+00 : f32
    %div3A_1120 = vector.broadcast %div3A_1119 : f32 to vector<16xf32>
    %div3A_1121 = arith.divf %div3A_1120, %add3A_1118 : vector<16xf32>
    %mul3A_1122 = arith.mulf %div3A_1121, %div3A_1121 : vector<16xf32>
    %select_n3A_1123 = arith.select %and3A_1084, %mul3A_1122, %broadcast_in_dim3A_31 : vector<16xi1>, vector<16xf32>
    %add3A_1124 = arith.addf %add3A_1006, %select_n3A_1123 : vector<16xf32>
    %sub3A_1125 = arith.subf %div3A_1121, %div3A_1080 : vector<16xf32>
    %mul3A_1126 = arith.mulf %sub3A_1125, %sub3A_1125 : vector<16xf32>
    %select_n3A_1127 = arith.select %and3A_1084, %mul3A_1126, %broadcast_in_dim3A_31 : vector<16xi1>, vector<16xf32>
    %add3A_1128 = arith.addf %add3A_1010, %select_n3A_1127 : vector<16xf32>
    %exp3A_1129 = math.exp %gather3A_1103 : vector<16xf32>
    %mul3A_1130 = arith.constant 4.530000e+00 : f32
    %mul3A_1131 = vector.broadcast %mul3A_1130 : f32 to vector<16xf32>
    %mul3A_1132 = arith.mulf %exp3A_1129, %mul3A_1131 : vector<16xf32>
    %exp3A_1133 = math.exp %gather3A_1107 : vector<16xf32>
    %mul3A_1134 = arith.constant 8.920000e+00 : f32
    %mul3A_1135 = vector.broadcast %mul3A_1134 : f32 to vector<16xf32>
    %mul3A_1136 = arith.mulf %exp3A_1133, %mul3A_1135 : vector<16xf32>
    %sub3A_1137 = arith.constant 4.530000e+00 : f32
    %sub3A_1138 = vector.broadcast %sub3A_1137 : f32 to vector<16xf32>
    %sub3A_1139 = arith.subf %mul3A_1132, %sub3A_1138 : vector<16xf32>
    %sub3A_1140 = arith.constant 8.920000e+00 : f32
    %sub3A_1141 = vector.broadcast %sub3A_1140 : f32 to vector<16xf32>
    %sub3A_1142 = arith.subf %mul3A_1136, %sub3A_1141 : vector<16xf32>
    %mul3A_1143 = arith.mulf %sub3A_1139, %sub3A_1139 : vector<16xf32>
    %mul3A_1144 = arith.mulf %sub3A_1142, %sub3A_1142 : vector<16xf32>
    %add3A_1145 = arith.addf %mul3A_1143, %mul3A_1144 : vector<16xf32>
    %select_n3A_1146 = arith.select %and3A_1084, %add3A_1145, %broadcast_in_dim3A_31 : vector<16xi1>, vector<16xf32>
    %add3A_1147 = arith.addf %add3A_1029, %select_n3A_1146 : vector<16xf32>
    %neg3A_1148 = arith.constant 0.000000e+00 : f32
    %neg3A_1149 = vector.broadcast %neg3A_1148 : f32 to vector<16xf32>
    %neg3A_1150 = arith.subf %neg3A_1149, %gather3A_1095 : vector<16xf32>
    %exp3A_1151 = math.exp %neg3A_1150 : vector<16xf32>
    %add3A_1152 = arith.constant 1.000000e+00 : f32
    %add3A_1153 = vector.broadcast %add3A_1152 : f32 to vector<16xf32>
    %add3A_1154 = arith.addf %add3A_1153, %exp3A_1151 : vector<16xf32>
    %div3A_1155 = arith.constant 1.000000e+00 : f32
    %div3A_1156 = vector.broadcast %div3A_1155 : f32 to vector<16xf32>
    %div3A_1157 = arith.divf %div3A_1156, %add3A_1154 : vector<16xf32>
    %add3A_1158 = arith.addf %div3A_1157, %convert_element_type3A_819 : vector<16xf32>
    %neg3A_1159 = arith.constant 0.000000e+00 : f32
    %neg3A_1160 = vector.broadcast %neg3A_1159 : f32 to vector<16xf32>
    %neg3A_1161 = arith.subf %neg3A_1160, %gather3A_1099 : vector<16xf32>
    %exp3A_1162 = math.exp %neg3A_1161 : vector<16xf32>
    %add3A_1163 = arith.constant 1.000000e+00 : f32
    %add3A_1164 = vector.broadcast %add3A_1163 : f32 to vector<16xf32>
    %add3A_1165 = arith.addf %add3A_1164, %exp3A_1162 : vector<16xf32>
    %div3A_1166 = arith.constant 1.000000e+00 : f32
    %div3A_1167 = vector.broadcast %div3A_1166 : f32 to vector<16xf32>
    %div3A_1168 = arith.divf %div3A_1167, %add3A_1165 : vector<16xf32>
    %add3A_1169 = arith.addf %div3A_1168, %convert_element_type3A_827 : vector<16xf32>
    %sub3A_1170 = arith.subf %add3A_1158, %mul3A_790 : vector<16xf32>
    %sub3A_1171 = arith.subf %add3A_1169, %mul3A_797 : vector<16xf32>
    %sub3A_1172 = arith.subf %mul3A_1132, %mul3A_804 : vector<16xf32>
    %sub3A_1173 = arith.subf %mul3A_1136, %mul3A_811 : vector<16xf32>
    %mul3A_1174 = arith.mulf %sub3A_1170, %sub3A_1170 : vector<16xf32>
    %mul3A_1175 = arith.mulf %sub3A_1171, %sub3A_1171 : vector<16xf32>
    %add3A_1176 = arith.addf %mul3A_1174, %mul3A_1175 : vector<16xf32>
    %mul3A_1177 = arith.mulf %sub3A_1172, %sub3A_1172 : vector<16xf32>
    %add3A_1178 = arith.addf %add3A_1176, %mul3A_1177 : vector<16xf32>
    %mul3A_1179 = arith.mulf %sub3A_1173, %sub3A_1173 : vector<16xf32>
    %add3A_1180 = arith.addf %add3A_1178, %mul3A_1179 : vector<16xf32>
    %select_n3A_1181 = arith.select %and3A_1084, %add3A_1180, %broadcast_in_dim3A_31 : vector<16xi1>, vector<16xf32>
    %add3A_1182 = arith.addf %add3A_1064, %select_n3A_1181 : vector<16xf32>
    %min3A_1183 = arith.constant 8.060000e+00 : f32
    %min3A_1184 = vector.broadcast %min3A_1183 : f32 to vector<16xf32>
    %min3A_1185 = arith.minimumf %mul3A_804, %min3A_1184 : vector<16xf32>
    %min3A_1186 = arith.constant 5.290000e+00 : f32
    %min3A_1187 = vector.broadcast %min3A_1186 : f32 to vector<16xf32>
    %min3A_1188 = arith.minimumf %mul3A_811, %min3A_1187 : vector<16xf32>
    %mul3A_1189 = arith.mulf %min3A_1185, %min3A_1188 : vector<16xf32>
    %mul3A_1190 = arith.mulf %mul3A_804, %mul3A_811 : vector<16xf32>
    %add3A_1191 = arith.constant 4.263740e+01 : f32
    %add3A_1192 = vector.broadcast %add3A_1191 : f32 to vector<16xf32>
    %add3A_1193 = arith.addf %mul3A_1190, %add3A_1192 : vector<16xf32>
    %sub3A_1194 = arith.subf %add3A_1193, %mul3A_1189 : vector<16xf32>
    %add3A_1195 = arith.constant 9.99999971E-10 : f32
    %add3A_1196 = vector.broadcast %add3A_1195 : f32 to vector<16xf32>
    %add3A_1197 = arith.addf %sub3A_1194, %add3A_1196 : vector<16xf32>
    %div3A_1198 = arith.divf %mul3A_1189, %add3A_1197 : vector<16xf32>
    %gt3A_1199 = arith.constant 5.000000e-01 : f32
    %gt3A_1200 = vector.broadcast %gt3A_1199 : f32 to vector<16xf32>
    %gt3A_1201 = arith.cmpf ogt, %div3A_1198, %gt3A_1200 : vector<16xf32>
    %and3A_1202 = arith.andi %and3A_780, %gt3A_1201 : vector<16xi1>
    %jit3A_1203 = arith.constant 1.000000e+00 : f32
    %jit3A_1204 = arith.constant 0.000000e+00 : f32
    %broadcast_in_dim3A_1205 = vector.broadcast %jit3A_1203 : f32 to vector<16xf32>
    %broadcast_in_dim3A_1206 = vector.broadcast %jit3A_1204 : f32 to vector<16xf32>
    %select_n3A_1207 = arith.select %and3A_1202, %broadcast_in_dim3A_1205, %broadcast_in_dim3A_1206 : vector<16xi1>, vector<16xf32>
    %swap3A_1208 = arith.constant 192 : index
    %swap3A_1209 = tpu.vector_load %arg17[%swap3A_1208] {strides = array<i32>} : memref<320xf32, #tpu.memory_space<vmem>>, vector<16xf32>,
    tpu.vector_store %arg17[%swap3A_1208], %select_n3A_1207 {strides = array<i32>} : memref<320xf32, #tpu.memory_space<vmem>>, vector<16xf32>,
    %add3A_1210 = arith.constant 15 : i32
    %add3A_1211 = vector.broadcast %add3A_1210 : i32 to vector<16xi32>
    %add3A_1212 = arith.addi %gather3A_831, %add3A_1211 : vector<16xi32>
    %gather3A_1213 = tpu.vector_load_idx %arg14[%add3A_830, %add3A_1212] : memref<64x128xf32, #tpu.memory_space<vmem>>[vector<16xi32>, vector<16xi32>], vector<16xf32>,
    %add3A_1214 = arith.constant 16 : i32
    %add3A_1215 = vector.broadcast %add3A_1214 : i32 to vector<16xi32>
    %add3A_1216 = arith.addi %gather3A_831, %add3A_1215 : vector<16xi32>
    %gather3A_1217 = tpu.vector_load_idx %arg14[%add3A_830, %add3A_1216] : memref<64x128xf32, #tpu.memory_space<vmem>>[vector<16xi32>, vector<16xi32>], vector<16xf32>,
    %add3A_1218 = arith.constant 17 : i32
    %add3A_1219 = vector.broadcast %add3A_1218 : i32 to vector<16xi32>
    %add3A_1220 = arith.addi %gather3A_831, %add3A_1219 : vector<16xi32>
    %gather3A_1221 = tpu.vector_load_idx %arg14[%add3A_830, %add3A_1220] : memref<64x128xf32, #tpu.memory_space<vmem>>[vector<16xi32>, vector<16xi32>], vector<16xf32>,
    %add3A_1222 = arith.constant 18 : i32
    %add3A_1223 = vector.broadcast %add3A_1222 : i32 to vector<16xi32>
    %add3A_1224 = arith.addi %gather3A_831, %add3A_1223 : vector<16xi32>
    %gather3A_1225 = tpu.vector_load_idx %arg14[%add3A_830, %add3A_1224] : memref<64x128xf32, #tpu.memory_space<vmem>>[vector<16xi32>, vector<16xi32>], vector<16xf32>,
    %add3A_1226 = arith.constant 19 : i32
    %add3A_1227 = vector.broadcast %add3A_1226 : i32 to vector<16xi32>
    %add3A_1228 = arith.addi %gather3A_831, %add3A_1227 : vector<16xi32>
    %gather3A_1229 = tpu.vector_load_idx %arg14[%add3A_830, %add3A_1228] : memref<64x128xf32, #tpu.memory_space<vmem>>[vector<16xi32>, vector<16xi32>], vector<16xf32>,
    %neg3A_1230 = arith.constant 0.000000e+00 : f32
    %neg3A_1231 = vector.broadcast %neg3A_1230 : f32 to vector<16xf32>
    %neg3A_1232 = arith.subf %neg3A_1231, %gather3A_1229 : vector<16xf32>
    %exp3A_1233 = math.exp %neg3A_1232 : vector<16xf32>
    %add3A_1234 = arith.constant 1.000000e+00 : f32
    %add3A_1235 = vector.broadcast %add3A_1234 : f32 to vector<16xf32>
    %add3A_1236 = arith.addf %add3A_1235, %exp3A_1233 : vector<16xf32>
    %div3A_1237 = arith.constant 1.000000e+00 : f32
    %div3A_1238 = vector.broadcast %div3A_1237 : f32 to vector<16xf32>
    %div3A_1239 = arith.divf %div3A_1238, %add3A_1236 : vector<16xf32>
    %mul3A_1240 = arith.mulf %div3A_1239, %div3A_1239 : vector<16xf32>
    %select_n3A_1241 = arith.select %and3A_1202, %mul3A_1240, %broadcast_in_dim3A_31 : vector<16xi1>, vector<16xf32>
    %add3A_1242 = arith.addf %add3A_1124, %select_n3A_1241 : vector<16xf32>
    %sub3A_1243 = arith.subf %div3A_1239, %div3A_1198 : vector<16xf32>
    %mul3A_1244 = arith.mulf %sub3A_1243, %sub3A_1243 : vector<16xf32>
    %select_n3A_1245 = arith.select %and3A_1202, %mul3A_1244, %broadcast_in_dim3A_31 : vector<16xi1>, vector<16xf32>
    %add3A_1246 = arith.addf %add3A_1128, %select_n3A_1245 : vector<16xf32>
    %exp3A_1247 = math.exp %gather3A_1221 : vector<16xf32>
    %mul3A_1248 = arith.constant 8.060000e+00 : f32
    %mul3A_1249 = vector.broadcast %mul3A_1248 : f32 to vector<16xf32>
    %mul3A_1250 = arith.mulf %exp3A_1247, %mul3A_1249 : vector<16xf32>
    %exp3A_1251 = math.exp %gather3A_1225 : vector<16xf32>
    %mul3A_1252 = arith.constant 5.290000e+00 : f32
    %mul3A_1253 = vector.broadcast %mul3A_1252 : f32 to vector<16xf32>
    %mul3A_1254 = arith.mulf %exp3A_1251, %mul3A_1253 : vector<16xf32>
    %sub3A_1255 = arith.constant 8.060000e+00 : f32
    %sub3A_1256 = vector.broadcast %sub3A_1255 : f32 to vector<16xf32>
    %sub3A_1257 = arith.subf %mul3A_1250, %sub3A_1256 : vector<16xf32>
    %sub3A_1258 = arith.constant 5.290000e+00 : f32
    %sub3A_1259 = vector.broadcast %sub3A_1258 : f32 to vector<16xf32>
    %sub3A_1260 = arith.subf %mul3A_1254, %sub3A_1259 : vector<16xf32>
    %mul3A_1261 = arith.mulf %sub3A_1257, %sub3A_1257 : vector<16xf32>
    %mul3A_1262 = arith.mulf %sub3A_1260, %sub3A_1260 : vector<16xf32>
    %add3A_1263 = arith.addf %mul3A_1261, %mul3A_1262 : vector<16xf32>
    %select_n3A_1264 = arith.select %and3A_1202, %add3A_1263, %broadcast_in_dim3A_31 : vector<16xi1>, vector<16xf32>
    %add3A_1265 = arith.addf %add3A_1147, %select_n3A_1264 : vector<16xf32>
    %neg3A_1266 = arith.constant 0.000000e+00 : f32
    %neg3A_1267 = vector.broadcast %neg3A_1266 : f32 to vector<16xf32>
    %neg3A_1268 = arith.subf %neg3A_1267, %gather3A_1213 : vector<16xf32>
    %exp3A_1269 = math.exp %neg3A_1268 : vector<16xf32>
    %add3A_1270 = arith.constant 1.000000e+00 : f32
    %add3A_1271 = vector.broadcast %add3A_1270 : f32 to vector<16xf32>
    %add3A_1272 = arith.addf %add3A_1271, %exp3A_1269 : vector<16xf32>
    %div3A_1273 = arith.constant 1.000000e+00 : f32
    %div3A_1274 = vector.broadcast %div3A_1273 : f32 to vector<16xf32>
    %div3A_1275 = arith.divf %div3A_1274, %add3A_1272 : vector<16xf32>
    %add3A_1276 = arith.addf %div3A_1275, %convert_element_type3A_819 : vector<16xf32>
    %neg3A_1277 = arith.constant 0.000000e+00 : f32
    %neg3A_1278 = vector.broadcast %neg3A_1277 : f32 to vector<16xf32>
    %neg3A_1279 = arith.subf %neg3A_1278, %gather3A_1217 : vector<16xf32>
    %exp3A_1280 = math.exp %neg3A_1279 : vector<16xf32>
    %add3A_1281 = arith.constant 1.000000e+00 : f32
    %add3A_1282 = vector.broadcast %add3A_1281 : f32 to vector<16xf32>
    %add3A_1283 = arith.addf %add3A_1282, %exp3A_1280 : vector<16xf32>
    %div3A_1284 = arith.constant 1.000000e+00 : f32
    %div3A_1285 = vector.broadcast %div3A_1284 : f32 to vector<16xf32>
    %div3A_1286 = arith.divf %div3A_1285, %add3A_1283 : vector<16xf32>
    %add3A_1287 = arith.addf %div3A_1286, %convert_element_type3A_827 : vector<16xf32>
    %sub3A_1288 = arith.subf %add3A_1276, %mul3A_790 : vector<16xf32>
    %sub3A_1289 = arith.subf %add3A_1287, %mul3A_797 : vector<16xf32>
    %sub3A_1290 = arith.subf %mul3A_1250, %mul3A_804 : vector<16xf32>
    %sub3A_1291 = arith.subf %mul3A_1254, %mul3A_811 : vector<16xf32>
    %mul3A_1292 = arith.mulf %sub3A_1288, %sub3A_1288 : vector<16xf32>
    %mul3A_1293 = arith.mulf %sub3A_1289, %sub3A_1289 : vector<16xf32>
    %add3A_1294 = arith.addf %mul3A_1292, %mul3A_1293 : vector<16xf32>
    %mul3A_1295 = arith.mulf %sub3A_1290, %sub3A_1290 : vector<16xf32>
    %add3A_1296 = arith.addf %add3A_1294, %mul3A_1295 : vector<16xf32>
    %mul3A_1297 = arith.mulf %sub3A_1291, %sub3A_1291 : vector<16xf32>
    %add3A_1298 = arith.addf %add3A_1296, %mul3A_1297 : vector<16xf32>
    %select_n3A_1299 = arith.select %and3A_1202, %add3A_1298, %broadcast_in_dim3A_31 : vector<16xi1>, vector<16xf32>
    %add3A_1300 = arith.addf %add3A_1182, %select_n3A_1299 : vector<16xf32>
    %min3A_1301 = arith.constant 1.032000e+01 : f32
    %min3A_1302 = vector.broadcast %min3A_1301 : f32 to vector<16xf32>
    %min3A_1303 = arith.minimumf %mul3A_804, %min3A_1302 : vector<16xf32>
    %min3A_1304 = arith.constant 1.065000e+01 : f32
    %min3A_1305 = vector.broadcast %min3A_1304 : f32 to vector<16xf32>
    %min3A_1306 = arith.minimumf %mul3A_811, %min3A_1305 : vector<16xf32>
    %mul3A_1307 = arith.mulf %min3A_1303, %min3A_1306 : vector<16xf32>
    %mul3A_1308 = arith.mulf %mul3A_804, %mul3A_811 : vector<16xf32>
    %add3A_1309 = arith.constant 109.90799 : f32
    %add3A_1310 = vector.broadcast %add3A_1309 : f32 to vector<16xf32>
    %add3A_1311 = arith.addf %mul3A_1308, %add3A_1310 : vector<16xf32>
    %sub3A_1312 = arith.subf %add3A_1311, %mul3A_1307 : vector<16xf32>
    %add3A_1313 = arith.constant 9.99999971E-10 : f32
    %add3A_1314 = vector.broadcast %add3A_1313 : f32 to vector<16xf32>
    %add3A_1315 = arith.addf %sub3A_1312, %add3A_1314 : vector<16xf32>
    %div3A_1316 = arith.divf %mul3A_1307, %add3A_1315 : vector<16xf32>
    %gt3A_1317 = arith.constant 5.000000e-01 : f32
    %gt3A_1318 = vector.broadcast %gt3A_1317 : f32 to vector<16xf32>
    %gt3A_1319 = arith.cmpf ogt, %div3A_1316, %gt3A_1318 : vector<16xf32>
    %and3A_1320 = arith.andi %and3A_780, %gt3A_1319 : vector<16xi1>
    %jit3A_1321 = arith.constant 1.000000e+00 : f32
    %jit3A_1322 = arith.constant 0.000000e+00 : f32
    %broadcast_in_dim3A_1323 = vector.broadcast %jit3A_1321 : f32 to vector<16xf32>
    %broadcast_in_dim3A_1324 = vector.broadcast %jit3A_1322 : f32 to vector<16xf32>
    %select_n3A_1325 = arith.select %and3A_1320, %broadcast_in_dim3A_1323, %broadcast_in_dim3A_1324 : vector<16xi1>, vector<16xf32>
    %swap3A_1326 = arith.constant 256 : index
    %swap3A_1327 = tpu.vector_load %arg17[%swap3A_1326] {strides = array<i32>} : memref<320xf32, #tpu.memory_space<vmem>>, vector<16xf32>,
    tpu.vector_store %arg17[%swap3A_1326], %select_n3A_1325 {strides = array<i32>} : memref<320xf32, #tpu.memory_space<vmem>>, vector<16xf32>,
    %add3A_1328 = arith.constant 20 : i32
    %add3A_1329 = vector.broadcast %add3A_1328 : i32 to vector<16xi32>
    %add3A_1330 = arith.addi %gather3A_831, %add3A_1329 : vector<16xi32>
    %gather3A_1331 = tpu.vector_load_idx %arg14[%add3A_830, %add3A_1330] : memref<64x128xf32, #tpu.memory_space<vmem>>[vector<16xi32>, vector<16xi32>], vector<16xf32>,
    %add3A_1332 = arith.constant 21 : i32
    %add3A_1333 = vector.broadcast %add3A_1332 : i32 to vector<16xi32>
    %add3A_1334 = arith.addi %gather3A_831, %add3A_1333 : vector<16xi32>
    %gather3A_1335 = tpu.vector_load_idx %arg14[%add3A_830, %add3A_1334] : memref<64x128xf32, #tpu.memory_space<vmem>>[vector<16xi32>, vector<16xi32>], vector<16xf32>,
    %add3A_1336 = arith.constant 22 : i32
    %add3A_1337 = vector.broadcast %add3A_1336 : i32 to vector<16xi32>
    %add3A_1338 = arith.addi %gather3A_831, %add3A_1337 : vector<16xi32>
    %gather3A_1339 = tpu.vector_load_idx %arg14[%add3A_830, %add3A_1338] : memref<64x128xf32, #tpu.memory_space<vmem>>[vector<16xi32>, vector<16xi32>], vector<16xf32>,
    %add3A_1340 = arith.constant 23 : i32
    %add3A_1341 = vector.broadcast %add3A_1340 : i32 to vector<16xi32>
    %add3A_1342 = arith.addi %gather3A_831, %add3A_1341 : vector<16xi32>
    %gather3A_1343 = tpu.vector_load_idx %arg14[%add3A_830, %add3A_1342] : memref<64x128xf32, #tpu.memory_space<vmem>>[vector<16xi32>, vector<16xi32>], vector<16xf32>,
    %add3A_1344 = arith.constant 24 : i32
    %add3A_1345 = vector.broadcast %add3A_1344 : i32 to vector<16xi32>
    %add3A_1346 = arith.addi %gather3A_831, %add3A_1345 : vector<16xi32>
    %gather3A_1347 = tpu.vector_load_idx %arg14[%add3A_830, %add3A_1346] : memref<64x128xf32, #tpu.memory_space<vmem>>[vector<16xi32>, vector<16xi32>], vector<16xf32>,
    %neg3A_1348 = arith.constant 0.000000e+00 : f32
    %neg3A_1349 = vector.broadcast %neg3A_1348 : f32 to vector<16xf32>
    %neg3A_1350 = arith.subf %neg3A_1349, %gather3A_1347 : vector<16xf32>
    %exp3A_1351 = math.exp %neg3A_1350 : vector<16xf32>
    %add3A_1352 = arith.constant 1.000000e+00 : f32
    %add3A_1353 = vector.broadcast %add3A_1352 : f32 to vector<16xf32>
    %add3A_1354 = arith.addf %add3A_1353, %exp3A_1351 : vector<16xf32>
    %div3A_1355 = arith.constant 1.000000e+00 : f32
    %div3A_1356 = vector.broadcast %div3A_1355 : f32 to vector<16xf32>
    %div3A_1357 = arith.divf %div3A_1356, %add3A_1354 : vector<16xf32>
    %mul3A_1358 = arith.mulf %div3A_1357, %div3A_1357 : vector<16xf32>
    %select_n3A_1359 = arith.select %and3A_1320, %mul3A_1358, %broadcast_in_dim3A_31 : vector<16xi1>, vector<16xf32>
    %add3A_1360 = arith.addf %add3A_1242, %select_n3A_1359 : vector<16xf32>
    %sub3A_1361 = arith.subf %div3A_1357, %div3A_1316 : vector<16xf32>
    %mul3A_1362 = arith.mulf %sub3A_1361, %sub3A_1361 : vector<16xf32>
    %select_n3A_1363 = arith.select %and3A_1320, %mul3A_1362, %broadcast_in_dim3A_31 : vector<16xi1>, vector<16xf32>
    %add3A_1364 = arith.addf %add3A_1246, %select_n3A_1363 : vector<16xf32>
    %exp3A_1365 = math.exp %gather3A_1339 : vector<16xf32>
    %mul3A_1366 = arith.constant 1.032000e+01 : f32
    %mul3A_1367 = vector.broadcast %mul3A_1366 : f32 to vector<16xf32>
    %mul3A_1368 = arith.mulf %exp3A_1365, %mul3A_1367 : vector<16xf32>
    %exp3A_1369 = math.exp %gather3A_1343 : vector<16xf32>
    %mul3A_1370 = arith.constant 1.065000e+01 : f32
    %mul3A_1371 = vector.broadcast %mul3A_1370 : f32 to vector<16xf32>
    %mul3A_1372 = arith.mulf %exp3A_1369, %mul3A_1371 : vector<16xf32>
    %sub3A_1373 = arith.constant 1.032000e+01 : f32
    %sub3A_1374 = vector.broadcast %sub3A_1373 : f32 to vector<16xf32>
    %sub3A_1375 = arith.subf %mul3A_1368, %sub3A_1374 : vector<16xf32>
    %sub3A_1376 = arith.constant 1.065000e+01 : f32
    %sub3A_1377 = vector.broadcast %sub3A_1376 : f32 to vector<16xf32>
    %sub3A_1378 = arith.subf %mul3A_1372, %sub3A_1377 : vector<16xf32>
    %mul3A_1379 = arith.mulf %sub3A_1375, %sub3A_1375 : vector<16xf32>
    %mul3A_1380 = arith.mulf %sub3A_1378, %sub3A_1378 : vector<16xf32>
    %add3A_1381 = arith.addf %mul3A_1379, %mul3A_1380 : vector<16xf32>
    %select_n3A_1382 = arith.select %and3A_1320, %add3A_1381, %broadcast_in_dim3A_31 : vector<16xi1>, vector<16xf32>
    %add3A_1383 = arith.addf %add3A_1265, %select_n3A_1382 : vector<16xf32>
    %neg3A_1384 = arith.constant 0.000000e+00 : f32
    %neg3A_1385 = vector.broadcast %neg3A_1384 : f32 to vector<16xf32>
    %neg3A_1386 = arith.subf %neg3A_1385, %gather3A_1331 : vector<16xf32>
    %exp3A_1387 = math.exp %neg3A_1386 : vector<16xf32>
    %add3A_1388 = arith.constant 1.000000e+00 : f32
    %add3A_1389 = vector.broadcast %add3A_1388 : f32 to vector<16xf32>
    %add3A_1390 = arith.addf %add3A_1389, %exp3A_1387 : vector<16xf32>
    %div3A_1391 = arith.constant 1.000000e+00 : f32
    %div3A_1392 = vector.broadcast %div3A_1391 : f32 to vector<16xf32>
    %div3A_1393 = arith.divf %div3A_1392, %add3A_1390 : vector<16xf32>
    %add3A_1394 = arith.addf %div3A_1393, %convert_element_type3A_819 : vector<16xf32>
    %neg3A_1395 = arith.constant 0.000000e+00 : f32
    %neg3A_1396 = vector.broadcast %neg3A_1395 : f32 to vector<16xf32>
    %neg3A_1397 = arith.subf %neg3A_1396, %gather3A_1335 : vector<16xf32>
    %exp3A_1398 = math.exp %neg3A_1397 : vector<16xf32>
    %add3A_1399 = arith.constant 1.000000e+00 : f32
    %add3A_1400 = vector.broadcast %add3A_1399 : f32 to vector<16xf32>
    %add3A_1401 = arith.addf %add3A_1400, %exp3A_1398 : vector<16xf32>
    %div3A_1402 = arith.constant 1.000000e+00 : f32
    %div3A_1403 = vector.broadcast %div3A_1402 : f32 to vector<16xf32>
    %div3A_1404 = arith.divf %div3A_1403, %add3A_1401 : vector<16xf32>
    %add3A_1405 = arith.addf %div3A_1404, %convert_element_type3A_827 : vector<16xf32>
    %sub3A_1406 = arith.subf %add3A_1394, %mul3A_790 : vector<16xf32>
    %sub3A_1407 = arith.subf %add3A_1405, %mul3A_797 : vector<16xf32>
    %sub3A_1408 = arith.subf %mul3A_1368, %mul3A_804 : vector<16xf32>
    %sub3A_1409 = arith.subf %mul3A_1372, %mul3A_811 : vector<16xf32>
    %mul3A_1410 = arith.mulf %sub3A_1406, %sub3A_1406 : vector<16xf32>
    %mul3A_1411 = arith.mulf %sub3A_1407, %sub3A_1407 : vector<16xf32>
    %add3A_1412 = arith.addf %mul3A_1410, %mul3A_1411 : vector<16xf32>
    %mul3A_1413 = arith.mulf %sub3A_1408, %sub3A_1408 : vector<16xf32>
    %add3A_1414 = arith.addf %add3A_1412, %mul3A_1413 : vector<16xf32>
    %mul3A_1415 = arith.mulf %sub3A_1409, %sub3A_1409 : vector<16xf32>
    %add3A_1416 = arith.addf %add3A_1414, %mul3A_1415 : vector<16xf32>
    %select_n3A_1417 = arith.select %and3A_1320, %add3A_1416, %broadcast_in_dim3A_31 : vector<16xi1>, vector<16xf32>
    %add3A_1418 = arith.addf %add3A_1300, %select_n3A_1417 : vector<16xf32>
    %mul3A_1419 = arith.constant 4 : i32
    %mul3A_1420 = arith.muli %select_n3A_30, %mul3A_1419 : i32
    %add3A_1421 = arith.constant 1 : i32
    %add3A_1422 = arith.addi %mul3A_1420, %add3A_1421 : i32
    %mul3A_1423 = arith.constant 16 : i32
    %mul3A_1424 = arith.muli %add3A_1422, %mul3A_1423 : i32
    %add3A_1425 = vector.broadcast %mul3A_1424 : i32 to vector<16xi32>
    %add3A_1426 = arith.addi %iota3A, %add3A_1425 : vector<16xi32>
    %gather3A_1427 = tpu.vector_load_idx %arg9[%add3A_1426] : memref<128xi32, #tpu.memory_space<vmem>>[vector<16xi32>], vector<16xi32>,
    %broadcast_in_dim3A_1428 = arith.constant 0 : i32
    %broadcast_in_dim3A_1429 = vector.broadcast %broadcast_in_dim3A_1428 : i32 to vector<16xi32>
    %scan3A_1430 = arith.constant 0 : i32
    %scan3A_1431 = arith.constant 128 : i32
    %scan3A_1432 = arith.addi %scan3A_1430, %scan3A_1431 : i32
    %scan3A_1433 = arith.constant 1 : i32
    %scan3A_1434 = scf.for %scan3A_3503 = %scan3A_1430 to %scan3A_1432 step %scan3A_1433 iter_args(%scan3A_3504 = %broadcast_in_dim3A_1429) -> (vector<16xi32>)  : i32 {
      %jit3A_3505 = arith.constant 16 : i32
      %div3A_3506 = arith.divsi %scan3A_3503, %jit3A_3505 : i32
      %sign3A_3507 = arith.constant 0 : i32
      %sign3A_3508 = arith.cmpi sgt, %scan3A_3503, %sign3A_3507 : i32
      %sign3A_3509 = arith.extui %sign3A_3508 : i1 to i32
      %sign3A_3510 = arith.constant 0 : i32
      %sign3A_3511 = arith.cmpi slt, %scan3A_3503, %sign3A_3510 : i32
      %sign3A_3512 = arith.extui %sign3A_3511 : i1 to i32
      %sign3A_3513 = arith.subi %sign3A_3509, %sign3A_3512 : i32
      %sign3A_3514 = arith.constant 0 : i32
      %sign3A_3515 = arith.cmpi sgt, %jit3A_3505, %sign3A_3514 : i32
      %sign3A_3516 = arith.extui %sign3A_3515 : i1 to i32
      %sign3A_3517 = arith.constant 0 : i32
      %sign3A_3518 = arith.cmpi slt, %jit3A_3505, %sign3A_3517 : i32
      %sign3A_3519 = arith.extui %sign3A_3518 : i1 to i32
      %sign3A_3520 = arith.subi %sign3A_3516, %sign3A_3519 : i32
      %ne3A_3521 = arith.cmpi ne, %sign3A_3513, %sign3A_3520 : i32
      %rem3A_3522 = arith.remsi %scan3A_3503, %jit3A_3505 : i32
      %ne3A_3523 = arith.constant 0 : i32
      %ne3A_3524 = arith.cmpi ne, %rem3A_3522, %ne3A_3523 : i32
      %and3A_3525 = arith.andi %ne3A_3521, %ne3A_3524 : i1
      %sub3A_3526 = arith.constant 1 : i32
      %sub3A_3527 = arith.subi %div3A_3506, %sub3A_3526 : i32
      %select_n3A_3528 = arith.select %and3A_3525, %sub3A_3527, %div3A_3506 : i32
      %mul3A_3529 = arith.constant 16 : i32
      %mul3A_3530 = arith.muli %select_n3A_3528, %mul3A_3529 : i32
      %sub3A_3531 = arith.subi %scan3A_3503, %mul3A_3530 : i32
      %add3A_3532 = vector.broadcast %sub3A_3531 : i32 to vector<16xi32>
      %add3A_3533 = arith.addi %iota3A, %add3A_3532 : vector<16xi32>
      %and3A_3534 = arith.constant 15 : i32
      %and3A_3535 = vector.broadcast %and3A_3534 : i32 to vector<16xi32>
      %and3A_3536 = arith.andi %add3A_3533, %and3A_3535 : vector<16xi32>
      %mul3A_3537 = arith.constant 16 : i32
      %mul3A_3538 = arith.muli %select_n3A_3528, %mul3A_3537 : i32
      %add3A_3539 = vector.broadcast %mul3A_3538 : i32 to vector<16xi32>
      %add3A_3540 = arith.addi %and3A_3536, %add3A_3539 : vector<16xi32>
      %gather3A_3541 = tpu.vector_load_idx %arg9[%add3A_3540] : memref<128xi32, #tpu.memory_space<vmem>>[vector<16xi32>], vector<16xi32>,
      %mul3A_3542 = arith.constant 16 : i32
      %mul3A_3543 = arith.muli %select_n3A_3528, %mul3A_3542 : i32
      %add3A_3544 = vector.broadcast %mul3A_3543 : i32 to vector<16xi32>
      %add3A_3545 = arith.addi %and3A_3536, %add3A_3544 : vector<16xi32>
      %eq3A_3546 = arith.cmpi eq, %gather3A_3541, %gather3A_1427 : vector<16xi32>
      %gt3A_3547 = arith.cmpi sgt, %add3A_3545, %add3A_1426 : vector<16xi32>
      %and3A_3548 = arith.andi %eq3A_3546, %gt3A_3547 : vector<16xi1>
      %convert_element_type3A_3549 = arith.extui %and3A_3548 : vector<16xi1> to vector<16xi32>
      %or3A = arith.ori %scan3A_3504, %convert_element_type3A_3549 : vector<16xi32>
      scf.yield %or3A : vector<16xi32>
    }
    %scan3A_1435 = arith.constant 128 : i32
    %eq3A_1436 = arith.constant 0 : i32
    %eq3A_1437 = vector.broadcast %eq3A_1436 : i32 to vector<16xi32>
    %eq3A_1438 = arith.cmpi eq, %scan3A_1434, %eq3A_1437 : vector<16xi32>
    %lt3A_1439 = arith.constant 100 : i32
    %lt3A_1440 = vector.broadcast %lt3A_1439 : i32 to vector<16xi32>
    %lt3A_1441 = arith.cmpi slt, %add3A_1426, %lt3A_1440 : vector<16xi32>
    %and3A_1442 = arith.andi %eq3A_1438, %lt3A_1441 : vector<16xi1>
    %mul3A_1443 = arith.constant 64 : i32
    %mul3A_1444 = arith.muli %select_n3A_30, %mul3A_1443 : i32
    %add3A_1445 = arith.constant 16 : i32
    %add3A_1446 = arith.addi %mul3A_1444, %add3A_1445 : i32
    %multiple_of3A_1447 = tpu.assume_multiple %add3A_1446, 16 : i32
    %get3A_1448 = arith.index_cast %multiple_of3A_1447 : i32 to index
    %get3A_1449 = tpu.vector_load %arg8[%get3A_1448] {strides = array<i32>} : memref<512xf32, #tpu.memory_space<vmem>>, vector<16xf32>,
    %mul3A_1450 = arith.constant 6.400000e+01 : f32
    %mul3A_1451 = vector.broadcast %mul3A_1450 : f32 to vector<16xf32>
    %mul3A_1452 = arith.mulf %get3A_1449, %mul3A_1451 : vector<16xf32>
    %add3A_1453 = arith.constant 128 : i32
    %add3A_1454 = arith.addi %add3A_1453, %multiple_of3A_1447 : i32
    %get3A_1455 = arith.index_cast %add3A_1454 : i32 to index
    %get3A_1456 = tpu.vector_load %arg8[%get3A_1455] {strides = array<i32>} : memref<512xf32, #tpu.memory_space<vmem>>, vector<16xf32>,
    %mul3A_1457 = arith.constant 6.400000e+01 : f32
    %mul3A_1458 = vector.broadcast %mul3A_1457 : f32 to vector<16xf32>
    %mul3A_1459 = arith.mulf %get3A_1456, %mul3A_1458 : vector<16xf32>
    %add3A_1460 = arith.constant 256 : i32
    %add3A_1461 = arith.addi %add3A_1460, %multiple_of3A_1447 : i32
    %get3A_1462 = arith.index_cast %add3A_1461 : i32 to index
    %get3A_1463 = tpu.vector_load %arg8[%get3A_1462] {strides = array<i32>} : memref<512xf32, #tpu.memory_space<vmem>>, vector<16xf32>,
    %mul3A_1464 = arith.constant 6.400000e+01 : f32
    %mul3A_1465 = vector.broadcast %mul3A_1464 : f32 to vector<16xf32>
    %mul3A_1466 = arith.mulf %get3A_1463, %mul3A_1465 : vector<16xf32>
    %add3A_1467 = arith.constant 384 : i32
    %add3A_1468 = arith.addi %add3A_1467, %multiple_of3A_1447 : i32
    %get3A_1469 = arith.index_cast %add3A_1468 : i32 to index
    %get3A_1470 = tpu.vector_load %arg8[%get3A_1469] {strides = array<i32>} : memref<512xf32, #tpu.memory_space<vmem>>, vector<16xf32>,
    %mul3A_1471 = arith.constant 6.400000e+01 : f32
    %mul3A_1472 = vector.broadcast %mul3A_1471 : f32 to vector<16xf32>
    %mul3A_1473 = arith.mulf %get3A_1470, %mul3A_1472 : vector<16xf32>
    %convert_element_type3A_1474 = arith.fptosi %mul3A_1452 : vector<16xf32> to vector<16xi32>
    %max3A_1475 = arith.constant 0 : i32
    %max3A_1476 = vector.broadcast %max3A_1475 : i32 to vector<16xi32>
    %max3A_1477 = arith.maxsi %convert_element_type3A_1474, %max3A_1476 : vector<16xi32>
    %min3A_1478 = arith.constant 63 : i32
    %min3A_1479 = vector.broadcast %min3A_1478 : i32 to vector<16xi32>
    %min3A_1480 = arith.minsi %max3A_1477, %min3A_1479 : vector<16xi32>
    %convert_element_type3A_1481 = arith.sitofp %min3A_1480 : vector<16xi32> to vector<16xf32>
    %convert_element_type3A_1482 = arith.fptosi %mul3A_1459 : vector<16xf32> to vector<16xi32>
    %max3A_1483 = arith.constant 0 : i32
    %max3A_1484 = vector.broadcast %max3A_1483 : i32 to vector<16xi32>
    %max3A_1485 = arith.maxsi %convert_element_type3A_1482, %max3A_1484 : vector<16xi32>
    %min3A_1486 = arith.constant 63 : i32
    %min3A_1487 = vector.broadcast %min3A_1486 : i32 to vector<16xi32>
    %min3A_1488 = arith.minsi %max3A_1485, %min3A_1487 : vector<16xi32>
    %convert_element_type3A_1489 = arith.sitofp %min3A_1488 : vector<16xi32> to vector<16xf32>
    %add3A_1490 = arith.constant 16 : i32
    %add3A_1491 = vector.broadcast %add3A_1490 : i32 to vector<16xi32>
    %add3A_1492 = arith.addi %iota3A, %add3A_1491 : vector<16xi32>
    %gather3A_1493 = tpu.vector_load_idx %arg12[%add3A_1492] : memref<64xi32, #tpu.memory_space<vmem>>[vector<16xi32>], vector<16xi32>,
    %min3A_1494 = arith.constant 1.190000e+00 : f32
    %min3A_1495 = vector.broadcast %min3A_1494 : f32 to vector<16xf32>
    %min3A_1496 = arith.minimumf %mul3A_1466, %min3A_1495 : vector<16xf32>
    %min3A_1497 = arith.constant 1.980000e+00 : f32
    %min3A_1498 = vector.broadcast %min3A_1497 : f32 to vector<16xf32>
    %min3A_1499 = arith.minimumf %mul3A_1473, %min3A_1498 : vector<16xf32>
    %mul3A_1500 = arith.mulf %min3A_1496, %min3A_1499 : vector<16xf32>
    %mul3A_1501 = arith.mulf %mul3A_1466, %mul3A_1473 : vector<16xf32>
    %add3A_1502 = arith.constant 2.35620022 : f32
    %add3A_1503 = vector.broadcast %add3A_1502 : f32 to vector<16xf32>
    %add3A_1504 = arith.addf %mul3A_1501, %add3A_1503 : vector<16xf32>
    %sub3A_1505 = arith.subf %add3A_1504, %mul3A_1500 : vector<16xf32>
    %add3A_1506 = arith.constant 9.99999971E-10 : f32
    %add3A_1507 = vector.broadcast %add3A_1506 : f32 to vector<16xf32>
    %add3A_1508 = arith.addf %sub3A_1505, %add3A_1507 : vector<16xf32>
    %div3A_1509 = arith.divf %mul3A_1500, %add3A_1508 : vector<16xf32>
    %gt3A_1510 = arith.constant 5.000000e-01 : f32
    %gt3A_1511 = vector.broadcast %gt3A_1510 : f32 to vector<16xf32>
    %gt3A_1512 = arith.cmpf ogt, %div3A_1509, %gt3A_1511 : vector<16xf32>
    %and3A_1513 = arith.andi %and3A_1442, %gt3A_1512 : vector<16xi1>
    %jit3A_1514 = arith.constant 1.000000e+00 : f32
    %jit3A_1515 = arith.constant 0.000000e+00 : f32
    %broadcast_in_dim3A_1516 = vector.broadcast %jit3A_1514 : f32 to vector<16xf32>
    %broadcast_in_dim3A_1517 = vector.broadcast %jit3A_1515 : f32 to vector<16xf32>
    %select_n3A_1518 = arith.select %and3A_1513, %broadcast_in_dim3A_1516, %broadcast_in_dim3A_1517 : vector<16xi1>, vector<16xf32>
    %swap3A_1519 = arith.constant 16 : index
    %swap3A_1520 = tpu.vector_load %arg17[%swap3A_1519] {strides = array<i32>} : memref<320xf32, #tpu.memory_space<vmem>>, vector<16xf32>,
    tpu.vector_store %arg17[%swap3A_1519], %select_n3A_1518 {strides = array<i32>} : memref<320xf32, #tpu.memory_space<vmem>>, vector<16xf32>,
    %add3A_1521 = arith.constant 0 : i32
    %add3A_1522 = vector.broadcast %add3A_1521 : i32 to vector<16xi32>
    %add3A_1523 = arith.addi %gather3A_1493, %add3A_1522 : vector<16xi32>
    %gather3A_1524 = tpu.vector_load_idx %arg14[%add3A_1492, %add3A_1523] : memref<64x128xf32, #tpu.memory_space<vmem>>[vector<16xi32>, vector<16xi32>], vector<16xf32>,
    %add3A_1525 = arith.constant 1 : i32
    %add3A_1526 = vector.broadcast %add3A_1525 : i32 to vector<16xi32>
    %add3A_1527 = arith.addi %gather3A_1493, %add3A_1526 : vector<16xi32>
    %gather3A_1528 = tpu.vector_load_idx %arg14[%add3A_1492, %add3A_1527] : memref<64x128xf32, #tpu.memory_space<vmem>>[vector<16xi32>, vector<16xi32>], vector<16xf32>,
    %add3A_1529 = arith.constant 2 : i32
    %add3A_1530 = vector.broadcast %add3A_1529 : i32 to vector<16xi32>
    %add3A_1531 = arith.addi %gather3A_1493, %add3A_1530 : vector<16xi32>
    %gather3A_1532 = tpu.vector_load_idx %arg14[%add3A_1492, %add3A_1531] : memref<64x128xf32, #tpu.memory_space<vmem>>[vector<16xi32>, vector<16xi32>], vector<16xf32>,
    %add3A_1533 = arith.constant 3 : i32
    %add3A_1534 = vector.broadcast %add3A_1533 : i32 to vector<16xi32>
    %add3A_1535 = arith.addi %gather3A_1493, %add3A_1534 : vector<16xi32>
    %gather3A_1536 = tpu.vector_load_idx %arg14[%add3A_1492, %add3A_1535] : memref<64x128xf32, #tpu.memory_space<vmem>>[vector<16xi32>, vector<16xi32>], vector<16xf32>,
    %add3A_1537 = arith.constant 4 : i32
    %add3A_1538 = vector.broadcast %add3A_1537 : i32 to vector<16xi32>
    %add3A_1539 = arith.addi %gather3A_1493, %add3A_1538 : vector<16xi32>
    %gather3A_1540 = tpu.vector_load_idx %arg14[%add3A_1492, %add3A_1539] : memref<64x128xf32, #tpu.memory_space<vmem>>[vector<16xi32>, vector<16xi32>], vector<16xf32>,
    %neg3A_1541 = arith.constant 0.000000e+00 : f32
    %neg3A_1542 = vector.broadcast %neg3A_1541 : f32 to vector<16xf32>
    %neg3A_1543 = arith.subf %neg3A_1542, %gather3A_1540 : vector<16xf32>
    %exp3A_1544 = math.exp %neg3A_1543 : vector<16xf32>
    %add3A_1545 = arith.constant 1.000000e+00 : f32
    %add3A_1546 = vector.broadcast %add3A_1545 : f32 to vector<16xf32>
    %add3A_1547 = arith.addf %add3A_1546, %exp3A_1544 : vector<16xf32>
    %div3A_1548 = arith.constant 1.000000e+00 : f32
    %div3A_1549 = vector.broadcast %div3A_1548 : f32 to vector<16xf32>
    %div3A_1550 = arith.divf %div3A_1549, %add3A_1547 : vector<16xf32>
    %mul3A_1551 = arith.mulf %div3A_1550, %div3A_1550 : vector<16xf32>
    %select_n3A_1552 = arith.select %and3A_1513, %mul3A_1551, %broadcast_in_dim3A_31 : vector<16xi1>, vector<16xf32>
    %add3A_1553 = arith.addf %add3A_1360, %select_n3A_1552 : vector<16xf32>
    %sub3A_1554 = arith.subf %div3A_1550, %div3A_1509 : vector<16xf32>
    %mul3A_1555 = arith.mulf %sub3A_1554, %sub3A_1554 : vector<16xf32>
    %select_n3A_1556 = arith.select %and3A_1513, %mul3A_1555, %broadcast_in_dim3A_31 : vector<16xi1>, vector<16xf32>
    %add3A_1557 = arith.addf %add3A_1364, %select_n3A_1556 : vector<16xf32>
    %exp3A_1558 = math.exp %gather3A_1532 : vector<16xf32>
    %mul3A_1559 = arith.constant 1.190000e+00 : f32
    %mul3A_1560 = vector.broadcast %mul3A_1559 : f32 to vector<16xf32>
    %mul3A_1561 = arith.mulf %exp3A_1558, %mul3A_1560 : vector<16xf32>
    %exp3A_1562 = math.exp %gather3A_1536 : vector<16xf32>
    %mul3A_1563 = arith.constant 1.980000e+00 : f32
    %mul3A_1564 = vector.broadcast %mul3A_1563 : f32 to vector<16xf32>
    %mul3A_1565 = arith.mulf %exp3A_1562, %mul3A_1564 : vector<16xf32>
    %sub3A_1566 = arith.constant 1.190000e+00 : f32
    %sub3A_1567 = vector.broadcast %sub3A_1566 : f32 to vector<16xf32>
    %sub3A_1568 = arith.subf %mul3A_1561, %sub3A_1567 : vector<16xf32>
    %sub3A_1569 = arith.constant 1.980000e+00 : f32
    %sub3A_1570 = vector.broadcast %sub3A_1569 : f32 to vector<16xf32>
    %sub3A_1571 = arith.subf %mul3A_1565, %sub3A_1570 : vector<16xf32>
    %mul3A_1572 = arith.mulf %sub3A_1568, %sub3A_1568 : vector<16xf32>
    %mul3A_1573 = arith.mulf %sub3A_1571, %sub3A_1571 : vector<16xf32>
    %add3A_1574 = arith.addf %mul3A_1572, %mul3A_1573 : vector<16xf32>
    %select_n3A_1575 = arith.select %and3A_1513, %add3A_1574, %broadcast_in_dim3A_31 : vector<16xi1>, vector<16xf32>
    %add3A_1576 = arith.addf %add3A_1383, %select_n3A_1575 : vector<16xf32>
    %neg3A_1577 = arith.constant 0.000000e+00 : f32
    %neg3A_1578 = vector.broadcast %neg3A_1577 : f32 to vector<16xf32>
    %neg3A_1579 = arith.subf %neg3A_1578, %gather3A_1524 : vector<16xf32>
    %exp3A_1580 = math.exp %neg3A_1579 : vector<16xf32>
    %add3A_1581 = arith.constant 1.000000e+00 : f32
    %add3A_1582 = vector.broadcast %add3A_1581 : f32 to vector<16xf32>
    %add3A_1583 = arith.addf %add3A_1582, %exp3A_1580 : vector<16xf32>
    %div3A_1584 = arith.constant 1.000000e+00 : f32
    %div3A_1585 = vector.broadcast %div3A_1584 : f32 to vector<16xf32>
    %div3A_1586 = arith.divf %div3A_1585, %add3A_1583 : vector<16xf32>
    %add3A_1587 = arith.addf %div3A_1586, %convert_element_type3A_1481 : vector<16xf32>
    %neg3A_1588 = arith.constant 0.000000e+00 : f32
    %neg3A_1589 = vector.broadcast %neg3A_1588 : f32 to vector<16xf32>
    %neg3A_1590 = arith.subf %neg3A_1589, %gather3A_1528 : vector<16xf32>
    %exp3A_1591 = math.exp %neg3A_1590 : vector<16xf32>
    %add3A_1592 = arith.constant 1.000000e+00 : f32
    %add3A_1593 = vector.broadcast %add3A_1592 : f32 to vector<16xf32>
    %add3A_1594 = arith.addf %add3A_1593, %exp3A_1591 : vector<16xf32>
    %div3A_1595 = arith.constant 1.000000e+00 : f32
    %div3A_1596 = vector.broadcast %div3A_1595 : f32 to vector<16xf32>
    %div3A_1597 = arith.divf %div3A_1596, %add3A_1594 : vector<16xf32>
    %add3A_1598 = arith.addf %div3A_1597, %convert_element_type3A_1489 : vector<16xf32>
    %sub3A_1599 = arith.subf %add3A_1587, %mul3A_1452 : vector<16xf32>
    %sub3A_1600 = arith.subf %add3A_1598, %mul3A_1459 : vector<16xf32>
    %sub3A_1601 = arith.subf %mul3A_1561, %mul3A_1466 : vector<16xf32>
    %sub3A_1602 = arith.subf %mul3A_1565, %mul3A_1473 : vector<16xf32>
    %mul3A_1603 = arith.mulf %sub3A_1599, %sub3A_1599 : vector<16xf32>
    %mul3A_1604 = arith.mulf %sub3A_1600, %sub3A_1600 : vector<16xf32>
    %add3A_1605 = arith.addf %mul3A_1603, %mul3A_1604 : vector<16xf32>
    %mul3A_1606 = arith.mulf %sub3A_1601, %sub3A_1601 : vector<16xf32>
    %add3A_1607 = arith.addf %add3A_1605, %mul3A_1606 : vector<16xf32>
    %mul3A_1608 = arith.mulf %sub3A_1602, %sub3A_1602 : vector<16xf32>
    %add3A_1609 = arith.addf %add3A_1607, %mul3A_1608 : vector<16xf32>
    %select_n3A_1610 = arith.select %and3A_1513, %add3A_1609, %broadcast_in_dim3A_31 : vector<16xi1>, vector<16xf32>
    %add3A_1611 = arith.addf %add3A_1418, %select_n3A_1610 : vector<16xf32>
    %min3A_1612 = arith.constant 2.790000e+00 : f32
    %min3A_1613 = vector.broadcast %min3A_1612 : f32 to vector<16xf32>
    %min3A_1614 = arith.minimumf %mul3A_1466, %min3A_1613 : vector<16xf32>
    %min3A_1615 = arith.constant 4.590000e+00 : f32
    %min3A_1616 = vector.broadcast %min3A_1615 : f32 to vector<16xf32>
    %min3A_1617 = arith.minimumf %mul3A_1473, %min3A_1616 : vector<16xf32>
    %mul3A_1618 = arith.mulf %min3A_1614, %min3A_1617 : vector<16xf32>
    %mul3A_1619 = arith.mulf %mul3A_1466, %mul3A_1473 : vector<16xf32>
    %add3A_1620 = arith.constant 1.280610e+01 : f32
    %add3A_1621 = vector.broadcast %add3A_1620 : f32 to vector<16xf32>
    %add3A_1622 = arith.addf %mul3A_1619, %add3A_1621 : vector<16xf32>
    %sub3A_1623 = arith.subf %add3A_1622, %mul3A_1618 : vector<16xf32>
    %add3A_1624 = arith.constant 9.99999971E-10 : f32
    %add3A_1625 = vector.broadcast %add3A_1624 : f32 to vector<16xf32>
    %add3A_1626 = arith.addf %sub3A_1623, %add3A_1625 : vector<16xf32>
    %div3A_1627 = arith.divf %mul3A_1618, %add3A_1626 : vector<16xf32>
    %gt3A_1628 = arith.constant 5.000000e-01 : f32
    %gt3A_1629 = vector.broadcast %gt3A_1628 : f32 to vector<16xf32>
    %gt3A_1630 = arith.cmpf ogt, %div3A_1627, %gt3A_1629 : vector<16xf32>
    %and3A_1631 = arith.andi %and3A_1442, %gt3A_1630 : vector<16xi1>
    %jit3A_1632 = arith.constant 1.000000e+00 : f32
    %jit3A_1633 = arith.constant 0.000000e+00 : f32
    %broadcast_in_dim3A_1634 = vector.broadcast %jit3A_1632 : f32 to vector<16xf32>
    %broadcast_in_dim3A_1635 = vector.broadcast %jit3A_1633 : f32 to vector<16xf32>
    %select_n3A_1636 = arith.select %and3A_1631, %broadcast_in_dim3A_1634, %broadcast_in_dim3A_1635 : vector<16xi1>, vector<16xf32>
    %swap3A_1637 = arith.constant 80 : index
    %swap3A_1638 = tpu.vector_load %arg17[%swap3A_1637] {strides = array<i32>} : memref<320xf32, #tpu.memory_space<vmem>>, vector<16xf32>,
    tpu.vector_store %arg17[%swap3A_1637], %select_n3A_1636 {strides = array<i32>} : memref<320xf32, #tpu.memory_space<vmem>>, vector<16xf32>,
    %add3A_1639 = arith.constant 5 : i32
    %add3A_1640 = vector.broadcast %add3A_1639 : i32 to vector<16xi32>
    %add3A_1641 = arith.addi %gather3A_1493, %add3A_1640 : vector<16xi32>
    %gather3A_1642 = tpu.vector_load_idx %arg14[%add3A_1492, %add3A_1641] : memref<64x128xf32, #tpu.memory_space<vmem>>[vector<16xi32>, vector<16xi32>], vector<16xf32>,
    %add3A_1643 = arith.constant 6 : i32
    %add3A_1644 = vector.broadcast %add3A_1643 : i32 to vector<16xi32>
    %add3A_1645 = arith.addi %gather3A_1493, %add3A_1644 : vector<16xi32>
    %gather3A_1646 = tpu.vector_load_idx %arg14[%add3A_1492, %add3A_1645] : memref<64x128xf32, #tpu.memory_space<vmem>>[vector<16xi32>, vector<16xi32>], vector<16xf32>,
    %add3A_1647 = arith.constant 7 : i32
    %add3A_1648 = vector.broadcast %add3A_1647 : i32 to vector<16xi32>
    %add3A_1649 = arith.addi %gather3A_1493, %add3A_1648 : vector<16xi32>
    %gather3A_1650 = tpu.vector_load_idx %arg14[%add3A_1492, %add3A_1649] : memref<64x128xf32, #tpu.memory_space<vmem>>[vector<16xi32>, vector<16xi32>], vector<16xf32>,
    %add3A_1651 = arith.constant 8 : i32
    %add3A_1652 = vector.broadcast %add3A_1651 : i32 to vector<16xi32>
    %add3A_1653 = arith.addi %gather3A_1493, %add3A_1652 : vector<16xi32>
    %gather3A_1654 = tpu.vector_load_idx %arg14[%add3A_1492, %add3A_1653] : memref<64x128xf32, #tpu.memory_space<vmem>>[vector<16xi32>, vector<16xi32>], vector<16xf32>,
    %add3A_1655 = arith.constant 9 : i32
    %add3A_1656 = vector.broadcast %add3A_1655 : i32 to vector<16xi32>
    %add3A_1657 = arith.addi %gather3A_1493, %add3A_1656 : vector<16xi32>
    %gather3A_1658 = tpu.vector_load_idx %arg14[%add3A_1492, %add3A_1657] : memref<64x128xf32, #tpu.memory_space<vmem>>[vector<16xi32>, vector<16xi32>], vector<16xf32>,
    %neg3A_1659 = arith.constant 0.000000e+00 : f32
    %neg3A_1660 = vector.broadcast %neg3A_1659 : f32 to vector<16xf32>
    %neg3A_1661 = arith.subf %neg3A_1660, %gather3A_1658 : vector<16xf32>
    %exp3A_1662 = math.exp %neg3A_1661 : vector<16xf32>
    %add3A_1663 = arith.constant 1.000000e+00 : f32
    %add3A_1664 = vector.broadcast %add3A_1663 : f32 to vector<16xf32>
    %add3A_1665 = arith.addf %add3A_1664, %exp3A_1662 : vector<16xf32>
    %div3A_1666 = arith.constant 1.000000e+00 : f32
    %div3A_1667 = vector.broadcast %div3A_1666 : f32 to vector<16xf32>
    %div3A_1668 = arith.divf %div3A_1667, %add3A_1665 : vector<16xf32>
    %mul3A_1669 = arith.mulf %div3A_1668, %div3A_1668 : vector<16xf32>
    %select_n3A_1670 = arith.select %and3A_1631, %mul3A_1669, %broadcast_in_dim3A_31 : vector<16xi1>, vector<16xf32>
    %add3A_1671 = arith.addf %add3A_1553, %select_n3A_1670 : vector<16xf32>
    %sub3A_1672 = arith.subf %div3A_1668, %div3A_1627 : vector<16xf32>
    %mul3A_1673 = arith.mulf %sub3A_1672, %sub3A_1672 : vector<16xf32>
    %select_n3A_1674 = arith.select %and3A_1631, %mul3A_1673, %broadcast_in_dim3A_31 : vector<16xi1>, vector<16xf32>
    %add3A_1675 = arith.addf %add3A_1557, %select_n3A_1674 : vector<16xf32>
    %exp3A_1676 = math.exp %gather3A_1650 : vector<16xf32>
    %mul3A_1677 = arith.constant 2.790000e+00 : f32
    %mul3A_1678 = vector.broadcast %mul3A_1677 : f32 to vector<16xf32>
    %mul3A_1679 = arith.mulf %exp3A_1676, %mul3A_1678 : vector<16xf32>
    %exp3A_1680 = math.exp %gather3A_1654 : vector<16xf32>
    %mul3A_1681 = arith.constant 4.590000e+00 : f32
    %mul3A_1682 = vector.broadcast %mul3A_1681 : f32 to vector<16xf32>
    %mul3A_1683 = arith.mulf %exp3A_1680, %mul3A_1682 : vector<16xf32>
    %sub3A_1684 = arith.constant 2.790000e+00 : f32
    %sub3A_1685 = vector.broadcast %sub3A_1684 : f32 to vector<16xf32>
    %sub3A_1686 = arith.subf %mul3A_1679, %sub3A_1685 : vector<16xf32>
    %sub3A_1687 = arith.constant 4.590000e+00 : f32
    %sub3A_1688 = vector.broadcast %sub3A_1687 : f32 to vector<16xf32>
    %sub3A_1689 = arith.subf %mul3A_1683, %sub3A_1688 : vector<16xf32>
    %mul3A_1690 = arith.mulf %sub3A_1686, %sub3A_1686 : vector<16xf32>
    %mul3A_1691 = arith.mulf %sub3A_1689, %sub3A_1689 : vector<16xf32>
    %add3A_1692 = arith.addf %mul3A_1690, %mul3A_1691 : vector<16xf32>
    %select_n3A_1693 = arith.select %and3A_1631, %add3A_1692, %broadcast_in_dim3A_31 : vector<16xi1>, vector<16xf32>
    %add3A_1694 = arith.addf %add3A_1576, %select_n3A_1693 : vector<16xf32>
    %neg3A_1695 = arith.constant 0.000000e+00 : f32
    %neg3A_1696 = vector.broadcast %neg3A_1695 : f32 to vector<16xf32>
    %neg3A_1697 = arith.subf %neg3A_1696, %gather3A_1642 : vector<16xf32>
    %exp3A_1698 = math.exp %neg3A_1697 : vector<16xf32>
    %add3A_1699 = arith.constant 1.000000e+00 : f32
    %add3A_1700 = vector.broadcast %add3A_1699 : f32 to vector<16xf32>
    %add3A_1701 = arith.addf %add3A_1700, %exp3A_1698 : vector<16xf32>
    %div3A_1702 = arith.constant 1.000000e+00 : f32
    %div3A_1703 = vector.broadcast %div3A_1702 : f32 to vector<16xf32>
    %div3A_1704 = arith.divf %div3A_1703, %add3A_1701 : vector<16xf32>
    %add3A_1705 = arith.addf %div3A_1704, %convert_element_type3A_1481 : vector<16xf32>
    %neg3A_1706 = arith.constant 0.000000e+00 : f32
    %neg3A_1707 = vector.broadcast %neg3A_1706 : f32 to vector<16xf32>
    %neg3A_1708 = arith.subf %neg3A_1707, %gather3A_1646 : vector<16xf32>
    %exp3A_1709 = math.exp %neg3A_1708 : vector<16xf32>
    %add3A_1710 = arith.constant 1.000000e+00 : f32
    %add3A_1711 = vector.broadcast %add3A_1710 : f32 to vector<16xf32>
    %add3A_1712 = arith.addf %add3A_1711, %exp3A_1709 : vector<16xf32>
    %div3A_1713 = arith.constant 1.000000e+00 : f32
    %div3A_1714 = vector.broadcast %div3A_1713 : f32 to vector<16xf32>
    %div3A_1715 = arith.divf %div3A_1714, %add3A_1712 : vector<16xf32>
    %add3A_1716 = arith.addf %div3A_1715, %convert_element_type3A_1489 : vector<16xf32>
    %sub3A_1717 = arith.subf %add3A_1705, %mul3A_1452 : vector<16xf32>
    %sub3A_1718 = arith.subf %add3A_1716, %mul3A_1459 : vector<16xf32>
    %sub3A_1719 = arith.subf %mul3A_1679, %mul3A_1466 : vector<16xf32>
    %sub3A_1720 = arith.subf %mul3A_1683, %mul3A_1473 : vector<16xf32>
    %mul3A_1721 = arith.mulf %sub3A_1717, %sub3A_1717 : vector<16xf32>
    %mul3A_1722 = arith.mulf %sub3A_1718, %sub3A_1718 : vector<16xf32>
    %add3A_1723 = arith.addf %mul3A_1721, %mul3A_1722 : vector<16xf32>
    %mul3A_1724 = arith.mulf %sub3A_1719, %sub3A_1719 : vector<16xf32>
    %add3A_1725 = arith.addf %add3A_1723, %mul3A_1724 : vector<16xf32>
    %mul3A_1726 = arith.mulf %sub3A_1720, %sub3A_1720 : vector<16xf32>
    %add3A_1727 = arith.addf %add3A_1725, %mul3A_1726 : vector<16xf32>
    %select_n3A_1728 = arith.select %and3A_1631, %add3A_1727, %broadcast_in_dim3A_31 : vector<16xi1>, vector<16xf32>
    %add3A_1729 = arith.addf %add3A_1611, %select_n3A_1728 : vector<16xf32>
    %min3A_1730 = arith.constant 4.530000e+00 : f32
    %min3A_1731 = vector.broadcast %min3A_1730 : f32 to vector<16xf32>
    %min3A_1732 = arith.minimumf %mul3A_1466, %min3A_1731 : vector<16xf32>
    %min3A_1733 = arith.constant 8.920000e+00 : f32
    %min3A_1734 = vector.broadcast %min3A_1733 : f32 to vector<16xf32>
    %min3A_1735 = arith.minimumf %mul3A_1473, %min3A_1734 : vector<16xf32>
    %mul3A_1736 = arith.mulf %min3A_1732, %min3A_1735 : vector<16xf32>
    %mul3A_1737 = arith.mulf %mul3A_1466, %mul3A_1473 : vector<16xf32>
    %add3A_1738 = arith.constant 4.040760e+01 : f32
    %add3A_1739 = vector.broadcast %add3A_1738 : f32 to vector<16xf32>
    %add3A_1740 = arith.addf %mul3A_1737, %add3A_1739 : vector<16xf32>
    %sub3A_1741 = arith.subf %add3A_1740, %mul3A_1736 : vector<16xf32>
    %add3A_1742 = arith.constant 9.99999971E-10 : f32
    %add3A_1743 = vector.broadcast %add3A_1742 : f32 to vector<16xf32>
    %add3A_1744 = arith.addf %sub3A_1741, %add3A_1743 : vector<16xf32>
    %div3A_1745 = arith.divf %mul3A_1736, %add3A_1744 : vector<16xf32>
    %gt3A_1746 = arith.constant 5.000000e-01 : f32
    %gt3A_1747 = vector.broadcast %gt3A_1746 : f32 to vector<16xf32>
    %gt3A_1748 = arith.cmpf ogt, %div3A_1745, %gt3A_1747 : vector<16xf32>
    %and3A_1749 = arith.andi %and3A_1442, %gt3A_1748 : vector<16xi1>
    %jit3A_1750 = arith.constant 1.000000e+00 : f32
    %jit3A_1751 = arith.constant 0.000000e+00 : f32
    %broadcast_in_dim3A_1752 = vector.broadcast %jit3A_1750 : f32 to vector<16xf32>
    %broadcast_in_dim3A_1753 = vector.broadcast %jit3A_1751 : f32 to vector<16xf32>
    %select_n3A_1754 = arith.select %and3A_1749, %broadcast_in_dim3A_1752, %broadcast_in_dim3A_1753 : vector<16xi1>, vector<16xf32>
    %swap3A_1755 = arith.constant 144 : index
    %swap3A_1756 = tpu.vector_load %arg17[%swap3A_1755] {strides = array<i32>} : memref<320xf32, #tpu.memory_space<vmem>>, vector<16xf32>,
    tpu.vector_store %arg17[%swap3A_1755], %select_n3A_1754 {strides = array<i32>} : memref<320xf32, #tpu.memory_space<vmem>>, vector<16xf32>,
    %add3A_1757 = arith.constant 10 : i32
    %add3A_1758 = vector.broadcast %add3A_1757 : i32 to vector<16xi32>
    %add3A_1759 = arith.addi %gather3A_1493, %add3A_1758 : vector<16xi32>
    %gather3A_1760 = tpu.vector_load_idx %arg14[%add3A_1492, %add3A_1759] : memref<64x128xf32, #tpu.memory_space<vmem>>[vector<16xi32>, vector<16xi32>], vector<16xf32>,
    %add3A_1761 = arith.constant 11 : i32
    %add3A_1762 = vector.broadcast %add3A_1761 : i32 to vector<16xi32>
    %add3A_1763 = arith.addi %gather3A_1493, %add3A_1762 : vector<16xi32>
    %gather3A_1764 = tpu.vector_load_idx %arg14[%add3A_1492, %add3A_1763] : memref<64x128xf32, #tpu.memory_space<vmem>>[vector<16xi32>, vector<16xi32>], vector<16xf32>,
    %add3A_1765 = arith.constant 12 : i32
    %add3A_1766 = vector.broadcast %add3A_1765 : i32 to vector<16xi32>
    %add3A_1767 = arith.addi %gather3A_1493, %add3A_1766 : vector<16xi32>
    %gather3A_1768 = tpu.vector_load_idx %arg14[%add3A_1492, %add3A_1767] : memref<64x128xf32, #tpu.memory_space<vmem>>[vector<16xi32>, vector<16xi32>], vector<16xf32>,
    %add3A_1769 = arith.constant 13 : i32
    %add3A_1770 = vector.broadcast %add3A_1769 : i32 to vector<16xi32>
    %add3A_1771 = arith.addi %gather3A_1493, %add3A_1770 : vector<16xi32>
    %gather3A_1772 = tpu.vector_load_idx %arg14[%add3A_1492, %add3A_1771] : memref<64x128xf32, #tpu.memory_space<vmem>>[vector<16xi32>, vector<16xi32>], vector<16xf32>,
    %add3A_1773 = arith.constant 14 : i32
    %add3A_1774 = vector.broadcast %add3A_1773 : i32 to vector<16xi32>
    %add3A_1775 = arith.addi %gather3A_1493, %add3A_1774 : vector<16xi32>
    %gather3A_1776 = tpu.vector_load_idx %arg14[%add3A_1492, %add3A_1775] : memref<64x128xf32, #tpu.memory_space<vmem>>[vector<16xi32>, vector<16xi32>], vector<16xf32>,
    %neg3A_1777 = arith.constant 0.000000e+00 : f32
    %neg3A_1778 = vector.broadcast %neg3A_1777 : f32 to vector<16xf32>
    %neg3A_1779 = arith.subf %neg3A_1778, %gather3A_1776 : vector<16xf32>
    %exp3A_1780 = math.exp %neg3A_1779 : vector<16xf32>
    %add3A_1781 = arith.constant 1.000000e+00 : f32
    %add3A_1782 = vector.broadcast %add3A_1781 : f32 to vector<16xf32>
    %add3A_1783 = arith.addf %add3A_1782, %exp3A_1780 : vector<16xf32>
    %div3A_1784 = arith.constant 1.000000e+00 : f32
    %div3A_1785 = vector.broadcast %div3A_1784 : f32 to vector<16xf32>
    %div3A_1786 = arith.divf %div3A_1785, %add3A_1783 : vector<16xf32>
    %mul3A_1787 = arith.mulf %div3A_1786, %div3A_1786 : vector<16xf32>
    %select_n3A_1788 = arith.select %and3A_1749, %mul3A_1787, %broadcast_in_dim3A_31 : vector<16xi1>, vector<16xf32>
    %add3A_1789 = arith.addf %add3A_1671, %select_n3A_1788 : vector<16xf32>
    %sub3A_1790 = arith.subf %div3A_1786, %div3A_1745 : vector<16xf32>
    %mul3A_1791 = arith.mulf %sub3A_1790, %sub3A_1790 : vector<16xf32>
    %select_n3A_1792 = arith.select %and3A_1749, %mul3A_1791, %broadcast_in_dim3A_31 : vector<16xi1>, vector<16xf32>
    %add3A_1793 = arith.addf %add3A_1675, %select_n3A_1792 : vector<16xf32>
    %exp3A_1794 = math.exp %gather3A_1768 : vector<16xf32>
    %mul3A_1795 = arith.constant 4.530000e+00 : f32
    %mul3A_1796 = vector.broadcast %mul3A_1795 : f32 to vector<16xf32>
    %mul3A_1797 = arith.mulf %exp3A_1794, %mul3A_1796 : vector<16xf32>
    %exp3A_1798 = math.exp %gather3A_1772 : vector<16xf32>
    %mul3A_1799 = arith.constant 8.920000e+00 : f32
    %mul3A_1800 = vector.broadcast %mul3A_1799 : f32 to vector<16xf32>
    %mul3A_1801 = arith.mulf %exp3A_1798, %mul3A_1800 : vector<16xf32>
    %sub3A_1802 = arith.constant 4.530000e+00 : f32
    %sub3A_1803 = vector.broadcast %sub3A_1802 : f32 to vector<16xf32>
    %sub3A_1804 = arith.subf %mul3A_1797, %sub3A_1803 : vector<16xf32>
    %sub3A_1805 = arith.constant 8.920000e+00 : f32
    %sub3A_1806 = vector.broadcast %sub3A_1805 : f32 to vector<16xf32>
    %sub3A_1807 = arith.subf %mul3A_1801, %sub3A_1806 : vector<16xf32>
    %mul3A_1808 = arith.mulf %sub3A_1804, %sub3A_1804 : vector<16xf32>
    %mul3A_1809 = arith.mulf %sub3A_1807, %sub3A_1807 : vector<16xf32>
    %add3A_1810 = arith.addf %mul3A_1808, %mul3A_1809 : vector<16xf32>
    %select_n3A_1811 = arith.select %and3A_1749, %add3A_1810, %broadcast_in_dim3A_31 : vector<16xi1>, vector<16xf32>
    %add3A_1812 = arith.addf %add3A_1694, %select_n3A_1811 : vector<16xf32>
    %neg3A_1813 = arith.constant 0.000000e+00 : f32
    %neg3A_1814 = vector.broadcast %neg3A_1813 : f32 to vector<16xf32>
    %neg3A_1815 = arith.subf %neg3A_1814, %gather3A_1760 : vector<16xf32>
    %exp3A_1816 = math.exp %neg3A_1815 : vector<16xf32>
    %add3A_1817 = arith.constant 1.000000e+00 : f32
    %add3A_1818 = vector.broadcast %add3A_1817 : f32 to vector<16xf32>
    %add3A_1819 = arith.addf %add3A_1818, %exp3A_1816 : vector<16xf32>
    %div3A_1820 = arith.constant 1.000000e+00 : f32
    %div3A_1821 = vector.broadcast %div3A_1820 : f32 to vector<16xf32>
    %div3A_1822 = arith.divf %div3A_1821, %add3A_1819 : vector<16xf32>
    %add3A_1823 = arith.addf %div3A_1822, %convert_element_type3A_1481 : vector<16xf32>
    %neg3A_1824 = arith.constant 0.000000e+00 : f32
    %neg3A_1825 = vector.broadcast %neg3A_1824 : f32 to vector<16xf32>
    %neg3A_1826 = arith.subf %neg3A_1825, %gather3A_1764 : vector<16xf32>
    %exp3A_1827 = math.exp %neg3A_1826 : vector<16xf32>
    %add3A_1828 = arith.constant 1.000000e+00 : f32
    %add3A_1829 = vector.broadcast %add3A_1828 : f32 to vector<16xf32>
    %add3A_1830 = arith.addf %add3A_1829, %exp3A_1827 : vector<16xf32>
    %div3A_1831 = arith.constant 1.000000e+00 : f32
    %div3A_1832 = vector.broadcast %div3A_1831 : f32 to vector<16xf32>
    %div3A_1833 = arith.divf %div3A_1832, %add3A_1830 : vector<16xf32>
    %add3A_1834 = arith.addf %div3A_1833, %convert_element_type3A_1489 : vector<16xf32>
    %sub3A_1835 = arith.subf %add3A_1823, %mul3A_1452 : vector<16xf32>
    %sub3A_1836 = arith.subf %add3A_1834, %mul3A_1459 : vector<16xf32>
    %sub3A_1837 = arith.subf %mul3A_1797, %mul3A_1466 : vector<16xf32>
    %sub3A_1838 = arith.subf %mul3A_1801, %mul3A_1473 : vector<16xf32>
    %mul3A_1839 = arith.mulf %sub3A_1835, %sub3A_1835 : vector<16xf32>
    %mul3A_1840 = arith.mulf %sub3A_1836, %sub3A_1836 : vector<16xf32>
    %add3A_1841 = arith.addf %mul3A_1839, %mul3A_1840 : vector<16xf32>
    %mul3A_1842 = arith.mulf %sub3A_1837, %sub3A_1837 : vector<16xf32>
    %add3A_1843 = arith.addf %add3A_1841, %mul3A_1842 : vector<16xf32>
    %mul3A_1844 = arith.mulf %sub3A_1838, %sub3A_1838 : vector<16xf32>
    %add3A_1845 = arith.addf %add3A_1843, %mul3A_1844 : vector<16xf32>
    %select_n3A_1846 = arith.select %and3A_1749, %add3A_1845, %broadcast_in_dim3A_31 : vector<16xi1>, vector<16xf32>
    %add3A_1847 = arith.addf %add3A_1729, %select_n3A_1846 : vector<16xf32>
    %min3A_1848 = arith.constant 8.060000e+00 : f32
    %min3A_1849 = vector.broadcast %min3A_1848 : f32 to vector<16xf32>
    %min3A_1850 = arith.minimumf %mul3A_1466, %min3A_1849 : vector<16xf32>
    %min3A_1851 = arith.constant 5.290000e+00 : f32
    %min3A_1852 = vector.broadcast %min3A_1851 : f32 to vector<16xf32>
    %min3A_1853 = arith.minimumf %mul3A_1473, %min3A_1852 : vector<16xf32>
    %mul3A_1854 = arith.mulf %min3A_1850, %min3A_1853 : vector<16xf32>
    %mul3A_1855 = arith.mulf %mul3A_1466, %mul3A_1473 : vector<16xf32>
    %add3A_1856 = arith.constant 4.263740e+01 : f32
    %add3A_1857 = vector.broadcast %add3A_1856 : f32 to vector<16xf32>
    %add3A_1858 = arith.addf %mul3A_1855, %add3A_1857 : vector<16xf32>
    %sub3A_1859 = arith.subf %add3A_1858, %mul3A_1854 : vector<16xf32>
    %add3A_1860 = arith.constant 9.99999971E-10 : f32
    %add3A_1861 = vector.broadcast %add3A_1860 : f32 to vector<16xf32>
    %add3A_1862 = arith.addf %sub3A_1859, %add3A_1861 : vector<16xf32>
    %div3A_1863 = arith.divf %mul3A_1854, %add3A_1862 : vector<16xf32>
    %gt3A_1864 = arith.constant 5.000000e-01 : f32
    %gt3A_1865 = vector.broadcast %gt3A_1864 : f32 to vector<16xf32>
    %gt3A_1866 = arith.cmpf ogt, %div3A_1863, %gt3A_1865 : vector<16xf32>
    %and3A_1867 = arith.andi %and3A_1442, %gt3A_1866 : vector<16xi1>
    %jit3A_1868 = arith.constant 1.000000e+00 : f32
    %jit3A_1869 = arith.constant 0.000000e+00 : f32
    %broadcast_in_dim3A_1870 = vector.broadcast %jit3A_1868 : f32 to vector<16xf32>
    %broadcast_in_dim3A_1871 = vector.broadcast %jit3A_1869 : f32 to vector<16xf32>
    %select_n3A_1872 = arith.select %and3A_1867, %broadcast_in_dim3A_1870, %broadcast_in_dim3A_1871 : vector<16xi1>, vector<16xf32>
    %swap3A_1873 = arith.constant 208 : index
    %swap3A_1874 = tpu.vector_load %arg17[%swap3A_1873] {strides = array<i32>} : memref<320xf32, #tpu.memory_space<vmem>>, vector<16xf32>,
    tpu.vector_store %arg17[%swap3A_1873], %select_n3A_1872 {strides = array<i32>} : memref<320xf32, #tpu.memory_space<vmem>>, vector<16xf32>,
    %add3A_1875 = arith.constant 15 : i32
    %add3A_1876 = vector.broadcast %add3A_1875 : i32 to vector<16xi32>
    %add3A_1877 = arith.addi %gather3A_1493, %add3A_1876 : vector<16xi32>
    %gather3A_1878 = tpu.vector_load_idx %arg14[%add3A_1492, %add3A_1877] : memref<64x128xf32, #tpu.memory_space<vmem>>[vector<16xi32>, vector<16xi32>], vector<16xf32>,
    %add3A_1879 = arith.constant 16 : i32
    %add3A_1880 = vector.broadcast %add3A_1879 : i32 to vector<16xi32>
    %add3A_1881 = arith.addi %gather3A_1493, %add3A_1880 : vector<16xi32>
    %gather3A_1882 = tpu.vector_load_idx %arg14[%add3A_1492, %add3A_1881] : memref<64x128xf32, #tpu.memory_space<vmem>>[vector<16xi32>, vector<16xi32>], vector<16xf32>,
    %add3A_1883 = arith.constant 17 : i32
    %add3A_1884 = vector.broadcast %add3A_1883 : i32 to vector<16xi32>
    %add3A_1885 = arith.addi %gather3A_1493, %add3A_1884 : vector<16xi32>
    %gather3A_1886 = tpu.vector_load_idx %arg14[%add3A_1492, %add3A_1885] : memref<64x128xf32, #tpu.memory_space<vmem>>[vector<16xi32>, vector<16xi32>], vector<16xf32>,
    %add3A_1887 = arith.constant 18 : i32
    %add3A_1888 = vector.broadcast %add3A_1887 : i32 to vector<16xi32>
    %add3A_1889 = arith.addi %gather3A_1493, %add3A_1888 : vector<16xi32>
    %gather3A_1890 = tpu.vector_load_idx %arg14[%add3A_1492, %add3A_1889] : memref<64x128xf32, #tpu.memory_space<vmem>>[vector<16xi32>, vector<16xi32>], vector<16xf32>,
    %add3A_1891 = arith.constant 19 : i32
    %add3A_1892 = vector.broadcast %add3A_1891 : i32 to vector<16xi32>
    %add3A_1893 = arith.addi %gather3A_1493, %add3A_1892 : vector<16xi32>
    %gather3A_1894 = tpu.vector_load_idx %arg14[%add3A_1492, %add3A_1893] : memref<64x128xf32, #tpu.memory_space<vmem>>[vector<16xi32>, vector<16xi32>], vector<16xf32>,
    %neg3A_1895 = arith.constant 0.000000e+00 : f32
    %neg3A_1896 = vector.broadcast %neg3A_1895 : f32 to vector<16xf32>
    %neg3A_1897 = arith.subf %neg3A_1896, %gather3A_1894 : vector<16xf32>
    %exp3A_1898 = math.exp %neg3A_1897 : vector<16xf32>
    %add3A_1899 = arith.constant 1.000000e+00 : f32
    %add3A_1900 = vector.broadcast %add3A_1899 : f32 to vector<16xf32>
    %add3A_1901 = arith.addf %add3A_1900, %exp3A_1898 : vector<16xf32>
    %div3A_1902 = arith.constant 1.000000e+00 : f32
    %div3A_1903 = vector.broadcast %div3A_1902 : f32 to vector<16xf32>
    %div3A_1904 = arith.divf %div3A_1903, %add3A_1901 : vector<16xf32>
    %mul3A_1905 = arith.mulf %div3A_1904, %div3A_1904 : vector<16xf32>
    %select_n3A_1906 = arith.select %and3A_1867, %mul3A_1905, %broadcast_in_dim3A_31 : vector<16xi1>, vector<16xf32>
    %add3A_1907 = arith.addf %add3A_1789, %select_n3A_1906 : vector<16xf32>
    %sub3A_1908 = arith.subf %div3A_1904, %div3A_1863 : vector<16xf32>
    %mul3A_1909 = arith.mulf %sub3A_1908, %sub3A_1908 : vector<16xf32>
    %select_n3A_1910 = arith.select %and3A_1867, %mul3A_1909, %broadcast_in_dim3A_31 : vector<16xi1>, vector<16xf32>
    %add3A_1911 = arith.addf %add3A_1793, %select_n3A_1910 : vector<16xf32>
    %exp3A_1912 = math.exp %gather3A_1886 : vector<16xf32>
    %mul3A_1913 = arith.constant 8.060000e+00 : f32
    %mul3A_1914 = vector.broadcast %mul3A_1913 : f32 to vector<16xf32>
    %mul3A_1915 = arith.mulf %exp3A_1912, %mul3A_1914 : vector<16xf32>
    %exp3A_1916 = math.exp %gather3A_1890 : vector<16xf32>
    %mul3A_1917 = arith.constant 5.290000e+00 : f32
    %mul3A_1918 = vector.broadcast %mul3A_1917 : f32 to vector<16xf32>
    %mul3A_1919 = arith.mulf %exp3A_1916, %mul3A_1918 : vector<16xf32>
    %sub3A_1920 = arith.constant 8.060000e+00 : f32
    %sub3A_1921 = vector.broadcast %sub3A_1920 : f32 to vector<16xf32>
    %sub3A_1922 = arith.subf %mul3A_1915, %sub3A_1921 : vector<16xf32>
    %sub3A_1923 = arith.constant 5.290000e+00 : f32
    %sub3A_1924 = vector.broadcast %sub3A_1923 : f32 to vector<16xf32>
    %sub3A_1925 = arith.subf %mul3A_1919, %sub3A_1924 : vector<16xf32>
    %mul3A_1926 = arith.mulf %sub3A_1922, %sub3A_1922 : vector<16xf32>
    %mul3A_1927 = arith.mulf %sub3A_1925, %sub3A_1925 : vector<16xf32>
    %add3A_1928 = arith.addf %mul3A_1926, %mul3A_1927 : vector<16xf32>
    %select_n3A_1929 = arith.select %and3A_1867, %add3A_1928, %broadcast_in_dim3A_31 : vector<16xi1>, vector<16xf32>
    %add3A_1930 = arith.addf %add3A_1812, %select_n3A_1929 : vector<16xf32>
    %neg3A_1931 = arith.constant 0.000000e+00 : f32
    %neg3A_1932 = vector.broadcast %neg3A_1931 : f32 to vector<16xf32>
    %neg3A_1933 = arith.subf %neg3A_1932, %gather3A_1878 : vector<16xf32>
    %exp3A_1934 = math.exp %neg3A_1933 : vector<16xf32>
    %add3A_1935 = arith.constant 1.000000e+00 : f32
    %add3A_1936 = vector.broadcast %add3A_1935 : f32 to vector<16xf32>
    %add3A_1937 = arith.addf %add3A_1936, %exp3A_1934 : vector<16xf32>
    %div3A_1938 = arith.constant 1.000000e+00 : f32
    %div3A_1939 = vector.broadcast %div3A_1938 : f32 to vector<16xf32>
    %div3A_1940 = arith.divf %div3A_1939, %add3A_1937 : vector<16xf32>
    %add3A_1941 = arith.addf %div3A_1940, %convert_element_type3A_1481 : vector<16xf32>
    %neg3A_1942 = arith.constant 0.000000e+00 : f32
    %neg3A_1943 = vector.broadcast %neg3A_1942 : f32 to vector<16xf32>
    %neg3A_1944 = arith.subf %neg3A_1943, %gather3A_1882 : vector<16xf32>
    %exp3A_1945 = math.exp %neg3A_1944 : vector<16xf32>
    %add3A_1946 = arith.constant 1.000000e+00 : f32
    %add3A_1947 = vector.broadcast %add3A_1946 : f32 to vector<16xf32>
    %add3A_1948 = arith.addf %add3A_1947, %exp3A_1945 : vector<16xf32>
    %div3A_1949 = arith.constant 1.000000e+00 : f32
    %div3A_1950 = vector.broadcast %div3A_1949 : f32 to vector<16xf32>
    %div3A_1951 = arith.divf %div3A_1950, %add3A_1948 : vector<16xf32>
    %add3A_1952 = arith.addf %div3A_1951, %convert_element_type3A_1489 : vector<16xf32>
    %sub3A_1953 = arith.subf %add3A_1941, %mul3A_1452 : vector<16xf32>
    %sub3A_1954 = arith.subf %add3A_1952, %mul3A_1459 : vector<16xf32>
    %sub3A_1955 = arith.subf %mul3A_1915, %mul3A_1466 : vector<16xf32>
    %sub3A_1956 = arith.subf %mul3A_1919, %mul3A_1473 : vector<16xf32>
    %mul3A_1957 = arith.mulf %sub3A_1953, %sub3A_1953 : vector<16xf32>
    %mul3A_1958 = arith.mulf %sub3A_1954, %sub3A_1954 : vector<16xf32>
    %add3A_1959 = arith.addf %mul3A_1957, %mul3A_1958 : vector<16xf32>
    %mul3A_1960 = arith.mulf %sub3A_1955, %sub3A_1955 : vector<16xf32>
    %add3A_1961 = arith.addf %add3A_1959, %mul3A_1960 : vector<16xf32>
    %mul3A_1962 = arith.mulf %sub3A_1956, %sub3A_1956 : vector<16xf32>
    %add3A_1963 = arith.addf %add3A_1961, %mul3A_1962 : vector<16xf32>
    %select_n3A_1964 = arith.select %and3A_1867, %add3A_1963, %broadcast_in_dim3A_31 : vector<16xi1>, vector<16xf32>
    %add3A_1965 = arith.addf %add3A_1847, %select_n3A_1964 : vector<16xf32>
    %min3A_1966 = arith.constant 1.032000e+01 : f32
    %min3A_1967 = vector.broadcast %min3A_1966 : f32 to vector<16xf32>
    %min3A_1968 = arith.minimumf %mul3A_1466, %min3A_1967 : vector<16xf32>
    %min3A_1969 = arith.constant 1.065000e+01 : f32
    %min3A_1970 = vector.broadcast %min3A_1969 : f32 to vector<16xf32>
    %min3A_1971 = arith.minimumf %mul3A_1473, %min3A_1970 : vector<16xf32>
    %mul3A_1972 = arith.mulf %min3A_1968, %min3A_1971 : vector<16xf32>
    %mul3A_1973 = arith.mulf %mul3A_1466, %mul3A_1473 : vector<16xf32>
    %add3A_1974 = arith.constant 109.90799 : f32
    %add3A_1975 = vector.broadcast %add3A_1974 : f32 to vector<16xf32>
    %add3A_1976 = arith.addf %mul3A_1973, %add3A_1975 : vector<16xf32>
    %sub3A_1977 = arith.subf %add3A_1976, %mul3A_1972 : vector<16xf32>
    %add3A_1978 = arith.constant 9.99999971E-10 : f32
    %add3A_1979 = vector.broadcast %add3A_1978 : f32 to vector<16xf32>
    %add3A_1980 = arith.addf %sub3A_1977, %add3A_1979 : vector<16xf32>
    %div3A_1981 = arith.divf %mul3A_1972, %add3A_1980 : vector<16xf32>
    %gt3A_1982 = arith.constant 5.000000e-01 : f32
    %gt3A_1983 = vector.broadcast %gt3A_1982 : f32 to vector<16xf32>
    %gt3A_1984 = arith.cmpf ogt, %div3A_1981, %gt3A_1983 : vector<16xf32>
    %and3A_1985 = arith.andi %and3A_1442, %gt3A_1984 : vector<16xi1>
    %jit3A_1986 = arith.constant 1.000000e+00 : f32
    %jit3A_1987 = arith.constant 0.000000e+00 : f32
    %broadcast_in_dim3A_1988 = vector.broadcast %jit3A_1986 : f32 to vector<16xf32>
    %broadcast_in_dim3A_1989 = vector.broadcast %jit3A_1987 : f32 to vector<16xf32>
    %select_n3A_1990 = arith.select %and3A_1985, %broadcast_in_dim3A_1988, %broadcast_in_dim3A_1989 : vector<16xi1>, vector<16xf32>
    %swap3A_1991 = arith.constant 272 : index
    %swap3A_1992 = tpu.vector_load %arg17[%swap3A_1991] {strides = array<i32>} : memref<320xf32, #tpu.memory_space<vmem>>, vector<16xf32>,
    tpu.vector_store %arg17[%swap3A_1991], %select_n3A_1990 {strides = array<i32>} : memref<320xf32, #tpu.memory_space<vmem>>, vector<16xf32>,
    %add3A_1993 = arith.constant 20 : i32
    %add3A_1994 = vector.broadcast %add3A_1993 : i32 to vector<16xi32>
    %add3A_1995 = arith.addi %gather3A_1493, %add3A_1994 : vector<16xi32>
    %gather3A_1996 = tpu.vector_load_idx %arg14[%add3A_1492, %add3A_1995] : memref<64x128xf32, #tpu.memory_space<vmem>>[vector<16xi32>, vector<16xi32>], vector<16xf32>,
    %add3A_1997 = arith.constant 21 : i32
    %add3A_1998 = vector.broadcast %add3A_1997 : i32 to vector<16xi32>
    %add3A_1999 = arith.addi %gather3A_1493, %add3A_1998 : vector<16xi32>
    %gather3A_2000 = tpu.vector_load_idx %arg14[%add3A_1492, %add3A_1999] : memref<64x128xf32, #tpu.memory_space<vmem>>[vector<16xi32>, vector<16xi32>], vector<16xf32>,
    %add3A_2001 = arith.constant 22 : i32
    %add3A_2002 = vector.broadcast %add3A_2001 : i32 to vector<16xi32>
    %add3A_2003 = arith.addi %gather3A_1493, %add3A_2002 : vector<16xi32>
    %gather3A_2004 = tpu.vector_load_idx %arg14[%add3A_1492, %add3A_2003] : memref<64x128xf32, #tpu.memory_space<vmem>>[vector<16xi32>, vector<16xi32>], vector<16xf32>,
    %add3A_2005 = arith.constant 23 : i32
    %add3A_2006 = vector.broadcast %add3A_2005 : i32 to vector<16xi32>
    %add3A_2007 = arith.addi %gather3A_1493, %add3A_2006 : vector<16xi32>
    %gather3A_2008 = tpu.vector_load_idx %arg14[%add3A_1492, %add3A_2007] : memref<64x128xf32, #tpu.memory_space<vmem>>[vector<16xi32>, vector<16xi32>], vector<16xf32>,
    %add3A_2009 = arith.constant 24 : i32
    %add3A_2010 = vector.broadcast %add3A_2009 : i32 to vector<16xi32>
    %add3A_2011 = arith.addi %gather3A_1493, %add3A_2010 : vector<16xi32>
    %gather3A_2012 = tpu.vector_load_idx %arg14[%add3A_1492, %add3A_2011] : memref<64x128xf32, #tpu.memory_space<vmem>>[vector<16xi32>, vector<16xi32>], vector<16xf32>,
    %neg3A_2013 = arith.constant 0.000000e+00 : f32
    %neg3A_2014 = vector.broadcast %neg3A_2013 : f32 to vector<16xf32>
    %neg3A_2015 = arith.subf %neg3A_2014, %gather3A_2012 : vector<16xf32>
    %exp3A_2016 = math.exp %neg3A_2015 : vector<16xf32>
    %add3A_2017 = arith.constant 1.000000e+00 : f32
    %add3A_2018 = vector.broadcast %add3A_2017 : f32 to vector<16xf32>
    %add3A_2019 = arith.addf %add3A_2018, %exp3A_2016 : vector<16xf32>
    %div3A_2020 = arith.constant 1.000000e+00 : f32
    %div3A_2021 = vector.broadcast %div3A_2020 : f32 to vector<16xf32>
    %div3A_2022 = arith.divf %div3A_2021, %add3A_2019 : vector<16xf32>
    %mul3A_2023 = arith.mulf %div3A_2022, %div3A_2022 : vector<16xf32>
    %select_n3A_2024 = arith.select %and3A_1985, %mul3A_2023, %broadcast_in_dim3A_31 : vector<16xi1>, vector<16xf32>
    %add3A_2025 = arith.addf %add3A_1907, %select_n3A_2024 : vector<16xf32>
    %sub3A_2026 = arith.subf %div3A_2022, %div3A_1981 : vector<16xf32>
    %mul3A_2027 = arith.mulf %sub3A_2026, %sub3A_2026 : vector<16xf32>
    %select_n3A_2028 = arith.select %and3A_1985, %mul3A_2027, %broadcast_in_dim3A_31 : vector<16xi1>, vector<16xf32>
    %add3A_2029 = arith.addf %add3A_1911, %select_n3A_2028 : vector<16xf32>
    %exp3A_2030 = math.exp %gather3A_2004 : vector<16xf32>
    %mul3A_2031 = arith.constant 1.032000e+01 : f32
    %mul3A_2032 = vector.broadcast %mul3A_2031 : f32 to vector<16xf32>
    %mul3A_2033 = arith.mulf %exp3A_2030, %mul3A_2032 : vector<16xf32>
    %exp3A_2034 = math.exp %gather3A_2008 : vector<16xf32>
    %mul3A_2035 = arith.constant 1.065000e+01 : f32
    %mul3A_2036 = vector.broadcast %mul3A_2035 : f32 to vector<16xf32>
    %mul3A_2037 = arith.mulf %exp3A_2034, %mul3A_2036 : vector<16xf32>
    %sub3A_2038 = arith.constant 1.032000e+01 : f32
    %sub3A_2039 = vector.broadcast %sub3A_2038 : f32 to vector<16xf32>
    %sub3A_2040 = arith.subf %mul3A_2033, %sub3A_2039 : vector<16xf32>
    %sub3A_2041 = arith.constant 1.065000e+01 : f32
    %sub3A_2042 = vector.broadcast %sub3A_2041 : f32 to vector<16xf32>
    %sub3A_2043 = arith.subf %mul3A_2037, %sub3A_2042 : vector<16xf32>
    %mul3A_2044 = arith.mulf %sub3A_2040, %sub3A_2040 : vector<16xf32>
    %mul3A_2045 = arith.mulf %sub3A_2043, %sub3A_2043 : vector<16xf32>
    %add3A_2046 = arith.addf %mul3A_2044, %mul3A_2045 : vector<16xf32>
    %select_n3A_2047 = arith.select %and3A_1985, %add3A_2046, %broadcast_in_dim3A_31 : vector<16xi1>, vector<16xf32>
    %add3A_2048 = arith.addf %add3A_1930, %select_n3A_2047 : vector<16xf32>
    %neg3A_2049 = arith.constant 0.000000e+00 : f32
    %neg3A_2050 = vector.broadcast %neg3A_2049 : f32 to vector<16xf32>
    %neg3A_2051 = arith.subf %neg3A_2050, %gather3A_1996 : vector<16xf32>
    %exp3A_2052 = math.exp %neg3A_2051 : vector<16xf32>
    %add3A_2053 = arith.constant 1.000000e+00 : f32
    %add3A_2054 = vector.broadcast %add3A_2053 : f32 to vector<16xf32>
    %add3A_2055 = arith.addf %add3A_2054, %exp3A_2052 : vector<16xf32>
    %div3A_2056 = arith.constant 1.000000e+00 : f32
    %div3A_2057 = vector.broadcast %div3A_2056 : f32 to vector<16xf32>
    %div3A_2058 = arith.divf %div3A_2057, %add3A_2055 : vector<16xf32>
    %add3A_2059 = arith.addf %div3A_2058, %convert_element_type3A_1481 : vector<16xf32>
    %neg3A_2060 = arith.constant 0.000000e+00 : f32
    %neg3A_2061 = vector.broadcast %neg3A_2060 : f32 to vector<16xf32>
    %neg3A_2062 = arith.subf %neg3A_2061, %gather3A_2000 : vector<16xf32>
    %exp3A_2063 = math.exp %neg3A_2062 : vector<16xf32>
    %add3A_2064 = arith.constant 1.000000e+00 : f32
    %add3A_2065 = vector.broadcast %add3A_2064 : f32 to vector<16xf32>
    %add3A_2066 = arith.addf %add3A_2065, %exp3A_2063 : vector<16xf32>
    %div3A_2067 = arith.constant 1.000000e+00 : f32
    %div3A_2068 = vector.broadcast %div3A_2067 : f32 to vector<16xf32>
    %div3A_2069 = arith.divf %div3A_2068, %add3A_2066 : vector<16xf32>
    %add3A_2070 = arith.addf %div3A_2069, %convert_element_type3A_1489 : vector<16xf32>
    %sub3A_2071 = arith.subf %add3A_2059, %mul3A_1452 : vector<16xf32>
    %sub3A_2072 = arith.subf %add3A_2070, %mul3A_1459 : vector<16xf32>
    %sub3A_2073 = arith.subf %mul3A_2033, %mul3A_1466 : vector<16xf32>
    %sub3A_2074 = arith.subf %mul3A_2037, %mul3A_1473 : vector<16xf32>
    %mul3A_2075 = arith.mulf %sub3A_2071, %sub3A_2071 : vector<16xf32>
    %mul3A_2076 = arith.mulf %sub3A_2072, %sub3A_2072 : vector<16xf32>
    %add3A_2077 = arith.addf %mul3A_2075, %mul3A_2076 : vector<16xf32>
    %mul3A_2078 = arith.mulf %sub3A_2073, %sub3A_2073 : vector<16xf32>
    %add3A_2079 = arith.addf %add3A_2077, %mul3A_2078 : vector<16xf32>
    %mul3A_2080 = arith.mulf %sub3A_2074, %sub3A_2074 : vector<16xf32>
    %add3A_2081 = arith.addf %add3A_2079, %mul3A_2080 : vector<16xf32>
    %select_n3A_2082 = arith.select %and3A_1985, %add3A_2081, %broadcast_in_dim3A_31 : vector<16xi1>, vector<16xf32>
    %add3A_2083 = arith.addf %add3A_1965, %select_n3A_2082 : vector<16xf32>
    %mul3A_2084 = arith.constant 4 : i32
    %mul3A_2085 = arith.muli %select_n3A_30, %mul3A_2084 : i32
    %add3A_2086 = arith.constant 2 : i32
    %add3A_2087 = arith.addi %mul3A_2085, %add3A_2086 : i32
    %mul3A_2088 = arith.constant 16 : i32
    %mul3A_2089 = arith.muli %add3A_2087, %mul3A_2088 : i32
    %add3A_2090 = vector.broadcast %mul3A_2089 : i32 to vector<16xi32>
    %add3A_2091 = arith.addi %iota3A, %add3A_2090 : vector<16xi32>
    %gather3A_2092 = tpu.vector_load_idx %arg9[%add3A_2091] : memref<128xi32, #tpu.memory_space<vmem>>[vector<16xi32>], vector<16xi32>,
    %broadcast_in_dim3A_2093 = arith.constant 0 : i32
    %broadcast_in_dim3A_2094 = vector.broadcast %broadcast_in_dim3A_2093 : i32 to vector<16xi32>
    %scan3A_2095 = arith.constant 0 : i32
    %scan3A_2096 = arith.constant 128 : i32
    %scan3A_2097 = arith.addi %scan3A_2095, %scan3A_2096 : i32
    %scan3A_2098 = arith.constant 1 : i32
    %scan3A_2099 = scf.for %scan3A_3503 = %scan3A_2095 to %scan3A_2097 step %scan3A_2098 iter_args(%scan3A_3504 = %broadcast_in_dim3A_2094) -> (vector<16xi32>)  : i32 {
      %jit3A_3505 = arith.constant 16 : i32
      %div3A_3506 = arith.divsi %scan3A_3503, %jit3A_3505 : i32
      %sign3A_3507 = arith.constant 0 : i32
      %sign3A_3508 = arith.cmpi sgt, %scan3A_3503, %sign3A_3507 : i32
      %sign3A_3509 = arith.extui %sign3A_3508 : i1 to i32
      %sign3A_3510 = arith.constant 0 : i32
      %sign3A_3511 = arith.cmpi slt, %scan3A_3503, %sign3A_3510 : i32
      %sign3A_3512 = arith.extui %sign3A_3511 : i1 to i32
      %sign3A_3513 = arith.subi %sign3A_3509, %sign3A_3512 : i32
      %sign3A_3514 = arith.constant 0 : i32
      %sign3A_3515 = arith.cmpi sgt, %jit3A_3505, %sign3A_3514 : i32
      %sign3A_3516 = arith.extui %sign3A_3515 : i1 to i32
      %sign3A_3517 = arith.constant 0 : i32
      %sign3A_3518 = arith.cmpi slt, %jit3A_3505, %sign3A_3517 : i32
      %sign3A_3519 = arith.extui %sign3A_3518 : i1 to i32
      %sign3A_3520 = arith.subi %sign3A_3516, %sign3A_3519 : i32
      %ne3A_3521 = arith.cmpi ne, %sign3A_3513, %sign3A_3520 : i32
      %rem3A_3522 = arith.remsi %scan3A_3503, %jit3A_3505 : i32
      %ne3A_3523 = arith.constant 0 : i32
      %ne3A_3524 = arith.cmpi ne, %rem3A_3522, %ne3A_3523 : i32
      %and3A_3525 = arith.andi %ne3A_3521, %ne3A_3524 : i1
      %sub3A_3526 = arith.constant 1 : i32
      %sub3A_3527 = arith.subi %div3A_3506, %sub3A_3526 : i32
      %select_n3A_3528 = arith.select %and3A_3525, %sub3A_3527, %div3A_3506 : i32
      %mul3A_3529 = arith.constant 16 : i32
      %mul3A_3530 = arith.muli %select_n3A_3528, %mul3A_3529 : i32
      %sub3A_3531 = arith.subi %scan3A_3503, %mul3A_3530 : i32
      %add3A_3532 = vector.broadcast %sub3A_3531 : i32 to vector<16xi32>
      %add3A_3533 = arith.addi %iota3A, %add3A_3532 : vector<16xi32>
      %and3A_3534 = arith.constant 15 : i32
      %and3A_3535 = vector.broadcast %and3A_3534 : i32 to vector<16xi32>
      %and3A_3536 = arith.andi %add3A_3533, %and3A_3535 : vector<16xi32>
      %mul3A_3537 = arith.constant 16 : i32
      %mul3A_3538 = arith.muli %select_n3A_3528, %mul3A_3537 : i32
      %add3A_3539 = vector.broadcast %mul3A_3538 : i32 to vector<16xi32>
      %add3A_3540 = arith.addi %and3A_3536, %add3A_3539 : vector<16xi32>
      %gather3A_3541 = tpu.vector_load_idx %arg9[%add3A_3540] : memref<128xi32, #tpu.memory_space<vmem>>[vector<16xi32>], vector<16xi32>,
      %mul3A_3542 = arith.constant 16 : i32
      %mul3A_3543 = arith.muli %select_n3A_3528, %mul3A_3542 : i32
      %add3A_3544 = vector.broadcast %mul3A_3543 : i32 to vector<16xi32>
      %add3A_3545 = arith.addi %and3A_3536, %add3A_3544 : vector<16xi32>
      %eq3A_3546 = arith.cmpi eq, %gather3A_3541, %gather3A_2092 : vector<16xi32>
      %gt3A_3547 = arith.cmpi sgt, %add3A_3545, %add3A_2091 : vector<16xi32>
      %and3A_3548 = arith.andi %eq3A_3546, %gt3A_3547 : vector<16xi1>
      %convert_element_type3A_3549 = arith.extui %and3A_3548 : vector<16xi1> to vector<16xi32>
      %or3A = arith.ori %scan3A_3504, %convert_element_type3A_3549 : vector<16xi32>
      scf.yield %or3A : vector<16xi32>
    }
    %scan3A_2100 = arith.constant 128 : i32
    %eq3A_2101 = arith.constant 0 : i32
    %eq3A_2102 = vector.broadcast %eq3A_2101 : i32 to vector<16xi32>
    %eq3A_2103 = arith.cmpi eq, %scan3A_2099, %eq3A_2102 : vector<16xi32>
    %lt3A_2104 = arith.constant 100 : i32
    %lt3A_2105 = vector.broadcast %lt3A_2104 : i32 to vector<16xi32>
    %lt3A_2106 = arith.cmpi slt, %add3A_2091, %lt3A_2105 : vector<16xi32>
    %and3A_2107 = arith.andi %eq3A_2103, %lt3A_2106 : vector<16xi1>
    %mul3A_2108 = arith.constant 64 : i32
    %mul3A_2109 = arith.muli %select_n3A_30, %mul3A_2108 : i32
    %add3A_2110 = arith.constant 32 : i32
    %add3A_2111 = arith.addi %mul3A_2109, %add3A_2110 : i32
    %multiple_of3A_2112 = tpu.assume_multiple %add3A_2111, 16 : i32
    %get3A_2113 = arith.index_cast %multiple_of3A_2112 : i32 to index
    %get3A_2114 = tpu.vector_load %arg8[%get3A_2113] {strides = array<i32>} : memref<512xf32, #tpu.memory_space<vmem>>, vector<16xf32>,
    %mul3A_2115 = arith.constant 6.400000e+01 : f32
    %mul3A_2116 = vector.broadcast %mul3A_2115 : f32 to vector<16xf32>
    %mul3A_2117 = arith.mulf %get3A_2114, %mul3A_2116 : vector<16xf32>
    %add3A_2118 = arith.constant 128 : i32
    %add3A_2119 = arith.addi %add3A_2118, %multiple_of3A_2112 : i32
    %get3A_2120 = arith.index_cast %add3A_2119 : i32 to index
    %get3A_2121 = tpu.vector_load %arg8[%get3A_2120] {strides = array<i32>} : memref<512xf32, #tpu.memory_space<vmem>>, vector<16xf32>,
    %mul3A_2122 = arith.constant 6.400000e+01 : f32
    %mul3A_2123 = vector.broadcast %mul3A_2122 : f32 to vector<16xf32>
    %mul3A_2124 = arith.mulf %get3A_2121, %mul3A_2123 : vector<16xf32>
    %add3A_2125 = arith.constant 256 : i32
    %add3A_2126 = arith.addi %add3A_2125, %multiple_of3A_2112 : i32
    %get3A_2127 = arith.index_cast %add3A_2126 : i32 to index
    %get3A_2128 = tpu.vector_load %arg8[%get3A_2127] {strides = array<i32>} : memref<512xf32, #tpu.memory_space<vmem>>, vector<16xf32>,
    %mul3A_2129 = arith.constant 6.400000e+01 : f32
    %mul3A_2130 = vector.broadcast %mul3A_2129 : f32 to vector<16xf32>
    %mul3A_2131 = arith.mulf %get3A_2128, %mul3A_2130 : vector<16xf32>
    %add3A_2132 = arith.constant 384 : i32
    %add3A_2133 = arith.addi %add3A_2132, %multiple_of3A_2112 : i32
    %get3A_2134 = arith.index_cast %add3A_2133 : i32 to index
    %get3A_2135 = tpu.vector_load %arg8[%get3A_2134] {strides = array<i32>} : memref<512xf32, #tpu.memory_space<vmem>>, vector<16xf32>,
    %mul3A_2136 = arith.constant 6.400000e+01 : f32
    %mul3A_2137 = vector.broadcast %mul3A_2136 : f32 to vector<16xf32>
    %mul3A_2138 = arith.mulf %get3A_2135, %mul3A_2137 : vector<16xf32>
    %convert_element_type3A_2139 = arith.fptosi %mul3A_2117 : vector<16xf32> to vector<16xi32>
    %max3A_2140 = arith.constant 0 : i32
    %max3A_2141 = vector.broadcast %max3A_2140 : i32 to vector<16xi32>
    %max3A_2142 = arith.maxsi %convert_element_type3A_2139, %max3A_2141 : vector<16xi32>
    %min3A_2143 = arith.constant 63 : i32
    %min3A_2144 = vector.broadcast %min3A_2143 : i32 to vector<16xi32>
    %min3A_2145 = arith.minsi %max3A_2142, %min3A_2144 : vector<16xi32>
    %convert_element_type3A_2146 = arith.sitofp %min3A_2145 : vector<16xi32> to vector<16xf32>
    %convert_element_type3A_2147 = arith.fptosi %mul3A_2124 : vector<16xf32> to vector<16xi32>
    %max3A_2148 = arith.constant 0 : i32
    %max3A_2149 = vector.broadcast %max3A_2148 : i32 to vector<16xi32>
    %max3A_2150 = arith.maxsi %convert_element_type3A_2147, %max3A_2149 : vector<16xi32>
    %min3A_2151 = arith.constant 63 : i32
    %min3A_2152 = vector.broadcast %min3A_2151 : i32 to vector<16xi32>
    %min3A_2153 = arith.minsi %max3A_2150, %min3A_2152 : vector<16xi32>
    %convert_element_type3A_2154 = arith.sitofp %min3A_2153 : vector<16xi32> to vector<16xf32>
    %add3A_2155 = arith.constant 32 : i32
    %add3A_2156 = vector.broadcast %add3A_2155 : i32 to vector<16xi32>
    %add3A_2157 = arith.addi %iota3A, %add3A_2156 : vector<16xi32>
    %gather3A_2158 = tpu.vector_load_idx %arg12[%add3A_2157] : memref<64xi32, #tpu.memory_space<vmem>>[vector<16xi32>], vector<16xi32>,
    %min3A_2159 = arith.constant 1.190000e+00 : f32
    %min3A_2160 = vector.broadcast %min3A_2159 : f32 to vector<16xf32>
    %min3A_2161 = arith.minimumf %mul3A_2131, %min3A_2160 : vector<16xf32>
    %min3A_2162 = arith.constant 1.980000e+00 : f32
    %min3A_2163 = vector.broadcast %min3A_2162 : f32 to vector<16xf32>
    %min3A_2164 = arith.minimumf %mul3A_2138, %min3A_2163 : vector<16xf32>
    %mul3A_2165 = arith.mulf %min3A_2161, %min3A_2164 : vector<16xf32>
    %mul3A_2166 = arith.mulf %mul3A_2131, %mul3A_2138 : vector<16xf32>
    %add3A_2167 = arith.constant 2.35620022 : f32
    %add3A_2168 = vector.broadcast %add3A_2167 : f32 to vector<16xf32>
    %add3A_2169 = arith.addf %mul3A_2166, %add3A_2168 : vector<16xf32>
    %sub3A_2170 = arith.subf %add3A_2169, %mul3A_2165 : vector<16xf32>
    %add3A_2171 = arith.constant 9.99999971E-10 : f32
    %add3A_2172 = vector.broadcast %add3A_2171 : f32 to vector<16xf32>
    %add3A_2173 = arith.addf %sub3A_2170, %add3A_2172 : vector<16xf32>
    %div3A_2174 = arith.divf %mul3A_2165, %add3A_2173 : vector<16xf32>
    %gt3A_2175 = arith.constant 5.000000e-01 : f32
    %gt3A_2176 = vector.broadcast %gt3A_2175 : f32 to vector<16xf32>
    %gt3A_2177 = arith.cmpf ogt, %div3A_2174, %gt3A_2176 : vector<16xf32>
    %and3A_2178 = arith.andi %and3A_2107, %gt3A_2177 : vector<16xi1>
    %jit3A_2179 = arith.constant 1.000000e+00 : f32
    %jit3A_2180 = arith.constant 0.000000e+00 : f32
    %broadcast_in_dim3A_2181 = vector.broadcast %jit3A_2179 : f32 to vector<16xf32>
    %broadcast_in_dim3A_2182 = vector.broadcast %jit3A_2180 : f32 to vector<16xf32>
    %select_n3A_2183 = arith.select %and3A_2178, %broadcast_in_dim3A_2181, %broadcast_in_dim3A_2182 : vector<16xi1>, vector<16xf32>
    %swap3A_2184 = arith.constant 32 : index
    %swap3A_2185 = tpu.vector_load %arg17[%swap3A_2184] {strides = array<i32>} : memref<320xf32, #tpu.memory_space<vmem>>, vector<16xf32>,
    tpu.vector_store %arg17[%swap3A_2184], %select_n3A_2183 {strides = array<i32>} : memref<320xf32, #tpu.memory_space<vmem>>, vector<16xf32>,
    %add3A_2186 = arith.constant 0 : i32
    %add3A_2187 = vector.broadcast %add3A_2186 : i32 to vector<16xi32>
    %add3A_2188 = arith.addi %gather3A_2158, %add3A_2187 : vector<16xi32>
    %gather3A_2189 = tpu.vector_load_idx %arg14[%add3A_2157, %add3A_2188] : memref<64x128xf32, #tpu.memory_space<vmem>>[vector<16xi32>, vector<16xi32>], vector<16xf32>,
    %add3A_2190 = arith.constant 1 : i32
    %add3A_2191 = vector.broadcast %add3A_2190 : i32 to vector<16xi32>
    %add3A_2192 = arith.addi %gather3A_2158, %add3A_2191 : vector<16xi32>
    %gather3A_2193 = tpu.vector_load_idx %arg14[%add3A_2157, %add3A_2192] : memref<64x128xf32, #tpu.memory_space<vmem>>[vector<16xi32>, vector<16xi32>], vector<16xf32>,
    %add3A_2194 = arith.constant 2 : i32
    %add3A_2195 = vector.broadcast %add3A_2194 : i32 to vector<16xi32>
    %add3A_2196 = arith.addi %gather3A_2158, %add3A_2195 : vector<16xi32>
    %gather3A_2197 = tpu.vector_load_idx %arg14[%add3A_2157, %add3A_2196] : memref<64x128xf32, #tpu.memory_space<vmem>>[vector<16xi32>, vector<16xi32>], vector<16xf32>,
    %add3A_2198 = arith.constant 3 : i32
    %add3A_2199 = vector.broadcast %add3A_2198 : i32 to vector<16xi32>
    %add3A_2200 = arith.addi %gather3A_2158, %add3A_2199 : vector<16xi32>
    %gather3A_2201 = tpu.vector_load_idx %arg14[%add3A_2157, %add3A_2200] : memref<64x128xf32, #tpu.memory_space<vmem>>[vector<16xi32>, vector<16xi32>], vector<16xf32>,
    %add3A_2202 = arith.constant 4 : i32
    %add3A_2203 = vector.broadcast %add3A_2202 : i32 to vector<16xi32>
    %add3A_2204 = arith.addi %gather3A_2158, %add3A_2203 : vector<16xi32>
    %gather3A_2205 = tpu.vector_load_idx %arg14[%add3A_2157, %add3A_2204] : memref<64x128xf32, #tpu.memory_space<vmem>>[vector<16xi32>, vector<16xi32>], vector<16xf32>,
    %neg3A_2206 = arith.constant 0.000000e+00 : f32
    %neg3A_2207 = vector.broadcast %neg3A_2206 : f32 to vector<16xf32>
    %neg3A_2208 = arith.subf %neg3A_2207, %gather3A_2205 : vector<16xf32>
    %exp3A_2209 = math.exp %neg3A_2208 : vector<16xf32>
    %add3A_2210 = arith.constant 1.000000e+00 : f32
    %add3A_2211 = vector.broadcast %add3A_2210 : f32 to vector<16xf32>
    %add3A_2212 = arith.addf %add3A_2211, %exp3A_2209 : vector<16xf32>
    %div3A_2213 = arith.constant 1.000000e+00 : f32
    %div3A_2214 = vector.broadcast %div3A_2213 : f32 to vector<16xf32>
    %div3A_2215 = arith.divf %div3A_2214, %add3A_2212 : vector<16xf32>
    %mul3A_2216 = arith.mulf %div3A_2215, %div3A_2215 : vector<16xf32>
    %select_n3A_2217 = arith.select %and3A_2178, %mul3A_2216, %broadcast_in_dim3A_31 : vector<16xi1>, vector<16xf32>
    %add3A_2218 = arith.addf %add3A_2025, %select_n3A_2217 : vector<16xf32>
    %sub3A_2219 = arith.subf %div3A_2215, %div3A_2174 : vector<16xf32>
    %mul3A_2220 = arith.mulf %sub3A_2219, %sub3A_2219 : vector<16xf32>
    %select_n3A_2221 = arith.select %and3A_2178, %mul3A_2220, %broadcast_in_dim3A_31 : vector<16xi1>, vector<16xf32>
    %add3A_2222 = arith.addf %add3A_2029, %select_n3A_2221 : vector<16xf32>
    %exp3A_2223 = math.exp %gather3A_2197 : vector<16xf32>
    %mul3A_2224 = arith.constant 1.190000e+00 : f32
    %mul3A_2225 = vector.broadcast %mul3A_2224 : f32 to vector<16xf32>
    %mul3A_2226 = arith.mulf %exp3A_2223, %mul3A_2225 : vector<16xf32>
    %exp3A_2227 = math.exp %gather3A_2201 : vector<16xf32>
    %mul3A_2228 = arith.constant 1.980000e+00 : f32
    %mul3A_2229 = vector.broadcast %mul3A_2228 : f32 to vector<16xf32>
    %mul3A_2230 = arith.mulf %exp3A_2227, %mul3A_2229 : vector<16xf32>
    %sub3A_2231 = arith.constant 1.190000e+00 : f32
    %sub3A_2232 = vector.broadcast %sub3A_2231 : f32 to vector<16xf32>
    %sub3A_2233 = arith.subf %mul3A_2226, %sub3A_2232 : vector<16xf32>
    %sub3A_2234 = arith.constant 1.980000e+00 : f32
    %sub3A_2235 = vector.broadcast %sub3A_2234 : f32 to vector<16xf32>
    %sub3A_2236 = arith.subf %mul3A_2230, %sub3A_2235 : vector<16xf32>
    %mul3A_2237 = arith.mulf %sub3A_2233, %sub3A_2233 : vector<16xf32>
    %mul3A_2238 = arith.mulf %sub3A_2236, %sub3A_2236 : vector<16xf32>
    %add3A_2239 = arith.addf %mul3A_2237, %mul3A_2238 : vector<16xf32>
    %select_n3A_2240 = arith.select %and3A_2178, %add3A_2239, %broadcast_in_dim3A_31 : vector<16xi1>, vector<16xf32>
    %add3A_2241 = arith.addf %add3A_2048, %select_n3A_2240 : vector<16xf32>
    %neg3A_2242 = arith.constant 0.000000e+00 : f32
    %neg3A_2243 = vector.broadcast %neg3A_2242 : f32 to vector<16xf32>
    %neg3A_2244 = arith.subf %neg3A_2243, %gather3A_2189 : vector<16xf32>
    %exp3A_2245 = math.exp %neg3A_2244 : vector<16xf32>
    %add3A_2246 = arith.constant 1.000000e+00 : f32
    %add3A_2247 = vector.broadcast %add3A_2246 : f32 to vector<16xf32>
    %add3A_2248 = arith.addf %add3A_2247, %exp3A_2245 : vector<16xf32>
    %div3A_2249 = arith.constant 1.000000e+00 : f32
    %div3A_2250 = vector.broadcast %div3A_2249 : f32 to vector<16xf32>
    %div3A_2251 = arith.divf %div3A_2250, %add3A_2248 : vector<16xf32>
    %add3A_2252 = arith.addf %div3A_2251, %convert_element_type3A_2146 : vector<16xf32>
    %neg3A_2253 = arith.constant 0.000000e+00 : f32
    %neg3A_2254 = vector.broadcast %neg3A_2253 : f32 to vector<16xf32>
    %neg3A_2255 = arith.subf %neg3A_2254, %gather3A_2193 : vector<16xf32>
    %exp3A_2256 = math.exp %neg3A_2255 : vector<16xf32>
    %add3A_2257 = arith.constant 1.000000e+00 : f32
    %add3A_2258 = vector.broadcast %add3A_2257 : f32 to vector<16xf32>
    %add3A_2259 = arith.addf %add3A_2258, %exp3A_2256 : vector<16xf32>
    %div3A_2260 = arith.constant 1.000000e+00 : f32
    %div3A_2261 = vector.broadcast %div3A_2260 : f32 to vector<16xf32>
    %div3A_2262 = arith.divf %div3A_2261, %add3A_2259 : vector<16xf32>
    %add3A_2263 = arith.addf %div3A_2262, %convert_element_type3A_2154 : vector<16xf32>
    %sub3A_2264 = arith.subf %add3A_2252, %mul3A_2117 : vector<16xf32>
    %sub3A_2265 = arith.subf %add3A_2263, %mul3A_2124 : vector<16xf32>
    %sub3A_2266 = arith.subf %mul3A_2226, %mul3A_2131 : vector<16xf32>
    %sub3A_2267 = arith.subf %mul3A_2230, %mul3A_2138 : vector<16xf32>
    %mul3A_2268 = arith.mulf %sub3A_2264, %sub3A_2264 : vector<16xf32>
    %mul3A_2269 = arith.mulf %sub3A_2265, %sub3A_2265 : vector<16xf32>
    %add3A_2270 = arith.addf %mul3A_2268, %mul3A_2269 : vector<16xf32>
    %mul3A_2271 = arith.mulf %sub3A_2266, %sub3A_2266 : vector<16xf32>
    %add3A_2272 = arith.addf %add3A_2270, %mul3A_2271 : vector<16xf32>
    %mul3A_2273 = arith.mulf %sub3A_2267, %sub3A_2267 : vector<16xf32>
    %add3A_2274 = arith.addf %add3A_2272, %mul3A_2273 : vector<16xf32>
    %select_n3A_2275 = arith.select %and3A_2178, %add3A_2274, %broadcast_in_dim3A_31 : vector<16xi1>, vector<16xf32>
    %add3A_2276 = arith.addf %add3A_2083, %select_n3A_2275 : vector<16xf32>
    %min3A_2277 = arith.constant 2.790000e+00 : f32
    %min3A_2278 = vector.broadcast %min3A_2277 : f32 to vector<16xf32>
    %min3A_2279 = arith.minimumf %mul3A_2131, %min3A_2278 : vector<16xf32>
    %min3A_2280 = arith.constant 4.590000e+00 : f32
    %min3A_2281 = vector.broadcast %min3A_2280 : f32 to vector<16xf32>
    %min3A_2282 = arith.minimumf %mul3A_2138, %min3A_2281 : vector<16xf32>
    %mul3A_2283 = arith.mulf %min3A_2279, %min3A_2282 : vector<16xf32>
    %mul3A_2284 = arith.mulf %mul3A_2131, %mul3A_2138 : vector<16xf32>
    %add3A_2285 = arith.constant 1.280610e+01 : f32
    %add3A_2286 = vector.broadcast %add3A_2285 : f32 to vector<16xf32>
    %add3A_2287 = arith.addf %mul3A_2284, %add3A_2286 : vector<16xf32>
    %sub3A_2288 = arith.subf %add3A_2287, %mul3A_2283 : vector<16xf32>
    %add3A_2289 = arith.constant 9.99999971E-10 : f32
    %add3A_2290 = vector.broadcast %add3A_2289 : f32 to vector<16xf32>
    %add3A_2291 = arith.addf %sub3A_2288, %add3A_2290 : vector<16xf32>
    %div3A_2292 = arith.divf %mul3A_2283, %add3A_2291 : vector<16xf32>
    %gt3A_2293 = arith.constant 5.000000e-01 : f32
    %gt3A_2294 = vector.broadcast %gt3A_2293 : f32 to vector<16xf32>
    %gt3A_2295 = arith.cmpf ogt, %div3A_2292, %gt3A_2294 : vector<16xf32>
    %and3A_2296 = arith.andi %and3A_2107, %gt3A_2295 : vector<16xi1>
    %jit3A_2297 = arith.constant 1.000000e+00 : f32
    %jit3A_2298 = arith.constant 0.000000e+00 : f32
    %broadcast_in_dim3A_2299 = vector.broadcast %jit3A_2297 : f32 to vector<16xf32>
    %broadcast_in_dim3A_2300 = vector.broadcast %jit3A_2298 : f32 to vector<16xf32>
    %select_n3A_2301 = arith.select %and3A_2296, %broadcast_in_dim3A_2299, %broadcast_in_dim3A_2300 : vector<16xi1>, vector<16xf32>
    %swap3A_2302 = arith.constant 96 : index
    %swap3A_2303 = tpu.vector_load %arg17[%swap3A_2302] {strides = array<i32>} : memref<320xf32, #tpu.memory_space<vmem>>, vector<16xf32>,
    tpu.vector_store %arg17[%swap3A_2302], %select_n3A_2301 {strides = array<i32>} : memref<320xf32, #tpu.memory_space<vmem>>, vector<16xf32>,
    %add3A_2304 = arith.constant 5 : i32
    %add3A_2305 = vector.broadcast %add3A_2304 : i32 to vector<16xi32>
    %add3A_2306 = arith.addi %gather3A_2158, %add3A_2305 : vector<16xi32>
    %gather3A_2307 = tpu.vector_load_idx %arg14[%add3A_2157, %add3A_2306] : memref<64x128xf32, #tpu.memory_space<vmem>>[vector<16xi32>, vector<16xi32>], vector<16xf32>,
    %add3A_2308 = arith.constant 6 : i32
    %add3A_2309 = vector.broadcast %add3A_2308 : i32 to vector<16xi32>
    %add3A_2310 = arith.addi %gather3A_2158, %add3A_2309 : vector<16xi32>
    %gather3A_2311 = tpu.vector_load_idx %arg14[%add3A_2157, %add3A_2310] : memref<64x128xf32, #tpu.memory_space<vmem>>[vector<16xi32>, vector<16xi32>], vector<16xf32>,
    %add3A_2312 = arith.constant 7 : i32
    %add3A_2313 = vector.broadcast %add3A_2312 : i32 to vector<16xi32>
    %add3A_2314 = arith.addi %gather3A_2158, %add3A_2313 : vector<16xi32>
    %gather3A_2315 = tpu.vector_load_idx %arg14[%add3A_2157, %add3A_2314] : memref<64x128xf32, #tpu.memory_space<vmem>>[vector<16xi32>, vector<16xi32>], vector<16xf32>,
    %add3A_2316 = arith.constant 8 : i32
    %add3A_2317 = vector.broadcast %add3A_2316 : i32 to vector<16xi32>
    %add3A_2318 = arith.addi %gather3A_2158, %add3A_2317 : vector<16xi32>
    %gather3A_2319 = tpu.vector_load_idx %arg14[%add3A_2157, %add3A_2318] : memref<64x128xf32, #tpu.memory_space<vmem>>[vector<16xi32>, vector<16xi32>], vector<16xf32>,
    %add3A_2320 = arith.constant 9 : i32
    %add3A_2321 = vector.broadcast %add3A_2320 : i32 to vector<16xi32>
    %add3A_2322 = arith.addi %gather3A_2158, %add3A_2321 : vector<16xi32>
    %gather3A_2323 = tpu.vector_load_idx %arg14[%add3A_2157, %add3A_2322] : memref<64x128xf32, #tpu.memory_space<vmem>>[vector<16xi32>, vector<16xi32>], vector<16xf32>,
    %neg3A_2324 = arith.constant 0.000000e+00 : f32
    %neg3A_2325 = vector.broadcast %neg3A_2324 : f32 to vector<16xf32>
    %neg3A_2326 = arith.subf %neg3A_2325, %gather3A_2323 : vector<16xf32>
    %exp3A_2327 = math.exp %neg3A_2326 : vector<16xf32>
    %add3A_2328 = arith.constant 1.000000e+00 : f32
    %add3A_2329 = vector.broadcast %add3A_2328 : f32 to vector<16xf32>
    %add3A_2330 = arith.addf %add3A_2329, %exp3A_2327 : vector<16xf32>
    %div3A_2331 = arith.constant 1.000000e+00 : f32
    %div3A_2332 = vector.broadcast %div3A_2331 : f32 to vector<16xf32>
    %div3A_2333 = arith.divf %div3A_2332, %add3A_2330 : vector<16xf32>
    %mul3A_2334 = arith.mulf %div3A_2333, %div3A_2333 : vector<16xf32>
    %select_n3A_2335 = arith.select %and3A_2296, %mul3A_2334, %broadcast_in_dim3A_31 : vector<16xi1>, vector<16xf32>
    %add3A_2336 = arith.addf %add3A_2218, %select_n3A_2335 : vector<16xf32>
    %sub3A_2337 = arith.subf %div3A_2333, %div3A_2292 : vector<16xf32>
    %mul3A_2338 = arith.mulf %sub3A_2337, %sub3A_2337 : vector<16xf32>
    %select_n3A_2339 = arith.select %and3A_2296, %mul3A_2338, %broadcast_in_dim3A_31 : vector<16xi1>, vector<16xf32>
    %add3A_2340 = arith.addf %add3A_2222, %select_n3A_2339 : vector<16xf32>
    %exp3A_2341 = math.exp %gather3A_2315 : vector<16xf32>
    %mul3A_2342 = arith.constant 2.790000e+00 : f32
    %mul3A_2343 = vector.broadcast %mul3A_2342 : f32 to vector<16xf32>
    %mul3A_2344 = arith.mulf %exp3A_2341, %mul3A_2343 : vector<16xf32>
    %exp3A_2345 = math.exp %gather3A_2319 : vector<16xf32>
    %mul3A_2346 = arith.constant 4.590000e+00 : f32
    %mul3A_2347 = vector.broadcast %mul3A_2346 : f32 to vector<16xf32>
    %mul3A_2348 = arith.mulf %exp3A_2345, %mul3A_2347 : vector<16xf32>
    %sub3A_2349 = arith.constant 2.790000e+00 : f32
    %sub3A_2350 = vector.broadcast %sub3A_2349 : f32 to vector<16xf32>
    %sub3A_2351 = arith.subf %mul3A_2344, %sub3A_2350 : vector<16xf32>
    %sub3A_2352 = arith.constant 4.590000e+00 : f32
    %sub3A_2353 = vector.broadcast %sub3A_2352 : f32 to vector<16xf32>
    %sub3A_2354 = arith.subf %mul3A_2348, %sub3A_2353 : vector<16xf32>
    %mul3A_2355 = arith.mulf %sub3A_2351, %sub3A_2351 : vector<16xf32>
    %mul3A_2356 = arith.mulf %sub3A_2354, %sub3A_2354 : vector<16xf32>
    %add3A_2357 = arith.addf %mul3A_2355, %mul3A_2356 : vector<16xf32>
    %select_n3A_2358 = arith.select %and3A_2296, %add3A_2357, %broadcast_in_dim3A_31 : vector<16xi1>, vector<16xf32>
    %add3A_2359 = arith.addf %add3A_2241, %select_n3A_2358 : vector<16xf32>
    %neg3A_2360 = arith.constant 0.000000e+00 : f32
    %neg3A_2361 = vector.broadcast %neg3A_2360 : f32 to vector<16xf32>
    %neg3A_2362 = arith.subf %neg3A_2361, %gather3A_2307 : vector<16xf32>
    %exp3A_2363 = math.exp %neg3A_2362 : vector<16xf32>
    %add3A_2364 = arith.constant 1.000000e+00 : f32
    %add3A_2365 = vector.broadcast %add3A_2364 : f32 to vector<16xf32>
    %add3A_2366 = arith.addf %add3A_2365, %exp3A_2363 : vector<16xf32>
    %div3A_2367 = arith.constant 1.000000e+00 : f32
    %div3A_2368 = vector.broadcast %div3A_2367 : f32 to vector<16xf32>
    %div3A_2369 = arith.divf %div3A_2368, %add3A_2366 : vector<16xf32>
    %add3A_2370 = arith.addf %div3A_2369, %convert_element_type3A_2146 : vector<16xf32>
    %neg3A_2371 = arith.constant 0.000000e+00 : f32
    %neg3A_2372 = vector.broadcast %neg3A_2371 : f32 to vector<16xf32>
    %neg3A_2373 = arith.subf %neg3A_2372, %gather3A_2311 : vector<16xf32>
    %exp3A_2374 = math.exp %neg3A_2373 : vector<16xf32>
    %add3A_2375 = arith.constant 1.000000e+00 : f32
    %add3A_2376 = vector.broadcast %add3A_2375 : f32 to vector<16xf32>
    %add3A_2377 = arith.addf %add3A_2376, %exp3A_2374 : vector<16xf32>
    %div3A_2378 = arith.constant 1.000000e+00 : f32
    %div3A_2379 = vector.broadcast %div3A_2378 : f32 to vector<16xf32>
    %div3A_2380 = arith.divf %div3A_2379, %add3A_2377 : vector<16xf32>
    %add3A_2381 = arith.addf %div3A_2380, %convert_element_type3A_2154 : vector<16xf32>
    %sub3A_2382 = arith.subf %add3A_2370, %mul3A_2117 : vector<16xf32>
    %sub3A_2383 = arith.subf %add3A_2381, %mul3A_2124 : vector<16xf32>
    %sub3A_2384 = arith.subf %mul3A_2344, %mul3A_2131 : vector<16xf32>
    %sub3A_2385 = arith.subf %mul3A_2348, %mul3A_2138 : vector<16xf32>
    %mul3A_2386 = arith.mulf %sub3A_2382, %sub3A_2382 : vector<16xf32>
    %mul3A_2387 = arith.mulf %sub3A_2383, %sub3A_2383 : vector<16xf32>
    %add3A_2388 = arith.addf %mul3A_2386, %mul3A_2387 : vector<16xf32>
    %mul3A_2389 = arith.mulf %sub3A_2384, %sub3A_2384 : vector<16xf32>
    %add3A_2390 = arith.addf %add3A_2388, %mul3A_2389 : vector<16xf32>
    %mul3A_2391 = arith.mulf %sub3A_2385, %sub3A_2385 : vector<16xf32>
    %add3A_2392 = arith.addf %add3A_2390, %mul3A_2391 : vector<16xf32>
    %select_n3A_2393 = arith.select %and3A_2296, %add3A_2392, %broadcast_in_dim3A_31 : vector<16xi1>, vector<16xf32>
    %add3A_2394 = arith.addf %add3A_2276, %select_n3A_2393 : vector<16xf32>
    %min3A_2395 = arith.constant 4.530000e+00 : f32
    %min3A_2396 = vector.broadcast %min3A_2395 : f32 to vector<16xf32>
    %min3A_2397 = arith.minimumf %mul3A_2131, %min3A_2396 : vector<16xf32>
    %min3A_2398 = arith.constant 8.920000e+00 : f32
    %min3A_2399 = vector.broadcast %min3A_2398 : f32 to vector<16xf32>
    %min3A_2400 = arith.minimumf %mul3A_2138, %min3A_2399 : vector<16xf32>
    %mul3A_2401 = arith.mulf %min3A_2397, %min3A_2400 : vector<16xf32>
    %mul3A_2402 = arith.mulf %mul3A_2131, %mul3A_2138 : vector<16xf32>
    %add3A_2403 = arith.constant 4.040760e+01 : f32
    %add3A_2404 = vector.broadcast %add3A_2403 : f32 to vector<16xf32>
    %add3A_2405 = arith.addf %mul3A_2402, %add3A_2404 : vector<16xf32>
    %sub3A_2406 = arith.subf %add3A_2405, %mul3A_2401 : vector<16xf32>
    %add3A_2407 = arith.constant 9.99999971E-10 : f32
    %add3A_2408 = vector.broadcast %add3A_2407 : f32 to vector<16xf32>
    %add3A_2409 = arith.addf %sub3A_2406, %add3A_2408 : vector<16xf32>
    %div3A_2410 = arith.divf %mul3A_2401, %add3A_2409 : vector<16xf32>
    %gt3A_2411 = arith.constant 5.000000e-01 : f32
    %gt3A_2412 = vector.broadcast %gt3A_2411 : f32 to vector<16xf32>
    %gt3A_2413 = arith.cmpf ogt, %div3A_2410, %gt3A_2412 : vector<16xf32>
    %and3A_2414 = arith.andi %and3A_2107, %gt3A_2413 : vector<16xi1>
    %jit3A_2415 = arith.constant 1.000000e+00 : f32
    %jit3A_2416 = arith.constant 0.000000e+00 : f32
    %broadcast_in_dim3A_2417 = vector.broadcast %jit3A_2415 : f32 to vector<16xf32>
    %broadcast_in_dim3A_2418 = vector.broadcast %jit3A_2416 : f32 to vector<16xf32>
    %select_n3A_2419 = arith.select %and3A_2414, %broadcast_in_dim3A_2417, %broadcast_in_dim3A_2418 : vector<16xi1>, vector<16xf32>
    %swap3A_2420 = arith.constant 160 : index
    %swap3A_2421 = tpu.vector_load %arg17[%swap3A_2420] {strides = array<i32>} : memref<320xf32, #tpu.memory_space<vmem>>, vector<16xf32>,
    tpu.vector_store %arg17[%swap3A_2420], %select_n3A_2419 {strides = array<i32>} : memref<320xf32, #tpu.memory_space<vmem>>, vector<16xf32>,
    %add3A_2422 = arith.constant 10 : i32
    %add3A_2423 = vector.broadcast %add3A_2422 : i32 to vector<16xi32>
    %add3A_2424 = arith.addi %gather3A_2158, %add3A_2423 : vector<16xi32>
    %gather3A_2425 = tpu.vector_load_idx %arg14[%add3A_2157, %add3A_2424] : memref<64x128xf32, #tpu.memory_space<vmem>>[vector<16xi32>, vector<16xi32>], vector<16xf32>,
    %add3A_2426 = arith.constant 11 : i32
    %add3A_2427 = vector.broadcast %add3A_2426 : i32 to vector<16xi32>
    %add3A_2428 = arith.addi %gather3A_2158, %add3A_2427 : vector<16xi32>
    %gather3A_2429 = tpu.vector_load_idx %arg14[%add3A_2157, %add3A_2428] : memref<64x128xf32, #tpu.memory_space<vmem>>[vector<16xi32>, vector<16xi32>], vector<16xf32>,
    %add3A_2430 = arith.constant 12 : i32
    %add3A_2431 = vector.broadcast %add3A_2430 : i32 to vector<16xi32>
    %add3A_2432 = arith.addi %gather3A_2158, %add3A_2431 : vector<16xi32>
    %gather3A_2433 = tpu.vector_load_idx %arg14[%add3A_2157, %add3A_2432] : memref<64x128xf32, #tpu.memory_space<vmem>>[vector<16xi32>, vector<16xi32>], vector<16xf32>,
    %add3A_2434 = arith.constant 13 : i32
    %add3A_2435 = vector.broadcast %add3A_2434 : i32 to vector<16xi32>
    %add3A_2436 = arith.addi %gather3A_2158, %add3A_2435 : vector<16xi32>
    %gather3A_2437 = tpu.vector_load_idx %arg14[%add3A_2157, %add3A_2436] : memref<64x128xf32, #tpu.memory_space<vmem>>[vector<16xi32>, vector<16xi32>], vector<16xf32>,
    %add3A_2438 = arith.constant 14 : i32
    %add3A_2439 = vector.broadcast %add3A_2438 : i32 to vector<16xi32>
    %add3A_2440 = arith.addi %gather3A_2158, %add3A_2439 : vector<16xi32>
    %gather3A_2441 = tpu.vector_load_idx %arg14[%add3A_2157, %add3A_2440] : memref<64x128xf32, #tpu.memory_space<vmem>>[vector<16xi32>, vector<16xi32>], vector<16xf32>,
    %neg3A_2442 = arith.constant 0.000000e+00 : f32
    %neg3A_2443 = vector.broadcast %neg3A_2442 : f32 to vector<16xf32>
    %neg3A_2444 = arith.subf %neg3A_2443, %gather3A_2441 : vector<16xf32>
    %exp3A_2445 = math.exp %neg3A_2444 : vector<16xf32>
    %add3A_2446 = arith.constant 1.000000e+00 : f32
    %add3A_2447 = vector.broadcast %add3A_2446 : f32 to vector<16xf32>
    %add3A_2448 = arith.addf %add3A_2447, %exp3A_2445 : vector<16xf32>
    %div3A_2449 = arith.constant 1.000000e+00 : f32
    %div3A_2450 = vector.broadcast %div3A_2449 : f32 to vector<16xf32>
    %div3A_2451 = arith.divf %div3A_2450, %add3A_2448 : vector<16xf32>
    %mul3A_2452 = arith.mulf %div3A_2451, %div3A_2451 : vector<16xf32>
    %select_n3A_2453 = arith.select %and3A_2414, %mul3A_2452, %broadcast_in_dim3A_31 : vector<16xi1>, vector<16xf32>
    %add3A_2454 = arith.addf %add3A_2336, %select_n3A_2453 : vector<16xf32>
    %sub3A_2455 = arith.subf %div3A_2451, %div3A_2410 : vector<16xf32>
    %mul3A_2456 = arith.mulf %sub3A_2455, %sub3A_2455 : vector<16xf32>
    %select_n3A_2457 = arith.select %and3A_2414, %mul3A_2456, %broadcast_in_dim3A_31 : vector<16xi1>, vector<16xf32>
    %add3A_2458 = arith.addf %add3A_2340, %select_n3A_2457 : vector<16xf32>
    %exp3A_2459 = math.exp %gather3A_2433 : vector<16xf32>
    %mul3A_2460 = arith.constant 4.530000e+00 : f32
    %mul3A_2461 = vector.broadcast %mul3A_2460 : f32 to vector<16xf32>
    %mul3A_2462 = arith.mulf %exp3A_2459, %mul3A_2461 : vector<16xf32>
    %exp3A_2463 = math.exp %gather3A_2437 : vector<16xf32>
    %mul3A_2464 = arith.constant 8.920000e+00 : f32
    %mul3A_2465 = vector.broadcast %mul3A_2464 : f32 to vector<16xf32>
    %mul3A_2466 = arith.mulf %exp3A_2463, %mul3A_2465 : vector<16xf32>
    %sub3A_2467 = arith.constant 4.530000e+00 : f32
    %sub3A_2468 = vector.broadcast %sub3A_2467 : f32 to vector<16xf32>
    %sub3A_2469 = arith.subf %mul3A_2462, %sub3A_2468 : vector<16xf32>
    %sub3A_2470 = arith.constant 8.920000e+00 : f32
    %sub3A_2471 = vector.broadcast %sub3A_2470 : f32 to vector<16xf32>
    %sub3A_2472 = arith.subf %mul3A_2466, %sub3A_2471 : vector<16xf32>
    %mul3A_2473 = arith.mulf %sub3A_2469, %sub3A_2469 : vector<16xf32>
    %mul3A_2474 = arith.mulf %sub3A_2472, %sub3A_2472 : vector<16xf32>
    %add3A_2475 = arith.addf %mul3A_2473, %mul3A_2474 : vector<16xf32>
    %select_n3A_2476 = arith.select %and3A_2414, %add3A_2475, %broadcast_in_dim3A_31 : vector<16xi1>, vector<16xf32>
    %add3A_2477 = arith.addf %add3A_2359, %select_n3A_2476 : vector<16xf32>
    %neg3A_2478 = arith.constant 0.000000e+00 : f32
    %neg3A_2479 = vector.broadcast %neg3A_2478 : f32 to vector<16xf32>
    %neg3A_2480 = arith.subf %neg3A_2479, %gather3A_2425 : vector<16xf32>
    %exp3A_2481 = math.exp %neg3A_2480 : vector<16xf32>
    %add3A_2482 = arith.constant 1.000000e+00 : f32
    %add3A_2483 = vector.broadcast %add3A_2482 : f32 to vector<16xf32>
    %add3A_2484 = arith.addf %add3A_2483, %exp3A_2481 : vector<16xf32>
    %div3A_2485 = arith.constant 1.000000e+00 : f32
    %div3A_2486 = vector.broadcast %div3A_2485 : f32 to vector<16xf32>
    %div3A_2487 = arith.divf %div3A_2486, %add3A_2484 : vector<16xf32>
    %add3A_2488 = arith.addf %div3A_2487, %convert_element_type3A_2146 : vector<16xf32>
    %neg3A_2489 = arith.constant 0.000000e+00 : f32
    %neg3A_2490 = vector.broadcast %neg3A_2489 : f32 to vector<16xf32>
    %neg3A_2491 = arith.subf %neg3A_2490, %gather3A_2429 : vector<16xf32>
    %exp3A_2492 = math.exp %neg3A_2491 : vector<16xf32>
    %add3A_2493 = arith.constant 1.000000e+00 : f32
    %add3A_2494 = vector.broadcast %add3A_2493 : f32 to vector<16xf32>
    %add3A_2495 = arith.addf %add3A_2494, %exp3A_2492 : vector<16xf32>
    %div3A_2496 = arith.constant 1.000000e+00 : f32
    %div3A_2497 = vector.broadcast %div3A_2496 : f32 to vector<16xf32>
    %div3A_2498 = arith.divf %div3A_2497, %add3A_2495 : vector<16xf32>
    %add3A_2499 = arith.addf %div3A_2498, %convert_element_type3A_2154 : vector<16xf32>
    %sub3A_2500 = arith.subf %add3A_2488, %mul3A_2117 : vector<16xf32>
    %sub3A_2501 = arith.subf %add3A_2499, %mul3A_2124 : vector<16xf32>
    %sub3A_2502 = arith.subf %mul3A_2462, %mul3A_2131 : vector<16xf32>
    %sub3A_2503 = arith.subf %mul3A_2466, %mul3A_2138 : vector<16xf32>
    %mul3A_2504 = arith.mulf %sub3A_2500, %sub3A_2500 : vector<16xf32>
    %mul3A_2505 = arith.mulf %sub3A_2501, %sub3A_2501 : vector<16xf32>
    %add3A_2506 = arith.addf %mul3A_2504, %mul3A_2505 : vector<16xf32>
    %mul3A_2507 = arith.mulf %sub3A_2502, %sub3A_2502 : vector<16xf32>
    %add3A_2508 = arith.addf %add3A_2506, %mul3A_2507 : vector<16xf32>
    %mul3A_2509 = arith.mulf %sub3A_2503, %sub3A_2503 : vector<16xf32>
    %add3A_2510 = arith.addf %add3A_2508, %mul3A_2509 : vector<16xf32>
    %select_n3A_2511 = arith.select %and3A_2414, %add3A_2510, %broadcast_in_dim3A_31 : vector<16xi1>, vector<16xf32>
    %add3A_2512 = arith.addf %add3A_2394, %select_n3A_2511 : vector<16xf32>
    %min3A_2513 = arith.constant 8.060000e+00 : f32
    %min3A_2514 = vector.broadcast %min3A_2513 : f32 to vector<16xf32>
    %min3A_2515 = arith.minimumf %mul3A_2131, %min3A_2514 : vector<16xf32>
    %min3A_2516 = arith.constant 5.290000e+00 : f32
    %min3A_2517 = vector.broadcast %min3A_2516 : f32 to vector<16xf32>
    %min3A_2518 = arith.minimumf %mul3A_2138, %min3A_2517 : vector<16xf32>
    %mul3A_2519 = arith.mulf %min3A_2515, %min3A_2518 : vector<16xf32>
    %mul3A_2520 = arith.mulf %mul3A_2131, %mul3A_2138 : vector<16xf32>
    %add3A_2521 = arith.constant 4.263740e+01 : f32
    %add3A_2522 = vector.broadcast %add3A_2521 : f32 to vector<16xf32>
    %add3A_2523 = arith.addf %mul3A_2520, %add3A_2522 : vector<16xf32>
    %sub3A_2524 = arith.subf %add3A_2523, %mul3A_2519 : vector<16xf32>
    %add3A_2525 = arith.constant 9.99999971E-10 : f32
    %add3A_2526 = vector.broadcast %add3A_2525 : f32 to vector<16xf32>
    %add3A_2527 = arith.addf %sub3A_2524, %add3A_2526 : vector<16xf32>
    %div3A_2528 = arith.divf %mul3A_2519, %add3A_2527 : vector<16xf32>
    %gt3A_2529 = arith.constant 5.000000e-01 : f32
    %gt3A_2530 = vector.broadcast %gt3A_2529 : f32 to vector<16xf32>
    %gt3A_2531 = arith.cmpf ogt, %div3A_2528, %gt3A_2530 : vector<16xf32>
    %and3A_2532 = arith.andi %and3A_2107, %gt3A_2531 : vector<16xi1>
    %jit3A_2533 = arith.constant 1.000000e+00 : f32
    %jit3A_2534 = arith.constant 0.000000e+00 : f32
    %broadcast_in_dim3A_2535 = vector.broadcast %jit3A_2533 : f32 to vector<16xf32>
    %broadcast_in_dim3A_2536 = vector.broadcast %jit3A_2534 : f32 to vector<16xf32>
    %select_n3A_2537 = arith.select %and3A_2532, %broadcast_in_dim3A_2535, %broadcast_in_dim3A_2536 : vector<16xi1>, vector<16xf32>
    %swap3A_2538 = arith.constant 224 : index
    %swap3A_2539 = tpu.vector_load %arg17[%swap3A_2538] {strides = array<i32>} : memref<320xf32, #tpu.memory_space<vmem>>, vector<16xf32>,
    tpu.vector_store %arg17[%swap3A_2538], %select_n3A_2537 {strides = array<i32>} : memref<320xf32, #tpu.memory_space<vmem>>, vector<16xf32>,
    %add3A_2540 = arith.constant 15 : i32
    %add3A_2541 = vector.broadcast %add3A_2540 : i32 to vector<16xi32>
    %add3A_2542 = arith.addi %gather3A_2158, %add3A_2541 : vector<16xi32>
    %gather3A_2543 = tpu.vector_load_idx %arg14[%add3A_2157, %add3A_2542] : memref<64x128xf32, #tpu.memory_space<vmem>>[vector<16xi32>, vector<16xi32>], vector<16xf32>,
    %add3A_2544 = arith.constant 16 : i32
    %add3A_2545 = vector.broadcast %add3A_2544 : i32 to vector<16xi32>
    %add3A_2546 = arith.addi %gather3A_2158, %add3A_2545 : vector<16xi32>
    %gather3A_2547 = tpu.vector_load_idx %arg14[%add3A_2157, %add3A_2546] : memref<64x128xf32, #tpu.memory_space<vmem>>[vector<16xi32>, vector<16xi32>], vector<16xf32>,
    %add3A_2548 = arith.constant 17 : i32
    %add3A_2549 = vector.broadcast %add3A_2548 : i32 to vector<16xi32>
    %add3A_2550 = arith.addi %gather3A_2158, %add3A_2549 : vector<16xi32>
    %gather3A_2551 = tpu.vector_load_idx %arg14[%add3A_2157, %add3A_2550] : memref<64x128xf32, #tpu.memory_space<vmem>>[vector<16xi32>, vector<16xi32>], vector<16xf32>,
    %add3A_2552 = arith.constant 18 : i32
    %add3A_2553 = vector.broadcast %add3A_2552 : i32 to vector<16xi32>
    %add3A_2554 = arith.addi %gather3A_2158, %add3A_2553 : vector<16xi32>
    %gather3A_2555 = tpu.vector_load_idx %arg14[%add3A_2157, %add3A_2554] : memref<64x128xf32, #tpu.memory_space<vmem>>[vector<16xi32>, vector<16xi32>], vector<16xf32>,
    %add3A_2556 = arith.constant 19 : i32
    %add3A_2557 = vector.broadcast %add3A_2556 : i32 to vector<16xi32>
    %add3A_2558 = arith.addi %gather3A_2158, %add3A_2557 : vector<16xi32>
    %gather3A_2559 = tpu.vector_load_idx %arg14[%add3A_2157, %add3A_2558] : memref<64x128xf32, #tpu.memory_space<vmem>>[vector<16xi32>, vector<16xi32>], vector<16xf32>,
    %neg3A_2560 = arith.constant 0.000000e+00 : f32
    %neg3A_2561 = vector.broadcast %neg3A_2560 : f32 to vector<16xf32>
    %neg3A_2562 = arith.subf %neg3A_2561, %gather3A_2559 : vector<16xf32>
    %exp3A_2563 = math.exp %neg3A_2562 : vector<16xf32>
    %add3A_2564 = arith.constant 1.000000e+00 : f32
    %add3A_2565 = vector.broadcast %add3A_2564 : f32 to vector<16xf32>
    %add3A_2566 = arith.addf %add3A_2565, %exp3A_2563 : vector<16xf32>
    %div3A_2567 = arith.constant 1.000000e+00 : f32
    %div3A_2568 = vector.broadcast %div3A_2567 : f32 to vector<16xf32>
    %div3A_2569 = arith.divf %div3A_2568, %add3A_2566 : vector<16xf32>
    %mul3A_2570 = arith.mulf %div3A_2569, %div3A_2569 : vector<16xf32>
    %select_n3A_2571 = arith.select %and3A_2532, %mul3A_2570, %broadcast_in_dim3A_31 : vector<16xi1>, vector<16xf32>
    %add3A_2572 = arith.addf %add3A_2454, %select_n3A_2571 : vector<16xf32>
    %sub3A_2573 = arith.subf %div3A_2569, %div3A_2528 : vector<16xf32>
    %mul3A_2574 = arith.mulf %sub3A_2573, %sub3A_2573 : vector<16xf32>
    %select_n3A_2575 = arith.select %and3A_2532, %mul3A_2574, %broadcast_in_dim3A_31 : vector<16xi1>, vector<16xf32>
    %add3A_2576 = arith.addf %add3A_2458, %select_n3A_2575 : vector<16xf32>
    %exp3A_2577 = math.exp %gather3A_2551 : vector<16xf32>
    %mul3A_2578 = arith.constant 8.060000e+00 : f32
    %mul3A_2579 = vector.broadcast %mul3A_2578 : f32 to vector<16xf32>
    %mul3A_2580 = arith.mulf %exp3A_2577, %mul3A_2579 : vector<16xf32>
    %exp3A_2581 = math.exp %gather3A_2555 : vector<16xf32>
    %mul3A_2582 = arith.constant 5.290000e+00 : f32
    %mul3A_2583 = vector.broadcast %mul3A_2582 : f32 to vector<16xf32>
    %mul3A_2584 = arith.mulf %exp3A_2581, %mul3A_2583 : vector<16xf32>
    %sub3A_2585 = arith.constant 8.060000e+00 : f32
    %sub3A_2586 = vector.broadcast %sub3A_2585 : f32 to vector<16xf32>
    %sub3A_2587 = arith.subf %mul3A_2580, %sub3A_2586 : vector<16xf32>
    %sub3A_2588 = arith.constant 5.290000e+00 : f32
    %sub3A_2589 = vector.broadcast %sub3A_2588 : f32 to vector<16xf32>
    %sub3A_2590 = arith.subf %mul3A_2584, %sub3A_2589 : vector<16xf32>
    %mul3A_2591 = arith.mulf %sub3A_2587, %sub3A_2587 : vector<16xf32>
    %mul3A_2592 = arith.mulf %sub3A_2590, %sub3A_2590 : vector<16xf32>
    %add3A_2593 = arith.addf %mul3A_2591, %mul3A_2592 : vector<16xf32>
    %select_n3A_2594 = arith.select %and3A_2532, %add3A_2593, %broadcast_in_dim3A_31 : vector<16xi1>, vector<16xf32>
    %add3A_2595 = arith.addf %add3A_2477, %select_n3A_2594 : vector<16xf32>
    %neg3A_2596 = arith.constant 0.000000e+00 : f32
    %neg3A_2597 = vector.broadcast %neg3A_2596 : f32 to vector<16xf32>
    %neg3A_2598 = arith.subf %neg3A_2597, %gather3A_2543 : vector<16xf32>
    %exp3A_2599 = math.exp %neg3A_2598 : vector<16xf32>
    %add3A_2600 = arith.constant 1.000000e+00 : f32
    %add3A_2601 = vector.broadcast %add3A_2600 : f32 to vector<16xf32>
    %add3A_2602 = arith.addf %add3A_2601, %exp3A_2599 : vector<16xf32>
    %div3A_2603 = arith.constant 1.000000e+00 : f32
    %div3A_2604 = vector.broadcast %div3A_2603 : f32 to vector<16xf32>
    %div3A_2605 = arith.divf %div3A_2604, %add3A_2602 : vector<16xf32>
    %add3A_2606 = arith.addf %div3A_2605, %convert_element_type3A_2146 : vector<16xf32>
    %neg3A_2607 = arith.constant 0.000000e+00 : f32
    %neg3A_2608 = vector.broadcast %neg3A_2607 : f32 to vector<16xf32>
    %neg3A_2609 = arith.subf %neg3A_2608, %gather3A_2547 : vector<16xf32>
    %exp3A_2610 = math.exp %neg3A_2609 : vector<16xf32>
    %add3A_2611 = arith.constant 1.000000e+00 : f32
    %add3A_2612 = vector.broadcast %add3A_2611 : f32 to vector<16xf32>
    %add3A_2613 = arith.addf %add3A_2612, %exp3A_2610 : vector<16xf32>
    %div3A_2614 = arith.constant 1.000000e+00 : f32
    %div3A_2615 = vector.broadcast %div3A_2614 : f32 to vector<16xf32>
    %div3A_2616 = arith.divf %div3A_2615, %add3A_2613 : vector<16xf32>
    %add3A_2617 = arith.addf %div3A_2616, %convert_element_type3A_2154 : vector<16xf32>
    %sub3A_2618 = arith.subf %add3A_2606, %mul3A_2117 : vector<16xf32>
    %sub3A_2619 = arith.subf %add3A_2617, %mul3A_2124 : vector<16xf32>
    %sub3A_2620 = arith.subf %mul3A_2580, %mul3A_2131 : vector<16xf32>
    %sub3A_2621 = arith.subf %mul3A_2584, %mul3A_2138 : vector<16xf32>
    %mul3A_2622 = arith.mulf %sub3A_2618, %sub3A_2618 : vector<16xf32>
    %mul3A_2623 = arith.mulf %sub3A_2619, %sub3A_2619 : vector<16xf32>
    %add3A_2624 = arith.addf %mul3A_2622, %mul3A_2623 : vector<16xf32>
    %mul3A_2625 = arith.mulf %sub3A_2620, %sub3A_2620 : vector<16xf32>
    %add3A_2626 = arith.addf %add3A_2624, %mul3A_2625 : vector<16xf32>
    %mul3A_2627 = arith.mulf %sub3A_2621, %sub3A_2621 : vector<16xf32>
    %add3A_2628 = arith.addf %add3A_2626, %mul3A_2627 : vector<16xf32>
    %select_n3A_2629 = arith.select %and3A_2532, %add3A_2628, %broadcast_in_dim3A_31 : vector<16xi1>, vector<16xf32>
    %add3A_2630 = arith.addf %add3A_2512, %select_n3A_2629 : vector<16xf32>
    %min3A_2631 = arith.constant 1.032000e+01 : f32
    %min3A_2632 = vector.broadcast %min3A_2631 : f32 to vector<16xf32>
    %min3A_2633 = arith.minimumf %mul3A_2131, %min3A_2632 : vector<16xf32>
    %min3A_2634 = arith.constant 1.065000e+01 : f32
    %min3A_2635 = vector.broadcast %min3A_2634 : f32 to vector<16xf32>
    %min3A_2636 = arith.minimumf %mul3A_2138, %min3A_2635 : vector<16xf32>
    %mul3A_2637 = arith.mulf %min3A_2633, %min3A_2636 : vector<16xf32>
    %mul3A_2638 = arith.mulf %mul3A_2131, %mul3A_2138 : vector<16xf32>
    %add3A_2639 = arith.constant 109.90799 : f32
    %add3A_2640 = vector.broadcast %add3A_2639 : f32 to vector<16xf32>
    %add3A_2641 = arith.addf %mul3A_2638, %add3A_2640 : vector<16xf32>
    %sub3A_2642 = arith.subf %add3A_2641, %mul3A_2637 : vector<16xf32>
    %add3A_2643 = arith.constant 9.99999971E-10 : f32
    %add3A_2644 = vector.broadcast %add3A_2643 : f32 to vector<16xf32>
    %add3A_2645 = arith.addf %sub3A_2642, %add3A_2644 : vector<16xf32>
    %div3A_2646 = arith.divf %mul3A_2637, %add3A_2645 : vector<16xf32>
    %gt3A_2647 = arith.constant 5.000000e-01 : f32
    %gt3A_2648 = vector.broadcast %gt3A_2647 : f32 to vector<16xf32>
    %gt3A_2649 = arith.cmpf ogt, %div3A_2646, %gt3A_2648 : vector<16xf32>
    %and3A_2650 = arith.andi %and3A_2107, %gt3A_2649 : vector<16xi1>
    %jit3A_2651 = arith.constant 1.000000e+00 : f32
    %jit3A_2652 = arith.constant 0.000000e+00 : f32
    %broadcast_in_dim3A_2653 = vector.broadcast %jit3A_2651 : f32 to vector<16xf32>
    %broadcast_in_dim3A_2654 = vector.broadcast %jit3A_2652 : f32 to vector<16xf32>
    %select_n3A_2655 = arith.select %and3A_2650, %broadcast_in_dim3A_2653, %broadcast_in_dim3A_2654 : vector<16xi1>, vector<16xf32>
    %swap3A_2656 = arith.constant 288 : index
    %swap3A_2657 = tpu.vector_load %arg17[%swap3A_2656] {strides = array<i32>} : memref<320xf32, #tpu.memory_space<vmem>>, vector<16xf32>,
    tpu.vector_store %arg17[%swap3A_2656], %select_n3A_2655 {strides = array<i32>} : memref<320xf32, #tpu.memory_space<vmem>>, vector<16xf32>,
    %add3A_2658 = arith.constant 20 : i32
    %add3A_2659 = vector.broadcast %add3A_2658 : i32 to vector<16xi32>
    %add3A_2660 = arith.addi %gather3A_2158, %add3A_2659 : vector<16xi32>
    %gather3A_2661 = tpu.vector_load_idx %arg14[%add3A_2157, %add3A_2660] : memref<64x128xf32, #tpu.memory_space<vmem>>[vector<16xi32>, vector<16xi32>], vector<16xf32>,
    %add3A_2662 = arith.constant 21 : i32
    %add3A_2663 = vector.broadcast %add3A_2662 : i32 to vector<16xi32>
    %add3A_2664 = arith.addi %gather3A_2158, %add3A_2663 : vector<16xi32>
    %gather3A_2665 = tpu.vector_load_idx %arg14[%add3A_2157, %add3A_2664] : memref<64x128xf32, #tpu.memory_space<vmem>>[vector<16xi32>, vector<16xi32>], vector<16xf32>,
    %add3A_2666 = arith.constant 22 : i32
    %add3A_2667 = vector.broadcast %add3A_2666 : i32 to vector<16xi32>
    %add3A_2668 = arith.addi %gather3A_2158, %add3A_2667 : vector<16xi32>
    %gather3A_2669 = tpu.vector_load_idx %arg14[%add3A_2157, %add3A_2668] : memref<64x128xf32, #tpu.memory_space<vmem>>[vector<16xi32>, vector<16xi32>], vector<16xf32>,
    %add3A_2670 = arith.constant 23 : i32
    %add3A_2671 = vector.broadcast %add3A_2670 : i32 to vector<16xi32>
    %add3A_2672 = arith.addi %gather3A_2158, %add3A_2671 : vector<16xi32>
    %gather3A_2673 = tpu.vector_load_idx %arg14[%add3A_2157, %add3A_2672] : memref<64x128xf32, #tpu.memory_space<vmem>>[vector<16xi32>, vector<16xi32>], vector<16xf32>,
    %add3A_2674 = arith.constant 24 : i32
    %add3A_2675 = vector.broadcast %add3A_2674 : i32 to vector<16xi32>
    %add3A_2676 = arith.addi %gather3A_2158, %add3A_2675 : vector<16xi32>
    %gather3A_2677 = tpu.vector_load_idx %arg14[%add3A_2157, %add3A_2676] : memref<64x128xf32, #tpu.memory_space<vmem>>[vector<16xi32>, vector<16xi32>], vector<16xf32>,
    %neg3A_2678 = arith.constant 0.000000e+00 : f32
    %neg3A_2679 = vector.broadcast %neg3A_2678 : f32 to vector<16xf32>
    %neg3A_2680 = arith.subf %neg3A_2679, %gather3A_2677 : vector<16xf32>
    %exp3A_2681 = math.exp %neg3A_2680 : vector<16xf32>
    %add3A_2682 = arith.constant 1.000000e+00 : f32
    %add3A_2683 = vector.broadcast %add3A_2682 : f32 to vector<16xf32>
    %add3A_2684 = arith.addf %add3A_2683, %exp3A_2681 : vector<16xf32>
    %div3A_2685 = arith.constant 1.000000e+00 : f32
    %div3A_2686 = vector.broadcast %div3A_2685 : f32 to vector<16xf32>
    %div3A_2687 = arith.divf %div3A_2686, %add3A_2684 : vector<16xf32>
    %mul3A_2688 = arith.mulf %div3A_2687, %div3A_2687 : vector<16xf32>
    %select_n3A_2689 = arith.select %and3A_2650, %mul3A_2688, %broadcast_in_dim3A_31 : vector<16xi1>, vector<16xf32>
    %add3A_2690 = arith.addf %add3A_2572, %select_n3A_2689 : vector<16xf32>
    %sub3A_2691 = arith.subf %div3A_2687, %div3A_2646 : vector<16xf32>
    %mul3A_2692 = arith.mulf %sub3A_2691, %sub3A_2691 : vector<16xf32>
    %select_n3A_2693 = arith.select %and3A_2650, %mul3A_2692, %broadcast_in_dim3A_31 : vector<16xi1>, vector<16xf32>
    %add3A_2694 = arith.addf %add3A_2576, %select_n3A_2693 : vector<16xf32>
    %exp3A_2695 = math.exp %gather3A_2669 : vector<16xf32>
    %mul3A_2696 = arith.constant 1.032000e+01 : f32
    %mul3A_2697 = vector.broadcast %mul3A_2696 : f32 to vector<16xf32>
    %mul3A_2698 = arith.mulf %exp3A_2695, %mul3A_2697 : vector<16xf32>
    %exp3A_2699 = math.exp %gather3A_2673 : vector<16xf32>
    %mul3A_2700 = arith.constant 1.065000e+01 : f32
    %mul3A_2701 = vector.broadcast %mul3A_2700 : f32 to vector<16xf32>
    %mul3A_2702 = arith.mulf %exp3A_2699, %mul3A_2701 : vector<16xf32>
    %sub3A_2703 = arith.constant 1.032000e+01 : f32
    %sub3A_2704 = vector.broadcast %sub3A_2703 : f32 to vector<16xf32>
    %sub3A_2705 = arith.subf %mul3A_2698, %sub3A_2704 : vector<16xf32>
    %sub3A_2706 = arith.constant 1.065000e+01 : f32
    %sub3A_2707 = vector.broadcast %sub3A_2706 : f32 to vector<16xf32>
    %sub3A_2708 = arith.subf %mul3A_2702, %sub3A_2707 : vector<16xf32>
    %mul3A_2709 = arith.mulf %sub3A_2705, %sub3A_2705 : vector<16xf32>
    %mul3A_2710 = arith.mulf %sub3A_2708, %sub3A_2708 : vector<16xf32>
    %add3A_2711 = arith.addf %mul3A_2709, %mul3A_2710 : vector<16xf32>
    %select_n3A_2712 = arith.select %and3A_2650, %add3A_2711, %broadcast_in_dim3A_31 : vector<16xi1>, vector<16xf32>
    %add3A_2713 = arith.addf %add3A_2595, %select_n3A_2712 : vector<16xf32>
    %neg3A_2714 = arith.constant 0.000000e+00 : f32
    %neg3A_2715 = vector.broadcast %neg3A_2714 : f32 to vector<16xf32>
    %neg3A_2716 = arith.subf %neg3A_2715, %gather3A_2661 : vector<16xf32>
    %exp3A_2717 = math.exp %neg3A_2716 : vector<16xf32>
    %add3A_2718 = arith.constant 1.000000e+00 : f32
    %add3A_2719 = vector.broadcast %add3A_2718 : f32 to vector<16xf32>
    %add3A_2720 = arith.addf %add3A_2719, %exp3A_2717 : vector<16xf32>
    %div3A_2721 = arith.constant 1.000000e+00 : f32
    %div3A_2722 = vector.broadcast %div3A_2721 : f32 to vector<16xf32>
    %div3A_2723 = arith.divf %div3A_2722, %add3A_2720 : vector<16xf32>
    %add3A_2724 = arith.addf %div3A_2723, %convert_element_type3A_2146 : vector<16xf32>
    %neg3A_2725 = arith.constant 0.000000e+00 : f32
    %neg3A_2726 = vector.broadcast %neg3A_2725 : f32 to vector<16xf32>
    %neg3A_2727 = arith.subf %neg3A_2726, %gather3A_2665 : vector<16xf32>
    %exp3A_2728 = math.exp %neg3A_2727 : vector<16xf32>
    %add3A_2729 = arith.constant 1.000000e+00 : f32
    %add3A_2730 = vector.broadcast %add3A_2729 : f32 to vector<16xf32>
    %add3A_2731 = arith.addf %add3A_2730, %exp3A_2728 : vector<16xf32>
    %div3A_2732 = arith.constant 1.000000e+00 : f32
    %div3A_2733 = vector.broadcast %div3A_2732 : f32 to vector<16xf32>
    %div3A_2734 = arith.divf %div3A_2733, %add3A_2731 : vector<16xf32>
    %add3A_2735 = arith.addf %div3A_2734, %convert_element_type3A_2154 : vector<16xf32>
    %sub3A_2736 = arith.subf %add3A_2724, %mul3A_2117 : vector<16xf32>
    %sub3A_2737 = arith.subf %add3A_2735, %mul3A_2124 : vector<16xf32>
    %sub3A_2738 = arith.subf %mul3A_2698, %mul3A_2131 : vector<16xf32>
    %sub3A_2739 = arith.subf %mul3A_2702, %mul3A_2138 : vector<16xf32>
    %mul3A_2740 = arith.mulf %sub3A_2736, %sub3A_2736 : vector<16xf32>
    %mul3A_2741 = arith.mulf %sub3A_2737, %sub3A_2737 : vector<16xf32>
    %add3A_2742 = arith.addf %mul3A_2740, %mul3A_2741 : vector<16xf32>
    %mul3A_2743 = arith.mulf %sub3A_2738, %sub3A_2738 : vector<16xf32>
    %add3A_2744 = arith.addf %add3A_2742, %mul3A_2743 : vector<16xf32>
    %mul3A_2745 = arith.mulf %sub3A_2739, %sub3A_2739 : vector<16xf32>
    %add3A_2746 = arith.addf %add3A_2744, %mul3A_2745 : vector<16xf32>
    %select_n3A_2747 = arith.select %and3A_2650, %add3A_2746, %broadcast_in_dim3A_31 : vector<16xi1>, vector<16xf32>
    %add3A_2748 = arith.addf %add3A_2630, %select_n3A_2747 : vector<16xf32>
    %mul3A_2749 = arith.constant 4 : i32
    %mul3A_2750 = arith.muli %select_n3A_30, %mul3A_2749 : i32
    %add3A_2751 = arith.constant 3 : i32
    %add3A_2752 = arith.addi %mul3A_2750, %add3A_2751 : i32
    %mul3A_2753 = arith.constant 16 : i32
    %mul3A_2754 = arith.muli %add3A_2752, %mul3A_2753 : i32
    %add3A_2755 = vector.broadcast %mul3A_2754 : i32 to vector<16xi32>
    %add3A_2756 = arith.addi %iota3A, %add3A_2755 : vector<16xi32>
    %gather3A_2757 = tpu.vector_load_idx %arg9[%add3A_2756] : memref<128xi32, #tpu.memory_space<vmem>>[vector<16xi32>], vector<16xi32>,
    %broadcast_in_dim3A_2758 = arith.constant 0 : i32
    %broadcast_in_dim3A_2759 = vector.broadcast %broadcast_in_dim3A_2758 : i32 to vector<16xi32>
    %scan3A_2760 = arith.constant 0 : i32
    %scan3A_2761 = arith.constant 128 : i32
    %scan3A_2762 = arith.addi %scan3A_2760, %scan3A_2761 : i32
    %scan3A_2763 = arith.constant 1 : i32
    %scan3A_2764 = scf.for %scan3A_3503 = %scan3A_2760 to %scan3A_2762 step %scan3A_2763 iter_args(%scan3A_3504 = %broadcast_in_dim3A_2759) -> (vector<16xi32>)  : i32 {
      %jit3A_3505 = arith.constant 16 : i32
      %div3A_3506 = arith.divsi %scan3A_3503, %jit3A_3505 : i32
      %sign3A_3507 = arith.constant 0 : i32
      %sign3A_3508 = arith.cmpi sgt, %scan3A_3503, %sign3A_3507 : i32
      %sign3A_3509 = arith.extui %sign3A_3508 : i1 to i32
      %sign3A_3510 = arith.constant 0 : i32
      %sign3A_3511 = arith.cmpi slt, %scan3A_3503, %sign3A_3510 : i32
      %sign3A_3512 = arith.extui %sign3A_3511 : i1 to i32
      %sign3A_3513 = arith.subi %sign3A_3509, %sign3A_3512 : i32
      %sign3A_3514 = arith.constant 0 : i32
      %sign3A_3515 = arith.cmpi sgt, %jit3A_3505, %sign3A_3514 : i32
      %sign3A_3516 = arith.extui %sign3A_3515 : i1 to i32
      %sign3A_3517 = arith.constant 0 : i32
      %sign3A_3518 = arith.cmpi slt, %jit3A_3505, %sign3A_3517 : i32
      %sign3A_3519 = arith.extui %sign3A_3518 : i1 to i32
      %sign3A_3520 = arith.subi %sign3A_3516, %sign3A_3519 : i32
      %ne3A_3521 = arith.cmpi ne, %sign3A_3513, %sign3A_3520 : i32
      %rem3A_3522 = arith.remsi %scan3A_3503, %jit3A_3505 : i32
      %ne3A_3523 = arith.constant 0 : i32
      %ne3A_3524 = arith.cmpi ne, %rem3A_3522, %ne3A_3523 : i32
      %and3A_3525 = arith.andi %ne3A_3521, %ne3A_3524 : i1
      %sub3A_3526 = arith.constant 1 : i32
      %sub3A_3527 = arith.subi %div3A_3506, %sub3A_3526 : i32
      %select_n3A_3528 = arith.select %and3A_3525, %sub3A_3527, %div3A_3506 : i32
      %mul3A_3529 = arith.constant 16 : i32
      %mul3A_3530 = arith.muli %select_n3A_3528, %mul3A_3529 : i32
      %sub3A_3531 = arith.subi %scan3A_3503, %mul3A_3530 : i32
      %add3A_3532 = vector.broadcast %sub3A_3531 : i32 to vector<16xi32>
      %add3A_3533 = arith.addi %iota3A, %add3A_3532 : vector<16xi32>
      %and3A_3534 = arith.constant 15 : i32
      %and3A_3535 = vector.broadcast %and3A_3534 : i32 to vector<16xi32>
      %and3A_3536 = arith.andi %add3A_3533, %and3A_3535 : vector<16xi32>
      %mul3A_3537 = arith.constant 16 : i32
      %mul3A_3538 = arith.muli %select_n3A_3528, %mul3A_3537 : i32
      %add3A_3539 = vector.broadcast %mul3A_3538 : i32 to vector<16xi32>
      %add3A_3540 = arith.addi %and3A_3536, %add3A_3539 : vector<16xi32>
      %gather3A_3541 = tpu.vector_load_idx %arg9[%add3A_3540] : memref<128xi32, #tpu.memory_space<vmem>>[vector<16xi32>], vector<16xi32>,
      %mul3A_3542 = arith.constant 16 : i32
      %mul3A_3543 = arith.muli %select_n3A_3528, %mul3A_3542 : i32
      %add3A_3544 = vector.broadcast %mul3A_3543 : i32 to vector<16xi32>
      %add3A_3545 = arith.addi %and3A_3536, %add3A_3544 : vector<16xi32>
      %eq3A_3546 = arith.cmpi eq, %gather3A_3541, %gather3A_2757 : vector<16xi32>
      %gt3A_3547 = arith.cmpi sgt, %add3A_3545, %add3A_2756 : vector<16xi32>
      %and3A_3548 = arith.andi %eq3A_3546, %gt3A_3547 : vector<16xi1>
      %convert_element_type3A_3549 = arith.extui %and3A_3548 : vector<16xi1> to vector<16xi32>
      %or3A = arith.ori %scan3A_3504, %convert_element_type3A_3549 : vector<16xi32>
      scf.yield %or3A : vector<16xi32>
    }
    %scan3A_2765 = arith.constant 128 : i32
    %eq3A_2766 = arith.constant 0 : i32
    %eq3A_2767 = vector.broadcast %eq3A_2766 : i32 to vector<16xi32>
    %eq3A_2768 = arith.cmpi eq, %scan3A_2764, %eq3A_2767 : vector<16xi32>
    %lt3A_2769 = arith.constant 100 : i32
    %lt3A_2770 = vector.broadcast %lt3A_2769 : i32 to vector<16xi32>
    %lt3A_2771 = arith.cmpi slt, %add3A_2756, %lt3A_2770 : vector<16xi32>
    %and3A_2772 = arith.andi %eq3A_2768, %lt3A_2771 : vector<16xi1>
    %mul3A_2773 = arith.constant 64 : i32
    %mul3A_2774 = arith.muli %select_n3A_30, %mul3A_2773 : i32
    %add3A_2775 = arith.constant 48 : i32
    %add3A_2776 = arith.addi %mul3A_2774, %add3A_2775 : i32
    %multiple_of3A_2777 = tpu.assume_multiple %add3A_2776, 16 : i32
    %get3A_2778 = arith.index_cast %multiple_of3A_2777 : i32 to index
    %get3A_2779 = tpu.vector_load %arg8[%get3A_2778] {strides = array<i32>} : memref<512xf32, #tpu.memory_space<vmem>>, vector<16xf32>,
    %mul3A_2780 = arith.constant 6.400000e+01 : f32
    %mul3A_2781 = vector.broadcast %mul3A_2780 : f32 to vector<16xf32>
    %mul3A_2782 = arith.mulf %get3A_2779, %mul3A_2781 : vector<16xf32>
    %add3A_2783 = arith.constant 128 : i32
    %add3A_2784 = arith.addi %add3A_2783, %multiple_of3A_2777 : i32
    %get3A_2785 = arith.index_cast %add3A_2784 : i32 to index
    %get3A_2786 = tpu.vector_load %arg8[%get3A_2785] {strides = array<i32>} : memref<512xf32, #tpu.memory_space<vmem>>, vector<16xf32>,
    %mul3A_2787 = arith.constant 6.400000e+01 : f32
    %mul3A_2788 = vector.broadcast %mul3A_2787 : f32 to vector<16xf32>
    %mul3A_2789 = arith.mulf %get3A_2786, %mul3A_2788 : vector<16xf32>
    %add3A_2790 = arith.constant 256 : i32
    %add3A_2791 = arith.addi %add3A_2790, %multiple_of3A_2777 : i32
    %get3A_2792 = arith.index_cast %add3A_2791 : i32 to index
    %get3A_2793 = tpu.vector_load %arg8[%get3A_2792] {strides = array<i32>} : memref<512xf32, #tpu.memory_space<vmem>>, vector<16xf32>,
    %mul3A_2794 = arith.constant 6.400000e+01 : f32
    %mul3A_2795 = vector.broadcast %mul3A_2794 : f32 to vector<16xf32>
    %mul3A_2796 = arith.mulf %get3A_2793, %mul3A_2795 : vector<16xf32>
    %add3A_2797 = arith.constant 384 : i32
    %add3A_2798 = arith.addi %add3A_2797, %multiple_of3A_2777 : i32
    %get3A_2799 = arith.index_cast %add3A_2798 : i32 to index
    %get3A_2800 = tpu.vector_load %arg8[%get3A_2799] {strides = array<i32>} : memref<512xf32, #tpu.memory_space<vmem>>, vector<16xf32>,
    %mul3A_2801 = arith.constant 6.400000e+01 : f32
    %mul3A_2802 = vector.broadcast %mul3A_2801 : f32 to vector<16xf32>
    %mul3A_2803 = arith.mulf %get3A_2800, %mul3A_2802 : vector<16xf32>
    %convert_element_type3A_2804 = arith.fptosi %mul3A_2782 : vector<16xf32> to vector<16xi32>
    %max3A_2805 = arith.constant 0 : i32
    %max3A_2806 = vector.broadcast %max3A_2805 : i32 to vector<16xi32>
    %max3A_2807 = arith.maxsi %convert_element_type3A_2804, %max3A_2806 : vector<16xi32>
    %min3A_2808 = arith.constant 63 : i32
    %min3A_2809 = vector.broadcast %min3A_2808 : i32 to vector<16xi32>
    %min3A_2810 = arith.minsi %max3A_2807, %min3A_2809 : vector<16xi32>
    %convert_element_type3A_2811 = arith.sitofp %min3A_2810 : vector<16xi32> to vector<16xf32>
    %convert_element_type3A_2812 = arith.fptosi %mul3A_2789 : vector<16xf32> to vector<16xi32>
    %max3A_2813 = arith.constant 0 : i32
    %max3A_2814 = vector.broadcast %max3A_2813 : i32 to vector<16xi32>
    %max3A_2815 = arith.maxsi %convert_element_type3A_2812, %max3A_2814 : vector<16xi32>
    %min3A_2816 = arith.constant 63 : i32
    %min3A_2817 = vector.broadcast %min3A_2816 : i32 to vector<16xi32>
    %min3A_2818 = arith.minsi %max3A_2815, %min3A_2817 : vector<16xi32>
    %convert_element_type3A_2819 = arith.sitofp %min3A_2818 : vector<16xi32> to vector<16xf32>
    %add3A_2820 = arith.constant 48 : i32
    %add3A_2821 = vector.broadcast %add3A_2820 : i32 to vector<16xi32>
    %add3A_2822 = arith.addi %iota3A, %add3A_2821 : vector<16xi32>
    %gather3A_2823 = tpu.vector_load_idx %arg12[%add3A_2822] : memref<64xi32, #tpu.memory_space<vmem>>[vector<16xi32>], vector<16xi32>,
    %min3A_2824 = arith.constant 1.190000e+00 : f32
    %min3A_2825 = vector.broadcast %min3A_2824 : f32 to vector<16xf32>
    %min3A_2826 = arith.minimumf %mul3A_2796, %min3A_2825 : vector<16xf32>
    %min3A_2827 = arith.constant 1.980000e+00 : f32
    %min3A_2828 = vector.broadcast %min3A_2827 : f32 to vector<16xf32>
    %min3A_2829 = arith.minimumf %mul3A_2803, %min3A_2828 : vector<16xf32>
    %mul3A_2830 = arith.mulf %min3A_2826, %min3A_2829 : vector<16xf32>
    %mul3A_2831 = arith.mulf %mul3A_2796, %mul3A_2803 : vector<16xf32>
    %add3A_2832 = arith.constant 2.35620022 : f32
    %add3A_2833 = vector.broadcast %add3A_2832 : f32 to vector<16xf32>
    %add3A_2834 = arith.addf %mul3A_2831, %add3A_2833 : vector<16xf32>
    %sub3A_2835 = arith.subf %add3A_2834, %mul3A_2830 : vector<16xf32>
    %add3A_2836 = arith.constant 9.99999971E-10 : f32
    %add3A_2837 = vector.broadcast %add3A_2836 : f32 to vector<16xf32>
    %add3A_2838 = arith.addf %sub3A_2835, %add3A_2837 : vector<16xf32>
    %div3A_2839 = arith.divf %mul3A_2830, %add3A_2838 : vector<16xf32>
    %gt3A_2840 = arith.constant 5.000000e-01 : f32
    %gt3A_2841 = vector.broadcast %gt3A_2840 : f32 to vector<16xf32>
    %gt3A_2842 = arith.cmpf ogt, %div3A_2839, %gt3A_2841 : vector<16xf32>
    %and3A_2843 = arith.andi %and3A_2772, %gt3A_2842 : vector<16xi1>
    %jit3A_2844 = arith.constant 1.000000e+00 : f32
    %jit3A_2845 = arith.constant 0.000000e+00 : f32
    %broadcast_in_dim3A_2846 = vector.broadcast %jit3A_2844 : f32 to vector<16xf32>
    %broadcast_in_dim3A_2847 = vector.broadcast %jit3A_2845 : f32 to vector<16xf32>
    %select_n3A_2848 = arith.select %and3A_2843, %broadcast_in_dim3A_2846, %broadcast_in_dim3A_2847 : vector<16xi1>, vector<16xf32>
    %swap3A_2849 = arith.constant 48 : index
    %swap3A_2850 = tpu.vector_load %arg17[%swap3A_2849] {strides = array<i32>} : memref<320xf32, #tpu.memory_space<vmem>>, vector<16xf32>,
    tpu.vector_store %arg17[%swap3A_2849], %select_n3A_2848 {strides = array<i32>} : memref<320xf32, #tpu.memory_space<vmem>>, vector<16xf32>,
    %add3A_2851 = arith.constant 0 : i32
    %add3A_2852 = vector.broadcast %add3A_2851 : i32 to vector<16xi32>
    %add3A_2853 = arith.addi %gather3A_2823, %add3A_2852 : vector<16xi32>
    %gather3A_2854 = tpu.vector_load_idx %arg14[%add3A_2822, %add3A_2853] : memref<64x128xf32, #tpu.memory_space<vmem>>[vector<16xi32>, vector<16xi32>], vector<16xf32>,
    %add3A_2855 = arith.constant 1 : i32
    %add3A_2856 = vector.broadcast %add3A_2855 : i32 to vector<16xi32>
    %add3A_2857 = arith.addi %gather3A_2823, %add3A_2856 : vector<16xi32>
    %gather3A_2858 = tpu.vector_load_idx %arg14[%add3A_2822, %add3A_2857] : memref<64x128xf32, #tpu.memory_space<vmem>>[vector<16xi32>, vector<16xi32>], vector<16xf32>,
    %add3A_2859 = arith.constant 2 : i32
    %add3A_2860 = vector.broadcast %add3A_2859 : i32 to vector<16xi32>
    %add3A_2861 = arith.addi %gather3A_2823, %add3A_2860 : vector<16xi32>
    %gather3A_2862 = tpu.vector_load_idx %arg14[%add3A_2822, %add3A_2861] : memref<64x128xf32, #tpu.memory_space<vmem>>[vector<16xi32>, vector<16xi32>], vector<16xf32>,
    %add3A_2863 = arith.constant 3 : i32
    %add3A_2864 = vector.broadcast %add3A_2863 : i32 to vector<16xi32>
    %add3A_2865 = arith.addi %gather3A_2823, %add3A_2864 : vector<16xi32>
    %gather3A_2866 = tpu.vector_load_idx %arg14[%add3A_2822, %add3A_2865] : memref<64x128xf32, #tpu.memory_space<vmem>>[vector<16xi32>, vector<16xi32>], vector<16xf32>,
    %add3A_2867 = arith.constant 4 : i32
    %add3A_2868 = vector.broadcast %add3A_2867 : i32 to vector<16xi32>
    %add3A_2869 = arith.addi %gather3A_2823, %add3A_2868 : vector<16xi32>
    %gather3A_2870 = tpu.vector_load_idx %arg14[%add3A_2822, %add3A_2869] : memref<64x128xf32, #tpu.memory_space<vmem>>[vector<16xi32>, vector<16xi32>], vector<16xf32>,
    %neg3A_2871 = arith.constant 0.000000e+00 : f32
    %neg3A_2872 = vector.broadcast %neg3A_2871 : f32 to vector<16xf32>
    %neg3A_2873 = arith.subf %neg3A_2872, %gather3A_2870 : vector<16xf32>
    %exp3A_2874 = math.exp %neg3A_2873 : vector<16xf32>
    %add3A_2875 = arith.constant 1.000000e+00 : f32
    %add3A_2876 = vector.broadcast %add3A_2875 : f32 to vector<16xf32>
    %add3A_2877 = arith.addf %add3A_2876, %exp3A_2874 : vector<16xf32>
    %div3A_2878 = arith.constant 1.000000e+00 : f32
    %div3A_2879 = vector.broadcast %div3A_2878 : f32 to vector<16xf32>
    %div3A_2880 = arith.divf %div3A_2879, %add3A_2877 : vector<16xf32>
    %mul3A_2881 = arith.mulf %div3A_2880, %div3A_2880 : vector<16xf32>
    %select_n3A_2882 = arith.select %and3A_2843, %mul3A_2881, %broadcast_in_dim3A_31 : vector<16xi1>, vector<16xf32>
    %add3A_2883 = arith.addf %add3A_2690, %select_n3A_2882 : vector<16xf32>
    %sub3A_2884 = arith.subf %div3A_2880, %div3A_2839 : vector<16xf32>
    %mul3A_2885 = arith.mulf %sub3A_2884, %sub3A_2884 : vector<16xf32>
    %select_n3A_2886 = arith.select %and3A_2843, %mul3A_2885, %broadcast_in_dim3A_31 : vector<16xi1>, vector<16xf32>
    %add3A_2887 = arith.addf %add3A_2694, %select_n3A_2886 : vector<16xf32>
    %exp3A_2888 = math.exp %gather3A_2862 : vector<16xf32>
    %mul3A_2889 = arith.constant 1.190000e+00 : f32
    %mul3A_2890 = vector.broadcast %mul3A_2889 : f32 to vector<16xf32>
    %mul3A_2891 = arith.mulf %exp3A_2888, %mul3A_2890 : vector<16xf32>
    %exp3A_2892 = math.exp %gather3A_2866 : vector<16xf32>
    %mul3A_2893 = arith.constant 1.980000e+00 : f32
    %mul3A_2894 = vector.broadcast %mul3A_2893 : f32 to vector<16xf32>
    %mul3A_2895 = arith.mulf %exp3A_2892, %mul3A_2894 : vector<16xf32>
    %sub3A_2896 = arith.constant 1.190000e+00 : f32
    %sub3A_2897 = vector.broadcast %sub3A_2896 : f32 to vector<16xf32>
    %sub3A_2898 = arith.subf %mul3A_2891, %sub3A_2897 : vector<16xf32>
    %sub3A_2899 = arith.constant 1.980000e+00 : f32
    %sub3A_2900 = vector.broadcast %sub3A_2899 : f32 to vector<16xf32>
    %sub3A_2901 = arith.subf %mul3A_2895, %sub3A_2900 : vector<16xf32>
    %mul3A_2902 = arith.mulf %sub3A_2898, %sub3A_2898 : vector<16xf32>
    %mul3A_2903 = arith.mulf %sub3A_2901, %sub3A_2901 : vector<16xf32>
    %add3A_2904 = arith.addf %mul3A_2902, %mul3A_2903 : vector<16xf32>
    %select_n3A_2905 = arith.select %and3A_2843, %add3A_2904, %broadcast_in_dim3A_31 : vector<16xi1>, vector<16xf32>
    %add3A_2906 = arith.addf %add3A_2713, %select_n3A_2905 : vector<16xf32>
    %neg3A_2907 = arith.constant 0.000000e+00 : f32
    %neg3A_2908 = vector.broadcast %neg3A_2907 : f32 to vector<16xf32>
    %neg3A_2909 = arith.subf %neg3A_2908, %gather3A_2854 : vector<16xf32>
    %exp3A_2910 = math.exp %neg3A_2909 : vector<16xf32>
    %add3A_2911 = arith.constant 1.000000e+00 : f32
    %add3A_2912 = vector.broadcast %add3A_2911 : f32 to vector<16xf32>
    %add3A_2913 = arith.addf %add3A_2912, %exp3A_2910 : vector<16xf32>
    %div3A_2914 = arith.constant 1.000000e+00 : f32
    %div3A_2915 = vector.broadcast %div3A_2914 : f32 to vector<16xf32>
    %div3A_2916 = arith.divf %div3A_2915, %add3A_2913 : vector<16xf32>
    %add3A_2917 = arith.addf %div3A_2916, %convert_element_type3A_2811 : vector<16xf32>
    %neg3A_2918 = arith.constant 0.000000e+00 : f32
    %neg3A_2919 = vector.broadcast %neg3A_2918 : f32 to vector<16xf32>
    %neg3A_2920 = arith.subf %neg3A_2919, %gather3A_2858 : vector<16xf32>
    %exp3A_2921 = math.exp %neg3A_2920 : vector<16xf32>
    %add3A_2922 = arith.constant 1.000000e+00 : f32
    %add3A_2923 = vector.broadcast %add3A_2922 : f32 to vector<16xf32>
    %add3A_2924 = arith.addf %add3A_2923, %exp3A_2921 : vector<16xf32>
    %div3A_2925 = arith.constant 1.000000e+00 : f32
    %div3A_2926 = vector.broadcast %div3A_2925 : f32 to vector<16xf32>
    %div3A_2927 = arith.divf %div3A_2926, %add3A_2924 : vector<16xf32>
    %add3A_2928 = arith.addf %div3A_2927, %convert_element_type3A_2819 : vector<16xf32>
    %sub3A_2929 = arith.subf %add3A_2917, %mul3A_2782 : vector<16xf32>
    %sub3A_2930 = arith.subf %add3A_2928, %mul3A_2789 : vector<16xf32>
    %sub3A_2931 = arith.subf %mul3A_2891, %mul3A_2796 : vector<16xf32>
    %sub3A_2932 = arith.subf %mul3A_2895, %mul3A_2803 : vector<16xf32>
    %mul3A_2933 = arith.mulf %sub3A_2929, %sub3A_2929 : vector<16xf32>
    %mul3A_2934 = arith.mulf %sub3A_2930, %sub3A_2930 : vector<16xf32>
    %add3A_2935 = arith.addf %mul3A_2933, %mul3A_2934 : vector<16xf32>
    %mul3A_2936 = arith.mulf %sub3A_2931, %sub3A_2931 : vector<16xf32>
    %add3A_2937 = arith.addf %add3A_2935, %mul3A_2936 : vector<16xf32>
    %mul3A_2938 = arith.mulf %sub3A_2932, %sub3A_2932 : vector<16xf32>
    %add3A_2939 = arith.addf %add3A_2937, %mul3A_2938 : vector<16xf32>
    %select_n3A_2940 = arith.select %and3A_2843, %add3A_2939, %broadcast_in_dim3A_31 : vector<16xi1>, vector<16xf32>
    %add3A_2941 = arith.addf %add3A_2748, %select_n3A_2940 : vector<16xf32>
    %min3A_2942 = arith.constant 2.790000e+00 : f32
    %min3A_2943 = vector.broadcast %min3A_2942 : f32 to vector<16xf32>
    %min3A_2944 = arith.minimumf %mul3A_2796, %min3A_2943 : vector<16xf32>
    %min3A_2945 = arith.constant 4.590000e+00 : f32
    %min3A_2946 = vector.broadcast %min3A_2945 : f32 to vector<16xf32>
    %min3A_2947 = arith.minimumf %mul3A_2803, %min3A_2946 : vector<16xf32>
    %mul3A_2948 = arith.mulf %min3A_2944, %min3A_2947 : vector<16xf32>
    %mul3A_2949 = arith.mulf %mul3A_2796, %mul3A_2803 : vector<16xf32>
    %add3A_2950 = arith.constant 1.280610e+01 : f32
    %add3A_2951 = vector.broadcast %add3A_2950 : f32 to vector<16xf32>
    %add3A_2952 = arith.addf %mul3A_2949, %add3A_2951 : vector<16xf32>
    %sub3A_2953 = arith.subf %add3A_2952, %mul3A_2948 : vector<16xf32>
    %add3A_2954 = arith.constant 9.99999971E-10 : f32
    %add3A_2955 = vector.broadcast %add3A_2954 : f32 to vector<16xf32>
    %add3A_2956 = arith.addf %sub3A_2953, %add3A_2955 : vector<16xf32>
    %div3A_2957 = arith.divf %mul3A_2948, %add3A_2956 : vector<16xf32>
    %gt3A_2958 = arith.constant 5.000000e-01 : f32
    %gt3A_2959 = vector.broadcast %gt3A_2958 : f32 to vector<16xf32>
    %gt3A_2960 = arith.cmpf ogt, %div3A_2957, %gt3A_2959 : vector<16xf32>
    %and3A_2961 = arith.andi %and3A_2772, %gt3A_2960 : vector<16xi1>
    %jit3A_2962 = arith.constant 1.000000e+00 : f32
    %jit3A_2963 = arith.constant 0.000000e+00 : f32
    %broadcast_in_dim3A_2964 = vector.broadcast %jit3A_2962 : f32 to vector<16xf32>
    %broadcast_in_dim3A_2965 = vector.broadcast %jit3A_2963 : f32 to vector<16xf32>
    %select_n3A_2966 = arith.select %and3A_2961, %broadcast_in_dim3A_2964, %broadcast_in_dim3A_2965 : vector<16xi1>, vector<16xf32>
    %swap3A_2967 = arith.constant 112 : index
    %swap3A_2968 = tpu.vector_load %arg17[%swap3A_2967] {strides = array<i32>} : memref<320xf32, #tpu.memory_space<vmem>>, vector<16xf32>,
    tpu.vector_store %arg17[%swap3A_2967], %select_n3A_2966 {strides = array<i32>} : memref<320xf32, #tpu.memory_space<vmem>>, vector<16xf32>,
    %add3A_2969 = arith.constant 5 : i32
    %add3A_2970 = vector.broadcast %add3A_2969 : i32 to vector<16xi32>
    %add3A_2971 = arith.addi %gather3A_2823, %add3A_2970 : vector<16xi32>
    %gather3A_2972 = tpu.vector_load_idx %arg14[%add3A_2822, %add3A_2971] : memref<64x128xf32, #tpu.memory_space<vmem>>[vector<16xi32>, vector<16xi32>], vector<16xf32>,
    %add3A_2973 = arith.constant 6 : i32
    %add3A_2974 = vector.broadcast %add3A_2973 : i32 to vector<16xi32>
    %add3A_2975 = arith.addi %gather3A_2823, %add3A_2974 : vector<16xi32>
    %gather3A_2976 = tpu.vector_load_idx %arg14[%add3A_2822, %add3A_2975] : memref<64x128xf32, #tpu.memory_space<vmem>>[vector<16xi32>, vector<16xi32>], vector<16xf32>,
    %add3A_2977 = arith.constant 7 : i32
    %add3A_2978 = vector.broadcast %add3A_2977 : i32 to vector<16xi32>
    %add3A_2979 = arith.addi %gather3A_2823, %add3A_2978 : vector<16xi32>
    %gather3A_2980 = tpu.vector_load_idx %arg14[%add3A_2822, %add3A_2979] : memref<64x128xf32, #tpu.memory_space<vmem>>[vector<16xi32>, vector<16xi32>], vector<16xf32>,
    %add3A_2981 = arith.constant 8 : i32
    %add3A_2982 = vector.broadcast %add3A_2981 : i32 to vector<16xi32>
    %add3A_2983 = arith.addi %gather3A_2823, %add3A_2982 : vector<16xi32>
    %gather3A_2984 = tpu.vector_load_idx %arg14[%add3A_2822, %add3A_2983] : memref<64x128xf32, #tpu.memory_space<vmem>>[vector<16xi32>, vector<16xi32>], vector<16xf32>,
    %add3A_2985 = arith.constant 9 : i32
    %add3A_2986 = vector.broadcast %add3A_2985 : i32 to vector<16xi32>
    %add3A_2987 = arith.addi %gather3A_2823, %add3A_2986 : vector<16xi32>
    %gather3A_2988 = tpu.vector_load_idx %arg14[%add3A_2822, %add3A_2987] : memref<64x128xf32, #tpu.memory_space<vmem>>[vector<16xi32>, vector<16xi32>], vector<16xf32>,
    %neg3A_2989 = arith.constant 0.000000e+00 : f32
    %neg3A_2990 = vector.broadcast %neg3A_2989 : f32 to vector<16xf32>
    %neg3A_2991 = arith.subf %neg3A_2990, %gather3A_2988 : vector<16xf32>
    %exp3A_2992 = math.exp %neg3A_2991 : vector<16xf32>
    %add3A_2993 = arith.constant 1.000000e+00 : f32
    %add3A_2994 = vector.broadcast %add3A_2993 : f32 to vector<16xf32>
    %add3A_2995 = arith.addf %add3A_2994, %exp3A_2992 : vector<16xf32>
    %div3A_2996 = arith.constant 1.000000e+00 : f32
    %div3A_2997 = vector.broadcast %div3A_2996 : f32 to vector<16xf32>
    %div3A_2998 = arith.divf %div3A_2997, %add3A_2995 : vector<16xf32>
    %mul3A_2999 = arith.mulf %div3A_2998, %div3A_2998 : vector<16xf32>
    %select_n3A_3000 = arith.select %and3A_2961, %mul3A_2999, %broadcast_in_dim3A_31 : vector<16xi1>, vector<16xf32>
    %add3A_3001 = arith.addf %add3A_2883, %select_n3A_3000 : vector<16xf32>
    %sub3A_3002 = arith.subf %div3A_2998, %div3A_2957 : vector<16xf32>
    %mul3A_3003 = arith.mulf %sub3A_3002, %sub3A_3002 : vector<16xf32>
    %select_n3A_3004 = arith.select %and3A_2961, %mul3A_3003, %broadcast_in_dim3A_31 : vector<16xi1>, vector<16xf32>
    %add3A_3005 = arith.addf %add3A_2887, %select_n3A_3004 : vector<16xf32>
    %exp3A_3006 = math.exp %gather3A_2980 : vector<16xf32>
    %mul3A_3007 = arith.constant 2.790000e+00 : f32
    %mul3A_3008 = vector.broadcast %mul3A_3007 : f32 to vector<16xf32>
    %mul3A_3009 = arith.mulf %exp3A_3006, %mul3A_3008 : vector<16xf32>
    %exp3A_3010 = math.exp %gather3A_2984 : vector<16xf32>
    %mul3A_3011 = arith.constant 4.590000e+00 : f32
    %mul3A_3012 = vector.broadcast %mul3A_3011 : f32 to vector<16xf32>
    %mul3A_3013 = arith.mulf %exp3A_3010, %mul3A_3012 : vector<16xf32>
    %sub3A_3014 = arith.constant 2.790000e+00 : f32
    %sub3A_3015 = vector.broadcast %sub3A_3014 : f32 to vector<16xf32>
    %sub3A_3016 = arith.subf %mul3A_3009, %sub3A_3015 : vector<16xf32>
    %sub3A_3017 = arith.constant 4.590000e+00 : f32
    %sub3A_3018 = vector.broadcast %sub3A_3017 : f32 to vector<16xf32>
    %sub3A_3019 = arith.subf %mul3A_3013, %sub3A_3018 : vector<16xf32>
    %mul3A_3020 = arith.mulf %sub3A_3016, %sub3A_3016 : vector<16xf32>
    %mul3A_3021 = arith.mulf %sub3A_3019, %sub3A_3019 : vector<16xf32>
    %add3A_3022 = arith.addf %mul3A_3020, %mul3A_3021 : vector<16xf32>
    %select_n3A_3023 = arith.select %and3A_2961, %add3A_3022, %broadcast_in_dim3A_31 : vector<16xi1>, vector<16xf32>
    %add3A_3024 = arith.addf %add3A_2906, %select_n3A_3023 : vector<16xf32>
    %neg3A_3025 = arith.constant 0.000000e+00 : f32
    %neg3A_3026 = vector.broadcast %neg3A_3025 : f32 to vector<16xf32>
    %neg3A_3027 = arith.subf %neg3A_3026, %gather3A_2972 : vector<16xf32>
    %exp3A_3028 = math.exp %neg3A_3027 : vector<16xf32>
    %add3A_3029 = arith.constant 1.000000e+00 : f32
    %add3A_3030 = vector.broadcast %add3A_3029 : f32 to vector<16xf32>
    %add3A_3031 = arith.addf %add3A_3030, %exp3A_3028 : vector<16xf32>
    %div3A_3032 = arith.constant 1.000000e+00 : f32
    %div3A_3033 = vector.broadcast %div3A_3032 : f32 to vector<16xf32>
    %div3A_3034 = arith.divf %div3A_3033, %add3A_3031 : vector<16xf32>
    %add3A_3035 = arith.addf %div3A_3034, %convert_element_type3A_2811 : vector<16xf32>
    %neg3A_3036 = arith.constant 0.000000e+00 : f32
    %neg3A_3037 = vector.broadcast %neg3A_3036 : f32 to vector<16xf32>
    %neg3A_3038 = arith.subf %neg3A_3037, %gather3A_2976 : vector<16xf32>
    %exp3A_3039 = math.exp %neg3A_3038 : vector<16xf32>
    %add3A_3040 = arith.constant 1.000000e+00 : f32
    %add3A_3041 = vector.broadcast %add3A_3040 : f32 to vector<16xf32>
    %add3A_3042 = arith.addf %add3A_3041, %exp3A_3039 : vector<16xf32>
    %div3A_3043 = arith.constant 1.000000e+00 : f32
    %div3A_3044 = vector.broadcast %div3A_3043 : f32 to vector<16xf32>
    %div3A_3045 = arith.divf %div3A_3044, %add3A_3042 : vector<16xf32>
    %add3A_3046 = arith.addf %div3A_3045, %convert_element_type3A_2819 : vector<16xf32>
    %sub3A_3047 = arith.subf %add3A_3035, %mul3A_2782 : vector<16xf32>
    %sub3A_3048 = arith.subf %add3A_3046, %mul3A_2789 : vector<16xf32>
    %sub3A_3049 = arith.subf %mul3A_3009, %mul3A_2796 : vector<16xf32>
    %sub3A_3050 = arith.subf %mul3A_3013, %mul3A_2803 : vector<16xf32>
    %mul3A_3051 = arith.mulf %sub3A_3047, %sub3A_3047 : vector<16xf32>
    %mul3A_3052 = arith.mulf %sub3A_3048, %sub3A_3048 : vector<16xf32>
    %add3A_3053 = arith.addf %mul3A_3051, %mul3A_3052 : vector<16xf32>
    %mul3A_3054 = arith.mulf %sub3A_3049, %sub3A_3049 : vector<16xf32>
    %add3A_3055 = arith.addf %add3A_3053, %mul3A_3054 : vector<16xf32>
    %mul3A_3056 = arith.mulf %sub3A_3050, %sub3A_3050 : vector<16xf32>
    %add3A_3057 = arith.addf %add3A_3055, %mul3A_3056 : vector<16xf32>
    %select_n3A_3058 = arith.select %and3A_2961, %add3A_3057, %broadcast_in_dim3A_31 : vector<16xi1>, vector<16xf32>
    %add3A_3059 = arith.addf %add3A_2941, %select_n3A_3058 : vector<16xf32>
    %min3A_3060 = arith.constant 4.530000e+00 : f32
    %min3A_3061 = vector.broadcast %min3A_3060 : f32 to vector<16xf32>
    %min3A_3062 = arith.minimumf %mul3A_2796, %min3A_3061 : vector<16xf32>
    %min3A_3063 = arith.constant 8.920000e+00 : f32
    %min3A_3064 = vector.broadcast %min3A_3063 : f32 to vector<16xf32>
    %min3A_3065 = arith.minimumf %mul3A_2803, %min3A_3064 : vector<16xf32>
    %mul3A_3066 = arith.mulf %min3A_3062, %min3A_3065 : vector<16xf32>
    %mul3A_3067 = arith.mulf %mul3A_2796, %mul3A_2803 : vector<16xf32>
    %add3A_3068 = arith.constant 4.040760e+01 : f32
    %add3A_3069 = vector.broadcast %add3A_3068 : f32 to vector<16xf32>
    %add3A_3070 = arith.addf %mul3A_3067, %add3A_3069 : vector<16xf32>
    %sub3A_3071 = arith.subf %add3A_3070, %mul3A_3066 : vector<16xf32>
    %add3A_3072 = arith.constant 9.99999971E-10 : f32
    %add3A_3073 = vector.broadcast %add3A_3072 : f32 to vector<16xf32>
    %add3A_3074 = arith.addf %sub3A_3071, %add3A_3073 : vector<16xf32>
    %div3A_3075 = arith.divf %mul3A_3066, %add3A_3074 : vector<16xf32>
    %gt3A_3076 = arith.constant 5.000000e-01 : f32
    %gt3A_3077 = vector.broadcast %gt3A_3076 : f32 to vector<16xf32>
    %gt3A_3078 = arith.cmpf ogt, %div3A_3075, %gt3A_3077 : vector<16xf32>
    %and3A_3079 = arith.andi %and3A_2772, %gt3A_3078 : vector<16xi1>
    %jit3A_3080 = arith.constant 1.000000e+00 : f32
    %jit3A_3081 = arith.constant 0.000000e+00 : f32
    %broadcast_in_dim3A_3082 = vector.broadcast %jit3A_3080 : f32 to vector<16xf32>
    %broadcast_in_dim3A_3083 = vector.broadcast %jit3A_3081 : f32 to vector<16xf32>
    %select_n3A_3084 = arith.select %and3A_3079, %broadcast_in_dim3A_3082, %broadcast_in_dim3A_3083 : vector<16xi1>, vector<16xf32>
    %swap3A_3085 = arith.constant 176 : index
    %swap3A_3086 = tpu.vector_load %arg17[%swap3A_3085] {strides = array<i32>} : memref<320xf32, #tpu.memory_space<vmem>>, vector<16xf32>,
    tpu.vector_store %arg17[%swap3A_3085], %select_n3A_3084 {strides = array<i32>} : memref<320xf32, #tpu.memory_space<vmem>>, vector<16xf32>,
    %add3A_3087 = arith.constant 10 : i32
    %add3A_3088 = vector.broadcast %add3A_3087 : i32 to vector<16xi32>
    %add3A_3089 = arith.addi %gather3A_2823, %add3A_3088 : vector<16xi32>
    %gather3A_3090 = tpu.vector_load_idx %arg14[%add3A_2822, %add3A_3089] : memref<64x128xf32, #tpu.memory_space<vmem>>[vector<16xi32>, vector<16xi32>], vector<16xf32>,
    %add3A_3091 = arith.constant 11 : i32
    %add3A_3092 = vector.broadcast %add3A_3091 : i32 to vector<16xi32>
    %add3A_3093 = arith.addi %gather3A_2823, %add3A_3092 : vector<16xi32>
    %gather3A_3094 = tpu.vector_load_idx %arg14[%add3A_2822, %add3A_3093] : memref<64x128xf32, #tpu.memory_space<vmem>>[vector<16xi32>, vector<16xi32>], vector<16xf32>,
    %add3A_3095 = arith.constant 12 : i32
    %add3A_3096 = vector.broadcast %add3A_3095 : i32 to vector<16xi32>
    %add3A_3097 = arith.addi %gather3A_2823, %add3A_3096 : vector<16xi32>
    %gather3A_3098 = tpu.vector_load_idx %arg14[%add3A_2822, %add3A_3097] : memref<64x128xf32, #tpu.memory_space<vmem>>[vector<16xi32>, vector<16xi32>], vector<16xf32>,
    %add3A_3099 = arith.constant 13 : i32
    %add3A_3100 = vector.broadcast %add3A_3099 : i32 to vector<16xi32>
    %add3A_3101 = arith.addi %gather3A_2823, %add3A_3100 : vector<16xi32>
    %gather3A_3102 = tpu.vector_load_idx %arg14[%add3A_2822, %add3A_3101] : memref<64x128xf32, #tpu.memory_space<vmem>>[vector<16xi32>, vector<16xi32>], vector<16xf32>,
    %add3A_3103 = arith.constant 14 : i32
    %add3A_3104 = vector.broadcast %add3A_3103 : i32 to vector<16xi32>
    %add3A_3105 = arith.addi %gather3A_2823, %add3A_3104 : vector<16xi32>
    %gather3A_3106 = tpu.vector_load_idx %arg14[%add3A_2822, %add3A_3105] : memref<64x128xf32, #tpu.memory_space<vmem>>[vector<16xi32>, vector<16xi32>], vector<16xf32>,
    %neg3A_3107 = arith.constant 0.000000e+00 : f32
    %neg3A_3108 = vector.broadcast %neg3A_3107 : f32 to vector<16xf32>
    %neg3A_3109 = arith.subf %neg3A_3108, %gather3A_3106 : vector<16xf32>
    %exp3A_3110 = math.exp %neg3A_3109 : vector<16xf32>
    %add3A_3111 = arith.constant 1.000000e+00 : f32
    %add3A_3112 = vector.broadcast %add3A_3111 : f32 to vector<16xf32>
    %add3A_3113 = arith.addf %add3A_3112, %exp3A_3110 : vector<16xf32>
    %div3A_3114 = arith.constant 1.000000e+00 : f32
    %div3A_3115 = vector.broadcast %div3A_3114 : f32 to vector<16xf32>
    %div3A_3116 = arith.divf %div3A_3115, %add3A_3113 : vector<16xf32>
    %mul3A_3117 = arith.mulf %div3A_3116, %div3A_3116 : vector<16xf32>
    %select_n3A_3118 = arith.select %and3A_3079, %mul3A_3117, %broadcast_in_dim3A_31 : vector<16xi1>, vector<16xf32>
    %add3A_3119 = arith.addf %add3A_3001, %select_n3A_3118 : vector<16xf32>
    %sub3A_3120 = arith.subf %div3A_3116, %div3A_3075 : vector<16xf32>
    %mul3A_3121 = arith.mulf %sub3A_3120, %sub3A_3120 : vector<16xf32>
    %select_n3A_3122 = arith.select %and3A_3079, %mul3A_3121, %broadcast_in_dim3A_31 : vector<16xi1>, vector<16xf32>
    %add3A_3123 = arith.addf %add3A_3005, %select_n3A_3122 : vector<16xf32>
    %exp3A_3124 = math.exp %gather3A_3098 : vector<16xf32>
    %mul3A_3125 = arith.constant 4.530000e+00 : f32
    %mul3A_3126 = vector.broadcast %mul3A_3125 : f32 to vector<16xf32>
    %mul3A_3127 = arith.mulf %exp3A_3124, %mul3A_3126 : vector<16xf32>
    %exp3A_3128 = math.exp %gather3A_3102 : vector<16xf32>
    %mul3A_3129 = arith.constant 8.920000e+00 : f32
    %mul3A_3130 = vector.broadcast %mul3A_3129 : f32 to vector<16xf32>
    %mul3A_3131 = arith.mulf %exp3A_3128, %mul3A_3130 : vector<16xf32>
    %sub3A_3132 = arith.constant 4.530000e+00 : f32
    %sub3A_3133 = vector.broadcast %sub3A_3132 : f32 to vector<16xf32>
    %sub3A_3134 = arith.subf %mul3A_3127, %sub3A_3133 : vector<16xf32>
    %sub3A_3135 = arith.constant 8.920000e+00 : f32
    %sub3A_3136 = vector.broadcast %sub3A_3135 : f32 to vector<16xf32>
    %sub3A_3137 = arith.subf %mul3A_3131, %sub3A_3136 : vector<16xf32>
    %mul3A_3138 = arith.mulf %sub3A_3134, %sub3A_3134 : vector<16xf32>
    %mul3A_3139 = arith.mulf %sub3A_3137, %sub3A_3137 : vector<16xf32>
    %add3A_3140 = arith.addf %mul3A_3138, %mul3A_3139 : vector<16xf32>
    %select_n3A_3141 = arith.select %and3A_3079, %add3A_3140, %broadcast_in_dim3A_31 : vector<16xi1>, vector<16xf32>
    %add3A_3142 = arith.addf %add3A_3024, %select_n3A_3141 : vector<16xf32>
    %neg3A_3143 = arith.constant 0.000000e+00 : f32
    %neg3A_3144 = vector.broadcast %neg3A_3143 : f32 to vector<16xf32>
    %neg3A_3145 = arith.subf %neg3A_3144, %gather3A_3090 : vector<16xf32>
    %exp3A_3146 = math.exp %neg3A_3145 : vector<16xf32>
    %add3A_3147 = arith.constant 1.000000e+00 : f32
    %add3A_3148 = vector.broadcast %add3A_3147 : f32 to vector<16xf32>
    %add3A_3149 = arith.addf %add3A_3148, %exp3A_3146 : vector<16xf32>
    %div3A_3150 = arith.constant 1.000000e+00 : f32
    %div3A_3151 = vector.broadcast %div3A_3150 : f32 to vector<16xf32>
    %div3A_3152 = arith.divf %div3A_3151, %add3A_3149 : vector<16xf32>
    %add3A_3153 = arith.addf %div3A_3152, %convert_element_type3A_2811 : vector<16xf32>
    %neg3A_3154 = arith.constant 0.000000e+00 : f32
    %neg3A_3155 = vector.broadcast %neg3A_3154 : f32 to vector<16xf32>
    %neg3A_3156 = arith.subf %neg3A_3155, %gather3A_3094 : vector<16xf32>
    %exp3A_3157 = math.exp %neg3A_3156 : vector<16xf32>
    %add3A_3158 = arith.constant 1.000000e+00 : f32
    %add3A_3159 = vector.broadcast %add3A_3158 : f32 to vector<16xf32>
    %add3A_3160 = arith.addf %add3A_3159, %exp3A_3157 : vector<16xf32>
    %div3A_3161 = arith.constant 1.000000e+00 : f32
    %div3A_3162 = vector.broadcast %div3A_3161 : f32 to vector<16xf32>
    %div3A_3163 = arith.divf %div3A_3162, %add3A_3160 : vector<16xf32>
    %add3A_3164 = arith.addf %div3A_3163, %convert_element_type3A_2819 : vector<16xf32>
    %sub3A_3165 = arith.subf %add3A_3153, %mul3A_2782 : vector<16xf32>
    %sub3A_3166 = arith.subf %add3A_3164, %mul3A_2789 : vector<16xf32>
    %sub3A_3167 = arith.subf %mul3A_3127, %mul3A_2796 : vector<16xf32>
    %sub3A_3168 = arith.subf %mul3A_3131, %mul3A_2803 : vector<16xf32>
    %mul3A_3169 = arith.mulf %sub3A_3165, %sub3A_3165 : vector<16xf32>
    %mul3A_3170 = arith.mulf %sub3A_3166, %sub3A_3166 : vector<16xf32>
    %add3A_3171 = arith.addf %mul3A_3169, %mul3A_3170 : vector<16xf32>
    %mul3A_3172 = arith.mulf %sub3A_3167, %sub3A_3167 : vector<16xf32>
    %add3A_3173 = arith.addf %add3A_3171, %mul3A_3172 : vector<16xf32>
    %mul3A_3174 = arith.mulf %sub3A_3168, %sub3A_3168 : vector<16xf32>
    %add3A_3175 = arith.addf %add3A_3173, %mul3A_3174 : vector<16xf32>
    %select_n3A_3176 = arith.select %and3A_3079, %add3A_3175, %broadcast_in_dim3A_31 : vector<16xi1>, vector<16xf32>
    %add3A_3177 = arith.addf %add3A_3059, %select_n3A_3176 : vector<16xf32>
    %min3A_3178 = arith.constant 8.060000e+00 : f32
    %min3A_3179 = vector.broadcast %min3A_3178 : f32 to vector<16xf32>
    %min3A_3180 = arith.minimumf %mul3A_2796, %min3A_3179 : vector<16xf32>
    %min3A_3181 = arith.constant 5.290000e+00 : f32
    %min3A_3182 = vector.broadcast %min3A_3181 : f32 to vector<16xf32>
    %min3A_3183 = arith.minimumf %mul3A_2803, %min3A_3182 : vector<16xf32>
    %mul3A_3184 = arith.mulf %min3A_3180, %min3A_3183 : vector<16xf32>
    %mul3A_3185 = arith.mulf %mul3A_2796, %mul3A_2803 : vector<16xf32>
    %add3A_3186 = arith.constant 4.263740e+01 : f32
    %add3A_3187 = vector.broadcast %add3A_3186 : f32 to vector<16xf32>
    %add3A_3188 = arith.addf %mul3A_3185, %add3A_3187 : vector<16xf32>
    %sub3A_3189 = arith.subf %add3A_3188, %mul3A_3184 : vector<16xf32>
    %add3A_3190 = arith.constant 9.99999971E-10 : f32
    %add3A_3191 = vector.broadcast %add3A_3190 : f32 to vector<16xf32>
    %add3A_3192 = arith.addf %sub3A_3189, %add3A_3191 : vector<16xf32>
    %div3A_3193 = arith.divf %mul3A_3184, %add3A_3192 : vector<16xf32>
    %gt3A_3194 = arith.constant 5.000000e-01 : f32
    %gt3A_3195 = vector.broadcast %gt3A_3194 : f32 to vector<16xf32>
    %gt3A_3196 = arith.cmpf ogt, %div3A_3193, %gt3A_3195 : vector<16xf32>
    %and3A_3197 = arith.andi %and3A_2772, %gt3A_3196 : vector<16xi1>
    %jit3A_3198 = arith.constant 1.000000e+00 : f32
    %jit3A_3199 = arith.constant 0.000000e+00 : f32
    %broadcast_in_dim3A_3200 = vector.broadcast %jit3A_3198 : f32 to vector<16xf32>
    %broadcast_in_dim3A_3201 = vector.broadcast %jit3A_3199 : f32 to vector<16xf32>
    %select_n3A_3202 = arith.select %and3A_3197, %broadcast_in_dim3A_3200, %broadcast_in_dim3A_3201 : vector<16xi1>, vector<16xf32>
    %swap3A_3203 = arith.constant 240 : index
    %swap3A_3204 = tpu.vector_load %arg17[%swap3A_3203] {strides = array<i32>} : memref<320xf32, #tpu.memory_space<vmem>>, vector<16xf32>,
    tpu.vector_store %arg17[%swap3A_3203], %select_n3A_3202 {strides = array<i32>} : memref<320xf32, #tpu.memory_space<vmem>>, vector<16xf32>,
    %add3A_3205 = arith.constant 15 : i32
    %add3A_3206 = vector.broadcast %add3A_3205 : i32 to vector<16xi32>
    %add3A_3207 = arith.addi %gather3A_2823, %add3A_3206 : vector<16xi32>
    %gather3A_3208 = tpu.vector_load_idx %arg14[%add3A_2822, %add3A_3207] : memref<64x128xf32, #tpu.memory_space<vmem>>[vector<16xi32>, vector<16xi32>], vector<16xf32>,
    %add3A_3209 = arith.constant 16 : i32
    %add3A_3210 = vector.broadcast %add3A_3209 : i32 to vector<16xi32>
    %add3A_3211 = arith.addi %gather3A_2823, %add3A_3210 : vector<16xi32>
    %gather3A_3212 = tpu.vector_load_idx %arg14[%add3A_2822, %add3A_3211] : memref<64x128xf32, #tpu.memory_space<vmem>>[vector<16xi32>, vector<16xi32>], vector<16xf32>,
    %add3A_3213 = arith.constant 17 : i32
    %add3A_3214 = vector.broadcast %add3A_3213 : i32 to vector<16xi32>
    %add3A_3215 = arith.addi %gather3A_2823, %add3A_3214 : vector<16xi32>
    %gather3A_3216 = tpu.vector_load_idx %arg14[%add3A_2822, %add3A_3215] : memref<64x128xf32, #tpu.memory_space<vmem>>[vector<16xi32>, vector<16xi32>], vector<16xf32>,
    %add3A_3217 = arith.constant 18 : i32
    %add3A_3218 = vector.broadcast %add3A_3217 : i32 to vector<16xi32>
    %add3A_3219 = arith.addi %gather3A_2823, %add3A_3218 : vector<16xi32>
    %gather3A_3220 = tpu.vector_load_idx %arg14[%add3A_2822, %add3A_3219] : memref<64x128xf32, #tpu.memory_space<vmem>>[vector<16xi32>, vector<16xi32>], vector<16xf32>,
    %add3A_3221 = arith.constant 19 : i32
    %add3A_3222 = vector.broadcast %add3A_3221 : i32 to vector<16xi32>
    %add3A_3223 = arith.addi %gather3A_2823, %add3A_3222 : vector<16xi32>
    %gather3A_3224 = tpu.vector_load_idx %arg14[%add3A_2822, %add3A_3223] : memref<64x128xf32, #tpu.memory_space<vmem>>[vector<16xi32>, vector<16xi32>], vector<16xf32>,
    %neg3A_3225 = arith.constant 0.000000e+00 : f32
    %neg3A_3226 = vector.broadcast %neg3A_3225 : f32 to vector<16xf32>
    %neg3A_3227 = arith.subf %neg3A_3226, %gather3A_3224 : vector<16xf32>
    %exp3A_3228 = math.exp %neg3A_3227 : vector<16xf32>
    %add3A_3229 = arith.constant 1.000000e+00 : f32
    %add3A_3230 = vector.broadcast %add3A_3229 : f32 to vector<16xf32>
    %add3A_3231 = arith.addf %add3A_3230, %exp3A_3228 : vector<16xf32>
    %div3A_3232 = arith.constant 1.000000e+00 : f32
    %div3A_3233 = vector.broadcast %div3A_3232 : f32 to vector<16xf32>
    %div3A_3234 = arith.divf %div3A_3233, %add3A_3231 : vector<16xf32>
    %mul3A_3235 = arith.mulf %div3A_3234, %div3A_3234 : vector<16xf32>
    %select_n3A_3236 = arith.select %and3A_3197, %mul3A_3235, %broadcast_in_dim3A_31 : vector<16xi1>, vector<16xf32>
    %add3A_3237 = arith.addf %add3A_3119, %select_n3A_3236 : vector<16xf32>
    %sub3A_3238 = arith.subf %div3A_3234, %div3A_3193 : vector<16xf32>
    %mul3A_3239 = arith.mulf %sub3A_3238, %sub3A_3238 : vector<16xf32>
    %select_n3A_3240 = arith.select %and3A_3197, %mul3A_3239, %broadcast_in_dim3A_31 : vector<16xi1>, vector<16xf32>
    %add3A_3241 = arith.addf %add3A_3123, %select_n3A_3240 : vector<16xf32>
    %exp3A_3242 = math.exp %gather3A_3216 : vector<16xf32>
    %mul3A_3243 = arith.constant 8.060000e+00 : f32
    %mul3A_3244 = vector.broadcast %mul3A_3243 : f32 to vector<16xf32>
    %mul3A_3245 = arith.mulf %exp3A_3242, %mul3A_3244 : vector<16xf32>
    %exp3A_3246 = math.exp %gather3A_3220 : vector<16xf32>
    %mul3A_3247 = arith.constant 5.290000e+00 : f32
    %mul3A_3248 = vector.broadcast %mul3A_3247 : f32 to vector<16xf32>
    %mul3A_3249 = arith.mulf %exp3A_3246, %mul3A_3248 : vector<16xf32>
    %sub3A_3250 = arith.constant 8.060000e+00 : f32
    %sub3A_3251 = vector.broadcast %sub3A_3250 : f32 to vector<16xf32>
    %sub3A_3252 = arith.subf %mul3A_3245, %sub3A_3251 : vector<16xf32>
    %sub3A_3253 = arith.constant 5.290000e+00 : f32
    %sub3A_3254 = vector.broadcast %sub3A_3253 : f32 to vector<16xf32>
    %sub3A_3255 = arith.subf %mul3A_3249, %sub3A_3254 : vector<16xf32>
    %mul3A_3256 = arith.mulf %sub3A_3252, %sub3A_3252 : vector<16xf32>
    %mul3A_3257 = arith.mulf %sub3A_3255, %sub3A_3255 : vector<16xf32>
    %add3A_3258 = arith.addf %mul3A_3256, %mul3A_3257 : vector<16xf32>
    %select_n3A_3259 = arith.select %and3A_3197, %add3A_3258, %broadcast_in_dim3A_31 : vector<16xi1>, vector<16xf32>
    %add3A_3260 = arith.addf %add3A_3142, %select_n3A_3259 : vector<16xf32>
    %neg3A_3261 = arith.constant 0.000000e+00 : f32
    %neg3A_3262 = vector.broadcast %neg3A_3261 : f32 to vector<16xf32>
    %neg3A_3263 = arith.subf %neg3A_3262, %gather3A_3208 : vector<16xf32>
    %exp3A_3264 = math.exp %neg3A_3263 : vector<16xf32>
    %add3A_3265 = arith.constant 1.000000e+00 : f32
    %add3A_3266 = vector.broadcast %add3A_3265 : f32 to vector<16xf32>
    %add3A_3267 = arith.addf %add3A_3266, %exp3A_3264 : vector<16xf32>
    %div3A_3268 = arith.constant 1.000000e+00 : f32
    %div3A_3269 = vector.broadcast %div3A_3268 : f32 to vector<16xf32>
    %div3A_3270 = arith.divf %div3A_3269, %add3A_3267 : vector<16xf32>
    %add3A_3271 = arith.addf %div3A_3270, %convert_element_type3A_2811 : vector<16xf32>
    %neg3A_3272 = arith.constant 0.000000e+00 : f32
    %neg3A_3273 = vector.broadcast %neg3A_3272 : f32 to vector<16xf32>
    %neg3A_3274 = arith.subf %neg3A_3273, %gather3A_3212 : vector<16xf32>
    %exp3A_3275 = math.exp %neg3A_3274 : vector<16xf32>
    %add3A_3276 = arith.constant 1.000000e+00 : f32
    %add3A_3277 = vector.broadcast %add3A_3276 : f32 to vector<16xf32>
    %add3A_3278 = arith.addf %add3A_3277, %exp3A_3275 : vector<16xf32>
    %div3A_3279 = arith.constant 1.000000e+00 : f32
    %div3A_3280 = vector.broadcast %div3A_3279 : f32 to vector<16xf32>
    %div3A_3281 = arith.divf %div3A_3280, %add3A_3278 : vector<16xf32>
    %add3A_3282 = arith.addf %div3A_3281, %convert_element_type3A_2819 : vector<16xf32>
    %sub3A_3283 = arith.subf %add3A_3271, %mul3A_2782 : vector<16xf32>
    %sub3A_3284 = arith.subf %add3A_3282, %mul3A_2789 : vector<16xf32>
    %sub3A_3285 = arith.subf %mul3A_3245, %mul3A_2796 : vector<16xf32>
    %sub3A_3286 = arith.subf %mul3A_3249, %mul3A_2803 : vector<16xf32>
    %mul3A_3287 = arith.mulf %sub3A_3283, %sub3A_3283 : vector<16xf32>
    %mul3A_3288 = arith.mulf %sub3A_3284, %sub3A_3284 : vector<16xf32>
    %add3A_3289 = arith.addf %mul3A_3287, %mul3A_3288 : vector<16xf32>
    %mul3A_3290 = arith.mulf %sub3A_3285, %sub3A_3285 : vector<16xf32>
    %add3A_3291 = arith.addf %add3A_3289, %mul3A_3290 : vector<16xf32>
    %mul3A_3292 = arith.mulf %sub3A_3286, %sub3A_3286 : vector<16xf32>
    %add3A_3293 = arith.addf %add3A_3291, %mul3A_3292 : vector<16xf32>
    %select_n3A_3294 = arith.select %and3A_3197, %add3A_3293, %broadcast_in_dim3A_31 : vector<16xi1>, vector<16xf32>
    %add3A_3295 = arith.addf %add3A_3177, %select_n3A_3294 : vector<16xf32>
    %min3A_3296 = arith.constant 1.032000e+01 : f32
    %min3A_3297 = vector.broadcast %min3A_3296 : f32 to vector<16xf32>
    %min3A_3298 = arith.minimumf %mul3A_2796, %min3A_3297 : vector<16xf32>
    %min3A_3299 = arith.constant 1.065000e+01 : f32
    %min3A_3300 = vector.broadcast %min3A_3299 : f32 to vector<16xf32>
    %min3A_3301 = arith.minimumf %mul3A_2803, %min3A_3300 : vector<16xf32>
    %mul3A_3302 = arith.mulf %min3A_3298, %min3A_3301 : vector<16xf32>
    %mul3A_3303 = arith.mulf %mul3A_2796, %mul3A_2803 : vector<16xf32>
    %add3A_3304 = arith.constant 109.90799 : f32
    %add3A_3305 = vector.broadcast %add3A_3304 : f32 to vector<16xf32>
    %add3A_3306 = arith.addf %mul3A_3303, %add3A_3305 : vector<16xf32>
    %sub3A_3307 = arith.subf %add3A_3306, %mul3A_3302 : vector<16xf32>
    %add3A_3308 = arith.constant 9.99999971E-10 : f32
    %add3A_3309 = vector.broadcast %add3A_3308 : f32 to vector<16xf32>
    %add3A_3310 = arith.addf %sub3A_3307, %add3A_3309 : vector<16xf32>
    %div3A_3311 = arith.divf %mul3A_3302, %add3A_3310 : vector<16xf32>
    %gt3A_3312 = arith.constant 5.000000e-01 : f32
    %gt3A_3313 = vector.broadcast %gt3A_3312 : f32 to vector<16xf32>
    %gt3A_3314 = arith.cmpf ogt, %div3A_3311, %gt3A_3313 : vector<16xf32>
    %and3A_3315 = arith.andi %and3A_2772, %gt3A_3314 : vector<16xi1>
    %jit3A_3316 = arith.constant 1.000000e+00 : f32
    %jit3A_3317 = arith.constant 0.000000e+00 : f32
    %broadcast_in_dim3A_3318 = vector.broadcast %jit3A_3316 : f32 to vector<16xf32>
    %broadcast_in_dim3A_3319 = vector.broadcast %jit3A_3317 : f32 to vector<16xf32>
    %select_n3A_3320 = arith.select %and3A_3315, %broadcast_in_dim3A_3318, %broadcast_in_dim3A_3319 : vector<16xi1>, vector<16xf32>
    %swap3A_3321 = arith.constant 304 : index
    %swap3A_3322 = tpu.vector_load %arg17[%swap3A_3321] {strides = array<i32>} : memref<320xf32, #tpu.memory_space<vmem>>, vector<16xf32>,
    tpu.vector_store %arg17[%swap3A_3321], %select_n3A_3320 {strides = array<i32>} : memref<320xf32, #tpu.memory_space<vmem>>, vector<16xf32>,
    %add3A_3323 = arith.constant 20 : i32
    %add3A_3324 = vector.broadcast %add3A_3323 : i32 to vector<16xi32>
    %add3A_3325 = arith.addi %gather3A_2823, %add3A_3324 : vector<16xi32>
    %gather3A_3326 = tpu.vector_load_idx %arg14[%add3A_2822, %add3A_3325] : memref<64x128xf32, #tpu.memory_space<vmem>>[vector<16xi32>, vector<16xi32>], vector<16xf32>,
    %add3A_3327 = arith.constant 21 : i32
    %add3A_3328 = vector.broadcast %add3A_3327 : i32 to vector<16xi32>
    %add3A_3329 = arith.addi %gather3A_2823, %add3A_3328 : vector<16xi32>
    %gather3A_3330 = tpu.vector_load_idx %arg14[%add3A_2822, %add3A_3329] : memref<64x128xf32, #tpu.memory_space<vmem>>[vector<16xi32>, vector<16xi32>], vector<16xf32>,
    %add3A_3331 = arith.constant 22 : i32
    %add3A_3332 = vector.broadcast %add3A_3331 : i32 to vector<16xi32>
    %add3A_3333 = arith.addi %gather3A_2823, %add3A_3332 : vector<16xi32>
    %gather3A_3334 = tpu.vector_load_idx %arg14[%add3A_2822, %add3A_3333] : memref<64x128xf32, #tpu.memory_space<vmem>>[vector<16xi32>, vector<16xi32>], vector<16xf32>,
    %add3A_3335 = arith.constant 23 : i32
    %add3A_3336 = vector.broadcast %add3A_3335 : i32 to vector<16xi32>
    %add3A_3337 = arith.addi %gather3A_2823, %add3A_3336 : vector<16xi32>
    %gather3A_3338 = tpu.vector_load_idx %arg14[%add3A_2822, %add3A_3337] : memref<64x128xf32, #tpu.memory_space<vmem>>[vector<16xi32>, vector<16xi32>], vector<16xf32>,
    %add3A_3339 = arith.constant 24 : i32
    %add3A_3340 = vector.broadcast %add3A_3339 : i32 to vector<16xi32>
    %add3A_3341 = arith.addi %gather3A_2823, %add3A_3340 : vector<16xi32>
    %gather3A_3342 = tpu.vector_load_idx %arg14[%add3A_2822, %add3A_3341] : memref<64x128xf32, #tpu.memory_space<vmem>>[vector<16xi32>, vector<16xi32>], vector<16xf32>,
    %neg3A_3343 = arith.constant 0.000000e+00 : f32
    %neg3A_3344 = vector.broadcast %neg3A_3343 : f32 to vector<16xf32>
    %neg3A_3345 = arith.subf %neg3A_3344, %gather3A_3342 : vector<16xf32>
    %exp3A_3346 = math.exp %neg3A_3345 : vector<16xf32>
    %add3A_3347 = arith.constant 1.000000e+00 : f32
    %add3A_3348 = vector.broadcast %add3A_3347 : f32 to vector<16xf32>
    %add3A_3349 = arith.addf %add3A_3348, %exp3A_3346 : vector<16xf32>
    %div3A_3350 = arith.constant 1.000000e+00 : f32
    %div3A_3351 = vector.broadcast %div3A_3350 : f32 to vector<16xf32>
    %div3A_3352 = arith.divf %div3A_3351, %add3A_3349 : vector<16xf32>
    %mul3A_3353 = arith.mulf %div3A_3352, %div3A_3352 : vector<16xf32>
    %select_n3A_3354 = arith.select %and3A_3315, %mul3A_3353, %broadcast_in_dim3A_31 : vector<16xi1>, vector<16xf32>
    %add3A_3355 = arith.addf %add3A_3237, %select_n3A_3354 : vector<16xf32>
    %sub3A_3356 = arith.subf %div3A_3352, %div3A_3311 : vector<16xf32>
    %mul3A_3357 = arith.mulf %sub3A_3356, %sub3A_3356 : vector<16xf32>
    %select_n3A_3358 = arith.select %and3A_3315, %mul3A_3357, %broadcast_in_dim3A_31 : vector<16xi1>, vector<16xf32>
    %add3A_3359 = arith.addf %add3A_3241, %select_n3A_3358 : vector<16xf32>
    %exp3A_3360 = math.exp %gather3A_3334 : vector<16xf32>
    %mul3A_3361 = arith.constant 1.032000e+01 : f32
    %mul3A_3362 = vector.broadcast %mul3A_3361 : f32 to vector<16xf32>
    %mul3A_3363 = arith.mulf %exp3A_3360, %mul3A_3362 : vector<16xf32>
    %exp3A_3364 = math.exp %gather3A_3338 : vector<16xf32>
    %mul3A_3365 = arith.constant 1.065000e+01 : f32
    %mul3A_3366 = vector.broadcast %mul3A_3365 : f32 to vector<16xf32>
    %mul3A_3367 = arith.mulf %exp3A_3364, %mul3A_3366 : vector<16xf32>
    %sub3A_3368 = arith.constant 1.032000e+01 : f32
    %sub3A_3369 = vector.broadcast %sub3A_3368 : f32 to vector<16xf32>
    %sub3A_3370 = arith.subf %mul3A_3363, %sub3A_3369 : vector<16xf32>
    %sub3A_3371 = arith.constant 1.065000e+01 : f32
    %sub3A_3372 = vector.broadcast %sub3A_3371 : f32 to vector<16xf32>
    %sub3A_3373 = arith.subf %mul3A_3367, %sub3A_3372 : vector<16xf32>
    %mul3A_3374 = arith.mulf %sub3A_3370, %sub3A_3370 : vector<16xf32>
    %mul3A_3375 = arith.mulf %sub3A_3373, %sub3A_3373 : vector<16xf32>
    %add3A_3376 = arith.addf %mul3A_3374, %mul3A_3375 : vector<16xf32>
    %select_n3A_3377 = arith.select %and3A_3315, %add3A_3376, %broadcast_in_dim3A_31 : vector<16xi1>, vector<16xf32>
    %add3A_3378 = arith.addf %add3A_3260, %select_n3A_3377 : vector<16xf32>
    %neg3A_3379 = arith.constant 0.000000e+00 : f32
    %neg3A_3380 = vector.broadcast %neg3A_3379 : f32 to vector<16xf32>
    %neg3A_3381 = arith.subf %neg3A_3380, %gather3A_3326 : vector<16xf32>
    %exp3A_3382 = math.exp %neg3A_3381 : vector<16xf32>
    %add3A_3383 = arith.constant 1.000000e+00 : f32
    %add3A_3384 = vector.broadcast %add3A_3383 : f32 to vector<16xf32>
    %add3A_3385 = arith.addf %add3A_3384, %exp3A_3382 : vector<16xf32>
    %div3A_3386 = arith.constant 1.000000e+00 : f32
    %div3A_3387 = vector.broadcast %div3A_3386 : f32 to vector<16xf32>
    %div3A_3388 = arith.divf %div3A_3387, %add3A_3385 : vector<16xf32>
    %add3A_3389 = arith.addf %div3A_3388, %convert_element_type3A_2811 : vector<16xf32>
    %neg3A_3390 = arith.constant 0.000000e+00 : f32
    %neg3A_3391 = vector.broadcast %neg3A_3390 : f32 to vector<16xf32>
    %neg3A_3392 = arith.subf %neg3A_3391, %gather3A_3330 : vector<16xf32>
    %exp3A_3393 = math.exp %neg3A_3392 : vector<16xf32>
    %add3A_3394 = arith.constant 1.000000e+00 : f32
    %add3A_3395 = vector.broadcast %add3A_3394 : f32 to vector<16xf32>
    %add3A_3396 = arith.addf %add3A_3395, %exp3A_3393 : vector<16xf32>
    %div3A_3397 = arith.constant 1.000000e+00 : f32
    %div3A_3398 = vector.broadcast %div3A_3397 : f32 to vector<16xf32>
    %div3A_3399 = arith.divf %div3A_3398, %add3A_3396 : vector<16xf32>
    %add3A_3400 = arith.addf %div3A_3399, %convert_element_type3A_2819 : vector<16xf32>
    %sub3A_3401 = arith.subf %add3A_3389, %mul3A_2782 : vector<16xf32>
    %sub3A_3402 = arith.subf %add3A_3400, %mul3A_2789 : vector<16xf32>
    %sub3A_3403 = arith.subf %mul3A_3363, %mul3A_2796 : vector<16xf32>
    %sub3A_3404 = arith.subf %mul3A_3367, %mul3A_2803 : vector<16xf32>
    %mul3A_3405 = arith.mulf %sub3A_3401, %sub3A_3401 : vector<16xf32>
    %mul3A_3406 = arith.mulf %sub3A_3402, %sub3A_3402 : vector<16xf32>
    %add3A_3407 = arith.addf %mul3A_3405, %mul3A_3406 : vector<16xf32>
    %mul3A_3408 = arith.mulf %sub3A_3403, %sub3A_3403 : vector<16xf32>
    %add3A_3409 = arith.addf %add3A_3407, %mul3A_3408 : vector<16xf32>
    %mul3A_3410 = arith.mulf %sub3A_3404, %sub3A_3404 : vector<16xf32>
    %add3A_3411 = arith.addf %add3A_3409, %mul3A_3410 : vector<16xf32>
    %select_n3A_3412 = arith.select %and3A_3315, %add3A_3411, %broadcast_in_dim3A_31 : vector<16xi1>, vector<16xf32>
    %add3A_3413 = arith.addf %add3A_3295, %select_n3A_3412 : vector<16xf32>
    %dma_wait3A_3414 = arith.constant 0 : i32
    %dma_wait3A_3415 = arith.constant 0 : i32
    %dma_wait3A_3416 = tpu.memref_slice %arg2[%dma_wait3A_3414, %dma_wait3A_3415] : memref<327680x80xf32, #tpu.memory_space<hbm>> -> memref<320x80xf32, #tpu.memory_space<hbm>>
    %dma_wait3A_3417 = arith.constant 0 : i32
    %dma_wait3A_3418 = arith.constant 0 : i32
    %dma_wait3A_3419 = tpu.memref_slice %arg2[%dma_wait3A_3417, %dma_wait3A_3418] : memref<327680x80xf32, #tpu.memory_space<hbm>> -> memref<320x80xf32, #tpu.memory_space<hbm>>
    tpu.wait_dma2 semaphore(%arg19 : memref<!tpu.dma_semaphore, #tpu.memory_space<semaphore_mem>>) src(%dma_wait3A_3419 : memref<320x80xf32, #tpu.memory_space<hbm>>) dst(%arg13 : memref<320x80xf32, #tpu.memory_space<vmem>>)
    %dma_wait3A_3420 = tpu.memref_slice %arg5[%multiple_of3A_158] : memref<163840xf32, #tpu.memory_space<hbm>> -> memref<5120xf32, #tpu.memory_space<hbm>>
    %dma_wait3A_3421 = tpu.memref_slice %arg5[%multiple_of3A_158] : memref<163840xf32, #tpu.memory_space<hbm>> -> memref<5120xf32, #tpu.memory_space<hbm>>
    tpu.wait_dma2 semaphore(%arg22 : memref<!tpu.dma_semaphore, #tpu.memory_space<semaphore_mem>>) src(%dma_wait3A_3421 : memref<5120xf32, #tpu.memory_space<hbm>>) dst(%arg16 : memref<5120xf32, #tpu.memory_space<vmem>>)
    %scan3A_3422 = arith.constant 0 : i32
    %scan3A_3423 = arith.constant 64 : i32
    %scan3A_3424 = arith.addi %scan3A_3422, %scan3A_3423 : i32
    %scan3A_3425 = arith.constant 1 : i32
    %scan3A_3426 = scf.for %scan3A_3503 = %scan3A_3422 to %scan3A_3424 step %scan3A_3425 iter_args(%scan3A_3504 = %broadcast_in_dim3A_31) -> (vector<16xf32>)  : i32 {
      %mul3A_3505 = arith.constant 80 : i32
      %mul3A_3506 = arith.muli %scan3A_3503, %mul3A_3505 : i32
      %multiple_of3A_3507 = tpu.assume_multiple %mul3A_3506, 16 : i32
      %add3A_3508 = arith.constant 0 : i32
      %add3A_3509 = arith.addi %multiple_of3A_3507, %add3A_3508 : i32
      %get3A_3510 = arith.index_cast %add3A_3509 : i32 to index
      %get3A_3511 = tpu.vector_load %arg16[%get3A_3510] {strides = array<i32>} : memref<5120xf32, #tpu.memory_space<vmem>>, vector<16xf32>,
      %add3A_3512 = arith.constant 16 : i32
      %add3A_3513 = arith.addi %multiple_of3A_3507, %add3A_3512 : i32
      %get3A_3514 = arith.index_cast %add3A_3513 : i32 to index
      %get3A_3515 = tpu.vector_load %arg16[%get3A_3514] {strides = array<i32>} : memref<5120xf32, #tpu.memory_space<vmem>>, vector<16xf32>,
      %add3A_3516 = arith.constant 32 : i32
      %add3A_3517 = arith.addi %multiple_of3A_3507, %add3A_3516 : i32
      %get3A_3518 = arith.index_cast %add3A_3517 : i32 to index
      %get3A_3519 = tpu.vector_load %arg16[%get3A_3518] {strides = array<i32>} : memref<5120xf32, #tpu.memory_space<vmem>>, vector<16xf32>,
      %add3A_3520 = arith.constant 48 : i32
      %add3A_3521 = arith.addi %multiple_of3A_3507, %add3A_3520 : i32
      %get3A_3522 = arith.index_cast %add3A_3521 : i32 to index
      %get3A_3523 = tpu.vector_load %arg16[%get3A_3522] {strides = array<i32>} : memref<5120xf32, #tpu.memory_space<vmem>>, vector<16xf32>,
      %add3A_3524 = arith.constant 64 : i32
      %add3A_3525 = arith.addi %multiple_of3A_3507, %add3A_3524 : i32
      %get3A_3526 = arith.index_cast %add3A_3525 : i32 to index
      %get3A_3527 = tpu.vector_load %arg16[%get3A_3526] {strides = array<i32>} : memref<5120xf32, #tpu.memory_space<vmem>>, vector<16xf32>,
      %broadcast_in_dim3A_3528 = arith.constant 0 : i32
      %broadcast_in_dim3A_3529 = vector.broadcast %broadcast_in_dim3A_3528 : i32 to vector<16xi32>
      %add3A_3530 = vector.broadcast %scan3A_3503 : i32 to vector<16xi32>
      %add3A_3531 = arith.addi %broadcast_in_dim3A_3529, %add3A_3530 : vector<16xi32>
      %gather3A_3532 = tpu.vector_load_idx %arg17[%add3A_3531] : memref<320xf32, #tpu.memory_space<vmem>>[vector<16xi32>], vector<16xf32>,
      %mul3A_3533 = arith.constant 5 : i32
      %mul3A_3534 = arith.muli %scan3A_3503, %mul3A_3533 : i32
      %add3A_3535 = arith.constant 0 : i32
      %add3A_3536 = arith.addi %mul3A_3534, %add3A_3535 : i32
      %get3A_3537 = arith.index_cast %add3A_3536 : i32 to index
      %get3A_3538 = arith.constant 0 : index
      %get3A_3539 = tpu.vector_load %arg13[%get3A_3537, %get3A_3538] {strides = array<i32>} : memref<320x80xf32, #tpu.memory_space<vmem>>, vector<16xf32>,
      %sub3A_3540 = arith.subf %get3A_3539, %get3A_3511 : vector<16xf32>
      %mul3A_3541 = arith.mulf %sub3A_3540, %sub3A_3540 : vector<16xf32>
      %add3A_3542 = arith.addf %broadcast_in_dim3A_31, %mul3A_3541 : vector<16xf32>
      %mul3A_3543 = arith.constant 5 : i32
      %mul3A_3544 = arith.muli %scan3A_3503, %mul3A_3543 : i32
      %add3A_3545 = arith.constant 0 : i32
      %add3A_3546 = arith.addi %mul3A_3544, %add3A_3545 : i32
      %get3A_3547 = arith.index_cast %add3A_3546 : i32 to index
      %get3A_3548 = arith.constant 16 : index
      %get3A_3549 = tpu.vector_load %arg13[%get3A_3547, %get3A_3548] {strides = array<i32>} : memref<320x80xf32, #tpu.memory_space<vmem>>, vector<16xf32>,
      %sub3A_3550 = arith.subf %get3A_3549, %get3A_3515 : vector<16xf32>
      %mul3A_3551 = arith.mulf %sub3A_3550, %sub3A_3550 : vector<16xf32>
      %add3A_3552 = arith.addf %add3A_3542, %mul3A_3551 : vector<16xf32>
      %mul3A_3553 = arith.constant 5 : i32
      %mul3A_3554 = arith.muli %scan3A_3503, %mul3A_3553 : i32
      %add3A_3555 = arith.constant 0 : i32
      %add3A_3556 = arith.addi %mul3A_3554, %add3A_3555 : i32
      %get3A_3557 = arith.index_cast %add3A_3556 : i32 to index
      %get3A_3558 = arith.constant 32 : index
      %get3A_3559 = tpu.vector_load %arg13[%get3A_3557, %get3A_3558] {strides = array<i32>} : memref<320x80xf32, #tpu.memory_space<vmem>>, vector<16xf32>,
      %sub3A_3560 = arith.subf %get3A_3559, %get3A_3519 : vector<16xf32>
      %mul3A_3561 = arith.mulf %sub3A_3560, %sub3A_3560 : vector<16xf32>
      %add3A_3562 = arith.addf %add3A_3552, %mul3A_3561 : vector<16xf32>
      %mul3A_3563 = arith.constant 5 : i32
      %mul3A_3564 = arith.muli %scan3A_3503, %mul3A_3563 : i32
      %add3A_3565 = arith.constant 0 : i32
      %add3A_3566 = arith.addi %mul3A_3564, %add3A_3565 : i32
      %get3A_3567 = arith.index_cast %add3A_3566 : i32 to index
      %get3A_3568 = arith.constant 48 : index
      %get3A_3569 = tpu.vector_load %arg13[%get3A_3567, %get3A_3568] {strides = array<i32>} : memref<320x80xf32, #tpu.memory_space<vmem>>, vector<16xf32>,
      %sub3A_3570 = arith.subf %get3A_3569, %get3A_3523 : vector<16xf32>
      %mul3A_3571 = arith.mulf %sub3A_3570, %sub3A_3570 : vector<16xf32>
      %add3A_3572 = arith.addf %add3A_3562, %mul3A_3571 : vector<16xf32>
      %mul3A_3573 = arith.constant 5 : i32
      %mul3A_3574 = arith.muli %scan3A_3503, %mul3A_3573 : i32
      %add3A_3575 = arith.constant 0 : i32
      %add3A_3576 = arith.addi %mul3A_3574, %add3A_3575 : i32
      %get3A_3577 = arith.index_cast %add3A_3576 : i32 to index
      %get3A_3578 = arith.constant 64 : index
      %get3A_3579 = tpu.vector_load %arg13[%get3A_3577, %get3A_3578] {strides = array<i32>} : memref<320x80xf32, #tpu.memory_space<vmem>>, vector<16xf32>,
      %sub3A_3580 = arith.subf %get3A_3579, %get3A_3527 : vector<16xf32>
      %mul3A_3581 = arith.mulf %sub3A_3580, %sub3A_3580 : vector<16xf32>
      %add3A_3582 = arith.addf %add3A_3572, %mul3A_3581 : vector<16xf32>
      %mul3A_3583 = arith.mulf %gather3A_3532, %add3A_3582 : vector<16xf32>
      %add3A_3584 = arith.addf %scan3A_3504, %mul3A_3583 : vector<16xf32>
      %broadcast_in_dim3A_3585 = arith.constant 64 : i32
      %broadcast_in_dim3A_3586 = vector.broadcast %broadcast_in_dim3A_3585 : i32 to vector<16xi32>
      %add3A_3587 = vector.broadcast %scan3A_3503 : i32 to vector<16xi32>
      %add3A_3588 = arith.addi %broadcast_in_dim3A_3586, %add3A_3587 : vector<16xi32>
      %gather3A_3589 = tpu.vector_load_idx %arg17[%add3A_3588] : memref<320xf32, #tpu.memory_space<vmem>>[vector<16xi32>], vector<16xf32>,
      %mul3A_3590 = arith.constant 5 : i32
      %mul3A_3591 = arith.muli %scan3A_3503, %mul3A_3590 : i32
      %add3A_3592 = arith.constant 1 : i32
      %add3A_3593 = arith.addi %mul3A_3591, %add3A_3592 : i32
      %get3A_3594 = arith.index_cast %add3A_3593 : i32 to index
      %get3A_3595 = arith.constant 0 : index
      %get3A_3596 = tpu.vector_load %arg13[%get3A_3594, %get3A_3595] {strides = array<i32>} : memref<320x80xf32, #tpu.memory_space<vmem>>, vector<16xf32>,
      %sub3A_3597 = arith.subf %get3A_3596, %get3A_3511 : vector<16xf32>
      %mul3A_3598 = arith.mulf %sub3A_3597, %sub3A_3597 : vector<16xf32>
      %add3A_3599 = arith.addf %broadcast_in_dim3A_31, %mul3A_3598 : vector<16xf32>
      %mul3A_3600 = arith.constant 5 : i32
      %mul3A_3601 = arith.muli %scan3A_3503, %mul3A_3600 : i32
      %add3A_3602 = arith.constant 1 : i32
      %add3A_3603 = arith.addi %mul3A_3601, %add3A_3602 : i32
      %get3A_3604 = arith.index_cast %add3A_3603 : i32 to index
      %get3A_3605 = arith.constant 16 : index
      %get3A_3606 = tpu.vector_load %arg13[%get3A_3604, %get3A_3605] {strides = array<i32>} : memref<320x80xf32, #tpu.memory_space<vmem>>, vector<16xf32>,
      %sub3A_3607 = arith.subf %get3A_3606, %get3A_3515 : vector<16xf32>
      %mul3A_3608 = arith.mulf %sub3A_3607, %sub3A_3607 : vector<16xf32>
      %add3A_3609 = arith.addf %add3A_3599, %mul3A_3608 : vector<16xf32>
      %mul3A_3610 = arith.constant 5 : i32
      %mul3A_3611 = arith.muli %scan3A_3503, %mul3A_3610 : i32
      %add3A_3612 = arith.constant 1 : i32
      %add3A_3613 = arith.addi %mul3A_3611, %add3A_3612 : i32
      %get3A_3614 = arith.index_cast %add3A_3613 : i32 to index
      %get3A_3615 = arith.constant 32 : index
      %get3A_3616 = tpu.vector_load %arg13[%get3A_3614, %get3A_3615] {strides = array<i32>} : memref<320x80xf32, #tpu.memory_space<vmem>>, vector<16xf32>,
      %sub3A_3617 = arith.subf %get3A_3616, %get3A_3519 : vector<16xf32>
      %mul3A_3618 = arith.mulf %sub3A_3617, %sub3A_3617 : vector<16xf32>
      %add3A_3619 = arith.addf %add3A_3609, %mul3A_3618 : vector<16xf32>
      %mul3A_3620 = arith.constant 5 : i32
      %mul3A_3621 = arith.muli %scan3A_3503, %mul3A_3620 : i32
      %add3A_3622 = arith.constant 1 : i32
      %add3A_3623 = arith.addi %mul3A_3621, %add3A_3622 : i32
      %get3A_3624 = arith.index_cast %add3A_3623 : i32 to index
      %get3A_3625 = arith.constant 48 : index
      %get3A_3626 = tpu.vector_load %arg13[%get3A_3624, %get3A_3625] {strides = array<i32>} : memref<320x80xf32, #tpu.memory_space<vmem>>, vector<16xf32>,
      %sub3A_3627 = arith.subf %get3A_3626, %get3A_3523 : vector<16xf32>
      %mul3A_3628 = arith.mulf %sub3A_3627, %sub3A_3627 : vector<16xf32>
      %add3A_3629 = arith.addf %add3A_3619, %mul3A_3628 : vector<16xf32>
      %mul3A_3630 = arith.constant 5 : i32
      %mul3A_3631 = arith.muli %scan3A_3503, %mul3A_3630 : i32
      %add3A_3632 = arith.constant 1 : i32
      %add3A_3633 = arith.addi %mul3A_3631, %add3A_3632 : i32
      %get3A_3634 = arith.index_cast %add3A_3633 : i32 to index
      %get3A_3635 = arith.constant 64 : index
      %get3A_3636 = tpu.vector_load %arg13[%get3A_3634, %get3A_3635] {strides = array<i32>} : memref<320x80xf32, #tpu.memory_space<vmem>>, vector<16xf32>,
      %sub3A_3637 = arith.subf %get3A_3636, %get3A_3527 : vector<16xf32>
      %mul3A_3638 = arith.mulf %sub3A_3637, %sub3A_3637 : vector<16xf32>
      %add3A_3639 = arith.addf %add3A_3629, %mul3A_3638 : vector<16xf32>
      %mul3A_3640 = arith.mulf %gather3A_3589, %add3A_3639 : vector<16xf32>
      %add3A_3641 = arith.addf %add3A_3584, %mul3A_3640 : vector<16xf32>
      %broadcast_in_dim3A_3642 = arith.constant 128 : i32
      %broadcast_in_dim3A_3643 = vector.broadcast %broadcast_in_dim3A_3642 : i32 to vector<16xi32>
      %add3A_3644 = vector.broadcast %scan3A_3503 : i32 to vector<16xi32>
      %add3A_3645 = arith.addi %broadcast_in_dim3A_3643, %add3A_3644 : vector<16xi32>
      %gather3A_3646 = tpu.vector_load_idx %arg17[%add3A_3645] : memref<320xf32, #tpu.memory_space<vmem>>[vector<16xi32>], vector<16xf32>,
      %mul3A_3647 = arith.constant 5 : i32
      %mul3A_3648 = arith.muli %scan3A_3503, %mul3A_3647 : i32
      %add3A_3649 = arith.constant 2 : i32
      %add3A_3650 = arith.addi %mul3A_3648, %add3A_3649 : i32
      %get3A_3651 = arith.index_cast %add3A_3650 : i32 to index
      %get3A_3652 = arith.constant 0 : index
      %get3A_3653 = tpu.vector_load %arg13[%get3A_3651, %get3A_3652] {strides = array<i32>} : memref<320x80xf32, #tpu.memory_space<vmem>>, vector<16xf32>,
      %sub3A_3654 = arith.subf %get3A_3653, %get3A_3511 : vector<16xf32>
      %mul3A_3655 = arith.mulf %sub3A_3654, %sub3A_3654 : vector<16xf32>
      %add3A_3656 = arith.addf %broadcast_in_dim3A_31, %mul3A_3655 : vector<16xf32>
      %mul3A_3657 = arith.constant 5 : i32
      %mul3A_3658 = arith.muli %scan3A_3503, %mul3A_3657 : i32
      %add3A_3659 = arith.constant 2 : i32
      %add3A_3660 = arith.addi %mul3A_3658, %add3A_3659 : i32
      %get3A_3661 = arith.index_cast %add3A_3660 : i32 to index
      %get3A_3662 = arith.constant 16 : index
      %get3A_3663 = tpu.vector_load %arg13[%get3A_3661, %get3A_3662] {strides = array<i32>} : memref<320x80xf32, #tpu.memory_space<vmem>>, vector<16xf32>,
      %sub3A_3664 = arith.subf %get3A_3663, %get3A_3515 : vector<16xf32>
      %mul3A_3665 = arith.mulf %sub3A_3664, %sub3A_3664 : vector<16xf32>
      %add3A_3666 = arith.addf %add3A_3656, %mul3A_3665 : vector<16xf32>
      %mul3A_3667 = arith.constant 5 : i32
      %mul3A_3668 = arith.muli %scan3A_3503, %mul3A_3667 : i32
      %add3A_3669 = arith.constant 2 : i32
      %add3A_3670 = arith.addi %mul3A_3668, %add3A_3669 : i32
      %get3A_3671 = arith.index_cast %add3A_3670 : i32 to index
      %get3A_3672 = arith.constant 32 : index
      %get3A_3673 = tpu.vector_load %arg13[%get3A_3671, %get3A_3672] {strides = array<i32>} : memref<320x80xf32, #tpu.memory_space<vmem>>, vector<16xf32>,
      %sub3A_3674 = arith.subf %get3A_3673, %get3A_3519 : vector<16xf32>
      %mul3A_3675 = arith.mulf %sub3A_3674, %sub3A_3674 : vector<16xf32>
      %add3A_3676 = arith.addf %add3A_3666, %mul3A_3675 : vector<16xf32>
      %mul3A_3677 = arith.constant 5 : i32
      %mul3A_3678 = arith.muli %scan3A_3503, %mul3A_3677 : i32
      %add3A_3679 = arith.constant 2 : i32
      %add3A_3680 = arith.addi %mul3A_3678, %add3A_3679 : i32
      %get3A_3681 = arith.index_cast %add3A_3680 : i32 to index
      %get3A_3682 = arith.constant 48 : index
      %get3A_3683 = tpu.vector_load %arg13[%get3A_3681, %get3A_3682] {strides = array<i32>} : memref<320x80xf32, #tpu.memory_space<vmem>>, vector<16xf32>,
      %sub3A_3684 = arith.subf %get3A_3683, %get3A_3523 : vector<16xf32>
      %mul3A_3685 = arith.mulf %sub3A_3684, %sub3A_3684 : vector<16xf32>
      %add3A_3686 = arith.addf %add3A_3676, %mul3A_3685 : vector<16xf32>
      %mul3A_3687 = arith.constant 5 : i32
      %mul3A_3688 = arith.muli %scan3A_3503, %mul3A_3687 : i32
      %add3A_3689 = arith.constant 2 : i32
      %add3A_3690 = arith.addi %mul3A_3688, %add3A_3689 : i32
      %get3A_3691 = arith.index_cast %add3A_3690 : i32 to index
      %get3A_3692 = arith.constant 64 : index
      %get3A_3693 = tpu.vector_load %arg13[%get3A_3691, %get3A_3692] {strides = array<i32>} : memref<320x80xf32, #tpu.memory_space<vmem>>, vector<16xf32>,
      %sub3A_3694 = arith.subf %get3A_3693, %get3A_3527 : vector<16xf32>
      %mul3A_3695 = arith.mulf %sub3A_3694, %sub3A_3694 : vector<16xf32>
      %add3A_3696 = arith.addf %add3A_3686, %mul3A_3695 : vector<16xf32>
      %mul3A_3697 = arith.mulf %gather3A_3646, %add3A_3696 : vector<16xf32>
      %add3A_3698 = arith.addf %add3A_3641, %mul3A_3697 : vector<16xf32>
      %broadcast_in_dim3A_3699 = arith.constant 192 : i32
      %broadcast_in_dim3A_3700 = vector.broadcast %broadcast_in_dim3A_3699 : i32 to vector<16xi32>
      %add3A_3701 = vector.broadcast %scan3A_3503 : i32 to vector<16xi32>
      %add3A_3702 = arith.addi %broadcast_in_dim3A_3700, %add3A_3701 : vector<16xi32>
      %gather3A_3703 = tpu.vector_load_idx %arg17[%add3A_3702] : memref<320xf32, #tpu.memory_space<vmem>>[vector<16xi32>], vector<16xf32>,
      %mul3A_3704 = arith.constant 5 : i32
      %mul3A_3705 = arith.muli %scan3A_3503, %mul3A_3704 : i32
      %add3A_3706 = arith.constant 3 : i32
      %add3A_3707 = arith.addi %mul3A_3705, %add3A_3706 : i32
      %get3A_3708 = arith.index_cast %add3A_3707 : i32 to index
      %get3A_3709 = arith.constant 0 : index
      %get3A_3710 = tpu.vector_load %arg13[%get3A_3708, %get3A_3709] {strides = array<i32>} : memref<320x80xf32, #tpu.memory_space<vmem>>, vector<16xf32>,
      %sub3A_3711 = arith.subf %get3A_3710, %get3A_3511 : vector<16xf32>
      %mul3A_3712 = arith.mulf %sub3A_3711, %sub3A_3711 : vector<16xf32>
      %add3A_3713 = arith.addf %broadcast_in_dim3A_31, %mul3A_3712 : vector<16xf32>
      %mul3A_3714 = arith.constant 5 : i32
      %mul3A_3715 = arith.muli %scan3A_3503, %mul3A_3714 : i32
      %add3A_3716 = arith.constant 3 : i32
      %add3A_3717 = arith.addi %mul3A_3715, %add3A_3716 : i32
      %get3A_3718 = arith.index_cast %add3A_3717 : i32 to index
      %get3A_3719 = arith.constant 16 : index
      %get3A_3720 = tpu.vector_load %arg13[%get3A_3718, %get3A_3719] {strides = array<i32>} : memref<320x80xf32, #tpu.memory_space<vmem>>, vector<16xf32>,
      %sub3A_3721 = arith.subf %get3A_3720, %get3A_3515 : vector<16xf32>
      %mul3A_3722 = arith.mulf %sub3A_3721, %sub3A_3721 : vector<16xf32>
      %add3A_3723 = arith.addf %add3A_3713, %mul3A_3722 : vector<16xf32>
      %mul3A_3724 = arith.constant 5 : i32
      %mul3A_3725 = arith.muli %scan3A_3503, %mul3A_3724 : i32
      %add3A_3726 = arith.constant 3 : i32
      %add3A_3727 = arith.addi %mul3A_3725, %add3A_3726 : i32
      %get3A_3728 = arith.index_cast %add3A_3727 : i32 to index
      %get3A_3729 = arith.constant 32 : index
      %get3A_3730 = tpu.vector_load %arg13[%get3A_3728, %get3A_3729] {strides = array<i32>} : memref<320x80xf32, #tpu.memory_space<vmem>>, vector<16xf32>,
      %sub3A_3731 = arith.subf %get3A_3730, %get3A_3519 : vector<16xf32>
      %mul3A_3732 = arith.mulf %sub3A_3731, %sub3A_3731 : vector<16xf32>
      %add3A_3733 = arith.addf %add3A_3723, %mul3A_3732 : vector<16xf32>
      %mul3A_3734 = arith.constant 5 : i32
      %mul3A_3735 = arith.muli %scan3A_3503, %mul3A_3734 : i32
      %add3A_3736 = arith.constant 3 : i32
      %add3A_3737 = arith.addi %mul3A_3735, %add3A_3736 : i32
      %get3A_3738 = arith.index_cast %add3A_3737 : i32 to index
      %get3A_3739 = arith.constant 48 : index
      %get3A_3740 = tpu.vector_load %arg13[%get3A_3738, %get3A_3739] {strides = array<i32>} : memref<320x80xf32, #tpu.memory_space<vmem>>, vector<16xf32>,
      %sub3A_3741 = arith.subf %get3A_3740, %get3A_3523 : vector<16xf32>
      %mul3A_3742 = arith.mulf %sub3A_3741, %sub3A_3741 : vector<16xf32>
      %add3A_3743 = arith.addf %add3A_3733, %mul3A_3742 : vector<16xf32>
      %mul3A_3744 = arith.constant 5 : i32
      %mul3A_3745 = arith.muli %scan3A_3503, %mul3A_3744 : i32
      %add3A_3746 = arith.constant 3 : i32
      %add3A_3747 = arith.addi %mul3A_3745, %add3A_3746 : i32
      %get3A_3748 = arith.index_cast %add3A_3747 : i32 to index
      %get3A_3749 = arith.constant 64 : index
      %get3A_3750 = tpu.vector_load %arg13[%get3A_3748, %get3A_3749] {strides = array<i32>} : memref<320x80xf32, #tpu.memory_space<vmem>>, vector<16xf32>,
      %sub3A_3751 = arith.subf %get3A_3750, %get3A_3527 : vector<16xf32>
      %mul3A_3752 = arith.mulf %sub3A_3751, %sub3A_3751 : vector<16xf32>
      %add3A_3753 = arith.addf %add3A_3743, %mul3A_3752 : vector<16xf32>
      %mul3A_3754 = arith.mulf %gather3A_3703, %add3A_3753 : vector<16xf32>
      %add3A_3755 = arith.addf %add3A_3698, %mul3A_3754 : vector<16xf32>
      %broadcast_in_dim3A_3756 = arith.constant 256 : i32
      %broadcast_in_dim3A_3757 = vector.broadcast %broadcast_in_dim3A_3756 : i32 to vector<16xi32>
      %add3A_3758 = vector.broadcast %scan3A_3503 : i32 to vector<16xi32>
      %add3A_3759 = arith.addi %broadcast_in_dim3A_3757, %add3A_3758 : vector<16xi32>
      %gather3A_3760 = tpu.vector_load_idx %arg17[%add3A_3759] : memref<320xf32, #tpu.memory_space<vmem>>[vector<16xi32>], vector<16xf32>,
      %mul3A_3761 = arith.constant 5 : i32
      %mul3A_3762 = arith.muli %scan3A_3503, %mul3A_3761 : i32
      %add3A_3763 = arith.constant 4 : i32
      %add3A_3764 = arith.addi %mul3A_3762, %add3A_3763 : i32
      %get3A_3765 = arith.index_cast %add3A_3764 : i32 to index
      %get3A_3766 = arith.constant 0 : index
      %get3A_3767 = tpu.vector_load %arg13[%get3A_3765, %get3A_3766] {strides = array<i32>} : memref<320x80xf32, #tpu.memory_space<vmem>>, vector<16xf32>,
      %sub3A_3768 = arith.subf %get3A_3767, %get3A_3511 : vector<16xf32>
      %mul3A_3769 = arith.mulf %sub3A_3768, %sub3A_3768 : vector<16xf32>
      %add3A_3770 = arith.addf %broadcast_in_dim3A_31, %mul3A_3769 : vector<16xf32>
      %mul3A_3771 = arith.constant 5 : i32
      %mul3A_3772 = arith.muli %scan3A_3503, %mul3A_3771 : i32
      %add3A_3773 = arith.constant 4 : i32
      %add3A_3774 = arith.addi %mul3A_3772, %add3A_3773 : i32
      %get3A_3775 = arith.index_cast %add3A_3774 : i32 to index
      %get3A_3776 = arith.constant 16 : index
      %get3A_3777 = tpu.vector_load %arg13[%get3A_3775, %get3A_3776] {strides = array<i32>} : memref<320x80xf32, #tpu.memory_space<vmem>>, vector<16xf32>,
      %sub3A_3778 = arith.subf %get3A_3777, %get3A_3515 : vector<16xf32>
      %mul3A_3779 = arith.mulf %sub3A_3778, %sub3A_3778 : vector<16xf32>
      %add3A_3780 = arith.addf %add3A_3770, %mul3A_3779 : vector<16xf32>
      %mul3A_3781 = arith.constant 5 : i32
      %mul3A_3782 = arith.muli %scan3A_3503, %mul3A_3781 : i32
      %add3A_3783 = arith.constant 4 : i32
      %add3A_3784 = arith.addi %mul3A_3782, %add3A_3783 : i32
      %get3A_3785 = arith.index_cast %add3A_3784 : i32 to index
      %get3A_3786 = arith.constant 32 : index
      %get3A_3787 = tpu.vector_load %arg13[%get3A_3785, %get3A_3786] {strides = array<i32>} : memref<320x80xf32, #tpu.memory_space<vmem>>, vector<16xf32>,
      %sub3A_3788 = arith.subf %get3A_3787, %get3A_3519 : vector<16xf32>
      %mul3A_3789 = arith.mulf %sub3A_3788, %sub3A_3788 : vector<16xf32>
      %add3A_3790 = arith.addf %add3A_3780, %mul3A_3789 : vector<16xf32>
      %mul3A_3791 = arith.constant 5 : i32
      %mul3A_3792 = arith.muli %scan3A_3503, %mul3A_3791 : i32
      %add3A_3793 = arith.constant 4 : i32
      %add3A_3794 = arith.addi %mul3A_3792, %add3A_3793 : i32
      %get3A_3795 = arith.index_cast %add3A_3794 : i32 to index
      %get3A_3796 = arith.constant 48 : index
      %get3A_3797 = tpu.vector_load %arg13[%get3A_3795, %get3A_3796] {strides = array<i32>} : memref<320x80xf32, #tpu.memory_space<vmem>>, vector<16xf32>,
      %sub3A_3798 = arith.subf %get3A_3797, %get3A_3523 : vector<16xf32>
      %mul3A_3799 = arith.mulf %sub3A_3798, %sub3A_3798 : vector<16xf32>
      %add3A_3800 = arith.addf %add3A_3790, %mul3A_3799 : vector<16xf32>
      %mul3A_3801 = arith.constant 5 : i32
      %mul3A_3802 = arith.muli %scan3A_3503, %mul3A_3801 : i32
      %add3A_3803 = arith.constant 4 : i32
      %add3A_3804 = arith.addi %mul3A_3802, %add3A_3803 : i32
      %get3A_3805 = arith.index_cast %add3A_3804 : i32 to index
      %get3A_3806 = arith.constant 64 : index
      %get3A_3807 = tpu.vector_load %arg13[%get3A_3805, %get3A_3806] {strides = array<i32>} : memref<320x80xf32, #tpu.memory_space<vmem>>, vector<16xf32>,
      %sub3A_3808 = arith.subf %get3A_3807, %get3A_3527 : vector<16xf32>
      %mul3A_3809 = arith.mulf %sub3A_3808, %sub3A_3808 : vector<16xf32>
      %add3A_3810 = arith.addf %add3A_3800, %mul3A_3809 : vector<16xf32>
      %mul3A_3811 = arith.mulf %gather3A_3760, %add3A_3810 : vector<16xf32>
      %add3A_3812 = arith.addf %add3A_3755, %mul3A_3811 : vector<16xf32>
      scf.yield %add3A_3812 : vector<16xf32>
    }
    %scan3A_3427 = arith.constant 64 : i32
    %dma_wait3A_3428 = arith.constant 0 : i32
    %dma_wait3A_3429 = arith.constant 0 : i32
    %dma_wait3A_3430 = tpu.memref_slice %arg15[%dma_wait3A_3428, %dma_wait3A_3429] : memref<160x64xf32, #tpu.memory_space<vmem>> -> memref<32x64xf32, #tpu.memory_space<vmem>>
    %dma_wait3A_3431 = arith.constant 0 : i32
    %dma_wait3A_3432 = tpu.memref_slice %arg4[%multiple_of3A, %dma_wait3A_3431] : memref<25600x64xf32, #tpu.memory_space<hbm>> -> memref<32x64xf32, #tpu.memory_space<hbm>>
    %dma_wait3A_3433 = arith.constant 0 : i32
    %dma_wait3A_3434 = arith.constant 0 : i32
    %dma_wait3A_3435 = tpu.memref_slice %arg15[%dma_wait3A_3433, %dma_wait3A_3434] : memref<160x64xf32, #tpu.memory_space<vmem>> -> memref<32x64xf32, #tpu.memory_space<vmem>>
    %dma_wait3A_3436 = arith.constant 0 : i32
    %dma_wait3A_3437 = tpu.memref_slice %arg4[%multiple_of3A, %dma_wait3A_3436] : memref<25600x64xf32, #tpu.memory_space<hbm>> -> memref<32x64xf32, #tpu.memory_space<hbm>>
    tpu.wait_dma2 semaphore(%arg21 : memref<!tpu.dma_semaphore, #tpu.memory_space<semaphore_mem>>) src(%dma_wait3A_3437 : memref<32x64xf32, #tpu.memory_space<hbm>>) dst(%dma_wait3A_3435 : memref<32x64xf32, #tpu.memory_space<vmem>>)
    %dma_wait3A_3438 = arith.constant 32 : i32
    %dma_wait3A_3439 = arith.constant 0 : i32
    %dma_wait3A_3440 = tpu.memref_slice %arg15[%dma_wait3A_3438, %dma_wait3A_3439] : memref<160x64xf32, #tpu.memory_space<vmem>> -> memref<32x64xf32, #tpu.memory_space<vmem>>
    %dma_wait3A_3441 = arith.constant 0 : i32
    %dma_wait3A_3442 = tpu.memref_slice %arg4[%multiple_of3A_67, %dma_wait3A_3441] : memref<25600x64xf32, #tpu.memory_space<hbm>> -> memref<32x64xf32, #tpu.memory_space<hbm>>
    %dma_wait3A_3443 = arith.constant 32 : i32
    %dma_wait3A_3444 = arith.constant 0 : i32
    %dma_wait3A_3445 = tpu.memref_slice %arg15[%dma_wait3A_3443, %dma_wait3A_3444] : memref<160x64xf32, #tpu.memory_space<vmem>> -> memref<32x64xf32, #tpu.memory_space<vmem>>
    %dma_wait3A_3446 = arith.constant 0 : i32
    %dma_wait3A_3447 = tpu.memref_slice %arg4[%multiple_of3A_67, %dma_wait3A_3446] : memref<25600x64xf32, #tpu.memory_space<hbm>> -> memref<32x64xf32, #tpu.memory_space<hbm>>
    tpu.wait_dma2 semaphore(%arg21 : memref<!tpu.dma_semaphore, #tpu.memory_space<semaphore_mem>>) src(%dma_wait3A_3447 : memref<32x64xf32, #tpu.memory_space<hbm>>) dst(%dma_wait3A_3445 : memref<32x64xf32, #tpu.memory_space<vmem>>)
    %dma_wait3A_3448 = arith.constant 64 : i32
    %dma_wait3A_3449 = arith.constant 0 : i32
    %dma_wait3A_3450 = tpu.memref_slice %arg15[%dma_wait3A_3448, %dma_wait3A_3449] : memref<160x64xf32, #tpu.memory_space<vmem>> -> memref<32x64xf32, #tpu.memory_space<vmem>>
    %dma_wait3A_3451 = arith.constant 0 : i32
    %dma_wait3A_3452 = tpu.memref_slice %arg4[%multiple_of3A_91, %dma_wait3A_3451] : memref<25600x64xf32, #tpu.memory_space<hbm>> -> memref<32x64xf32, #tpu.memory_space<hbm>>
    %dma_wait3A_3453 = arith.constant 64 : i32
    %dma_wait3A_3454 = arith.constant 0 : i32
    %dma_wait3A_3455 = tpu.memref_slice %arg15[%dma_wait3A_3453, %dma_wait3A_3454] : memref<160x64xf32, #tpu.memory_space<vmem>> -> memref<32x64xf32, #tpu.memory_space<vmem>>
    %dma_wait3A_3456 = arith.constant 0 : i32
    %dma_wait3A_3457 = tpu.memref_slice %arg4[%multiple_of3A_91, %dma_wait3A_3456] : memref<25600x64xf32, #tpu.memory_space<hbm>> -> memref<32x64xf32, #tpu.memory_space<hbm>>
    tpu.wait_dma2 semaphore(%arg21 : memref<!tpu.dma_semaphore, #tpu.memory_space<semaphore_mem>>) src(%dma_wait3A_3457 : memref<32x64xf32, #tpu.memory_space<hbm>>) dst(%dma_wait3A_3455 : memref<32x64xf32, #tpu.memory_space<vmem>>)
    %dma_wait3A_3458 = arith.constant 96 : i32
    %dma_wait3A_3459 = arith.constant 0 : i32
    %dma_wait3A_3460 = tpu.memref_slice %arg15[%dma_wait3A_3458, %dma_wait3A_3459] : memref<160x64xf32, #tpu.memory_space<vmem>> -> memref<32x64xf32, #tpu.memory_space<vmem>>
    %dma_wait3A_3461 = arith.constant 0 : i32
    %dma_wait3A_3462 = tpu.memref_slice %arg4[%multiple_of3A_115, %dma_wait3A_3461] : memref<25600x64xf32, #tpu.memory_space<hbm>> -> memref<32x64xf32, #tpu.memory_space<hbm>>
    %dma_wait3A_3463 = arith.constant 96 : i32
    %dma_wait3A_3464 = arith.constant 0 : i32
    %dma_wait3A_3465 = tpu.memref_slice %arg15[%dma_wait3A_3463, %dma_wait3A_3464] : memref<160x64xf32, #tpu.memory_space<vmem>> -> memref<32x64xf32, #tpu.memory_space<vmem>>
    %dma_wait3A_3466 = arith.constant 0 : i32
    %dma_wait3A_3467 = tpu.memref_slice %arg4[%multiple_of3A_115, %dma_wait3A_3466] : memref<25600x64xf32, #tpu.memory_space<hbm>> -> memref<32x64xf32, #tpu.memory_space<hbm>>
    tpu.wait_dma2 semaphore(%arg21 : memref<!tpu.dma_semaphore, #tpu.memory_space<semaphore_mem>>) src(%dma_wait3A_3467 : memref<32x64xf32, #tpu.memory_space<hbm>>) dst(%dma_wait3A_3465 : memref<32x64xf32, #tpu.memory_space<vmem>>)
    %dma_wait3A_3468 = arith.constant 128 : i32
    %dma_wait3A_3469 = arith.constant 0 : i32
    %dma_wait3A_3470 = tpu.memref_slice %arg15[%dma_wait3A_3468, %dma_wait3A_3469] : memref<160x64xf32, #tpu.memory_space<vmem>> -> memref<32x64xf32, #tpu.memory_space<vmem>>
    %dma_wait3A_3471 = arith.constant 0 : i32
    %dma_wait3A_3472 = tpu.memref_slice %arg4[%multiple_of3A_139, %dma_wait3A_3471] : memref<25600x64xf32, #tpu.memory_space<hbm>> -> memref<32x64xf32, #tpu.memory_space<hbm>>
    %dma_wait3A_3473 = arith.constant 128 : i32
    %dma_wait3A_3474 = arith.constant 0 : i32
    %dma_wait3A_3475 = tpu.memref_slice %arg15[%dma_wait3A_3473, %dma_wait3A_3474] : memref<160x64xf32, #tpu.memory_space<vmem>> -> memref<32x64xf32, #tpu.memory_space<vmem>>
    %dma_wait3A_3476 = arith.constant 0 : i32
    %dma_wait3A_3477 = tpu.memref_slice %arg4[%multiple_of3A_139, %dma_wait3A_3476] : memref<25600x64xf32, #tpu.memory_space<hbm>> -> memref<32x64xf32, #tpu.memory_space<hbm>>
    tpu.wait_dma2 semaphore(%arg21 : memref<!tpu.dma_semaphore, #tpu.memory_space<semaphore_mem>>) src(%dma_wait3A_3477 : memref<32x64xf32, #tpu.memory_space<hbm>>) dst(%dma_wait3A_3475 : memref<32x64xf32, #tpu.memory_space<vmem>>)
    %scan3A_3478 = arith.constant 0 : i32
    %scan3A_3479 = arith.constant 160 : i32
    %scan3A_3480 = arith.addi %scan3A_3478, %scan3A_3479 : i32
    %scan3A_3481 = arith.constant 1 : i32
    %scan3A_3482 = scf.for %scan3A_3503 = %scan3A_3478 to %scan3A_3480 step %scan3A_3481 iter_args(%scan3A_3504 = %broadcast_in_dim3A_31) -> (vector<16xf32>)  : i32 {
      %get3A_3505 = arith.index_cast %scan3A_3503 : i32 to index
      %get3A_3506 = arith.constant 0 : index
      %get3A_3507 = tpu.vector_load %arg15[%get3A_3505, %get3A_3506] {strides = array<i32>} : memref<160x64xf32, #tpu.memory_space<vmem>>, vector<16xf32>,
      %neg3A_3508 = arith.constant 0.000000e+00 : f32
      %neg3A_3509 = vector.broadcast %neg3A_3508 : f32 to vector<16xf32>
      %neg3A_3510 = arith.subf %neg3A_3509, %get3A_3507 : vector<16xf32>
      %exp3A_3511 = math.exp %neg3A_3510 : vector<16xf32>
      %add3A_3512 = arith.constant 1.000000e+00 : f32
      %add3A_3513 = vector.broadcast %add3A_3512 : f32 to vector<16xf32>
      %add3A_3514 = arith.addf %add3A_3513, %exp3A_3511 : vector<16xf32>
      %div3A_3515 = arith.constant 1.000000e+00 : f32
      %div3A_3516 = vector.broadcast %div3A_3515 : f32 to vector<16xf32>
      %div3A_3517 = arith.divf %div3A_3516, %add3A_3514 : vector<16xf32>
      %mul3A_3518 = arith.mulf %div3A_3517, %div3A_3517 : vector<16xf32>
      %add3A_3519 = arith.addf %scan3A_3504, %mul3A_3518 : vector<16xf32>
      %get3A_3520 = arith.index_cast %scan3A_3503 : i32 to index
      %get3A_3521 = arith.constant 16 : index
      %get3A_3522 = tpu.vector_load %arg15[%get3A_3520, %get3A_3521] {strides = array<i32>} : memref<160x64xf32, #tpu.memory_space<vmem>>, vector<16xf32>,
      %neg3A_3523 = arith.constant 0.000000e+00 : f32
      %neg3A_3524 = vector.broadcast %neg3A_3523 : f32 to vector<16xf32>
      %neg3A_3525 = arith.subf %neg3A_3524, %get3A_3522 : vector<16xf32>
      %exp3A_3526 = math.exp %neg3A_3525 : vector<16xf32>
      %add3A_3527 = arith.constant 1.000000e+00 : f32
      %add3A_3528 = vector.broadcast %add3A_3527 : f32 to vector<16xf32>
      %add3A_3529 = arith.addf %add3A_3528, %exp3A_3526 : vector<16xf32>
      %div3A_3530 = arith.constant 1.000000e+00 : f32
      %div3A_3531 = vector.broadcast %div3A_3530 : f32 to vector<16xf32>
      %div3A_3532 = arith.divf %div3A_3531, %add3A_3529 : vector<16xf32>
      %mul3A_3533 = arith.mulf %div3A_3532, %div3A_3532 : vector<16xf32>
      %add3A_3534 = arith.addf %add3A_3519, %mul3A_3533 : vector<16xf32>
      %get3A_3535 = arith.index_cast %scan3A_3503 : i32 to index
      %get3A_3536 = arith.constant 32 : index
      %get3A_3537 = tpu.vector_load %arg15[%get3A_3535, %get3A_3536] {strides = array<i32>} : memref<160x64xf32, #tpu.memory_space<vmem>>, vector<16xf32>,
      %neg3A_3538 = arith.constant 0.000000e+00 : f32
      %neg3A_3539 = vector.broadcast %neg3A_3538 : f32 to vector<16xf32>
      %neg3A_3540 = arith.subf %neg3A_3539, %get3A_3537 : vector<16xf32>
      %exp3A_3541 = math.exp %neg3A_3540 : vector<16xf32>
      %add3A_3542 = arith.constant 1.000000e+00 : f32
      %add3A_3543 = vector.broadcast %add3A_3542 : f32 to vector<16xf32>
      %add3A_3544 = arith.addf %add3A_3543, %exp3A_3541 : vector<16xf32>
      %div3A_3545 = arith.constant 1.000000e+00 : f32
      %div3A_3546 = vector.broadcast %div3A_3545 : f32 to vector<16xf32>
      %div3A_3547 = arith.divf %div3A_3546, %add3A_3544 : vector<16xf32>
      %mul3A_3548 = arith.mulf %div3A_3547, %div3A_3547 : vector<16xf32>
      %add3A_3549 = arith.addf %add3A_3534, %mul3A_3548 : vector<16xf32>
      %get3A_3550 = arith.index_cast %scan3A_3503 : i32 to index
      %get3A_3551 = arith.constant 48 : index
      %get3A_3552 = tpu.vector_load %arg15[%get3A_3550, %get3A_3551] {strides = array<i32>} : memref<160x64xf32, #tpu.memory_space<vmem>>, vector<16xf32>,
      %neg3A_3553 = arith.constant 0.000000e+00 : f32
      %neg3A_3554 = vector.broadcast %neg3A_3553 : f32 to vector<16xf32>
      %neg3A_3555 = arith.subf %neg3A_3554, %get3A_3552 : vector<16xf32>
      %exp3A_3556 = math.exp %neg3A_3555 : vector<16xf32>
      %add3A_3557 = arith.constant 1.000000e+00 : f32
      %add3A_3558 = vector.broadcast %add3A_3557 : f32 to vector<16xf32>
      %add3A_3559 = arith.addf %add3A_3558, %exp3A_3556 : vector<16xf32>
      %div3A_3560 = arith.constant 1.000000e+00 : f32
      %div3A_3561 = vector.broadcast %div3A_3560 : f32 to vector<16xf32>
      %div3A_3562 = arith.divf %div3A_3561, %add3A_3559 : vector<16xf32>
      %mul3A_3563 = arith.mulf %div3A_3562, %div3A_3562 : vector<16xf32>
      %add3A_3564 = arith.addf %add3A_3549, %mul3A_3563 : vector<16xf32>
      scf.yield %add3A_3564 : vector<16xf32>
    }
    %scan3A_3483 = arith.constant 160 : i32
    %swap3A_3484 = arith.constant 0 : index
    %swap3A_3485 = tpu.vector_load %arg18[%swap3A_3484] {strides = array<i32>} : memref<128xf32, #tpu.memory_space<vmem>>, vector<16xf32>,
    tpu.vector_store %arg18[%swap3A_3484], %add3A_3355 {strides = array<i32>} : memref<128xf32, #tpu.memory_space<vmem>>, vector<16xf32>,
    %swap3A_3486 = arith.constant 16 : index
    %swap3A_3487 = tpu.vector_load %arg18[%swap3A_3486] {strides = array<i32>} : memref<128xf32, #tpu.memory_space<vmem>>, vector<16xf32>,
    tpu.vector_store %arg18[%swap3A_3486], %add3A_3359 {strides = array<i32>} : memref<128xf32, #tpu.memory_space<vmem>>, vector<16xf32>,
    %swap3A_3488 = arith.constant 32 : index
    %swap3A_3489 = tpu.vector_load %arg18[%swap3A_3488] {strides = array<i32>} : memref<128xf32, #tpu.memory_space<vmem>>, vector<16xf32>,
    tpu.vector_store %arg18[%swap3A_3488], %add3A_3378 {strides = array<i32>} : memref<128xf32, #tpu.memory_space<vmem>>, vector<16xf32>,
    %swap3A_3490 = arith.constant 48 : index
    %swap3A_3491 = tpu.vector_load %arg18[%swap3A_3490] {strides = array<i32>} : memref<128xf32, #tpu.memory_space<vmem>>, vector<16xf32>,
    tpu.vector_store %arg18[%swap3A_3490], %add3A_3413 {strides = array<i32>} : memref<128xf32, #tpu.memory_space<vmem>>, vector<16xf32>,
    %swap3A_3492 = arith.constant 64 : index
    %swap3A_3493 = tpu.vector_load %arg18[%swap3A_3492] {strides = array<i32>} : memref<128xf32, #tpu.memory_space<vmem>>, vector<16xf32>,
    tpu.vector_store %arg18[%swap3A_3492], %scan3A_3426 {strides = array<i32>} : memref<128xf32, #tpu.memory_space<vmem>>, vector<16xf32>,
    %swap3A_3494 = arith.constant 80 : index
    %swap3A_3495 = tpu.vector_load %arg18[%swap3A_3494] {strides = array<i32>} : memref<128xf32, #tpu.memory_space<vmem>>, vector<16xf32>,
    tpu.vector_store %arg18[%swap3A_3494], %scan3A_3482 {strides = array<i32>} : memref<128xf32, #tpu.memory_space<vmem>>, vector<16xf32>,
    %swap3A_3496 = arith.constant 96 : index
    %swap3A_3497 = tpu.vector_load %arg18[%swap3A_3496] {strides = array<i32>} : memref<128xf32, #tpu.memory_space<vmem>>, vector<16xf32>,
    tpu.vector_store %arg18[%swap3A_3496], %broadcast_in_dim3A_31 {strides = array<i32>} : memref<128xf32, #tpu.memory_space<vmem>>, vector<16xf32>,
    %swap3A_3498 = arith.constant 112 : index
    %swap3A_3499 = tpu.vector_load %arg18[%swap3A_3498] {strides = array<i32>} : memref<128xf32, #tpu.memory_space<vmem>>, vector<16xf32>,
    tpu.vector_store %arg18[%swap3A_3498], %broadcast_in_dim3A_31 {strides = array<i32>} : memref<128xf32, #tpu.memory_space<vmem>>, vector<16xf32>,
    %mul3A_3500 = arith.constant 128 : i32
    %mul3A_3501 = arith.muli %add3A, %mul3A_3500 : i32
    %multiple_of3A_3502 = tpu.assume_multiple %mul3A_3501, 128 : i32
    "tpu.region"() ({
      %run_scoped3A = tpu.sem_alloc : memref<!tpu.dma_semaphore, #tpu.memory_space<semaphore_mem>>
      %dma_start3A_3503 = tpu.memref_slice %arg7[%multiple_of3A_3502] : memref<4096xf32, #tpu.memory_space<hbm>> -> memref<128xf32, #tpu.memory_space<hbm>>
      %dma_start3A_3504 = tpu.memref_slice %arg7[%multiple_of3A_3502] : memref<4096xf32, #tpu.memory_space<hbm>> -> memref<128xf32, #tpu.memory_space<hbm>>
      tpu.enqueue_dma source(%arg18 : memref<128xf32, #tpu.memory_space<vmem>>) target(%dma_start3A_3504 : memref<128xf32, #tpu.memory_space<hbm>>) target_semaphore(%run_scoped3A : memref<!tpu.dma_semaphore, #tpu.memory_space<semaphore_mem>>)
      %dma_wait3A_3505 = tpu.memref_slice %arg7[%multiple_of3A_3502] : memref<4096xf32, #tpu.memory_space<hbm>> -> memref<128xf32, #tpu.memory_space<hbm>>
      %dma_wait3A_3506 = tpu.memref_slice %arg7[%multiple_of3A_3502] : memref<4096xf32, #tpu.memory_space<hbm>> -> memref<128xf32, #tpu.memory_space<hbm>>
      tpu.wait_dma2 semaphore(%run_scoped3A : memref<!tpu.dma_semaphore, #tpu.memory_space<semaphore_mem>>) src(%arg18 : memref<128xf32, #tpu.memory_space<vmem>>) dst(%dma_wait3A_3506 : memref<128xf32, #tpu.memory_space<hbm>>)
      tpu.yield
    }) : () -> ()
    return
  }
}

</mosaic_0001>

<sc_bundles>
// kernel: _yolo_loss_sc.3.cloned.1.call-start
scs
__scs_entry_jumppad:
0x0: {  	(pc) =	sbr.rel $0x88, $3  }
0x1: {  	(tag) =	ssettag $0x0;
	lr =	simm.s32 $0x1  }
0x2: {  	[smem:$0x3F9C] =	sst lr;
	_ =	strace $0xD0000000  }
0x3: {  	_ = 	snop  }
0x4: {  	_ = 	snop  }
0x5: {  	_ = 	snop  }
0x6: {  	_ = 	snop  }
0x7: {  	_ = 	snop  }
__scs_overlays_trampoline_lowered:
0x8: {  	[smem:$0x3FAB] =	sst s0  }
0x9: {  	[smem:$0x3FAC] =	sst s1  }
0xa: {  	[smem:$0x3FAD] =	sst s2  }
0xb: {  	[smem:$0x3FAE] =	sst s3  }
0xc: {  	[smem:$0x3FAF] =	sst s4  }
0xd: {  	[smem:$0x3FB0] =	sst s5  }
0xe: {  	[smem:$0x3FB1] =	sst s6  }
0xf: {  	[smem:$0x3FB2] =	sst s7  }
0x10: {  	[smem:$0x3FB3] =	sst s8  }
0x11: {  	[smem:$0x3FB4] =	sst s9;
	s0 =	simm.s32 @!p0 $0x0  }
0x12: {  	s1 =	sld [smem:$0x3F9A];
	s0 =	simm.s32 @p0 $0x1  }
0x13: {  	[smem:$0x3FB5] =	sst s0;
	s0 =	simm.s32 @!p1 $0x0  }
0x14: {  	s2 =	sld [smem:$0x3F99];
	s0 =	simm.s32 @p1 $0x1  }
0x15: {  	[smem:$0x3FB6] =	sst s0;
	s0 =	simm.s32 @!p2 $0x0  }
0x16: {  	s3 =	sld [smem:$0x3FDB];
	s0 =	simm.s32 @p2 $0x1  }
0x17: {  	s4 =	simm.s32 $0x1BF5;
	[smem:$0x3FB8] =	sst s0  }
0x18: {  	s0 =	sld [smem:$0x3F9B];
	_ =	swait.ge [sflag:s4], $0x0  }
0x19: {  	s7 =	sld [smem:$0x3F9C]  }
0x1a: {  	s8 =	sadd.s32 $0xFFFFE003, lr  }
0x1b: {  	s9 =	sadd.s32 $0xFFFFFEF7, lr;
	s5 =	simm.s32 $0xFFFFFFFF;
	p2 =	slt.u32 s8, $0xFFFFF086  }
0x1c: {  	p1 =	slt.u32 s9, $0xF7A;
	s5 =	simm.s32 @!p2 $0x0  }
0x1d: {  	s5 =	simm.s32 @p1 $0x1;
	p0 =	seq.s32 s7, s2  }
0x1e: {  	s7 =	smul.u32 @!p0 $0xF7A, s2;
	p2 =	seq.s32 @!p0 s5, $0x0  }
0x1f: {  	s9 =	smul.u32 $0xF7A, s1;
	s8 =	simm.s32 @!p0 $0x1BF5;
	p2 =	por !p2, p0  }
0x20: {  	[sflag:s8] =	ssyncset.s32 @!p0 $0xFFFFF086;
	s6 =	sadd.s32 @!p0 s3, s7;
	s7 =	simm.s32 @!p0 $0x108  }
0x21: {  	s3 =	sadd.s32 s3, s9;
	s6 =	sadd.s32 @!p0 $0x88, s6;
	s7 =	simm.s32 @p2 $0x1082  }
0x22: {  	[simem:s7], [sflag:s8] =	dma.local @!p0 [hbm:s6], $0xF7A  }
0x23: {  	s9 =	sor.u32 $0xD0000000, s2;
	s6 =	simm.s32 $0x108;
	_ =	swait.ge @!p0 [sflag:s8], $0x0  }
0x24: {  	s3 =	sadd.s32 $0x88, s3;
	s6 =	simm.s32 @!p1 $0x1082;
	[sflag:s4] =	ssyncset.s32 $0xFFFFF086  }
0x25: {  	[simem:s6], [sflag:s4] =	dma.local [hbm:s3], $0xF7A  }
0x26: {  	[smem:$0x3F9C] =	sst s1;
	(tag) =	ssettag s2;
	_ =	strace s9  }
0x27: {  	s1 =	sld [smem:$0x3FAC]  }
0x28: {  	s2 =	sld [smem:$0x3FAD]  }
0x29: {  	s4 =	sld [smem:$0x3FAF]  }
0x2a: {  	p0 =	seq.s32 s5, $0x0;
	s5 =	sld [smem:$0x3FB0]  }
0x2b: {  	s6 =	sld [smem:$0x3FB1]  }
0x2c: {  	s7 =	sld [smem:$0x3FB2]  }
0x2d: {  	s3 =	simm.s32 $0x108;
	s8 =	sld [smem:$0x3FB3]  }
0x2e: {  	s3 =	simm.s32 @!p0 $0x1082;
	s9 =	sld [smem:$0x3FB4]  }
0x2f: {  	lr =	sadd.s32 s0, s3;
	s0 =	sld [smem:$0x3FAB]  }
0x30: {  	s3 =	sld [smem:$0x3FAE]  }
0x31: {  	[smem:$0x3FB7] =	sst s10  }
0x32: {  	s10 =	sld [smem:$0x3FB5];
	_ =	sdelay $0x3  }
0x33: {  	p0 =	seq.s32 s10, $0x1;
	s10 =	sld [smem:$0x3FB7];
	_ =	sdelay $0x3  }
0x34: {  	[smem:$0x3FB7] =	sst s10  }
0x35: {  	s10 =	sld [smem:$0x3FB6];
	_ =	sdelay $0x3  }
0x36: {  	p1 =	seq.s32 s10, $0x1;
	s10 =	sld [smem:$0x3FB7];
	_ =	sdelay $0x3  }
0x37: {  	[smem:$0x3FB7] =	sst s10  }
0x38: {  	s10 =	sld [smem:$0x3FB8]  }
0x39: {  	_ = 	snop;
	(pc) =	sbr.ind lr, $3  }
0x3a: {  	_ = 	snop  }
0x3b: {  	_ = 	snop  }
0x3c: {  	p2 =	seq.s32 s10, $0x1;
	s10 =	sld [smem:$0x3FB7]  }
0x3d: {  	_ =	shalt  }
0x3e: {  	_ =	shalt  }
0x3f: {  	_ =	shalt  }
0x40: {  	_ =	shalt  }
0x41: {  	_ =	shalt  }
0x42: {  	_ =	shalt  }
0x43: {  	_ =	shalt  }
0x44: {  	_ =	shalt  }
0x45: {  	_ =	shalt  }
0x46: {  	_ =	shalt  }
0x47: {  	_ =	shalt  }
0x48: {  	_ =	shalt  }
0x49: {  	_ =	shalt  }
0x4a: {  	_ =	shalt  }
0x4b: {  	_ =	shalt  }
0x4c: {  	_ =	shalt  }
0x4d: {  	_ =	shalt  }
0x4e: {  	_ =	shalt  }
0x4f: {  	_ =	shalt  }
0x50: {  	_ =	shalt  }
0x51: {  	_ =	shalt  }
0x52: {  	_ =	shalt  }
0x53: {  	_ =	shalt  }
0x54: {  	_ =	shalt  }
0x55: {  	_ =	shalt  }
0x56: {  	_ =	shalt  }
0x57: {  	_ =	shalt  }
0x58: {  	_ =	shalt  }
0x59: {  	_ =	shalt  }
0x5a: {  	_ =	shalt  }
0x5b: {  	_ =	shalt  }
0x5c: {  	_ =	shalt  }
0x5d: {  	_ =	shalt  }
0x5e: {  	_ =	shalt  }
0x5f: {  	_ =	shalt  }
0x60: {  	_ =	shalt  }
0x61: {  	_ =	shalt  }
0x62: {  	_ =	shalt  }
0x63: {  	_ =	shalt  }
0x64: {  	_ =	shalt  }
0x65: {  	_ =	shalt  }
0x66: {  	_ =	shalt  }
0x67: {  	_ =	shalt  }
0x68: {  	_ =	shalt  }
0x69: {  	_ =	shalt  }
0x6a: {  	_ =	shalt  }
0x6b: {  	_ =	shalt  }
0x6c: {  	_ =	shalt  }
0x6d: {  	_ =	shalt  }
0x6e: {  	_ =	shalt  }
0x6f: {  	_ =	shalt  }
0x70: {  	_ =	shalt  }
0x71: {  	_ =	shalt  }
0x72: {  	_ =	shalt  }
0x73: {  	_ =	shalt  }
0x74: {  	_ =	shalt  }
0x75: {  	_ =	shalt  }
0x76: {  	_ =	shalt  }
0x77: {  	_ =	shalt  }
0x78: {  	_ =	shalt  }
0x79: {  	_ =	shalt  }
0x7a: {  	_ =	shalt  }
0x7b: {  	_ =	shalt  }
0x7c: {  	_ =	shalt  }
0x7d: {  	_ =	shalt  }
0x7e: {  	_ =	shalt  }
0x7f: {  	_ =	shalt  }
0x80: {  	_ =	shalt  }
0x81: {  	_ =	shalt  }
0x82: {  	_ =	shalt  }
0x83: {  	_ =	shalt  }
0x84: {  	_ =	shalt  }
0x85: {  	_ =	shalt  }
0x86: {  	_ =	shalt  }
0x87: {  	_ =	shalt  }
.Lfunc_end0:
.L_simem_size_0:
called_computation_lowered:
.L_overlay_start_0:
0x88: {  	s2 =	sld [smem:$0x3FD9]  }
0x89: {  	s3 =	sld [smem:$0x3FFE];
	_ =	sdelay $0x1  }
0x8a: {  	s1 =	srdreg.scid  }
0x8b: {  	s0 =	sand.u32 $0x1, s1  }
0x8c: {  	s17 =	sshll.u32 s0, $0xA;
	s2 =	sadd.s32 s3, s2  }
0x8d: {  	s2 =	sadd.s32 s2, s17  }
0x8e: {  	[smem:$0x3FC3] =	sst s2  }
0x8f: {  	_ = 	snop  }
0x90: {  	s2 =	sld [smem:$0x3FC8]  }
0x91: {  	s18 =	sld [smem:$0x3FC6]  }
0x92: {  	s4 =	sld [smem:$0x3FC5]  }
0x93: {  	s5 =	sld [smem:$0x3FD0];
	(tm) =	ssettm $0x1  }
0x94: {  	s6 =	sld [smem:$0x3FFB];
	_ =	sdelay $0x3  }
0x95: {  	_ =	strace s6  }
0x96: {  	s6 =	sld [smem:$0x3FFC];
	_ =	sdelay $0x3  }
0x97: {  	_ =	strace s6  }
0x98: {  	s6 =	sld [smem:$0x3FFD];
	_ =	sdelay $0x3  }
0x99: {  	_ =	strace s6  }
0x9a: {  	_ =	strace $0x8FFFFFFF  }
0x9b: {  	s19 =	sld [smem:$0x3FDB];
	_ =	sdelay $0x1  }
0x9c: {  	s7 =	simm.s32 $_scs_section_size  }
0x9d: {  	s8 =	simm.s32 $_size__tile_overlayer_lowered;
	s9 =	simm.s32 $_tile_overlayer_lowered  }
0x9e: {  	s22 =	simm.s32 $0x1BFF;
	s21 =	sshll.u32 s9, $0x1;
	s6 =	sadd.s32 s7, s19  }
0x9f: {  	s10 =	simm.s32 $0x0;
	s20 =	sshll.u32 s8, $0x1;
	s8 =	sadd.s32 s21, s6  }
0xa0: {  	[timem:s10], [sflag:s22] =	dma.local [hbm:s8], s20  }
0xa1: {  	_ =	swait.ge [sflag:s22], s20  }
0xa2: {  	s7 =	ssub.s32 $0x0, s20;
	[sflag:s22] =	ssyncset.done $0x0  }
0xa3: {  	[sflag:s22] =	ssyncadd.s32 s7;
	_ =	sdelay $0x1  }
0xa4: {  	s23 =	simm.s32 $0x1B8B  }
0xa5: {  	_ =	swait.ge [sflag:s23], $0x1  }
0xa6: {  	[sflag:s23] =	ssyncset.done $0x0  }
0xa7: {  	s25 =	simm.s32 $0x1B8E;
	s24 =	sld [smem:$0x3FFE];
	[sflag:s23] =	ssyncadd.s32 $0xFFFFFFFF  }
0xa8: {  	s26 =	simm.s32 $execute0_lowered;
	[smem:$0x3FD2] =	sst s25  }
0xa9: {  	s8 =	sshll.u32 s26, $0x1;
	_ =	strace $0x80000046;
	[dreg:$0x1] =	wrdreg $0xFFFFFFFF  }
0xaa: {  	s28 =	simm.s32 $_size_execute0_lowered;
	s6 =	sadd.s32 s6, s8;
	[dreg:$0x0] =	wrdreg $0x0  }
0xab: {  	s8 =	sshll.u32 s28, $0x1;
	[dreg:$0x2] =	wrdreg s6  }
0xac: {  	[dreg:$0x3] =	wrdreg s8  }
0xad: {  	[dreg:$0x4] =	wrdreg $0xC0  }
0xae: {  	_ =	task [dreg:s10], $0x5FFFF  }
0xaf: {  	[dreg:$0x1] =	wrdreg $0xFFFFFFFF  }
0xb0: {  	[dreg:$0x0] =	wrdreg $0x60  }
0xb1: {  	[dreg:$0x2] =	wrdreg s24  }
0xb2: {  	[dreg:$0x3] =	wrdreg s2  }
0xb3: {  	[dreg:$0x4] =	wrdreg s18  }
0xb4: {  	[dreg:$0x5] =	wrdreg s4  }
0xb5: {  	[dreg:$0x6] =	wrdreg s5  }
0xb6: {  	[dreg:$0x7] =	wrdreg $0x9  }
0xb7: {  	_ =	task.clear_ibuf [dreg:s10], $0x8FFFF;
	_ =	strace $0x90000046  }
0xb8: {  	s29 =	simm.s32 $0x9;
	_ =	strace $0x80000048  }
0xb9: {  	_ =	swait.ge [sflag:s29], $0x1  }
0xba: {  	[sflag:s29] =	ssyncadd.s32 $0xFFFFFFFF  }
0xbb: {  	_ =	strace $0x90000048  }
0xbc: {  	_ =	sfence  }
0xbd: {  	s30 =	sld [smem:$0x0];
	_ =	sdelay $0x2  }
0xbe: {  	s31 =	sshll.u32 s1, $0xD;
	s1 =	sshrl.u32 s1, $0x2  }
0xbf: {  	s3 =	sand.u32 $0x4000, s31;
	s1 =	sadd.s32 s1, s30  }
0xc0: {  	s0 =	sor.u32 s3, s0;
	s1 =	sshll.u32 s1, $0x11  }
0xc1: {  	s0 =	sor.u32 s1, s0  }
0xc2: {  	s0 =	sadd.s32 $0x8F2B, s0  }
0xc3: {  	[sflag:s0] =	ssyncadd.remote.s32 $0x1  }
0xc4: {  	_ =	sfence.sel $0xFFFF  }
0xc5: {  	[dreg:$0x0] =	wrdreg $0xFFFFFFFF;
	(pc) =	sbr.abs _section_cstart, $3  }
0xc6: {  	[dreg:$0x1] =	wrdreg $0xFFFFFFFF  }
0xc7: {  	_ =	task.clear_ibuf [dreg:s10], $0x2FFFF;
	_ =	strace $0x9FFFFFFF  }
0xc8: {  	(tm) =	ssettm $0x7FFFFFFF  }
0xc9: {  	_ =	shalt  }
tec
execute0_lowered:
.L_overlay_start_1:
0x0: {  	(tag) =	ssettag $0x1  }
0x1: {  	s0 =	srdreg.scid;
	s5 =	stileid.u32  }
0x2: {  	s0 =	sand.u32 $0x1, s0;
	s2 =	sshll.u32 s5, $0x1  }
0x3: {  	s2 =	sor.u32 s0, s2  }
0x4: {  	p1 =	seq.s32 s0, $0x1;
	p0 =	seq.s32 s2, $0x0  }
0x5: {  	p0 =	por !p0, !p1  }
0x6: {  	s4 =	simm.s32 $0x1;
	p0 =	por !p0, !p0  }
0x7: {  	s4 =	simm.s32 @!p0 $0x0  }
0x8: {  	s1 =	rddreg [dreg:$0x0];
	s11 =	ssub.s32 s5, s4  }
0x9: {  	s13 =	rddreg [dreg:$0x2];
	s9 =	smul.u32 $0x5000, s11  }
0xa: {  	s12 =	rddreg [dreg:$0x3];
	s3 =	simm.s32 $0x0  }
0xb: {  	[smem:$0x7FF] =	sst s3;
	s15 =	sshll.u32 s11, $0xC;
	v1 =	vmov s9  }
0xc: {  	s14 =	rddreg [dreg:$0x4];
	_ =	strace $0x80000047;
	[tilespmem:$0x1FE60] =	vst v1;
	v1 =	vmov s15  }
0xd: {  	v2 =	vimm.s32 $0x90919293;
	[tilespmem:$0x1FE70] =	vst v1;
	v1 =	vimm.s32 $0x94959697  }
0xe: {  	v5 =	vimm.s32 $0x98999A9B;
	v2 =	vunpack.c.0.s8.s32 v2;
	v1 =	vunpack.c.0.s8.s32 v1  }
0xf: {  	vm0 =	vcmask $0x1F10;
	v7 =	vunpack.c.0.s8.s32 v5  }
0x10: {  	v1 =	vsel vm0, v2, v1  }
0x11: {  	v1 =	vcombine.low v7, v1  }
0x12: {  	v0 =	vlaneseq.u32  }
0x13: {  	vm15 =	vmmov $0xf;
	v8 =	vmul.u32 $0xFFFFFFFF, v0;
	[tilespmem:$0x1FE80] =	vst v1;
	v1 =	vimm.s32 $0x0  }
0x14: {  	v1 =	vsel vm15, $0xFFFFFFFF, v1  }
0x15: {  	[tilespmem:$0x1FE90] =	vst v1;
	v1 =	vadd.s32 $0xFFFFFF8F, v8  }
0x16: {  	[tilespmem:$0x1FEA0] =	vst v1;
	v1 =	vor.u32 $0x40, v0  }
0x17: {  	[tilespmem:$0x1FEB0] =	vst v1;
	v1 =	vor.u32 $0x50, v0  }
0x18: {  	v11 =	vmul.u32 $0x80, v0;
	[tilespmem:$0x1FEC0] =	vst v1;
	v1 =	vor.u32 $0x60, v0  }
0x19: {  	[tilespmem:$0x1FED0] =	vst v1;
	v1 =	vor.u32 $0x70, v0  }
0x1a: {  	[tilespmem:$0x1FEE0] =	vst v1;
	v1 =	vor.u32 $0x1, v11  }
0x1b: {  	[tilespmem:$0x1FEF0] =	vst v1;
	v1 =	vor.u32 $0x2, v11  }
0x1c: {  	[tilespmem:$0x1FF00] =	vst v1;
	v1 =	vor.u32 $0x3, v11  }
0x1d: {  	s28 =	simm.s32 $0x2;
	[tilespmem:$0x1FF10] =	vst v1;
	v1 =	vor.u32 $0x4, v11  }
0x1e: {  	s29 =	simm.s32 $0x200;
	s30 =	simm.s32 $0x380;
	s31 =	simm.s32 $0x4;
	[tilespmem:$0x1FF20] =	vst v1;
	v1 =	vor.u32 $0x5, v11  }
0x1f: {  	s8 =	sshll.u32 s0, $0x9;
	s10 =	ssub.s32 $0x2, s0;
	s6 =	sshll.u32 s0, $0x6;
	[tilespmem:$0x1FF30] =	vst v1;
	v1 =	vor.u32 $0x6, v11  }
0x20: {  	s0 =	smul.u32 $0x1400, s0;
	s19 =	sshrl.u32 s10, $0x1;
	s20 =	sor.u32 $0x10, s6;
	[tilespmem:$0x1FF40] =	vst v1;
	v1 =	vor.u32 $0x7, v11  }
0x21: {  	s17 =	sor.u32 $0x20, s6;
	s18 =	sor.u32 $0x30, s6;
	s26 =	sshll.u32 s2, $0x4;
	[tilespmem:$0x1FF50] =	vst v1;
	v1 =	vor.u32 $0x8, v11  }
0x22: {  	s2 =	simm.s32 $0x12800;
	s21 =	ssub.s32 s10, s19;
	s7 =	smul.u32 $0x6400, s11;
	[tilespmem:$0x1FF60] =	vst v1;
	v1 =	vor.u32 $0x9, v11  }
0x23: {  	s14 =	sadd.s32 s14, s26;
	s26 =	simm.s32 $0xA400;
	s16 =	smul.u32 $0x2800, s11;
	[tilespmem:$0x1FF70] =	vst v1;
	v1 =	vor.u32 $0xA, v11  }
0x24: {  	s4 =	sadd.s32 $0x64400, s1;
	s5 =	simm.s32 $0x1;
	s19 =	sshll.u32 s11, $0x6;
	[tilespmem:$0x1FF80] =	vst v1;
	v1 =	vor.u32 $0xB, v11  }
0x25: {  	s25 =	sand.u32 $0x1FFFFFC0, s19;
	s7 =	sor.u32 s7, s8;
	s0 =	sadd.s32 s0, s16;
	[tilespmem:$0x1FF90] =	vst v1;
	v1 =	vor.u32 $0xC, v11  }
0x26: {  	s12 =	sadd.s32 s12, s25;
	s16 =	simm.s32 $0x0;
	s1 =	sadd.s32 s7, s1;
	[tilespmem:$0x1FFA0] =	vst v1;
	v1 =	vor.u32 $0xD, v11  }
0x27: {  	s0 =	sshrl.u32 s0, $0x3;
	s15 =	smax.u32 s21, $0x1;
	s7 =	sadd.s32 $0x1400, s1;
	[tilespmem:$0x1FFB0] =	vst v1;
	v1 =	vor.u32 $0xE, v11  }
0x28: {  	s21 =	simm.s32 $0x5;
	s22 =	sadd.s32 $0x2800, s1;
	[dreg:$0x6] =	wrdreg s7;
	[tilespmem:$0x1FFC0] =	vst v1;
	v1 =	vor.u32 $0xF, v11  }
0x29: {  	v14 =	vimm.s32 $0x0;
	s23 =	sadd.s32 $0x3C00, s1;
	s24 =	sadd.s32 $0x5000, s1;
	[dreg:$0x7] =	wrdreg s22;
	[tilespmem:$0x1FFD0] =	vst v1;
	v1 =	vor.u32 $0x10, v11  }
0x2a: {  	v21 =	vimm.f32 $0.0e+00;
	v3 =	vor.u32 s6, v0;
	s11 =	sadd.s32 $0x6400, s1;
	s13 =	sadd.s32 s13, s0;
	[dreg:$0x8] =	wrdreg s23;
	[tilespmem:$0x1FFE0] =	vst v1;
	v1 =	vor.u32 $0x11, v11  }
0x2b: {  	v4 =	vor.u32 s20, v0;
	v5 =	vor.u32 s17, v0;
	v6 =	vor.u32 s18, v0;
	s0 =	simm.s32 $0x3;
	[dreg:$0x9] =	wrdreg s24;
	s23 =	simm.s32 $0x280;
	[tilespmem:$0x1FFF0] =	vst v1  }
.LBB2_1:
0x2c: {  	s1 =	rddreg [dreg:$0x6];
	s7 =	simm.s32 $0xC400  }
0x2d: {  	[tilespmem:s7], [sflag:$0x3] =	stream.linear.gather [hbm4b:s1+s3], $0x1000, $0x38;
	[tilespmem:$0x12A00] =	vst v63  }
0x2e: {  	s8 =	simm.s32 $0xD400;
	s7 =	rddreg [dreg:$0x7]  }
0x2f: {  	[tilespmem:s8], [sflag:$0x3] =	stream.linear.gather [hbm4b:s7+s3], $0x1000, $0x38;
	[tilespmem:$0x12A00] =	vst v63  }
0x30: {  	s9 =	rddreg [dreg:$0x8];
	s10 =	simm.s32 $0xE400  }
0x31: {  	[tilespmem:s10], [sflag:$0x3] =	stream.linear.gather [hbm4b:s9+s3], $0x1000, $0x38;
	[tilespmem:$0x12A00] =	vst v63  }
0x32: {  	s17 =	rddreg [dreg:$0x9];
	s18 =	simm.s32 $0xF400  }
0x33: {  	[tilespmem:s18], [sflag:$0x3] =	stream.linear.gather [hbm4b:s17+s3], $0x1000, $0x38;
	[tilespmem:$0x12A00] =	vst v63  }
0x34: {  	s19 =	simm.s32 $0x10400  }
0x35: {  	[tilespmem:s19], [sflag:$0x3] =	stream.linear.gather [hbm4b:s11+s3], $0x1000, $0x38;
	[tilespmem:$0x12A00] =	vst v63  }
0x36: {  	_ = 	snop  }
0x37: {  	[tilespmem:s3], [sflag:$0x5] =	stream.linear.gather [hbm4b:s12+s3], $0x200, $0x38;
	[tilespmem:$0x12A00] =	vst v63  }
0x38: {  	_ =	swait.ge [sflag:s21], $0x200  }
0x39: {  	[sflag:s21] =	ssyncset.done $0x0  }
0x3a: {  	s20 =	simm.s32 $0x11400;
	[sflag:s21] =	ssyncadd.s32 $0xFFFFFE00  }
0x3b: {  	[tilespmem:s20], [sflag:$0x4] =	stream.linear.gather [hbm4b:s13+s3], $0x1400, $0x38;
	[tilespmem:$0x12A00] =	vst v63  }
0x3c: {  	v1 =	vld [tilespmem:$0x0]  }
0x3d: {  	v2 =	vld [tilespmem:$0x80]  }
0x3e: {  	v7 =	vld [tilespmem:$0x10]  }
0x3f: {  	v8 =	vld [tilespmem:$0x90]  }
0x40: {  	v9 =	vld [tilespmem:$0x20]  }
0x41: {  	v12 =	vld [tilespmem:$0x30]  }
0x42: {  	v13 =	vld [tilespmem:$0x40]  }
0x43: {  	v16 =	vld [tilespmem:$0x50]  }
0x44: {  	v17 =	vld [tilespmem:$0xE0]  }
0x45: {  	v1 =	vmul.f32 $6.400000000e+01, v1;
	v2 =	vmul.f32 $6.400000000e+01, v2  }
0x46: {  	v7 =	vmul.f32 $6.400000000e+01, v7;
	v8 =	vmul.f32 $6.400000000e+01, v8  }
0x47: {  	v9 =	vmul.f32 $6.400000000e+01, v9;
	v12 =	vmul.f32 $6.400000000e+01, v12  }
0x48: {  	v13 =	vmul.f32 $6.400000000e+01, v13;
	v16 =	vmul.f32 $6.400000000e+01, v16  }
0x49: {  	v17 =	vmul.f32 $6.400000000e+01, v17;
	v1 =	vtrunc.f32 v1  }
0x4a: {  	v2 =	vtrunc.f32 v2;
	v7 =	vtrunc.f32 v7  }
0x4b: {  	v8 =	vtrunc.f32 v8;
	v9 =	vtrunc.f32 v9  }
0x4c: {  	v12 =	vtrunc.f32 v12;
	v1 =	vcvt.f32.s32 v1  }
0x4d: {  	v10 =	vld [tilespmem:$0xA0];
	v13 =	vtrunc.f32 v13;
	v2 =	vcvt.f32.s32 v2  }
0x4e: {  	v16 =	vtrunc.f32 v16;
	v17 =	vtrunc.f32 v17;
	vm0 =	vgt.s32 v1, $0x0  }
0x4f: {  	v7 =	vcvt.f32.s32 v7;
	vm6 =	vgt.s32 v2, $0x0;
	v1 =	vnsel vm0, $0x0, v1  }
0x50: {  	v9 =	vcvt.f32.s32 v9;
	v2 =	vnsel vm6, $0x0, v2;
	v1 =	vmin.u32 v1, $0x3F  }
0x51: {  	v12 =	vcvt.f32.s32 v12;
	v2 =	vmin.u32 v2, $0x3F;
	v1 =	vshll.u32 v1, $0x6  }
0x52: {  	v1 =	vor.u32 v2, v1;
	v2 =	vcvt.f32.s32 v8;
	v8 =	vmul.f32 $6.400000000e+01, v10  }
0x53: {  	v13 =	vcvt.f32.s32 v13;
	v16 =	vcvt.f32.s32 v16;
	vm7 =	vgt.s32 v7, $0x0  }
0x54: {  	vm9 =	vgt.s32 v9, $0x0;
	vm11 =	vgt.s32 v12, $0x0;
	v10 =	vld [tilespmem:$0xB0];
	v8 =	vtrunc.f32 v8  }
0x55: {  	v15 =	vld [tilespmem:$0xC0];
	v7 =	vnsel vm7, $0x0, v7;
	v9 =	vnsel vm9, $0x0, v9;
	v8 =	vcvt.f32.s32 v8  }
0x56: {  	v7 =	vmin.u32 v7, $0x3F;
	v9 =	vmin.u32 v9, $0x3F;
	vm8 =	vgt.s32 v2, $0x0  }
0x57: {  	v7 =	vshll.u32 v7, $0x6;
	v2 =	vnsel vm8, $0x0, v2;
	vm10 =	vgt.s32 v8, $0x0  }
0x58: {  	v9 =	vshll.u32 v9, $0x6;
	v2 =	vmin.u32 v2, $0x3F;
	v8 =	vnsel vm10, $0x0, v8  }
0x59: {  	v10 =	vmul.f32 $6.400000000e+01, v10;
	v2 =	vor.u32 v2, v7;
	v8 =	vmin.u32 v8, $0x3F  }
0x5a: {  	v7 =	vor.u32 v8, v9;
	v8 =	vnsel vm11, $0x0, v12;
	v12 =	vmul.f32 $6.400000000e+01, v15;
	v15 =	vld [tilespmem:$0x60]  }
0x5b: {  	v17 =	vcvt.f32.s32 v17;
	vm13 =	vgt.s32 v13, $0x0;
	vm15 =	vgt.s32 v16, $0x0;
	v9 =	vld [tilespmem:$0xD0]  }
0x5c: {  	v13 =	vnsel vm13, $0x0, v13;
	v16 =	vnsel vm15, $0x0, v16;
	v10 =	vtrunc.f32 v10  }
0x5d: {  	vm6 =	vgt.s32 v17, $0x0;
	v13 =	vmin.u32 v13, $0x3F;
	[tilespmem:$0x200] =	vst v1;
	v10 =	vcvt.f32.s32 v10  }
0x5e: {  	v1 =	vshll.u32 v13, $0x6;
	v8 =	vmin.u32 v8, $0x3F;
	[tilespmem:$0x220] =	vst v7;
	v7 =	vmin.u32 v16, $0x3F  }
0x5f: {  	vm12 =	vgt.s32 v10, $0x0;
	v12 =	vtrunc.f32 v12;
	v15 =	vmul.f32 $6.400000000e+01, v15  }
0x60: {  	v10 =	vnsel vm12, $0x0, v10;
	v12 =	vcvt.f32.s32 v12;
	v9 =	vmul.f32 $6.400000000e+01, v9  }
0x61: {  	v8 =	vshll.u32 v8, $0x6;
	v10 =	vmin.u32 v10, $0x3F;
	v15 =	vtrunc.f32 v15  }
0x62: {  	vm14 =	vgt.s32 v12, $0x0;
	v9 =	vtrunc.f32 v9;
	v15 =	vcvt.f32.s32 v15  }
0x63: {  	[tilespmem:$0x210] =	vst v2;
	v2 =	vor.u32 v10, v8;
	v8 =	vnsel vm6, $0x0, v17;
	v9 =	vcvt.f32.s32 v9  }
0x64: {  	v12 =	vnsel vm14, $0x0, v12;
	[tilespmem:$0x230] =	vst v2;
	v2 =	vshll.u32 v7, $0x6;
	vm5 =	vgt.s32 v15, $0x0  }
0x65: {  	v7 =	vmin.u32 v8, $0x3F;
	vm4 =	vgt.s32 v9, $0x0;
	v13 =	vnsel vm5, $0x0, v15  }
0x66: {  	v12 =	vmin.u32 v12, $0x3F;
	v9 =	vnsel vm4, $0x0, v9;
	v10 =	vmin.u32 v13, $0x3F  }
0x67: {  	v1 =	vor.u32 v12, v1;
	v9 =	vmin.u32 v9, $0x3F;
	v8 =	vshll.u32 v10, $0x6  }
0x68: {  	[tilespmem:$0x240] =	vst v1;
	v1 =	vor.u32 v9, v2;
	v2 =	vor.u32 v7, v8;
	v7 =	vld [tilespmem:$0x1FE90]  }
0x69: {  	[tilespmem:$0x250] =	vst v1;
	v1 =	vld [tilespmem:$0x1FE80];
	_ =	sdelay $0x3  }
0x6a: {  	vm7 =	vnez.u8 v7  }
0x6b: {  	v1 =	vsel vm7, v2, v1  }
0x6c: {  	[tilespmem:$0x260] =	vst v1;
	v1 =	vld [tilespmem:$0x1FEA0];
	_ =	sdelay $0x4  }
0x6d: {  	[tilespmem:$0x270] =	vst v1  }
0x6e: {  	v1 =	vld [tilespmem:s6+$0x0];
	_ =	sdelay $0x1  }
0x6f: {  	v2 =	vld [tilespmem:s6+$0x80];
	_ =	sdelay $0x2  }
0x70: {  	v1 =	vmul.f32 $6.400000000e+01, v1;
	_ =	sdelay $0x1  }
0x71: {  	v2 =	vmul.f32 $6.400000000e+01, v2;
	v1 =	vtrunc.f32 v1  }
0x72: {  	v1 =	vcvt.f32.s32 v1  }
0x73: {  	v9 =	vld [tilespmem:$0x1FE70];
	v2 =	vtrunc.f32 v2  }
0x74: {  	v8 =	vld [tilespmem:$0x1FE60];
	v2 =	vcvt.f32.s32 v2;
	vm8 =	vgt.s32 v1, $0x0  }
0x75: {  	v1 =	vnsel vm8, $0x0, v1  }
0x76: {  	vm9 =	vgt.s32 v2, $0x0;
	v1 =	vmin.u32 v1, $0x3F  }
0x77: {  	v2 =	vnsel vm9, $0x0, v2;
	v7 =	vmul.u32 $0x140, v1;
	v1 =	vshll.u32 v1, $0x6  }
0x78: {  	v2 =	vmin.u32 v2, $0x3F;
	v1 =	vor.u32 v9, v1  }
0x79: {  	v7 =	vadd.s32 v8, v7;
	v1 =	vor.u32 v2, v1  }
0x7a: {  	v7 =	vor.u32 v2, v7;
	[tilespmem:$0x2C0] =	vst v1  }
0x7b: {  	[tilespmem:$0x280] =	vst v7  }
0x7c: {  	v1 =	vld [tilespmem:s6+$0x10];
	_ =	sdelay $0x1  }
0x7d: {  	v2 =	vld [tilespmem:s6+$0x90];
	_ =	sdelay $0x2  }
0x7e: {  	v1 =	vmul.f32 $6.400000000e+01, v1;
	_ =	sdelay $0x1  }
0x7f: {  	v2 =	vmul.f32 $6.400000000e+01, v2;
	v1 =	vtrunc.f32 v1  }
0x80: {  	v1 =	vcvt.f32.s32 v1  }
0x81: {  	v2 =	vtrunc.f32 v2  }
0x82: {  	v2 =	vcvt.f32.s32 v2;
	vm10 =	vgt.s32 v1, $0x0  }
0x83: {  	v1 =	vnsel vm10, $0x0, v1  }
0x84: {  	vm11 =	vgt.s32 v2, $0x0;
	v1 =	vmin.u32 v1, $0x3F  }
0x85: {  	v2 =	vnsel vm11, $0x0, v2;
	v7 =	vmul.u32 $0x140, v1;
	v1 =	vshll.u32 v1, $0x6  }
0x86: {  	v2 =	vmin.u32 v2, $0x3F;
	v1 =	vor.u32 v9, v1  }
0x87: {  	v7 =	vadd.s32 v8, v7;
	v1 =	vor.u32 v2, v1  }
0x88: {  	v7 =	vor.u32 v2, v7;
	[tilespmem:$0x2D0] =	vst v1  }
0x89: {  	[tilespmem:$0x290] =	vst v7  }
0x8a: {  	v1 =	vld [tilespmem:s6+$0x20];
	_ =	sdelay $0x1  }
0x8b: {  	v2 =	vld [tilespmem:s6+$0xA0];
	_ =	sdelay $0x2  }
0x8c: {  	v1 =	vmul.f32 $6.400000000e+01, v1;
	_ =	sdelay $0x1  }
0x8d: {  	v2 =	vmul.f32 $6.400000000e+01, v2;
	v1 =	vtrunc.f32 v1  }
0x8e: {  	v1 =	vcvt.f32.s32 v1  }
0x8f: {  	v2 =	vtrunc.f32 v2  }
0x90: {  	v2 =	vcvt.f32.s32 v2;
	vm12 =	vgt.s32 v1, $0x0  }
0x91: {  	v1 =	vnsel vm12, $0x0, v1  }
0x92: {  	vm13 =	vgt.s32 v2, $0x0;
	v1 =	vmin.u32 v1, $0x3F  }
0x93: {  	v2 =	vnsel vm13, $0x0, v2;
	v7 =	vmul.u32 $0x140, v1;
	v1 =	vshll.u32 v1, $0x6  }
0x94: {  	v2 =	vmin.u32 v2, $0x3F;
	v1 =	vor.u32 v9, v1  }
0x95: {  	v7 =	vadd.s32 v8, v7;
	v1 =	vor.u32 v2, v1  }
0x96: {  	v7 =	vor.u32 v2, v7;
	[tilespmem:$0x2E0] =	vst v1  }
0x97: {  	[tilespmem:$0x2A0] =	vst v7  }
0x98: {  	v1 =	vld [tilespmem:s6+$0x30];
	_ =	sdelay $0x1  }
0x99: {  	v2 =	vld [tilespmem:s6+$0xB0];
	_ =	sdelay $0x2  }
0x9a: {  	v1 =	vmul.f32 $6.400000000e+01, v1;
	_ =	sdelay $0x1  }
0x9b: {  	v2 =	vmul.f32 $6.400000000e+01, v2;
	v1 =	vtrunc.f32 v1  }
0x9c: {  	v1 =	vcvt.f32.s32 v1  }
0x9d: {  	v2 =	vtrunc.f32 v2  }
0x9e: {  	v2 =	vcvt.f32.s32 v2;
	vm14 =	vgt.s32 v1, $0x0  }
0x9f: {  	v1 =	vnsel vm14, $0x0, v1  }
0xa0: {  	vm15 =	vgt.s32 v2, $0x0;
	v1 =	vmin.u32 v1, $0x3F  }
0xa1: {  	v2 =	vnsel vm15, $0x0, v2;
	v7 =	vmul.u32 $0x140, v1;
	v1 =	vshll.u32 v1, $0x6  }
0xa2: {  	v2 =	vmin.u32 v2, $0x3F;
	v1 =	vor.u32 v9, v1  }
0xa3: {  	v1 =	vor.u32 v2, v1  }
0xa4: {  	[tilespmem:$0x2F0] =	vst v1;
	v1 =	vld [tilespmem:$0x1FEB0];
	_ =	sdelay $0x4  }
0xa5: {  	v7 =	vadd.s32 v8, v7  }
0xa6: {  	v7 =	vor.u32 v2, v7  }
0xa7: {  	[tilespmem:$0x2B0] =	vst v7  }
0xa8: {  	v1 =	vld.idx.msk [tilespmem:v1+s23+$0x0], $0xffff;
	_ =	sdelay $0x4  }
0xa9: {  	v2 =	vshra.s32 v1, $0x2;
	v1 =	vshll.u32 v1, $0x5  }
0xaa: {  	v1 =	vand.u32 $0x60, v1  }
0xab: {  	[tilespmem:$0x380] =	vst v1;
	v1 =	vld [tilespmem:$0x1FEC0];
	_ =	sdelay $0x6  }
0xac: {  	[tilespmem:$0x300] =	vst v2  }
0xad: {  	v1 =	vld.idx.msk [tilespmem:v1+s23+$0x0], $0xffff;
	_ =	sdelay $0x4  }
0xae: {  	v2 =	vshra.s32 v1, $0x2;
	v1 =	vshll.u32 v1, $0x5  }
0xaf: {  	v1 =	vand.u32 $0x60, v1  }
0xb0: {  	[tilespmem:$0x390] =	vst v1;
	v1 =	vld [tilespmem:$0x1FED0];
	_ =	sdelay $0x6  }
0xb1: {  	[tilespmem:$0x310] =	vst v2  }
0xb2: {  	v1 =	vld.idx.msk [tilespmem:v1+s23+$0x0], $0xffff;
	_ =	sdelay $0x4  }
0xb3: {  	v2 =	vshra.s32 v1, $0x2;
	v1 =	vshll.u32 v1, $0x5  }
0xb4: {  	v1 =	vand.u32 $0x60, v1  }
0xb5: {  	[tilespmem:$0x3A0] =	vst v1;
	v1 =	vld [tilespmem:$0x1FEE0];
	_ =	sdelay $0x6  }
0xb6: {  	[tilespmem:$0x320] =	vst v2  }
0xb7: {  	v1 =	vld.idx.msk [tilespmem:v1+s23+$0x0], $0xffff;
	_ =	sdelay $0x3  }
0xb8: {  	v2 =	vmov s3  }
0xb9: {  	v7 =	vshra.s32 v1, $0x2;
	v1 =	vshll.u32 v1, $0x5  }
0xba: {  	[tilespmem:$0x330] =	vst v7;
	v1 =	vand.u32 $0x60, v1  }
0xbb: {  	s24 =	simm.s32 $0x40;
	s8 =	simm.s32 $0x300;
	s22 =	rddreg [dreg:$0x1];
	[tilespmem:$0x3B0] =	vst v1  }
0xbc: {  	[tilespmem:s26], [sflag:$0x2] =	stream.indirect.gather [hbm4b:s22+s24], $0x80, s8, s24, $0xb8;
	[tilespmem:$0x12A00] =	vst v63  }
0xbd: {  	v1 =	vld.idx.msk [tilespmem:v2+s23+$0x0], $0xffff;
	_ =	sdelay $0x4  }
0xbe: {  	v1 =	vxor.u32 $0x80000000, v1  }
0xbf: {  	(xrf0) =	vmax.scan.msk.u32 $0xffff, v1;
	_ =	sdelay $0x5  }
0xc0: {  	v1, _, _ =	vpop (xrf0)  }
0xc1: {  	(v2sf) =	vpush v1, $0xF;
	_ =	sdelay $0xe  }
0xc2: {  	s7 =	simm.s32 $0x480;
	s10 =	simm.s32 $0x500;
	s25 =	spop (v2sf)  }
0xc3: {  	s17 =	simm.s32 $0x1400;
	s19 =	simm.s32 $0xA00;
	s1 =	sshll.u32 s25, $0x7  }
0xc4: {  	s22 =	simm.s32 $0x400;
	s18 =	sshrl.u32 s1, $0x3;
	s20 =	sadd.s32 $0x2000, s1  }
0xc5: {  	s8 =	sadd.s32 $0x4000, s1;
	s24 =	sadd.s32 $0x6000, s1;
	s1 =	sadd.s32 $0x8000, s1  }
0xc6: {  	s18 =	sadd.s32 s4, s18;
	s20 =	sshrl.u32 s20, $0x3;
	s9 =	sshrl.u32 s8, $0x3  }
0xc7: {  	s25 =	sshrl.u32 s24, $0x3;
	s1 =	sshrl.u32 s1, $0x3;
	s24 =	simm.s32 $0x600  }
0xc8: {  	[tilespmem:s22], [sflag:$0x1] =	stream.linear.gather [hbm4b:s18+s3], $0x80, $0x38;
	[tilespmem:$0x12A00] =	vst v63  }
0xc9: {  	s20 =	sadd.s32 s4, s20;
	s18 =	simm.s32 $0x1;
	s22 =	simm.s32 $0x580  }
0xca: {  	[tilespmem:s7], [sflag:$0x1] =	stream.linear.gather [hbm4b:s20+s3], $0x80, $0x38;
	[tilespmem:$0x12A00] =	vst v63  }
0xcb: {  	s25 =	sadd.s32 s4, s25;
	s1 =	sadd.s32 s4, s1;
	v1 =	vmov s18;
	s20 =	sadd.s32 s4, s9  }
0xcc: {  	[tilespmem:s10], [sflag:$0x1] =	stream.linear.gather [hbm4b:s20+s3], $0x80, $0x38;
	[tilespmem:$0x12A00] =	vst v63  }
.LBB2_2:
0xcd: {  	[tilespmem:s22], [sflag:$0x1] =	stream.linear.gather [hbm4b:s25+s3], $0x80, $0x38;
	[tilespmem:$0x12A00] =	vst v63  }
0xce: {  	p0 =	sne.s32 s17, $0x27600;
	s20 =	smov.u32 s17;
	s17 =	sadd.s32 $0xA00, s17  }
0xcf: {  	[tilespmem:s24], [sflag:$0x1] =	stream.linear.gather [hbm4b:s1+s3], $0x80, $0x38;
	[tilespmem:$0x12A00] =	vst v63  }
0xd0: {  	v1 =	vld.idx.msk [tilespmem:v1+s23+$0x0], $0xffff;
	_ =	sdelay $0x5  }
0xd1: {  	v1 =	vxor.u32 $0x80000000, v1  }
0xd2: {  	(xrf0) =	vmax.scan.msk.u32 $0xffff, v1;
	_ =	sdelay $0x5  }
0xd3: {  	v1, _, _ =	vpop (xrf0)  }
0xd4: {  	(v2sf) =	vpush v1, $0xF;
	_ =	sdelay $0xd  }
0xd5: {  	s1 =	sshra.s32 s19, $0x2  }
0xd6: {  	s18 =	sadd.s32 $0x1, s18;
	s24 =	sadd.s32 $0x480, s1;
	s19 =	spop (v2sf)  }
0xd7: {  	s22 =	sadd.s32 $0x580, s1;
	s9 =	sadd.s32 $0x400, s1;
	s19 =	sshll.u32 s19, $0x7  }
0xd8: {  	s25 =	sshrl.u32 s19, $0x3;
	s7 =	sadd.s32 $0x2000, s19;
	s8 =	sadd.s32 $0x4000, s19  }
0xd9: {  	s25 =	sadd.s32 s4, s25;
	s8 =	sshrl.u32 s8, $0x3;
	s7 =	sshrl.u32 s7, $0x3  }
0xda: {  	s10 =	sadd.s32 $0x6000, s19;
	s19 =	sadd.s32 $0x8000, s19;
	s7 =	sadd.s32 s4, s7  }
0xdb: {  	[tilespmem:s9], [sflag:$0x1] =	stream.linear.gather [hbm4b:s25+s3], $0x80, $0x38;
	[tilespmem:$0x12A00] =	vst v63  }
.Ltmp0:
0xdc: {  	s9 =	sshrl.u32 s10, $0x3;
	s10 =	sshrl.u32 s19, $0x3;
	(pc) =	sbr.rel @p0 .LBB2_2-.Ltmp0, $4  }
0xdd: {  	[tilespmem:s24], [sflag:$0x1] =	stream.linear.gather [hbm4b:s7+s3], $0x80, $0x38;
	[tilespmem:$0x12A00] =	vst v63  }
0xde: {  	v1 =	vmov s18;
	s8 =	sadd.s32 s4, s8;
	s25 =	sadd.s32 s4, s9;
	s7 =	sadd.s32 $0x500, s1  }
0xdf: {  	[tilespmem:s7], [sflag:$0x1] =	stream.linear.gather [hbm4b:s8+s3], $0x80, $0x38;
	[tilespmem:$0x12A00] =	vst v63  }
0xe0: {  	s19 =	smov.u32 s20;
	s24 =	sadd.s32 $0x600, s1;
	s1 =	sadd.s32 s4, s10  }
0xe1: {  	_ = 	snop  }
0xe2: {  	[tilespmem:s22], [sflag:$0x1] =	stream.linear.gather [hbm4b:s25+s3], $0x80, $0x38;
	[tilespmem:$0x12A00] =	vst v63  }
0xe3: {  	_ = 	snop  }
0xe4: {  	[tilespmem:s24], [sflag:$0x1] =	stream.linear.gather [hbm4b:s1+s3], $0x80, $0x38;
	[tilespmem:$0x12A00] =	vst v63  }
0xe5: {  	v1 =	vld.idx.msk [tilespmem:v1+s23+$0x0], $0xffff;
	_ =	sdelay $0x4  }
0xe6: {  	v1 =	vxor.u32 $0x80000000, v1  }
0xe7: {  	(xrf0) =	vmax.scan.msk.u32 $0xffff, v1;
	_ =	sdelay $0x5  }
0xe8: {  	v1, _, _ =	vpop (xrf0)  }
0xe9: {  	(v2sf) =	vpush v1, $0xF;
	_ =	sdelay $0xd  }
0xea: {  	s7 =	sshra.s32 s19, $0x2  }
0xeb: {  	s8 =	sadd.s32 $0x480, s7;
	s22 =	spop (v2sf)  }
0xec: {  	s9 =	sadd.s32 $0x580, s7;
	s19 =	sadd.s32 $0x400, s7;
	s1 =	sshll.u32 s22, $0x7  }
0xed: {  	s10 =	sshrl.u32 s1, $0x3;
	s17 =	sadd.s32 $0x2000, s1;
	s18 =	sadd.s32 $0x4000, s1  }
0xee: {  	s24 =	sadd.s32 $0x6000, s1;
	s10 =	sadd.s32 s4, s10;
	s17 =	sshrl.u32 s17, $0x3  }
0xef: {  	[tilespmem:s19], [sflag:$0x1] =	stream.linear.gather [hbm4b:s10+s3], $0x80, $0x38;
	[tilespmem:$0x12A00] =	vst v63  }
0xf0: {  	s1 =	sadd.s32 $0x8000, s1;
	s18 =	sshrl.u32 s18, $0x3;
	s17 =	sadd.s32 s4, s17  }
0xf1: {  	[tilespmem:s8], [sflag:$0x1] =	stream.linear.gather [hbm4b:s17+s3], $0x80, $0x38;
	[tilespmem:$0x12A00] =	vst v63  }
0xf2: {  	s25 =	sshrl.u32 s24, $0x3;
	s19 =	sadd.s32 $0x500, s7;
	s20 =	sadd.s32 s4, s18  }
0xf3: {  	[tilespmem:s19], [sflag:$0x1] =	stream.linear.gather [hbm4b:s20+s3], $0x80, $0x38;
	[tilespmem:$0x12A00] =	vst v63  }
0xf4: {  	s22 =	simm.s32 $0x0;
	s1 =	sshrl.u32 s1, $0x3;
	s8 =	sadd.s32 s4, s25  }
0xf5: {  	v1 =	vadd.s32 s22, v0;
	[tilespmem:s9], [sflag:$0x1] =	stream.linear.gather [hbm4b:s8+s3], $0x80, $0x38;
	[tilespmem:$0x12A00] =	vst v63  }
0xf6: {  	s24 =	sand.u32 $0x70, s22;
	v1 =	vand.u32 $0xF, v1;
	s7 =	sadd.s32 $0x600, s7;
	s1 =	sadd.s32 s4, s1  }
0xf7: {  	v2 =	vor.u32 s24, v1;
	[tilespmem:s7], [sflag:$0x1] =	stream.linear.gather [hbm4b:s1+s3], $0x80, $0x38;
	[tilespmem:$0x12A00] =	vst v63  }
0xf8: {  	_ =	swait.ge [sflag:s28], $0x2000  }
0xf9: {  	s25 =	simm.s32 $0x1;
	[sflag:s28] =	ssyncset.done $0x0  }
0xfa: {  	v1 =	vadd.s32 s25, v0;
	[sflag:s28] =	ssyncadd.s32 $0xFFFFE000  }
0xfb: {  	v8 =	vand.u32 $0xF, v1;
	s1 =	sand.u32 $0x70, s25;
	v7 =	vld.idx.msk [tilespmem:v3+s29+$0x0], $0xffff  }
0xfc: {  	v8 =	vor.u32 s1, v8;
	v9 =	vld.idx.msk [tilespmem:v2+s29+$0x0], $0xffff;
	_ =	sdelay $0x1  }
0xfd: {  	s17 =	simm.s32 $0x2;
	v1 =	vimm.s32 $0x0  }
.LBB2_4:
0xfe: {  	p0 =	sne.s32 s17, $0x7F  }
.Ltmp1:
0xff: {  	v10 =	vadd.s32 s17, v0;
	s1 =	smov.u32 s17;
	s17 =	sadd.s32 $0x1, s17;
	(pc) =	sbr.rel @p0 .LBB2_4-.Ltmp1, $4  }
0x100: {  	vm1 =	vgt.u32 v2, v3;
	v2 =	vmovc v8;
	s1 =	sand.u32 $0x70, s1;
	v10 =	vand.u32 $0xF, v10;
	vm0 =	veq.s32 v9, v7;
	v9 =	vld.idx.msk [tilespmem:v8+s29+$0x0], $0xffff  }
0x101: {  	v8 =	vor.u32 s1, v10;
	vm0 =	vmand vm1, vm0  }
0x102: {  	v10 =	vsel vm0, $0x1, v14  }
0x103: {  	v1 =	vor.u32 v10, v1  }
0x104: {  	v10 =	vld [tilespmem:s6+$0x100]  }
0x105: {  	v12 =	vld [tilespmem:s6+$0x180];
	_ =	sdelay $0x4  }
0x106: {  	v40 =	vmul.f32 $6.400000000e+01, v10;
	v39 =	vmul.f32 $6.400000000e+01, v12;
	_ =	sdelay $0x1  }
0x107: {  	v10 =	vmul.f32 v39, v40  }
0x108: {  	v12 =	vmin.f32 v40, $1.190000060e+00;
	v13 =	vmin.f32 v39, $1.980000020e+00  }
0x109: {  	v12 =	vmul.f32 v13, v12;
	v13 =	vadd.f32 $2.356200220e+00, v10;
	_ =	sdelay $0x1  }
0x10a: {  	v13 =	vsub.f32 v13, v12;
	_ =	sdelay $0x1  }
0x10b: {  	v13 =	vadd.f32 $9.999999710e-10, v13;
	_ =	sdelay $0x1  }
0x10c: {  	v15 =	vmin.f32 v39, $4.590000150e+00;
	(erf) = vrcp.f32 v13;
	v13 =	vmin.f32 v40, $2.789999960e+00  }
0x10d: {  	v16 =	vld.idx.msk [tilespmem:v8+s29+$0x0], $0xffff;
	v13 =	vmul.f32 v15, v13;
	v15 =	vadd.f32 $1.280609990e+01, v10;
	_ =	sdelay $0x1  }
0x10e: {  	vm1 =	vgt.u32 v2, v3;
	vm0 =	veq.s32 v9, v7;
	v15 =	vsub.f32 v15, v13  }
0x10f: {  	vm0 =	vmand vm1, vm0  }
0x110: {  	vm1 =	vgt.u32 v8, v3;
	v9 =	vsel vm0, $0x1, v14;
	v2 =	vadd.f32 $9.999999710e-10, v15  }
0x111: {  	vm0 =	veq.s32 v16, v7;
	v7 =	vmin.f32 v40, $4.530000210e+00;
	v8 =	vmin.f32 v39, $8.920000070e+00  }
0x112: {  	v7 =	vmul.f32 v8, v7;
	v8 =	vadd.f32 $4.040760040e+01, v10;
	(erf) = vrcp.f32 v2;
	_ =	sdelay $0x1  }
0x113: {  	v8 =	vsub.f32 v8, v7;
	v15 =	vpop (erf)  }
0x114: {  	v2 =	vld.idx.msk [tilespmem:v0+s30+$0x0], $0xffff;
	v12 =	vmul.f32 v15, v12  }
0x115: {  	v1 =	vor.u32 v9, v1;
	vm0 =	vmand vm1, vm0;
	v8 =	vadd.f32 $9.999999710e-10, v8  }
0x116: {  	v15 =	vmin.f32 v39, $5.289999960e+00;
	[tilespmem:$0x1FC90] =	vst v12;
	vm1 =	vgt.f32 v12, $5.000000000e-01;
	v12 =	vmin.f32 v40, $8.060000410e+00  }
0x117: {  	v9 =	vsel vm0, $0x1, v14;
	(erf) = vrcp.f32 v8;
	v8 =	vmul.f32 v15, v12;
	v15 =	vld [tilespmem:s6+$0x0]  }
0x118: {  	v1 =	vor.u32 v9, v1;
	v9 =	vld [tilespmem:$0x1FEF0]  }
0x119: {  	v18 =	vld [tilespmem:s6+$0x80];
	vm0 =	veq.s32 v1, $0x0;
	v1 =	vadd.s32 v11, v2  }
0x11a: {  	v60 =	vld [tilespmem:$0x1FF10];
	v17 =	vpop (erf)  }
0x11b: {  	vm3 =	vmand vm0, vm1;
	v17 =	vmul.f32 v17, v13;
	v13 =	vld [tilespmem:$0x1FF20]  }
0x11c: {  	[tilespmem:$0x1FCA0] =	vst v15;
	v15 =	vsel vm3, $0x3F800000, v21  }
0x11d: {  	v9 =	vadd.s32 v9, v2;
	[tilespmem:$0x12800] =	vst v15  }
0x11e: {  	v12 =	vadd.f32 $4.263740160e+01, v10;
	v1 =	vld.idx.msk [tilespmem:v1+s26+$0x0], $0xffff  }
0x11f: {  	[tilespmem:$0x1FCB0] =	vst v18;
	v18 =	vadd.s32 v60, v2  }
0x120: {  	v59 =	vld [tilespmem:$0x1FF00];
	v12 =	vsub.f32 v12, v8;
	v13 =	vadd.s32 v13, v2;
	_ =	sdelay $0x1  }
0x121: {  	v12 =	vadd.f32 $9.999999710e-10, v12;
	v9 =	vld.idx.msk [tilespmem:v9+s26+$0x0], $0xffff  }
0x122: {  	v61 =	vmin.f32 v39, $1.064999960e+01;
	v15 =	vmin.f32 v40, $1.031999970e+01;
	[tilespmem:$0x1FCC0] =	vst v1;
	v1 =	vld [tilespmem:$0x1FF30]  }
0x123: {  	(erf) = vrcp.f32 v12;
	v12 =	vmul.f32 v61, v15;
	v15 =	vld.idx.msk [tilespmem:v18+s26+$0x0], $0xffff  }
0x124: {  	v16 =	vadd.s32 v59, v2;
	v13 =	vld.idx.msk [tilespmem:v13+s26+$0x0], $0xffff;
	_ =	sdelay $0x1  }
0x125: {  	v62 =	vld [tilespmem:$0x1FF60]  }
0x126: {  	vm1 =	vgt.f32 v17, $5.000000000e-01;
	[tilespmem:$0x1FCE0] =	vst v9;
	v9 =	vld [tilespmem:$0x1FF40];
	v1 =	vadd.s32 v1, v2  }
0x127: {  	vm4 =	vmand vm0, vm1;
	[tilespmem:$0x1FD00] =	vst v15;
	v15 =	vld [tilespmem:$0x1FF50]  }
0x128: {  	v16 =	vld.idx.msk [tilespmem:v16+s26+$0x0], $0xffff;
	[tilespmem:$0x1FD10] =	vst v13;
	v13 =	vsel vm4, $0x3F800000, v21  }
0x129: {  	[tilespmem:$0x12840] =	vst v13;
	v13 =	vld [tilespmem:$0x1FF70];
	_ =	sdelay $0x1  }
0x12a: {  	v9 =	vadd.s32 v9, v2;
	v1 =	vld.idx.msk [tilespmem:v1+s26+$0x0], $0xffff  }
0x12b: {  	v10 =	vadd.f32 $1.099079900e+02, v10;
	v15 =	vadd.s32 v15, v2  }
0x12c: {  	[tilespmem:$0x1FCF0] =	vst v16;
	v16 =	vadd.s32 v62, v2  }
0x12d: {  	v10 =	vsub.f32 v10, v12;
	v13 =	vadd.s32 v13, v2  }
0x12e: {  	v63 =	vpop (erf);
	[tilespmem:$0x1FCD0] =	vst v17  }
0x12f: {  	v17 =	vmul.f32 v63, v7;
	v7 =	vld.idx.msk [tilespmem:v9+s26+$0x0], $0xffff;
	[tilespmem:$0x1FD20] =	vst v1;
	v1 =	vadd.f32 $9.999999710e-10, v10  }
0x130: {  	v9 =	vld.idx.msk [tilespmem:v15+s26+$0x0], $0xffff  }
0x131: {  	(erf) = vrcp.f32 v1;
	v1 =	vld.idx.msk [tilespmem:v16+s26+$0x0], $0xffff  }
0x132: {  	v10 =	vld.idx.msk [tilespmem:v13+s26+$0x0], $0xffff  }
0x133: {  	v13 =	vld [tilespmem:$0x1FFB0];
	_ =	sdelay $0x1  }
0x134: {  	[tilespmem:$0x1FD30] =	vst v7;
	v7 =	vld [tilespmem:$0x1FF80]  }
0x135: {  	vm1 =	vgt.f32 v17, $5.000000000e-01;
	[tilespmem:$0x1FD40] =	vst v9;
	v9 =	vld [tilespmem:$0x1FF90]  }
0x136: {  	vm2 =	vmand vm0, vm1;
	[tilespmem:$0x1FD60] =	vst v1;
	v1 =	vld [tilespmem:$0x1FFA0]  }
0x137: {  	[tilespmem:$0x1FD70] =	vst v10;
	v10 =	vsel vm2, $0x3F800000, v21;
	v13 =	vadd.s32 v13, v2  }
0x138: {  	[tilespmem:$0x12880] =	vst v10;
	v10 =	vld [tilespmem:$0x1FFC0]  }
0x139: {  	v15 =	vpop (erf);
	v7 =	vadd.s32 v7, v2  }
0x13a: {  	v8 =	vmul.f32 v15, v8;
	v9 =	vadd.s32 v9, v2  }
0x13b: {  	v1 =	vadd.s32 v1, v2  }
0x13c: {  	[tilespmem:$0x1FDA0] =	vst v8;
	vm1 =	vgt.f32 v8, $5.000000000e-01;
	v8 =	vld.idx.msk [tilespmem:v13+s26+$0x0], $0xffff  }
0x13d: {  	v10 =	vadd.s32 v10, v2  }
0x13e: {  	v62 =	vld.idx.msk [tilespmem:v7+s26+$0x0], $0xffff  }
0x13f: {  	v7 =	vld.idx.msk [tilespmem:v9+s26+$0x0], $0xffff  }
0x140: {  	v1 =	vld.idx.msk [tilespmem:v1+s26+$0x0], $0xffff  }
0x141: {  	[tilespmem:$0x1FDB0] =	vst v8;
	v8 =	vld [tilespmem:$0x1FFF0]  }
0x142: {  	v10 =	vld.idx.msk [tilespmem:v10+s26+$0x0], $0xffff;
	_ =	sdelay $0x2  }
0x143: {  	[tilespmem:$0x1FD80] =	vst v7;
	v7 =	vld [tilespmem:$0x1FFD0]  }
0x144: {  	vm13 =	vmand vm0, vm1;
	[tilespmem:$0x1FD90] =	vst v1  }
0x145: {  	v13 =	vor.u32 $0x13, v11;
	v1 =	vld [tilespmem:$0x1FFE0];
	v8 =	vadd.s32 v8, v2;
	[tilespmem:$0x1FDC0] =	vst v10;
	v10 =	vsel vm13, $0x3F800000, v21  }
0x146: {  	[tilespmem:$0x128C0] =	vst v10;
	v10 =	vadd.s32 v13, v2;
	_ =	sdelay $0x1  }
0x147: {  	v9 =	vor.u32 $0x12, v11;
	v7 =	vadd.s32 v7, v2  }
0x148: {  	v9 =	vadd.s32 v9, v2  }
0x149: {  	v1 =	vadd.s32 v1, v2;
	v8 =	vld.idx.msk [tilespmem:v8+s26+$0x0], $0xffff  }
0x14a: {  	v13 =	vpop (erf);
	v10 =	vld.idx.msk [tilespmem:v10+s26+$0x0], $0xffff  }
0x14b: {  	v12 =	vmul.f32 v13, v12  }
0x14c: {  	v63 =	vld.idx.msk [tilespmem:v7+s26+$0x0], $0xffff  }
0x14d: {  	v7 =	vor.u32 $0x14, v11;
	v9 =	vld.idx.msk [tilespmem:v9+s26+$0x0], $0xffff;
	vm1 =	vgt.f32 v12, $5.000000000e-01  }
0x14e: {  	vm0 =	vmand vm0, vm1;
	v55 =	vld.idx.msk [tilespmem:v1+s26+$0x0], $0xffff;
	v1 =	vadd.s32 v7, v2;
	v7 =	vor.u32 $0x15, v11;
	[tilespmem:$0x1FDD0] =	vst v8  }
0x14f: {  	v7 =	vadd.s32 v7, v2;
	v8 =	vor.u32 $0x16, v11;
	[tilespmem:$0x1FE00] =	vst v10;
	v10 =	vimm.s32 $0x0  }
0x150: {  	[tilespmem:$0x1FDE0] =	vst v12;
	v8 =	vadd.s32 v8, v2;
	v10 =	vsel vm0, $0xFFFFFFFF, v10  }
0x151: {  	[tilespmem:$0x1FE10] =	vst v10;
	v10 =	vsel vm0, $0x3F800000, v21  }
0x152: {  	[tilespmem:$0x12900] =	vst v10  }
0x153: {  	v12 =	vor.u32 $0x18, v11;
	[tilespmem:$0x1FDF0] =	vst v9;
	v9 =	vor.u32 $0x17, v11;
	v1 =	vld.idx.msk [tilespmem:v1+s26+$0x0], $0xffff  }
0x154: {  	v9 =	vadd.s32 v9, v2;
	v2 =	vadd.s32 v12, v2;
	v26 =	vld.idx.msk [tilespmem:v7+s26+$0x0], $0xffff  }
0x155: {  	v7 =	vld.idx.msk [tilespmem:v8+s26+$0x0], $0xffff;
	_ =	sdelay $0x2  }
0x156: {  	s1 =	simm.s32 $0x0  }
0x157: {  	v10 =	vadd.s32 s1, v0;
	v2 =	vld.idx.msk [tilespmem:v2+s26+$0x0], $0xffff;
	[tilespmem:$0x1FE20] =	vst v1  }
0x158: {  	s1 =	sand.u32 $0x70, s1;
	v1 =	vand.u32 $0xF, v10;
	[tilespmem:$0x1FE30] =	vst v7;
	v7 =	vld.idx.msk [tilespmem:v9+s26+$0x0], $0xffff  }
0x159: {  	v1 =	vor.u32 s1, v1;
	_ =	sdelay $0x1  }
0x15a: {  	s25 =	simm.s32 $0x1  }
0x15b: {  	[tilespmem:$0x1FE50] =	vst v2;
	v2 =	vadd.s32 s25, v0  }
0x15c: {  	s1 =	sand.u32 $0x70, s25;
	v8 =	vand.u32 $0xF, v2;
	[tilespmem:$0x1FE40] =	vst v7;
	v7 =	vld.idx.msk [tilespmem:v4+s29+$0x0], $0xffff  }
0x15d: {  	v8 =	vor.u32 s1, v8;
	v9 =	vld.idx.msk [tilespmem:v1+s29+$0x0], $0xffff;
	_ =	sdelay $0x1  }
0x15e: {  	s17 =	simm.s32 $0x2;
	[tilespmem:$0x1FD50] =	vst v17;
	v2 =	vimm.s32 $0x0  }
.LBB2_6:
0x15f: {  	p0 =	sne.s32 s17, $0x7F  }
.Ltmp2:
0x160: {  	v10 =	vadd.s32 s17, v0;
	s1 =	smov.u32 s17;
	s17 =	sadd.s32 $0x1, s17;
	(pc) =	sbr.rel @p0 .LBB2_6-.Ltmp2, $4  }
0x161: {  	vm1 =	vgt.u32 v1, v4;
	v1 =	vmovc v8;
	s1 =	sand.u32 $0x70, s1;
	v10 =	vand.u32 $0xF, v10;
	vm0 =	veq.s32 v9, v7;
	v9 =	vld.idx.msk [tilespmem:v8+s29+$0x0], $0xffff  }
0x162: {  	v8 =	vor.u32 s1, v10;
	vm0 =	vmand vm1, vm0  }
0x163: {  	v10 =	vsel vm0, $0x1, v14  }
0x164: {  	v2 =	vor.u32 v10, v2  }
0x165: {  	v10 =	vld [tilespmem:s6+$0x110]  }
0x166: {  	v12 =	vld [tilespmem:s6+$0x190];
	_ =	sdelay $0x4  }
0x167: {  	v36 =	vmul.f32 $6.400000000e+01, v10;
	v35 =	vmul.f32 $6.400000000e+01, v12;
	_ =	sdelay $0x1  }
0x168: {  	v10 =	vmul.f32 v35, v36  }
0x169: {  	v12 =	vmin.f32 v36, $1.190000060e+00;
	v13 =	vmin.f32 v35, $1.980000020e+00  }
0x16a: {  	v12 =	vmul.f32 v13, v12;
	v13 =	vadd.f32 $2.356200220e+00, v10;
	_ =	sdelay $0x1  }
0x16b: {  	v13 =	vsub.f32 v13, v12;
	_ =	sdelay $0x1  }
0x16c: {  	v13 =	vadd.f32 $9.999999710e-10, v13;
	_ =	sdelay $0x1  }
0x16d: {  	(erf) = vrcp.f32 v13  }
0x16e: {  	v16 =	vld.idx.msk [tilespmem:v8+s29+$0x0], $0xffff;
	v15 =	vmin.f32 v35, $4.590000150e+00;
	v13 =	vmin.f32 v36, $2.789999960e+00  }
0x16f: {  	v17 =	vor.u32 $0x10, v0;
	v13 =	vmul.f32 v15, v13;
	v15 =	vadd.f32 $1.280609990e+01, v10;
	_ =	sdelay $0x1  }
0x170: {  	vm1 =	vgt.u32 v1, v4;
	vm0 =	veq.s32 v9, v7;
	v15 =	vsub.f32 v15, v13  }
0x171: {  	vm0 =	vmand vm1, vm0  }
0x172: {  	vm1 =	veq.s32 v16, v7;
	v7 =	vsel vm0, $0x1, v14;
	v1 =	vadd.f32 $9.999999710e-10, v15  }
0x173: {  	vm5 =	vgt.u32 v8, v4;
	v9 =	vld.idx.msk [tilespmem:v17+s30+$0x0], $0xffff  }
0x174: {  	vm0 =	vmand vm5, vm1;
	(erf) = vrcp.f32 v1  }
0x175: {  	v8 =	vmin.f32 v35, $8.920000070e+00;
	v1 =	vor.u32 v7, v2;
	v2 =	vsel vm0, $0x1, v14;
	v7 =	vpop (erf)  }
0x176: {  	v1 =	vor.u32 v2, v1;
	v12 =	vmul.f32 v7, v12;
	v7 =	vmin.f32 v36, $4.530000210e+00  }
0x177: {  	v2 =	vmul.f32 v8, v7;
	v7 =	vadd.f32 $4.040760040e+01, v10;
	v8 =	vor.u32 $0x800, v11  }
0x178: {  	v8 =	vadd.s32 v8, v9  }
0x179: {  	vm1 =	veq.s32 v1, $0x0;
	vm0 =	vgt.f32 v12, $5.000000000e-01;
	v1 =	vsub.f32 v7, v2  }
0x17a: {  	vm15 =	vmand vm1, vm0  }
0x17b: {  	v49 =	vld [tilespmem:s6+$0x10];
	v7 =	vsel vm15, $0x3F800000, v21;
	v1 =	vadd.f32 $9.999999710e-10, v1  }
0x17c: {  	v47 =	vor.u32 $0x803, v11;
	v51 =	vld [tilespmem:s6+$0x90];
	v18 =	vmin.f32 v35, $5.289999960e+00;
	v15 =	vor.u32 $0x802, v11;
	[tilespmem:$0x12810] =	vst v7  }
0x17d: {  	v15 =	vadd.s32 v15, v9;
	v48 =	vpop (erf);
	(erf) = vrcp.f32 v1;
	v1 =	vmin.f32 v36, $8.060000410e+00;
	v8 =	vld.idx.msk [tilespmem:v8+s26+$0x0], $0xffff  }
0x17e: {  	v19 =	vmul.f32 v48, v13;
	v13 =	vadd.f32 $4.263740160e+01, v10;
	v1 =	vmul.f32 v18, v1  }
0x17f: {  	v16 =	vadd.s32 v47, v9  }
0x180: {  	v13 =	vsub.f32 v13, v1  }
0x181: {  	[tilespmem:$0x1FAB0] =	vst v12  }
0x182: {  	v12 =	vor.u32 $0x801, v11;
	[tilespmem:$0x1FAF0] =	vst v8;
	v8 =	vadd.f32 $9.999999710e-10, v13  }
0x183: {  	v12 =	vadd.s32 v12, v9;
	v15 =	vld.idx.msk [tilespmem:v15+s26+$0x0], $0xffff  }
0x184: {  	v50 =	vor.u32 $0x804, v11;
	(erf) = vrcp.f32 v8;
	v8 =	vld.idx.msk [tilespmem:v16+s26+$0x0], $0xffff  }
0x185: {  	v17 =	vadd.s32 v50, v9;
	v7 =	vor.u32 $0x805, v11  }
0x186: {  	v7 =	vadd.s32 v7, v9  }
0x187: {  	vm0 =	vgt.f32 v19, $5.000000000e-01  }
0x188: {  	v12 =	vld.idx.msk [tilespmem:v12+s26+$0x0], $0xffff;
	vm0 =	vmand vm1, vm0;
	[tilespmem:$0x1FB10] =	vst v15  }
0x189: {  	v52 =	vor.u32 $0x806, v11;
	v15 =	vsel vm0, $0x3F800000, v21;
	[tilespmem:$0x1FB20] =	vst v8  }
0x18a: {  	v53 =	vmin.f32 v35, $1.064999960e+01;
	v18 =	vadd.s32 v52, v9;
	v13 =	vmin.f32 v36, $1.031999970e+01;
	v57 =	vpop (erf);
	v8 =	vld.idx.msk [tilespmem:v17+s26+$0x0], $0xffff;
	[tilespmem:$0x12850] =	vst v15  }
0x18b: {  	v10 =	vadd.f32 $1.099079900e+02, v10;
	v13 =	vmul.f32 v53, v13;
	v58 =	vmul.f32 v57, v2;
	v2 =	vld.idx.msk [tilespmem:v7+s26+$0x0], $0xffff;
	_ =	sdelay $0x1  }
0x18c: {  	[tilespmem:$0x1FB00] =	vst v12;
	v12 =	vor.u32 $0x807, v11;
	v10 =	vsub.f32 v10, v13  }
0x18d: {  	v56 =	vor.u32 $0x809, v11;
	v12 =	vadd.s32 v12, v9  }
0x18e: {  	v54 =	vor.u32 $0x808, v11;
	v15 =	vadd.s32 v56, v9;
	v7 =	vadd.f32 $9.999999710e-10, v10;
	v10 =	vld.idx.msk [tilespmem:v18+s26+$0x0], $0xffff  }
0x18f: {  	v16 =	vadd.s32 v54, v9;
	[tilespmem:$0x1FB30] =	vst v2;
	v2 =	vor.u32 $0x80A, v11  }
0x190: {  	v2 =	vadd.s32 v2, v9  }
0x191: {  	vm5 =	vgt.f32 v58, $5.000000000e-01  }
0x192: {  	v12 =	vld.idx.msk [tilespmem:v12+s26+$0x0], $0xffff;
	vm8 =	vmand vm1, vm5  }
0x193: {  	v31 =	vld.idx.msk [tilespmem:v15+s26+$0x0], $0xffff;
	v15 =	vsel vm8, $0x3F800000, v21;
	[tilespmem:$0x1FB40] =	vst v10  }
0x194: {  	(erf) = vrcp.f32 v7;
	v7 =	vld.idx.msk [tilespmem:v16+s26+$0x0], $0xffff;
	v10 =	vor.u32 $0x80B, v11;
	[tilespmem:$0x12890] =	vst v15  }
0x195: {  	v10 =	vadd.s32 v10, v9;
	v2 =	vld.idx.msk [tilespmem:v2+s26+$0x0], $0xffff;
	_ =	sdelay $0x2  }
0x196: {  	v59 =	vor.u32 $0x80E, v11;
	[tilespmem:$0x1FB60] =	vst v12  }
0x197: {  	v12 =	vor.u32 $0x80C, v11;
	v15 =	vadd.s32 v59, v9;
	[tilespmem:$0x1FB70] =	vst v7  }
0x198: {  	v7 =	vadd.s32 v12, v9;
	v12 =	vor.u32 $0x80D, v11;
	[tilespmem:$0x1FB80] =	vst v2;
	v2 =	vld.idx.msk [tilespmem:v10+s26+$0x0], $0xffff  }
0x199: {  	v60 =	vpop (erf);
	v12 =	vadd.s32 v12, v9  }
0x19a: {  	v61 =	vmul.f32 v60, v1;
	_ =	sdelay $0x1  }
0x19b: {  	v1 =	vor.u32 $0x80F, v11;
	vm5 =	vgt.f32 v61, $5.000000000e-01;
	v60 =	vld.idx.msk [tilespmem:v15+s26+$0x0], $0xffff  }
0x19c: {  	v1 =	vadd.s32 v1, v9;
	vm9 =	vmand vm1, vm5;
	v7 =	vld.idx.msk [tilespmem:v7+s26+$0x0], $0xffff;
	[tilespmem:$0x1FB90] =	vst v2;
	v2 =	vor.u32 $0x810, v11  }
0x19d: {  	v15 =	vor.u32 $0x813, v11;
	v10 =	vld.idx.msk [tilespmem:v12+s26+$0x0], $0xffff;
	v12 =	vsel vm9, $0x3F800000, v21;
	v2 =	vadd.s32 v2, v9  }
0x19e: {  	[tilespmem:$0x128D0] =	vst v12;
	v12 =	vadd.s32 v15, v9;
	_ =	sdelay $0x2  }
0x19f: {  	[tilespmem:$0x1FBA0] =	vst v7;
	v7 =	vor.u32 $0x811, v11;
	v1 =	vld.idx.msk [tilespmem:v1+s26+$0x0], $0xffff  }
0x1a0: {  	v7 =	vadd.s32 v7, v9;
	v2 =	vld.idx.msk [tilespmem:v2+s26+$0x0], $0xffff  }
0x1a1: {  	v12 =	vld.idx.msk [tilespmem:v12+s26+$0x0], $0xffff  }
0x1a2: {  	v15 =	vpop (erf)  }
0x1a3: {  	v13 =	vmul.f32 v15, v13;
	[tilespmem:$0x1FBC0] =	vst v10;
	v10 =	vor.u32 $0x812, v11  }
0x1a4: {  	v10 =	vadd.s32 v10, v9;
	[tilespmem:$0x1FBD0] =	vst v1;
	v1 =	vor.u32 $0x814, v11  }
0x1a5: {  	vm5 =	vgt.f32 v13, $5.000000000e-01;
	v7 =	vld.idx.msk [tilespmem:v7+s26+$0x0], $0xffff;
	v1 =	vadd.s32 v1, v9;
	[tilespmem:$0x1FBE0] =	vst v2;
	v2 =	vor.u32 $0x815, v11  }
0x1a6: {  	vm1 =	vmand vm1, vm5;
	[tilespmem:$0x1FC20] =	vst v12;
	v12 =	vimm.s32 $0x0;
	v2 =	vadd.s32 v2, v9  }
0x1a7: {  	v12 =	vsel vm1, $0xFFFFFFFF, v12  }
0x1a8: {  	[tilespmem:$0x1FC30] =	vst v12;
	v12 =	vsel vm1, $0x3F800000, v21  }
0x1a9: {  	v10 =	vld.idx.msk [tilespmem:v10+s26+$0x0], $0xffff;
	[tilespmem:$0x12910] =	vst v12  }
0x1aa: {  	[tilespmem:$0x1FBF0] =	vst v7;
	v7 =	vor.u32 $0x816, v11;
	v1 =	vld.idx.msk [tilespmem:v1+s26+$0x0], $0xffff  }
0x1ab: {  	v7 =	vadd.s32 v7, v9;
	v2 =	vld.idx.msk [tilespmem:v2+s26+$0x0], $0xffff;
	_ =	sdelay $0x1  }
0x1ac: {  	s1 =	simm.s32 $0x0  }
0x1ad: {  	v12 =	vadd.s32 s1, v0;
	[tilespmem:$0x1FC10] =	vst v10  }
0x1ae: {  	s1 =	sand.u32 $0x70, s1;
	v10 =	vor.u32 $0x817, v11;
	[tilespmem:$0x1FC40] =	vst v1;
	v1 =	vand.u32 $0xF, v12  }
0x1af: {  	v10 =	vadd.s32 v10, v9;
	[tilespmem:$0x1FC50] =	vst v2;
	v2 =	vor.u32 s1, v1;
	v1 =	vld.idx.msk [tilespmem:v7+s26+$0x0], $0xffff;
	_ =	sdelay $0x3  }
0x1b0: {  	[tilespmem:$0x1FC00] =	vst v13;
	v13 =	vor.u32 $0x818, v11  }
0x1b1: {  	v9 =	vadd.s32 v13, v9;
	[tilespmem:$0x1FC60] =	vst v1;
	v1 =	vld.idx.msk [tilespmem:v10+s26+$0x0], $0xffff;
	_ =	sdelay $0x4  }
0x1b2: {  	[tilespmem:$0x1FC70] =	vst v1;
	v1 =	vld.idx.msk [tilespmem:v9+s26+$0x0], $0xffff;
	_ =	sdelay $0x3  }
0x1b3: {  	s25 =	simm.s32 $0x1;
	[tilespmem:$0x1FAC0] =	vst v49  }
0x1b4: {  	[tilespmem:$0x1FC80] =	vst v1;
	v1 =	vadd.s32 s25, v0  }
0x1b5: {  	[tilespmem:$0x1FAD0] =	vst v51;
	v7 =	vld.idx.msk [tilespmem:v5+s29+$0x0], $0xffff;
	s1 =	sand.u32 $0x70, s25;
	v9 =	vand.u32 $0xF, v1  }
0x1b6: {  	[tilespmem:$0x1FAE0] =	vst v19;
	v10 =	vld.idx.msk [tilespmem:v2+s29+$0x0], $0xffff;
	v9 =	vor.u32 s1, v9  }
0x1b7: {  	[tilespmem:$0x1FB50] =	vst v58  }
0x1b8: {  	s17 =	simm.s32 $0x2;
	[tilespmem:$0x1FBB0] =	vst v61;
	v1 =	vimm.s32 $0x0  }
.LBB2_8:
0x1b9: {  	p0 =	sne.s32 s17, $0x7F  }
.Ltmp3:
0x1ba: {  	v12 =	vadd.s32 s17, v0;
	s1 =	smov.u32 s17;
	s17 =	sadd.s32 $0x1, s17;
	(pc) =	sbr.rel @p0 .LBB2_8-.Ltmp3, $4  }
0x1bb: {  	vm5 =	vgt.u32 v2, v5;
	v2 =	vmovc v9;
	s1 =	sand.u32 $0x70, s1;
	v12 =	vand.u32 $0xF, v12;
	vm1 =	veq.s32 v10, v7;
	v10 =	vld.idx.msk [tilespmem:v9+s29+$0x0], $0xffff  }
0x1bc: {  	v9 =	vor.u32 s1, v12;
	vm1 =	vmand vm5, vm1  }
0x1bd: {  	v12 =	vsel vm1, $0x1, v14  }
0x1be: {  	v1 =	vor.u32 v12, v1  }
0x1bf: {  	v12 =	vld [tilespmem:s6+$0x120]  }
0x1c0: {  	v13 =	vld [tilespmem:s6+$0x1A0];
	_ =	sdelay $0x4  }
0x1c1: {  	v34 =	vmul.f32 $6.400000000e+01, v12;
	v33 =	vmul.f32 $6.400000000e+01, v13;
	_ =	sdelay $0x1  }
0x1c2: {  	v12 =	vmul.f32 v33, v34  }
0x1c3: {  	v13 =	vmin.f32 v34, $1.190000060e+00;
	v15 =	vmin.f32 v33, $1.980000020e+00  }
0x1c4: {  	v13 =	vmul.f32 v15, v13;
	v15 =	vadd.f32 $2.356200220e+00, v12;
	_ =	sdelay $0x1  }
0x1c5: {  	v15 =	vsub.f32 v15, v13;
	_ =	sdelay $0x1  }
0x1c6: {  	v15 =	vadd.f32 $9.999999710e-10, v15  }
0x1c7: {  	v16 =	vmin.f32 v34, $2.789999960e+00;
	v17 =	vmin.f32 v33, $4.590000150e+00  }
0x1c8: {  	v16 =	vmul.f32 v17, v16;
	v17 =	vadd.f32 $1.280609990e+01, v12;
	(erf) = vrcp.f32 v15;
	_ =	sdelay $0x1  }
0x1c9: {  	vm5 =	vgt.u32 v2, v5;
	v2 =	vsub.f32 v17, v16;
	v15 =	vld.idx.msk [tilespmem:v9+s29+$0x0], $0xffff;
	_ =	sdelay $0x1  }
0x1ca: {  	v2 =	vadd.f32 $9.999999710e-10, v2  }
0x1cb: {  	vm1 =	veq.s32 v10, v7;
	v10 =	vor.u32 $0x20, v0  }
0x1cc: {  	(erf) = vrcp.f32 v2  }
0x1cd: {  	vm6 =	vgt.u32 v9, v5;
	vm1 =	vmand vm5, vm1;
	vm5 =	veq.s32 v15, v7  }
0x1ce: {  	v7 =	vsel vm1, $0x1, v14;
	vm1 =	vmand vm6, vm5  }
0x1cf: {  	v9 =	vmin.f32 v33, $8.920000070e+00;
	v1 =	vor.u32 v7, v1;
	v7 =	vsel vm1, $0x1, v14;
	v2 =	vpop (erf)  }
0x1d0: {  	v1 =	vor.u32 v7, v1;
	v7 =	vld.idx.msk [tilespmem:v10+s30+$0x0], $0xffff;
	v10 =	vmul.f32 v2, v13;
	v2 =	vmin.f32 v34, $4.530000210e+00  }
0x1d1: {  	vm5 =	veq.s32 v1, $0x0;
	v1 =	vmul.f32 v9, v2;
	v2 =	vadd.f32 $4.040760040e+01, v12  }
0x1d2: {  	v19 =	vmin.f32 v33, $5.289999960e+00  }
0x1d3: {  	v17 =	vor.u32 $0x1003, v11;
	vm1 =	vlt.u32 v5, $0x64;
	v2 =	vsub.f32 v2, v1  }
0x1d4: {  	v15 =	vor.u32 $0x1002, v11;
	vm1 =	vmand vm1, vm5;
	v13 =	vor.u32 $0x1001, v11  }
0x1d5: {  	v18 =	vpop (erf);
	[tilespmem:$0x1F8C0] =	vst v10;
	vm5 =	vgt.f32 v10, $5.000000000e-01;
	v10 =	vor.u32 $0x1000, v11;
	v2 =	vadd.f32 $9.999999710e-10, v2  }
0x1d6: {  	v20 =	vmul.f32 v18, v16;
	v16 =	vadd.f32 $4.263740160e+01, v12;
	v10 =	vadd.s32 v10, v7  }
0x1d7: {  	v13 =	vadd.s32 v13, v7;
	(erf) = vrcp.f32 v2;
	v2 =	vmin.f32 v34, $8.060000410e+00  }
0x1d8: {  	vm14 =	vmand vm1, vm5;
	v15 =	vadd.s32 v15, v7;
	v2 =	vmul.f32 v19, v2  }
0x1d9: {  	v18 =	vld [tilespmem:s6+$0x20];
	v17 =	vadd.s32 v17, v7;
	v9 =	vsel vm14, $0x3F800000, v21  }
0x1da: {  	v19 =	vld [tilespmem:s6+$0xA0];
	[tilespmem:$0x12820] =	vst v9;
	v16 =	vsub.f32 v16, v2  }
0x1db: {  	v10 =	vld.idx.msk [tilespmem:v10+s26+$0x0], $0xffff  }
0x1dc: {  	v13 =	vld.idx.msk [tilespmem:v13+s26+$0x0], $0xffff;
	v16 =	vadd.f32 $9.999999710e-10, v16  }
0x1dd: {  	[tilespmem:$0x1F8F0] =	vst v20;
	v15 =	vld.idx.msk [tilespmem:v15+s26+$0x0], $0xffff  }
0x1de: {  	[tilespmem:$0x1F8D0] =	vst v18;
	v18 =	vor.u32 $0x1004, v11;
	(erf) = vrcp.f32 v16;
	v16 =	vld.idx.msk [tilespmem:v17+s26+$0x0], $0xffff  }
0x1df: {  	v12 =	vadd.f32 $1.099079900e+02, v12;
	v18 =	vadd.s32 v18, v7;
	v9 =	vor.u32 $0x1005, v11;
	[tilespmem:$0x1F8E0] =	vst v19  }
0x1e0: {  	vm5 =	vgt.f32 v20, $5.000000000e-01;
	v9 =	vadd.s32 v9, v7;
	v19 =	vor.u32 $0x1006, v11;
	[tilespmem:$0x1F900] =	vst v10  }
0x1e1: {  	v20 =	vmin.f32 v33, $1.064999960e+01;
	v10 =	vadd.s32 v19, v7;
	[tilespmem:$0x1F910] =	vst v13;
	v13 =	vor.u32 $0x1007, v11  }
0x1e2: {  	vm10 =	vmand vm1, vm5;
	v19 =	vmin.f32 v34, $1.031999970e+01;
	[tilespmem:$0x1F920] =	vst v15;
	v13 =	vadd.s32 v13, v7  }
0x1e3: {  	v17 =	vor.u32 $0x1008, v11;
	v15 =	vmul.f32 v20, v19;
	[tilespmem:$0x1F930] =	vst v16;
	v16 =	vsel vm10, $0x3F800000, v21  }
0x1e4: {  	v19 =	vld.idx.msk [tilespmem:v18+s26+$0x0], $0xffff;
	v17 =	vadd.s32 v17, v7;
	v18 =	vor.u32 $0x1009, v11;
	v20 =	vpop (erf);
	[tilespmem:$0x12860] =	vst v16  }
0x1e5: {  	v12 =	vsub.f32 v12, v15;
	v16 =	vadd.s32 v18, v7;
	v18 =	vmul.f32 v20, v1;
	v1 =	vld.idx.msk [tilespmem:v9+s26+$0x0], $0xffff  }
0x1e6: {  	v10 =	vld.idx.msk [tilespmem:v10+s26+$0x0], $0xffff  }
0x1e7: {  	v9 =	vadd.f32 $9.999999710e-10, v12;
	v12 =	vld.idx.msk [tilespmem:v13+s26+$0x0], $0xffff;
	_ =	sdelay $0x1  }
0x1e8: {  	(erf) = vrcp.f32 v9;
	v9 =	vld.idx.msk [tilespmem:v17+s26+$0x0], $0xffff  }
0x1e9: {  	[tilespmem:$0x1F940] =	vst v1;
	v1 =	vor.u32 $0x100A, v11  }
0x1ea: {  	[tilespmem:$0x1F950] =	vst v10;
	v10 =	vor.u32 $0x100B, v11;
	v1 =	vadd.s32 v1, v7  }
0x1eb: {  	vm5 =	vgt.f32 v18, $5.000000000e-01;
	[tilespmem:$0x1F970] =	vst v12;
	v12 =	vadd.s32 v10, v7  }
0x1ec: {  	vm11 =	vmand vm1, vm5;
	v10 =	vor.u32 $0x100C, v11  }
0x1ed: {  	v13 =	vor.u32 $0x100D, v11;
	[tilespmem:$0x1F980] =	vst v9;
	v9 =	vadd.s32 v10, v7;
	v10 =	vld.idx.msk [tilespmem:v16+s26+$0x0], $0xffff;
	v16 =	vsel vm11, $0x3F800000, v21  }
0x1ee: {  	v13 =	vadd.s32 v13, v7;
	v17 =	vor.u32 $0x100E, v11;
	[tilespmem:$0x128A0] =	vst v16  }
0x1ef: {  	[tilespmem:$0x1F960] =	vst v18;
	v18 =	vpop (erf);
	v16 =	vadd.s32 v17, v7;
	v1 =	vld.idx.msk [tilespmem:v1+s26+$0x0], $0xffff  }
0x1f0: {  	v17 =	vmul.f32 v18, v2;
	v2 =	vld.idx.msk [tilespmem:v12+s26+$0x0], $0xffff;
	_ =	sdelay $0x1  }
0x1f1: {  	v9 =	vld.idx.msk [tilespmem:v9+s26+$0x0], $0xffff  }
0x1f2: {  	vm5 =	vgt.f32 v17, $5.000000000e-01;
	v12 =	vld.idx.msk [tilespmem:v13+s26+$0x0], $0xffff  }
0x1f3: {  	vm5 =	vmand vm1, vm5;
	v13 =	vld.idx.msk [tilespmem:v16+s26+$0x0], $0xffff;
	v16 =	vimm.s32 $0x0;
	[tilespmem:$0x1F990] =	vst v1;
	v1 =	vor.u32 $0x100F, v11  }
0x1f4: {  	v16 =	vsel vm5, $0xFFFFFFFF, v16;
	[tilespmem:$0x1F9A0] =	vst v2;
	v2 =	vor.u32 $0x1010, v11;
	v1 =	vadd.s32 v1, v7  }
0x1f5: {  	[tilespmem:$0x1F9E0] =	vst v16;
	v2 =	vadd.s32 v2, v7  }
0x1f6: {  	[tilespmem:$0x1F9B0] =	vst v9;
	v9 =	vor.u32 $0x1011, v11  }
0x1f7: {  	v16 =	vsel vm5, $0x3F800000, v21;
	[tilespmem:$0x1F9D0] =	vst v12;
	v12 =	vor.u32 $0x1012, v11;
	v9 =	vadd.s32 v9, v7  }
0x1f8: {  	[tilespmem:$0x128E0] =	vst v16;
	v12 =	vadd.s32 v12, v7  }
0x1f9: {  	v1 =	vld.idx.msk [tilespmem:v1+s26+$0x0], $0xffff  }
0x1fa: {  	[tilespmem:$0x1F9C0] =	vst v17;
	v17 =	vor.u32 $0x1013, v11;
	v2 =	vld.idx.msk [tilespmem:v2+s26+$0x0], $0xffff;
	_ =	sdelay $0x1  }
0x1fb: {  	v9 =	vld.idx.msk [tilespmem:v9+s26+$0x0], $0xffff  }
0x1fc: {  	v16 =	vadd.s32 v17, v7;
	v17 =	vpop (erf);
	v12 =	vld.idx.msk [tilespmem:v12+s26+$0x0], $0xffff  }
0x1fd: {  	v15 =	vmul.f32 v17, v15;
	[tilespmem:$0x1F9F0] =	vst v1;
	v1 =	vor.u32 $0x1014, v11  }
0x1fe: {  	[tilespmem:$0x1FA00] =	vst v2;
	v2 =	vor.u32 $0x1015, v11;
	v1 =	vadd.s32 v1, v7  }
0x1ff: {  	vm5 =	vgt.f32 v15, $5.000000000e-01;
	v2 =	vadd.s32 v2, v7  }
0x200: {  	vm1 =	vmand vm1, vm5;
	[tilespmem:$0x1FA10] =	vst v9;
	v9 =	vor.u32 $0x1016, v11  }
0x201: {  	[tilespmem:$0x1FA30] =	vst v12;
	v12 =	vadd.s32 v9, v7;
	v9 =	vld.idx.msk [tilespmem:v16+s26+$0x0], $0xffff;
	v16 =	vsel vm1, $0x3F800000, v21  }
0x202: {  	[tilespmem:$0x12920] =	vst v16  }
0x203: {  	v1 =	vld.idx.msk [tilespmem:v1+s26+$0x0], $0xffff  }
0x204: {  	v2 =	vld.idx.msk [tilespmem:v2+s26+$0x0], $0xffff;
	_ =	sdelay $0x1  }
0x205: {  	s1 =	simm.s32 $0x0  }
0x206: {  	[tilespmem:$0x1FA20] =	vst v15;
	v16 =	vadd.s32 s1, v0  }
0x207: {  	v15 =	vor.u32 $0x1017, v11;
	s1 =	sand.u32 $0x70, s1;
	[tilespmem:$0x1FA60] =	vst v1;
	v1 =	vand.u32 $0xF, v16  }
0x208: {  	v15 =	vadd.s32 v15, v7;
	[tilespmem:$0x1FA70] =	vst v2;
	v2 =	vor.u32 s1, v1;
	v1 =	vld.idx.msk [tilespmem:v12+s26+$0x0], $0xffff;
	_ =	sdelay $0x3  }
0x209: {  	v17 =	vor.u32 $0x1018, v11  }
0x20a: {  	v7 =	vadd.s32 v17, v7;
	[tilespmem:$0x1FA80] =	vst v1;
	v1 =	vld.idx.msk [tilespmem:v15+s26+$0x0], $0xffff;
	_ =	sdelay $0x4  }
0x20b: {  	[tilespmem:$0x1FA90] =	vst v1;
	v1 =	vld.idx.msk [tilespmem:v7+s26+$0x0], $0xffff;
	_ =	sdelay $0x3  }
0x20c: {  	s25 =	simm.s32 $0x1  }
0x20d: {  	[tilespmem:$0x1FAA0] =	vst v1;
	v1 =	vadd.s32 s25, v0  }
0x20e: {  	s1 =	sand.u32 $0x70, s25;
	v15 =	vld.idx.msk [tilespmem:v2+s29+$0x0], $0xffff;
	v12 =	vand.u32 $0xF, v1  }
0x20f: {  	[tilespmem:$0x1FA40] =	vst v9;
	v9 =	vimm.s32 $0x0;
	v7 =	vld.idx.msk [tilespmem:v6+s29+$0x0], $0xffff;
	v12 =	vor.u32 s1, v12  }
0x210: {  	v9 =	vsel vm1, $0xFFFFFFFF, v9  }
0x211: {  	s17 =	simm.s32 $0x2;
	[tilespmem:$0x1FA50] =	vst v9;
	v1 =	vimm.s32 $0x0  }
.LBB2_10:
0x212: {  	p0 =	sne.s32 s17, $0x7F  }
.Ltmp4:
0x213: {  	v16 =	vadd.s32 s17, v0;
	s1 =	smov.u32 s17;
	s17 =	sadd.s32 $0x1, s17;
	(pc) =	sbr.rel @p0 .LBB2_10-.Ltmp4, $4  }
0x214: {  	vm5 =	vgt.u32 v2, v6;
	v2 =	vmovc v12;
	s1 =	sand.u32 $0x70, s1;
	v16 =	vand.u32 $0xF, v16;
	vm1 =	veq.s32 v15, v7;
	v15 =	vld.idx.msk [tilespmem:v12+s29+$0x0], $0xffff  }
0x215: {  	v12 =	vor.u32 s1, v16;
	vm1 =	vmand vm5, vm1  }
0x216: {  	v16 =	vsel vm1, $0x1, v14  }
0x217: {  	v1 =	vor.u32 v16, v1  }
0x218: {  	v16 =	vld [tilespmem:s6+$0x130]  }
0x219: {  	v17 =	vld [tilespmem:s6+$0x1B0];
	_ =	sdelay $0x4  }
0x21a: {  	v38 =	vmul.f32 $6.400000000e+01, v16;
	v37 =	vmul.f32 $6.400000000e+01, v17;
	_ =	sdelay $0x1  }
0x21b: {  	v16 =	vmul.f32 v37, v38  }
0x21c: {  	v17 =	vmin.f32 v38, $1.190000060e+00;
	v18 =	vmin.f32 v37, $1.980000020e+00  }
0x21d: {  	v17 =	vmul.f32 v18, v17;
	v18 =	vadd.f32 $2.356200220e+00, v16;
	_ =	sdelay $0x1  }
0x21e: {  	v18 =	vsub.f32 v18, v17;
	_ =	sdelay $0x1  }
0x21f: {  	v18 =	vadd.f32 $9.999999710e-10, v18  }
0x220: {  	v20 =	vmin.f32 v38, $2.789999960e+00;
	v21 =	vmin.f32 v37, $4.590000150e+00  }
0x221: {  	v20 =	vmul.f32 v21, v20;
	v21 =	vadd.f32 $1.280609990e+01, v16;
	(erf) = vrcp.f32 v18;
	v18 =	vld.idx.msk [tilespmem:v12+s29+$0x0], $0xffff;
	_ =	sdelay $0x1  }
0x222: {  	vm5 =	vgt.u32 v2, v6;
	v2 =	vsub.f32 v21, v20  }
0x223: {  	vm1 =	veq.s32 v15, v7;
	v15 =	vor.u32 $0x30, v0  }
0x224: {  	v2 =	vadd.f32 $9.999999710e-10, v2  }
0x225: {  	vm7 =	vgt.u32 v12, v6;
	vm1 =	vmand vm5, vm1;
	vm5 =	veq.s32 v18, v7  }
0x226: {  	(erf) = vrcp.f32 v2;
	v7 =	vsel vm1, $0x1, v14;
	vm1 =	vmand vm7, vm5  }
0x227: {  	v1 =	vor.u32 v7, v1;
	v7 =	vsel vm1, $0x1, v14  }
0x228: {  	v1 =	vor.u32 v7, v1;
	v7 =	vld.idx.msk [tilespmem:v15+s30+$0x0], $0xffff;
	_ =	sdelay $0x2  }
0x229: {  	v2 =	vpop (erf)  }
0x22a: {  	v9 =	vmul.f32 v2, v17;
	v17 =	vor.u32 $0x1800, v11  }
0x22b: {  	vm1 =	vlt.u32 v6, $0x64;
	vm5 =	veq.s32 v1, $0x0;
	v17 =	vadd.s32 v17, v7  }
0x22c: {  	vm5 =	vmand vm1, vm5;
	vm1 =	vgt.f32 v9, $5.000000000e-01  }
0x22d: {  	v1 =	vimm.f32 $0.0e+00;
	v23 =	vpop (erf);
	vm1 =	vmand vm5, vm1  }
0x22e: {  	v24 =	vld [tilespmem:s6+$0xB0];
	[tilespmem:$0x1F6B0] =	vst v9;
	v9 =	vmul.f32 v23, v20;
	v15 =	vsel vm1, $0x3F800000, v1  }
0x22f: {  	v18 =	vor.u32 $0x1801, v11;
	v23 =	vld [tilespmem:s6+$0x30];
	[tilespmem:$0x12830] =	vst v15  }
0x230: {  	v18 =	vadd.s32 v18, v7;
	[tilespmem:$0x1F6E0] =	vst v9;
	vm7 =	vgt.f32 v9, $5.000000000e-01;
	v9 =	vld.idx.msk [tilespmem:v17+s26+$0x0], $0xffff;
	_ =	sdelay $0x3  }
0x231: {  	v21 =	vor.u32 $0x1802, v11  }
0x232: {  	v21 =	vadd.s32 v21, v7;
	[tilespmem:$0x1F6F0] =	vst v9;
	v9 =	vld.idx.msk [tilespmem:v18+s26+$0x0], $0xffff;
	_ =	sdelay $0x2  }
0x233: {  	v12 =	vmin.f32 v37, $8.920000070e+00;
	v2 =	vmin.f32 v38, $4.530000210e+00  }
0x234: {  	v22 =	vor.u32 $0x1803, v11;
	v2 =	vmul.f32 v12, v2;
	v12 =	vadd.f32 $4.040760040e+01, v16  }
0x235: {  	v22 =	vadd.s32 v22, v7;
	[tilespmem:$0x1F700] =	vst v9;
	v9 =	vld.idx.msk [tilespmem:v21+s26+$0x0], $0xffff  }
0x236: {  	v12 =	vsub.f32 v12, v2;
	_ =	sdelay $0x1  }
0x237: {  	v12 =	vadd.f32 $9.999999710e-10, v12  }
0x238: {  	[tilespmem:$0x1F6C0] =	vst v23;
	v23 =	vor.u32 $0x1804, v11  }
0x239: {  	(erf) = vrcp.f32 v12;
	v23 =	vadd.s32 v23, v7;
	[tilespmem:$0x1F710] =	vst v9;
	v9 =	vld.idx.msk [tilespmem:v22+s26+$0x0], $0xffff;
	_ =	sdelay $0x1  }
0x23a: {  	v25 =	vmin.f32 v37, $5.289999960e+00;
	v12 =	vmin.f32 v38, $8.060000410e+00  }
0x23b: {  	v20 =	vadd.f32 $4.263740160e+01, v16;
	v12 =	vmul.f32 v25, v12;
	_ =	sdelay $0x1  }
0x23c: {  	v25 =	vor.u32 $0x1806, v11;
	v20 =	vsub.f32 v20, v12;
	[tilespmem:$0x1F720] =	vst v9;
	v9 =	vld.idx.msk [tilespmem:v23+s26+$0x0], $0xffff  }
0x23d: {  	v17 =	vadd.s32 v25, v7;
	v25 =	vmin.f32 v38, $1.031999970e+01;
	v18 =	vor.u32 $0x1807, v11  }
0x23e: {  	v20 =	vadd.f32 $9.999999710e-10, v20;
	v18 =	vadd.s32 v18, v7  }
0x23f: {  	v27 =	vmin.f32 v37, $1.064999960e+01  }
0x240: {  	vm7 =	vmand vm5, vm7;
	(erf) = vrcp.f32 v20;
	v20 =	vmul.f32 v27, v25;
	v25 =	vpop (erf)  }
0x241: {  	v15 =	vor.u32 $0x1805, v11;
	v21 =	vsel vm7, $0x3F800000, v1;
	[tilespmem:$0x1F730] =	vst v9;
	v9 =	vmul.f32 v25, v2  }
0x242: {  	v15 =	vadd.s32 v15, v7;
	v22 =	vor.u32 $0x1808, v11;
	[tilespmem:$0x12870] =	vst v21  }
0x243: {  	v22 =	vadd.s32 v22, v7;
	[tilespmem:$0x1F760] =	vst v9;
	vm12 =	vgt.f32 v9, $5.000000000e-01;
	v9 =	vld.idx.msk [tilespmem:v18+s26+$0x0], $0xffff;
	_ =	sdelay $0x3  }
0x244: {  	v16 =	vadd.f32 $1.099079900e+02, v16;
	v23 =	vor.u32 $0x1809, v11;
	v2 =	vld.idx.msk [tilespmem:v15+s26+$0x0], $0xffff  }
0x245: {  	v21 =	vadd.s32 v23, v7;
	[tilespmem:$0x1F770] =	vst v9;
	v9 =	vld.idx.msk [tilespmem:v22+s26+$0x0], $0xffff  }
0x246: {  	v16 =	vsub.f32 v16, v20;
	_ =	sdelay $0x1  }
0x247: {  	v15 =	vadd.f32 $9.999999710e-10, v16;
	v16 =	vld.idx.msk [tilespmem:v17+s26+$0x0], $0xffff  }
0x248: {  	[tilespmem:$0x1F740] =	vst v2  }
0x249: {  	v17 =	vor.u32 $0x180C, v11;
	(erf) = vrcp.f32 v15;
	v2 =	vor.u32 $0x180A, v11;
	[tilespmem:$0x1F780] =	vst v9;
	v9 =	vld.idx.msk [tilespmem:v21+s26+$0x0], $0xffff  }
0x24a: {  	v15 =	vadd.s32 v17, v7;
	v17 =	vor.u32 $0x180D, v11;
	v2 =	vadd.s32 v2, v7  }
0x24b: {  	vm12 =	vmand vm5, vm12;
	v17 =	vadd.s32 v17, v7  }
0x24c: {  	v18 =	vsel vm12, $0x3F800000, v1;
	[tilespmem:$0x1F750] =	vst v16;
	v16 =	vor.u32 $0x180B, v11  }
0x24d: {  	v16 =	vadd.s32 v16, v7;
	v22 =	vpop (erf);
	[tilespmem:$0x128B0] =	vst v18  }
0x24e: {  	[tilespmem:$0x1F790] =	vst v9;
	v9 =	vmul.f32 v22, v12  }
0x24f: {  	v21 =	vor.u32 $0x180E, v11;
	v2 =	vld.idx.msk [tilespmem:v2+s26+$0x0], $0xffff  }
0x250: {  	v18 =	vadd.s32 v21, v7;
	[tilespmem:$0x1F7D0] =	vst v9;
	vm6 =	vgt.f32 v9, $5.000000000e-01;
	v9 =	vld.idx.msk [tilespmem:v17+s26+$0x0], $0xffff;
	_ =	sdelay $0x1  }
0x251: {  	v12 =	vld.idx.msk [tilespmem:v16+s26+$0x0], $0xffff;
	_ =	sdelay $0x1  }
0x252: {  	[tilespmem:$0x1F7A0] =	vst v2;
	v2 =	vor.u32 $0x180F, v11  }
0x253: {  	v2 =	vadd.s32 v2, v7;
	[tilespmem:$0x1F7E0] =	vst v9;
	v9 =	vld.idx.msk [tilespmem:v18+s26+$0x0], $0xffff;
	_ =	sdelay $0x1  }
0x254: {  	v16 =	vor.u32 $0x1812, v11;
	vm6 =	vmand vm5, vm6;
	[tilespmem:$0x1F7B0] =	vst v12;
	v12 =	vor.u32 $0x1810, v11  }
0x255: {  	v15 =	vld.idx.msk [tilespmem:v15+s26+$0x0], $0xffff;
	v17 =	vsel vm6, $0x3F800000, v1;
	v12 =	vadd.s32 v12, v7;
	v18 =	vor.u32 $0x1813, v11  }
0x256: {  	v16 =	vadd.s32 v16, v7;
	[tilespmem:$0x128F0] =	vst v17  }
0x257: {  	v2 =	vld.idx.msk [tilespmem:v2+s26+$0x0], $0xffff;
	[tilespmem:$0x1F7F0] =	vst v9;
	v9 =	vimm.s32 $0x0  }
0x258: {  	v17 =	vadd.s32 v18, v7;
	v18 =	vpop (erf);
	v9 =	vsel vm6, $0xFFFFFFFF, v9  }
0x259: {  	[tilespmem:$0x1F800] =	vst v9;
	v9 =	vmul.f32 v18, v20  }
0x25a: {  	[tilespmem:$0x1F7C0] =	vst v15;
	v12 =	vld.idx.msk [tilespmem:v12+s26+$0x0], $0xffff  }
0x25b: {  	v15 =	vor.u32 $0x1811, v11;
	[tilespmem:$0x1F840] =	vst v9;
	vm6 =	vgt.f32 v9, $5.000000000e-01;
	v9 =	vld.idx.msk [tilespmem:v16+s26+$0x0], $0xffff  }
0x25c: {  	v15 =	vadd.s32 v15, v7;
	[tilespmem:$0x1F810] =	vst v2;
	v2 =	vor.u32 $0x1814, v11  }
0x25d: {  	v2 =	vadd.s32 v2, v7;
	_ =	sdelay $0x1  }
0x25e: {  	[tilespmem:$0x1F820] =	vst v12;
	vm5 =	vmand vm5, vm6  }
0x25f: {  	[tilespmem:$0x1F850] =	vst v9;
	v9 =	vld.idx.msk [tilespmem:v17+s26+$0x0], $0xffff;
	v17 =	vsel vm5, $0x3F800000, v1  }
0x260: {  	v15 =	vld.idx.msk [tilespmem:v15+s26+$0x0], $0xffff;
	v12 =	vor.u32 $0x1815, v11;
	[tilespmem:$0x12930] =	vst v17  }
0x261: {  	v12 =	vadd.s32 v12, v7;
	v2 =	vld.idx.msk [tilespmem:v2+s26+$0x0], $0xffff;
	_ =	sdelay $0x3  }
0x262: {  	[tilespmem:$0x1F830] =	vst v15;
	v15 =	vor.u32 $0x1816, v11  }
0x263: {  	v15 =	vadd.s32 v15, v7;
	[tilespmem:$0x1F870] =	vst v2;
	v2 =	vld.idx.msk [tilespmem:v12+s26+$0x0], $0xffff;
	_ =	sdelay $0x3  }
0x264: {  	v16 =	vor.u32 $0x1817, v11  }
0x265: {  	v16 =	vadd.s32 v16, v7;
	[tilespmem:$0x1F880] =	vst v2;
	v2 =	vld.idx.msk [tilespmem:v15+s26+$0x0], $0xffff;
	_ =	sdelay $0x3  }
0x266: {  	v18 =	vor.u32 $0x1818, v11  }
0x267: {  	v7 =	vadd.s32 v18, v7;
	[tilespmem:$0x1F890] =	vst v2;
	v2 =	vld.idx.msk [tilespmem:v16+s26+$0x0], $0xffff;
	_ =	sdelay $0x4  }
0x268: {  	[tilespmem:$0x1F8A0] =	vst v2;
	v2 =	vld.idx.msk [tilespmem:v7+s26+$0x0], $0xffff;
	_ =	sdelay $0x2  }
0x269: {  	[tilespmem:$0x1F6D0] =	vst v24  }
0x26a: {  	[tilespmem:$0x1F860] =	vst v9  }
0x26b: {  	[tilespmem:$0x1F8B0] =	vst v2  }
0x26c: {  	_ =	swait.ge [sflag:s5], $0xA000  }
0x26d: {  	[sflag:s5] =	ssyncset.done $0x0  }
0x26e: {  	[sflag:s5] =	ssyncadd.s32 $0xFFFF6000  }
0x26f: {  	_ =	swait.ge [sflag:s31], $0x1400  }
0x270: {  	[sflag:s31] =	ssyncset.done $0x0  }
0x271: {  	s17 =	simm.s32 $0x520;
	[sflag:s31] =	ssyncadd.s32 $0xFFFFEC00  }
0x272: {  	v2 =	vld [tilespmem:s17+$0x120]  }
0x273: {  	v7 =	vld [tilespmem:s17+$0xA0]  }
0x274: {  	v12 =	vld [tilespmem:s17+$0x110]  }
0x275: {  	v15 =	vld [tilespmem:s17+$0x20]  }
0x276: {  	v17 =	vld [tilespmem:s17+$0x90]  }
0x277: {  	v18 =	vld [tilespmem:s17+$0x100]  }
0x278: {  	v21 =	vld [tilespmem:s17+$0xFFFFFFA0]  }
0x279: {  	v25 =	vld [tilespmem:s17+$0x10]  }
0x27a: {  	v43 =	vld [tilespmem:s17+$0x80]  }
0x27b: {  	v44 =	vld [tilespmem:s17+$0xE0]  }
0x27c: {  	s18 =	simm.s32 $0x11420;
	v46 =	vld [tilespmem:s17+$0xF0]  }
0x27d: {  	v50 =	vld [tilespmem:s18+$0x20]  }
0x27e: {  	v52 =	vld [tilespmem:s17+$0xFFFFFF20]  }
0x27f: {  	v53 =	vld [tilespmem:s17+$0xFFFFFF90]  }
0x280: {  	v54 =	vld [tilespmem:s17+$0x0]  }
0x281: {  	v28 =	vld [tilespmem:s18+$0x10]  }
0x282: {  	v20 =	vld [tilespmem:s18+$0x0]  }
0x283: {  	v32 =	vld [tilespmem:s17+$0x60]  }
0x284: {  	v22 =	vld [tilespmem:s18+$0xFFFFFFE0]  }
0x285: {  	v16 =	vld [tilespmem:s18+$0xFFFFFFF0];
	v27 =	vsub.f32 v7, v50;
	v2 =	vsub.f32 v2, v50  }
0x286: {  	v48 =	vld [tilespmem:s17+$0xFFFFFF10];
	v41 =	vsub.f32 v15, v50;
	v7 =	vsub.f32 v12, v28  }
0x287: {  	v23 =	vld [tilespmem:s17+$0xFFFFFF80];
	v29 =	vsub.f32 v17, v28;
	v12 =	vsub.f32 v18, v20  }
0x288: {  	s1 =	simm.s32 $0x0;
	v49 =	vld [tilespmem:s17+$0xFFFFFFE0];
	v42 =	vsub.f32 v21, v50;
	v15 =	vsub.f32 v25, v28  }
0x289: {  	v30 =	vmov s1;
	v47 =	vld [tilespmem:s17+$0xFFFFFF00];
	v45 =	vsub.f32 v43, v20;
	v43 =	vsub.f32 v44, v22  }
0x28a: {  	v51 =	vld [tilespmem:s17+$0xFFFFFEE0];
	v44 =	vsub.f32 v52, v50;
	v21 =	vor.u32 $0x100, v30;
	v17 =	vsub.f32 v46, v16  }
0x28b: {  	s20 =	simm.s32 $0x1;
	s19 =	simm.s32 $0x520;
	v50 =	vld [tilespmem:s17+$0xFFFFFEF0];
	v18 =	vsub.f32 v53, v28;
	v46 =	vsub.f32 v54, v20;
	v25 =	vor.u32 $0xC0, v30  }
.LBB2_12:
0x28c: {  	p0 =	sne.s32 s20, $0x3F;
	v28 =	vsub.f32 v48, v28;
	v48 =	vld [tilespmem:s17+$0xFFFFFF60];
	v52 =	vor.u32 $0x80, v30;
	v32 =	vsub.f32 v32, v22  }
0x28d: {  	v53 =	vor.u32 $0x40, v30;
	v23 =	vsub.f32 v23, v20;
	v54 =	vld [tilespmem:s17+$0xFFFFFF70];
	v49 =	vsub.f32 v49, v22  }
0x28e: {  	v41 =	vmul.f32 v41, v41;
	v27 =	vmul.f32 v27, v27;
	s17 =	sadd.s32 $0x280, s17;
	v20 =	vsub.f32 v47, v20;
	v47 =	vld [tilespmem:s19+$0xFFFFFFF0]  }
0x28f: {  	v42 =	vmul.f32 v42, v42;
	v29 =	vmul.f32 v29, v29;
	v56 =	vld [tilespmem:s17+$0x120];
	v51 =	vsub.f32 v51, v22  }
0x290: {  	v45 =	vmul.f32 v45, v45;
	v43 =	vmul.f32 v43, v43;
	v50 =	vsub.f32 v50, v16;
	v57 =	vld [tilespmem:s19+$0x70];
	s19 =	smov.u32 s17  }
0x291: {  	v44 =	vmul.f32 v44, v44;
	v46 =	vmul.f32 v46, v46;
	v58 =	vld [tilespmem:s17+$0xA0];
	v22 =	vsub.f32 v48, v22  }
0x292: {  	v48 =	vmul.f32 v51, v51;
	v59 =	vld [tilespmem:s17+$0x110];
	v50 =	vmul.f32 v50, v50;
	v51 =	vsub.f32 v54, v16  }
0x293: {  	v28 =	vmul.f32 v28, v28;
	v20 =	vmul.f32 v20, v20;
	v54 =	vld [tilespmem:s17+$0x20];
	v47 =	vsub.f32 v47, v16  }
0x294: {  	v22 =	vmul.f32 v22, v22;
	v61 =	vld [tilespmem:s17+$0x90];
	v48 =	vadd.f32 v50, v48;
	v50 =	vmul.f32 v51, v51  }
0x295: {  	v49 =	vmul.f32 v49, v49;
	v51 =	vld [tilespmem:s17+$0x100];
	v47 =	vmul.f32 v47, v47;
	v16 =	vsub.f32 v57, v16  }
0x296: {  	v23 =	vmul.f32 v23, v23;
	v30 =	vld.idx.msk [tilespmem:v30+s2+$0x0], $0xffff;
	v20 =	vadd.f32 v20, v48;
	v22 =	vadd.f32 v50, v22  }
0x297: {  	v32 =	vmul.f32 v32, v32;
	v50 =	vld [tilespmem:s17+$0xFFFFFFA0];
	v47 =	vadd.f32 v47, v49;
	v16 =	vmul.f32 v16, v16  }
0x298: {  	v18 =	vmul.f32 v18, v18;
	v20 =	vadd.f32 v28, v20;
	v28 =	vld.idx.msk [tilespmem:v53+s2+$0x0], $0xffff;
	v22 =	vadd.f32 v23, v22  }
0x299: {  	v17 =	vmul.f32 v17, v17;
	v53 =	vld [tilespmem:s17+$0x10];
	v23 =	vadd.f32 v46, v47;
	v16 =	vadd.f32 v16, v32  }
0x29a: {  	v15 =	vmul.f32 v15, v15;
	v20 =	vadd.f32 v44, v20;
	v18 =	vadd.f32 v18, v22;
	v22 =	vld.idx.msk [tilespmem:v52+s2+$0x0], $0xffff  }
0x29b: {  	v12 =	vmul.f32 v12, v12;
	v17 =	vadd.f32 v17, v43;
	v44 =	vld [tilespmem:s17+$0x80];
	v16 =	vadd.f32 v45, v16  }
0x29c: {  	v15 =	vadd.f32 v15, v23;
	v20 =	vmul.f32 v20, v30;
	v18 =	vadd.f32 v42, v18;
	v23 =	vld.idx.msk [tilespmem:v25+s2+$0x0], $0xffff  }
0x29d: {  	v7 =	vmul.f32 v7, v7;
	v12 =	vadd.f32 v12, v17;
	v25 =	vld [tilespmem:s17+$0xE0];
	v16 =	vadd.f32 v29, v16  }
0x29e: {  	v15 =	vadd.f32 v41, v15;
	v1 =	vadd.f32 v20, v1;
	v17 =	vmul.f32 v18, v28;
	v18 =	vld.idx.msk [tilespmem:v21+s2+$0x0], $0xffff  }
0x29f: {  	v2 =	vmul.f32 v2, v2;
	s18 =	sadd.s32 $0x50, s18;
	v7 =	vadd.f32 v7, v12;
	v46 =	vld [tilespmem:s17+$0xF0]  }
0x2a0: {  	v12 =	vmul.f32 v15, v22;
	v15 =	vadd.f32 v27, v16;
	v21 =	vld [tilespmem:s18+$0x20];
	v1 =	vadd.f32 v17, v1  }
0x2a1: {  	v17 =	vld [tilespmem:s17+$0xFFFFFF20]  }
0x2a2: {  	v2 =	vadd.f32 v2, v7;
	v52 =	vld [tilespmem:s17+$0xFFFFFF90];
	v1 =	vadd.f32 v12, v1;
	v12 =	vmul.f32 v15, v23  }
0x2a3: {  	v57 =	vld [tilespmem:s17+$0x0]  }
0x2a4: {  	v2 =	vmul.f32 v2, v18;
	v28 =	vld [tilespmem:s18+$0x10];
	v1 =	vadd.f32 v12, v1  }
0x2a5: {  	v20 =	vld [tilespmem:s18+$0x0]  }
0x2a6: {  	v32 =	vld [tilespmem:s17+$0x60];
	v1 =	vadd.f32 v2, v1  }
0x2a7: {  	v22 =	vld [tilespmem:s18+$0xFFFFFFE0]  }
0x2a8: {  	v27 =	vsub.f32 v58, v21;
	v2 =	vsub.f32 v56, v21;
	v16 =	vld [tilespmem:s18+$0xFFFFFFF0]  }
0x2a9: {  	v41 =	vsub.f32 v54, v21;
	v48 =	vld [tilespmem:s17+$0xFFFFFF10];
	v7 =	vsub.f32 v59, v28  }
.Ltmp5:
0x2aa: {  	v29 =	vsub.f32 v61, v28;
	v23 =	vld [tilespmem:s17+$0xFFFFFF80];
	v12 =	vsub.f32 v51, v20;
	(pc) =	sbr.rel @p0 .LBB2_12-.Ltmp5, $4  }
0x2ab: {  	v42 =	vsub.f32 v50, v21;
	v15 =	vsub.f32 v53, v28;
	v49 =	vld [tilespmem:s17+$0xFFFFFFE0]  }
0x2ac: {  	v30 =	vmov s20;
	v45 =	vsub.f32 v44, v20;
	v47 =	vld [tilespmem:s17+$0xFFFFFF00];
	v43 =	vsub.f32 v25, v22  }
0x2ad: {  	v44 =	vsub.f32 v17, v21;
	v21 =	vor.u32 $0x100, v30;
	v51 =	vld [tilespmem:s17+$0xFFFFFEE0];
	v17 =	vsub.f32 v46, v16  }
0x2ae: {  	s20 =	sadd.s32 $0x1, s20;
	v18 =	vsub.f32 v52, v28;
	v25 =	vor.u32 $0xC0, v30;
	v46 =	vsub.f32 v57, v20;
	v50 =	vld [tilespmem:s17+$0xFFFFFEF0]  }
0x2af: {  	v52 =	vld [tilespmem:s17+$0xFFFFFF60]  }
0x2b0: {  	v56 =	vld [tilespmem:s17+$0xFFFFFF70]  }
0x2b1: {  	v53 =	vor.u32 $0x40, v30;
	v57 =	vld [tilespmem:s19+$0xFFFFFFF0]  }
0x2b2: {  	v54 =	vor.u32 $0x80, v30;
	v58 =	vld [tilespmem:s19+$0x70]  }
0x2b3: {  	v30 =	vld.idx.msk [tilespmem:v30+s2+$0x0], $0xffff  }
0x2b4: {  	v25 =	vld.idx.msk [tilespmem:v25+s2+$0x0], $0xffff  }
0x2b5: {  	v21 =	vld.idx.msk [tilespmem:v21+s2+$0x0], $0xffff  }
0x2b6: {  	v53 =	vld.idx.msk [tilespmem:v53+s2+$0x0], $0xffff  }
0x2b7: {  	v54 =	vld.idx.msk [tilespmem:v54+s2+$0x0], $0xffff;
	_ =	swait.ge [sflag:s0], $0x1000  }
0x2b8: {  	[sflag:s0] =	ssyncset.done $0x0  }
0x2b9: {  	[sflag:s0] =	ssyncadd.s32 $0xFFFFF000  }
0x2ba: {  	_ =	swait.ge [sflag:s0], $0x1000  }
0x2bb: {  	[sflag:s0] =	ssyncset.done $0x0  }
0x2bc: {  	[sflag:s0] =	ssyncadd.s32 $0xFFFFF000  }
0x2bd: {  	_ =	swait.ge [sflag:s0], $0x1000  }
0x2be: {  	v41 =	vmul.f32 v41, v41;
	v27 =	vmul.f32 v27, v27;
	[sflag:s0] =	ssyncset.done $0x0  }
0x2bf: {  	v42 =	vmul.f32 v42, v42;
	v29 =	vmul.f32 v29, v29;
	[sflag:s0] =	ssyncadd.s32 $0xFFFFF000  }
0x2c0: {  	v28 =	vsub.f32 v48, v28;
	v45 =	vmul.f32 v45, v45;
	v43 =	vmul.f32 v43, v43;
	_ =	swait.ge [sflag:s0], $0x1000  }
0x2c1: {  	v32 =	vsub.f32 v32, v22;
	v44 =	vmul.f32 v44, v44;
	v17 =	vmul.f32 v17, v17;
	[sflag:s0] =	ssyncset.done $0x0  }
0x2c2: {  	v15 =	vmul.f32 v15, v15;
	v12 =	vmul.f32 v12, v12;
	v59 =	vsub.f32 v51, v22;
	[sflag:s0] =	ssyncadd.s32 $0xFFFFF000  }
0x2c3: {  	v7 =	vmul.f32 v7, v7;
	v48 =	vsub.f32 v49, v22;
	v46 =	vmul.f32 v46, v46;
	_ =	swait.ge [sflag:s0], $0x1000  }
0x2c4: {  	v47 =	vsub.f32 v47, v20;
	v49 =	vmul.f32 v59, v59;
	v59 =	vsub.f32 v57, v16;
	[sflag:s0] =	ssyncset.done $0x0  }
0x2c5: {  	s1 =	simm.s32 $0x0;
	v18 =	vmul.f32 v18, v18;
	v61 =	vsub.f32 v52, v22;
	v56 =	vsub.f32 v56, v16;
	[sflag:s0] =	ssyncadd.s32 $0xFFFFF000  }
0x2c6: {  	v20 =	vsub.f32 v23, v20;
	v50 =	vsub.f32 v50, v16;
	v57 =	vmul.f32 v59, v59;
	v59 =	vld [tilespmem:s1+$0xC400]  }
0x2c7: {  	v17 =	vadd.f32 v17, v43;
	v22 =	vmul.f32 v61, v61;
	v61 =	vmul.f32 v56, v56  }
0x2c8: {  	v28 =	vmul.f32 v28, v28;
	v50 =	vmul.f32 v50, v50  }
0x2c9: {  	v20 =	vmul.f32 v20, v20;
	v12 =	vadd.f32 v12, v17;
	v22 =	vadd.f32 v61, v22;
	v61 =	vld [tilespmem:s1+$0xC410]  }
0x2ca: {  	v47 =	vmul.f32 v47, v47;
	v16 =	vsub.f32 v58, v16;
	v49 =	vadd.f32 v50, v49;
	v50 =	vld [tilespmem:s1+$0xC420]  }
0x2cb: {  	v56 =	vmul.f32 v48, v48;
	v20 =	vadd.f32 v20, v22;
	v51 =	vsub.f32 $0.0e+00, v59  }
0x2cc: {  	v32 =	vmul.f32 v32, v32;
	v7 =	vadd.f32 v7, v12;
	v47 =	vadd.f32 v47, v49  }
0x2cd: {  	v23 =	vadd.f32 v57, v56;
	v18 =	vadd.f32 v18, v20;
	v52 =	vld [tilespmem:s1+$0xC430];
	v20 =	vmul.f32 $1.442695020e+00, v51  }
0x2ce: {  	v16 =	vmul.f32 v16, v16;
	v28 =	vadd.f32 v28, v47;
	v56 =	vsub.f32 $0.0e+00, v61  }
0x2cf: {  	s24 =	simm.s32 $0x80;
	v49 =	vadd.f32 v46, v23;
	v23 =	vsub.f32 $0.0e+00, v50;
	(erf) = vpow2.f32 v20  }
0x2d0: {  	v16 =	vadd.f32 v16, v32;
	v28 =	vadd.f32 v44, v28;
	v32 =	vmul.f32 $1.442695020e+00, v56;
	v20 =	vld [tilespmem:s24+$0xC410]  }
0x2d1: {  	v15 =	vadd.f32 v15, v49;
	v18 =	vadd.f32 v42, v18;
	v57 =	vld [tilespmem:s24+$0xC400];
	v17 =	vmul.f32 $1.442695020e+00, v23  }
0x2d2: {  	v28 =	vmul.f32 v28, v30;
	v58 =	vsub.f32 $0.0e+00, v52;
	(erf) = vpow2.f32 v32  }
0x2d3: {  	v16 =	vadd.f32 v45, v16;
	v15 =	vadd.f32 v41, v15;
	(erf) = vpow2.f32 v17;
	v17 =	vld [tilespmem:s24+$0xC420]  }
0x2d4: {  	v18 =	vmul.f32 v18, v53;
	v1 =	vadd.f32 v28, v1;
	v22 =	vmul.f32 $1.442695020e+00, v58  }
0x2d5: {  	v16 =	vadd.f32 v29, v16;
	v15 =	vmul.f32 v15, v54;
	v20 =	vsub.f32 $0.0e+00, v20  }
0x2d6: {  	v12 =	vld [tilespmem:s24+$0xC430];
	v1 =	vadd.f32 v18, v1;
	v59 =	vsub.f32 $0.0e+00, v57;
	(erf) = vpow2.f32 v22  }
0x2d7: {  	v2 =	vmul.f32 v2, v2;
	v16 =	vadd.f32 v27, v16;
	v18 =	vmul.f32 $1.442695020e+00, v20  }
0x2d8: {  	v1 =	vadd.f32 v15, v1;
	v61 =	vmul.f32 $1.442695020e+00, v59;
	v15 =	vsub.f32 $0.0e+00, v17;
	v17 =	vpop (erf)  }
0x2d9: {  	s25 =	simm.s32 $0x100;
	v2 =	vadd.f32 v2, v7;
	v7 =	vadd.f32 $1.000000000e+00, v17  }
0x2da: {  	v16 =	vmul.f32 v16, v25;
	(erf) = vpow2.f32 v61;
	v17 =	vld [tilespmem:s25+$0xC410]  }
0x2db: {  	v12 =	vsub.f32 $0.0e+00, v12;
	v20 =	vld [tilespmem:s25+$0xC400];
	(erf) = vpow2.f32 v18;
	v15 =	vmul.f32 $1.442695020e+00, v15;
	v18 =	vpop (erf)  }
0x2dc: {  	v2 =	vmul.f32 v2, v21;
	v18 =	vadd.f32 $1.000000000e+00, v18;
	(erf) = vrcp.f32 v7  }
0x2dd: {  	v1 =	vadd.f32 v16, v1;
	v12 =	vmul.f32 $1.442695020e+00, v12;
	(erf) = vpow2.f32 v15;
	v7 =	vpop (erf)  }
0x2de: {  	v15 =	vld [tilespmem:s25+$0xC420];
	(erf) = vrcp.f32 v18;
	v7 =	vadd.f32 $1.000000000e+00, v7  }
0x2df: {  	v1 =	vadd.f32 v2, v1;
	v16 =	vpop (erf);
	(erf) = vpow2.f32 v12;
	v17 =	vsub.f32 $0.0e+00, v17  }
0x2e0: {  	v2 =	vld [tilespmem:s25+$0xC430];
	v18 =	vsub.f32 $0.0e+00, v20;
	v12 =	vadd.f32 $1.000000000e+00, v16;
	(erf) = vrcp.f32 v7;
	_ =	sdelay $0x1  }
0x2e1: {  	v18 =	vmul.f32 $1.442695020e+00, v18;
	(erf) = vrcp.f32 v12  }
0x2e2: {  	s17 =	simm.s32 $0x180;
	v7 =	vmul.f32 $1.442695020e+00, v17;
	v12 =	vsub.f32 $0.0e+00, v15;
	v17 =	vpop (erf)  }
0x2e3: {  	s18 =	simm.s32 $0x800;
	[tilespmem:$0x1F6A0] =	vst v1;
	v1 =	vld [tilespmem:s17+$0xC400];
	v16 =	vimm.f32 $0.0e+00;
	(erf) = vpow2.f32 v18;
	v15 =	vadd.f32 $1.000000000e+00, v17;
	v17 =	vpop (erf)  }
.LBB2_14:
0x2e4: {  	p0 =	sne.s32 s18, $0x13E00;
	v12 =	vmul.f32 $1.442695020e+00, v12;
	v2 =	vsub.f32 $0.0e+00, v2;
	(erf) = vpow2.f32 v7;
	v7 =	vpop (erf)  }
0x2e5: {  	v9 =	vadd.f32 $1.000000000e+00, v17;
	v18 =	vld [tilespmem:s17+$0xC410];
	(erf) = vrcp.f32 v15;
	v15 =	vpop (erf);
	v7 =	vmul.f32 v7, v7  }
0x2e6: {  	v2 =	vmul.f32 $1.442695020e+00, v2;
	(erf) = vpow2.f32 v12;
	v12 =	vadd.f32 $1.000000000e+00, v15;
	v15 =	vpop (erf)  }
0x2e7: {  	v20 =	vld [tilespmem:s17+$0xC420];
	(erf) = vrcp.f32 v9;
	v17 =	vpop (erf);
	v7 =	vadd.f32 v7, v16;
	v15 =	vmul.f32 v15, v15  }
0x2e8: {  	v1 =	vsub.f32 $0.0e+00, v1;
	(erf) = vpow2.f32 v2;
	v16 =	vadd.f32 $1.000000000e+00, v17;
	v17 =	vpop (erf)  }
.Ltmp6:
0x2e9: {  	v2 =	vld [tilespmem:s17+$0xC430];
	(erf) = vrcp.f32 v12;
	v7 =	vadd.f32 v15, v7;
	v12 =	vmul.f32 v17, v17;
	(pc) =	sbr.rel @p0 .LBB2_14-.Ltmp6, $4  }
0x2ea: {  	v15 =	vmul.f32 $1.442695020e+00, v1;
	v1 =	vsub.f32 $0.0e+00, v18;
	v17 =	vpop (erf)  }
0x2eb: {  	(erf) = vrcp.f32 v16;
	v16 =	vadd.f32 v12, v7;
	v18 =	vmul.f32 v17, v17  }
0x2ec: {  	s17 =	sshra.s32 s18, $0x2;
	v7 =	vmul.f32 $1.442695020e+00, v1;
	v12 =	vsub.f32 $0.0e+00, v20;
	v17 =	vpop (erf)  }
0x2ed: {  	s18 =	sadd.s32 $0x200, s18;
	v1 =	vld [tilespmem:s17+$0xC400];
	(erf) = vpow2.f32 v15;
	v15 =	vadd.f32 $1.000000000e+00, v17;
	v17 =	vpop (erf);
	v16 =	vadd.f32 v18, v16  }
0x2ee: {  	(erf) = vpow2.f32 v7  }
0x2ef: {  	v7 =	vld [tilespmem:s17+$0xC410];
	v57 =	vpop (erf);
	(erf) = vrcp.f32 v15;
	v15 =	vadd.f32 $1.000000000e+00, v17  }
0x2f0: {  	v12 =	vmul.f32 $1.442695020e+00, v12;
	v2 =	vsub.f32 $0.0e+00, v2  }
0x2f1: {  	v18 =	vld [tilespmem:s17+$0xC420];
	v59 =	vpop (erf)  }
0x2f2: {  	(erf) = vpow2.f32 v12;
	v2 =	vmul.f32 $1.442695020e+00, v2;
	v54 =	vpop (erf);
	v12 =	vadd.f32 $1.000000000e+00, v59  }
0x2f3: {  	(erf) = vrcp.f32 v15;
	v1 =	vsub.f32 $0.0e+00, v1;
	v15 =	vpop (erf)  }
0x2f4: {  	v61 =	vld [tilespmem:s17+$0xC430];
	(erf) = vpow2.f32 v2;
	v7 =	vsub.f32 $0.0e+00, v7;
	v2 =	vadd.f32 $1.000000000e+00, v15;
	v51 =	vpop (erf)  }
0x2f5: {  	(erf) = vrcp.f32 v12;
	v1 =	vmul.f32 $1.442695020e+00, v1;
	v53 =	vpop (erf)  }
0x2f6: {  	(erf) = vrcp.f32 v2;
	v2 =	vmul.f32 $1.442695020e+00, v7;
	v7 =	vsub.f32 $0.0e+00, v18;
	v12 =	vpop (erf)  }
0x2f7: {  	(erf) = vpow2.f32 v1;
	v1 =	vadd.f32 $1.000000000e+00, v12  }
0x2f8: {  	v12 =	vpop (erf);
	(erf) = vpow2.f32 v2;
	v2 =	vmul.f32 $1.442695020e+00, v7  }
0x2f9: {  	v7 =	vsub.f32 $0.0e+00, v61;
	(erf) = vrcp.f32 v1;
	v1 =	vadd.f32 $1.000000000e+00, v12;
	_ =	sdelay $0x1  }
0x2fa: {  	(erf) = vpow2.f32 v2;
	v2 =	vmul.f32 $1.442695020e+00, v7  }
0x2fb: {  	v32 =	vpop (erf)  }
0x2fc: {  	(erf) = vrcp.f32 v1;
	v1 =	vpop (erf)  }
0x2fd: {  	v29 =	vpop (erf)  }
0x2fe: {  	(erf) = vpow2.f32 v2;
	v2 =	vpop (erf)  }
0x2ff: {  	v30 =	vpop (erf)  }
0x300: {  	v41 =	vpop (erf)  }
0x301: {  	v1 =	vadd.f32 $1.000000000e+00, v1;
	v7 =	vpop (erf)  }
0x302: {  	v2 =	vadd.f32 $1.000000000e+00, v2;
	v12 =	vpop (erf)  }
0x303: {  	(erf) = vrcp.f32 v1;
	v1 =	vadd.f32 $1.000000000e+00, v7;
	v43 =	vpop (erf)  }
0x304: {  	(erf) = vrcp.f32 v2;
	v7 =	vpop (erf)  }
0x305: {  	(erf) = vrcp.f32 v1;
	v1 =	vadd.f32 $1.000000000e+00, v7;
	v7 =	vld [tilespmem:$0x1FD10];
	_ =	sdelay $0x3  }
0x306: {  	v2 =	vadd.f32 $1.000000000e+00, v12;
	v48 =	vpop (erf)  }
0x307: {  	v12 =	vpop (erf);
	v7 =	vsub.f32 $0.0e+00, v7  }
0x308: {  	(erf) = vrcp.f32 v2;
	v2 =	vadd.f32 $1.000000000e+00, v12  }
0x309: {  	(erf) = vrcp.f32 v1;
	v1 =	vmul.f32 $1.442695020e+00, v7  }
0x30a: {  	(erf) = vrcp.f32 v2  }
0x30b: {  	(erf) = vpow2.f32 v1;
	_ =	sdelay $0x2  }
0x30c: {  	v44 =	vpop (erf)  }
0x30d: {  	v46 =	vpop (erf)  }
0x30e: {  	v50 =	vpop (erf)  }
0x30f: {  	v1 =	vpop (erf)  }
0x310: {  	[tilespmem:$0x1F400] =	vst v1;
	v1 =	vpop (erf)  }
0x311: {  	[tilespmem:$0x1F680] =	vst v1;
	v1 =	vpop (erf)  }
0x312: {  	[tilespmem:$0x1F690] =	vst v1;
	v1 =	vpop (erf)  }
0x313: {  	v2 =	vld [tilespmem:$0x1FCF0];
	v1 =	vadd.f32 $1.000000000e+00, v1  }
0x314: {  	v7 =	vld [tilespmem:$0x1FCC0]  }
0x315: {  	(erf) = vrcp.f32 v1;
	v1 =	vld [tilespmem:$0x1FD00];
	_ =	sdelay $0x3  }
0x316: {  	v2 =	vmul.f32 $1.442695020e+00, v2;
	v7 =	vsub.f32 $0.0e+00, v7  }
0x317: {  	v1 =	vmul.f32 $1.442695020e+00, v1  }
0x318: {  	(erf) = vpow2.f32 v2;
	v2 =	vmul.f32 $1.442695020e+00, v7  }
0x319: {  	(erf) = vpow2.f32 v1  }
0x31a: {  	(erf) = vpow2.f32 v2;
	_ =	sdelay $0x3  }
0x31b: {  	v1 =	vld [tilespmem:$0x1FCE0];
	_ =	sdelay $0x1  }
0x31c: {  	v15 =	vpop (erf)  }
0x31d: {  	v27 =	vpop (erf)  }
0x31e: {  	v28 =	vpop (erf)  }
0x31f: {  	v1 =	vsub.f32 $0.0e+00, v1;
	v2 =	vpop (erf)  }
0x320: {  	v2 =	vadd.f32 $1.000000000e+00, v2  }
0x321: {  	v1 =	vmul.f32 $1.442695020e+00, v1  }
0x322: {  	(erf) = vrcp.f32 v2  }
0x323: {  	(erf) = vpow2.f32 v1;
	_ =	sdelay $0x3  }
0x324: {  	v1 =	vld [tilespmem:$0x1FD70];
	_ =	sdelay $0x3  }
0x325: {  	v23 =	vpop (erf)  }
0x326: {  	v1 =	vsub.f32 $0.0e+00, v1;
	v2 =	vpop (erf)  }
0x327: {  	v2 =	vadd.f32 $1.000000000e+00, v2  }
0x328: {  	v1 =	vmul.f32 $1.442695020e+00, v1  }
0x329: {  	(erf) = vrcp.f32 v2  }
0x32a: {  	(erf) = vpow2.f32 v1;
	_ =	sdelay $0x7  }
0x32b: {  	v21 =	vpop (erf)  }
0x32c: {  	v1 =	vpop (erf)  }
0x32d: {  	v7 =	vld [tilespmem:$0x1FD20];
	v1 =	vadd.f32 $1.000000000e+00, v1  }
0x32e: {  	v2 =	vld [tilespmem:$0x1FD40]  }
0x32f: {  	(erf) = vrcp.f32 v1;
	v1 =	vld [tilespmem:$0x1FD60];
	_ =	sdelay $0x3  }
0x330: {  	v7 =	vsub.f32 $0.0e+00, v7;
	v2 =	vmul.f32 $1.442695020e+00, v2  }
0x331: {  	v1 =	vmul.f32 $1.442695020e+00, v1  }
0x332: {  	(erf) = vpow2.f32 v2;
	v2 =	vmul.f32 $1.442695020e+00, v7  }
0x333: {  	(erf) = vpow2.f32 v1  }
0x334: {  	(erf) = vpow2.f32 v2;
	_ =	sdelay $0x3  }
0x335: {  	v1 =	vld [tilespmem:$0x1FD30];
	_ =	sdelay $0x1  }
0x336: {  	v42 =	vpop (erf)  }
0x337: {  	v25 =	vpop (erf)  }
0x338: {  	v47 =	vpop (erf)  }
0x339: {  	v1 =	vsub.f32 $0.0e+00, v1;
	v2 =	vpop (erf)  }
0x33a: {  	v2 =	vadd.f32 $1.000000000e+00, v2  }
0x33b: {  	v1 =	vmul.f32 $1.442695020e+00, v1  }
0x33c: {  	(erf) = vrcp.f32 v2  }
0x33d: {  	(erf) = vpow2.f32 v1;
	_ =	sdelay $0x3  }
0x33e: {  	v1 =	vld [tilespmem:$0x1FDC0];
	_ =	sdelay $0x3  }
0x33f: {  	v20 =	vpop (erf)  }
0x340: {  	v1 =	vsub.f32 $0.0e+00, v1;
	v2 =	vpop (erf)  }
0x341: {  	v2 =	vadd.f32 $1.000000000e+00, v2  }
0x342: {  	v1 =	vmul.f32 $1.442695020e+00, v1  }
0x343: {  	(erf) = vrcp.f32 v2  }
0x344: {  	(erf) = vpow2.f32 v1;
	_ =	sdelay $0x7  }
0x345: {  	v18 =	vpop (erf)  }
0x346: {  	v1 =	vpop (erf)  }
0x347: {  	v1 =	vadd.f32 $1.000000000e+00, v1  }
0x348: {  	v2 =	vld [tilespmem:$0x1FD90]  }
0x349: {  	(erf) = vrcp.f32 v1;
	v1 =	vld [tilespmem:$0x1FDB0];
	_ =	sdelay $0x3  }
0x34a: {  	v7 =	vsub.f32 $0.0e+00, v62;
	v2 =	vmul.f32 $1.442695020e+00, v2  }
0x34b: {  	v1 =	vmul.f32 $1.442695020e+00, v1  }
0x34c: {  	(erf) = vpow2.f32 v2;
	v2 =	vmul.f32 $1.442695020e+00, v7  }
0x34d: {  	(erf) = vpow2.f32 v1  }
0x34e: {  	(erf) = vpow2.f32 v2;
	_ =	sdelay $0x3  }
0x34f: {  	v1 =	vld [tilespmem:$0x1FD80];
	_ =	sdelay $0x1  }
0x350: {  	v12 =	vpop (erf)  }
0x351: {  	v58 =	vpop (erf)  }
0x352: {  	v62 =	vpop (erf)  }
0x353: {  	v2 =	vsub.f32 $0.0e+00, v1;
	v7 =	vpop (erf)  }
0x354: {  	v7 =	vadd.f32 $1.000000000e+00, v7  }
0x355: {  	v2 =	vmul.f32 $1.442695020e+00, v2  }
0x356: {  	(erf) = vrcp.f32 v7  }
0x357: {  	(erf) = vpow2.f32 v2;
	_ =	sdelay $0x3  }
0x358: {  	v1 =	vld [tilespmem:$0x1FE00];
	_ =	sdelay $0x3  }
0x359: {  	v52 =	vpop (erf)  }
0x35a: {  	v2 =	vsub.f32 $0.0e+00, v1;
	v7 =	vpop (erf)  }
0x35b: {  	v7 =	vadd.f32 $1.000000000e+00, v7  }
0x35c: {  	v2 =	vmul.f32 $1.442695020e+00, v2  }
0x35d: {  	(erf) = vrcp.f32 v7  }
0x35e: {  	(erf) = vpow2.f32 v2;
	_ =	sdelay $0x1  }
0x35f: {  	v1 =	vld [tilespmem:$0x1FDD0];
	_ =	sdelay $0x4  }
0x360: {  	v7 =	vmul.f32 $1.442695020e+00, v1;
	v1 =	vld [tilespmem:$0x1FDF0]  }
0x361: {  	v49 =	vpop (erf)  }
0x362: {  	v2 =	vpop (erf)  }
0x363: {  	v2 =	vadd.f32 $1.000000000e+00, v2  }
0x364: {  	v22 =	vsub.f32 $0.0e+00, v63  }
0x365: {  	(erf) = vrcp.f32 v2;
	v2 =	vmul.f32 $1.442695020e+00, v1  }
0x366: {  	(erf) = vpow2.f32 v7;
	v7 =	vmul.f32 $1.442695020e+00, v22  }
0x367: {  	(erf) = vpow2.f32 v2  }
0x368: {  	(erf) = vpow2.f32 v7;
	_ =	sdelay $0x5  }
0x369: {  	v17 =	vpop (erf)  }
0x36a: {  	v56 =	vpop (erf)  }
0x36b: {  	v63 =	vpop (erf)  }
0x36c: {  	v7 =	vsub.f32 $0.0e+00, v55;
	v22 =	vpop (erf)  }
0x36d: {  	v22 =	vadd.f32 $1.000000000e+00, v22  }
0x36e: {  	v7 =	vmul.f32 $1.442695020e+00, v7  }
0x36f: {  	(erf) = vrcp.f32 v22  }
0x370: {  	(erf) = vpow2.f32 v7;
	_ =	sdelay $0x3  }
0x371: {  	v1 =	vld [tilespmem:$0x1FE50];
	_ =	sdelay $0x3  }
0x372: {  	v45 =	vpop (erf)  }
0x373: {  	v7 =	vsub.f32 $0.0e+00, v1;
	v22 =	vpop (erf)  }
0x374: {  	v1 =	vld [tilespmem:$0x1FE30];
	v22 =	vadd.f32 $1.000000000e+00, v22  }
0x375: {  	v7 =	vmul.f32 $1.442695020e+00, v7  }
0x376: {  	(erf) = vrcp.f32 v22  }
0x377: {  	(erf) = vpow2.f32 v7;
	_ =	sdelay $0x1  }
0x378: {  	v59 =	vmul.f32 $1.442695020e+00, v1;
	v1 =	vld [tilespmem:$0x1FE20];
	_ =	sdelay $0x4  }
0x379: {  	v61 =	vsub.f32 $0.0e+00, v1;
	v1 =	vld [tilespmem:$0x1FE40]  }
0x37a: {  	v22 =	vpop (erf)  }
0x37b: {  	v7 =	vpop (erf)  }
0x37c: {  	v7 =	vadd.f32 $1.000000000e+00, v7;
	_ =	sdelay $0x1  }
0x37d: {  	(erf) = vrcp.f32 v7;
	v7 =	vmul.f32 $1.442695020e+00, v1  }
0x37e: {  	v24 =	vmul.f32 $1.442695020e+00, v61;
	(erf) = vpow2.f32 v59  }
0x37f: {  	(erf) = vpow2.f32 v7  }
0x380: {  	(erf) = vpow2.f32 v24;
	_ =	sdelay $0x5  }
0x381: {  	v7 =	vpop (erf)  }
0x382: {  	v1 =	vpop (erf)  }
0x383: {  	[tilespmem:$0x1F410] =	vst v1;
	v1 =	vpop (erf)  }
0x384: {  	v55 =	vsub.f32 $0.0e+00, v26;
	v24 =	vpop (erf)  }
0x385: {  	v61 =	vadd.f32 $1.000000000e+00, v24  }
0x386: {  	v59 =	vmul.f32 $1.442695020e+00, v55  }
0x387: {  	(erf) = vrcp.f32 v61  }
0x388: {  	(erf) = vpow2.f32 v59;
	_ =	sdelay $0x7  }
0x389: {  	v61 =	vpop (erf)  }
0x38a: {  	v8 =	vsub.f32 $0.0e+00, v8;
	v59 =	vpop (erf)  }
0x38b: {  	[tilespmem:$0x1F420] =	vst v1;
	v1 =	vld [tilespmem:$0x1FB10];
	v59 =	vadd.f32 $1.000000000e+00, v59  }
0x38c: {  	v8 =	vmul.f32 $1.442695020e+00, v8  }
0x38d: {  	(erf) = vrcp.f32 v59  }
0x38e: {  	(erf) = vpow2.f32 v8;
	_ =	sdelay $0x1  }
0x38f: {  	v24 =	vmul.f32 $1.442695020e+00, v1;
	v1 =	vld [tilespmem:$0x1FAF0];
	_ =	sdelay $0x4  }
0x390: {  	v26 =	vsub.f32 $0.0e+00, v1;
	v1 =	vld [tilespmem:$0x1FB20]  }
0x391: {  	v59 =	vpop (erf)  }
0x392: {  	v8 =	vpop (erf)  }
0x393: {  	v8 =	vadd.f32 $1.000000000e+00, v8;
	_ =	sdelay $0x1  }
0x394: {  	(erf) = vrcp.f32 v8;
	v8 =	vmul.f32 $1.442695020e+00, v1  }
0x395: {  	(erf) = vpow2.f32 v24  }
0x396: {  	(erf) = vpow2.f32 v8;
	_ =	sdelay $0x3  }
0x397: {  	v55 =	vmul.f32 $1.442695020e+00, v26;
	_ =	sdelay $0x1  }
0x398: {  	(erf) = vpow2.f32 v55  }
0x399: {  	v8 =	vpop (erf)  }
0x39a: {  	v1 =	vpop (erf)  }
0x39b: {  	[tilespmem:$0x1F450] =	vst v1;
	v1 =	vpop (erf)  }
0x39c: {  	[tilespmem:$0x1F460] =	vst v1;
	v1 =	vld [tilespmem:$0x1FB00];
	_ =	sdelay $0x4  }
0x39d: {  	v26 =	vpop (erf);
	v24 =	vsub.f32 $0.0e+00, v1  }
0x39e: {  	v55 =	vadd.f32 $1.000000000e+00, v26  }
0x39f: {  	v24 =	vmul.f32 $1.442695020e+00, v24  }
0x3a0: {  	(erf) = vrcp.f32 v55  }
0x3a1: {  	(erf) = vpow2.f32 v24;
	_ =	sdelay $0x7  }
0x3a2: {  	v1 =	vpop (erf)  }
0x3a3: {  	v26 =	vpop (erf)  }
0x3a4: {  	v55 =	vsub.f32 $0.0e+00, v31;
	v31 =	vadd.f32 $1.000000000e+00, v26;
	_ =	sdelay $0x1  }
0x3a5: {  	(erf) = vrcp.f32 v31;
	_ =	sdelay $0x8  }
0x3a6: {  	[tilespmem:$0x1F430] =	vst v1;
	v1 =	vpop (erf)  }
0x3a7: {  	[tilespmem:$0x1F440] =	vst v1;
	v1 =	vld [tilespmem:$0x1FB60]  }
0x3a8: {  	v24 =	vmul.f32 $1.442695020e+00, v55;
	_ =	sdelay $0x1  }
0x3a9: {  	(erf) = vpow2.f32 v24;
	_ =	sdelay $0x1  }
0x3aa: {  	v31 =	vmul.f32 $1.442695020e+00, v1;
	v1 =	vld [tilespmem:$0x1FB30];
	_ =	sdelay $0x4  }
0x3ab: {  	v55 =	vsub.f32 $0.0e+00, v1;
	v1 =	vld [tilespmem:$0x1FB70];
	_ =	sdelay $0x1  }
0x3ac: {  	v24 =	vpop (erf)  }
0x3ad: {  	v24 =	vadd.f32 $1.000000000e+00, v24;
	_ =	sdelay $0x1  }
0x3ae: {  	(erf) = vrcp.f32 v24;
	v24 =	vmul.f32 $1.442695020e+00, v1  }
0x3af: {  	(erf) = vpow2.f32 v31  }
0x3b0: {  	(erf) = vpow2.f32 v24;
	_ =	sdelay $0x3  }
0x3b1: {  	v55 =	vmul.f32 $1.442695020e+00, v55;
	_ =	sdelay $0x1  }
0x3b2: {  	(erf) = vpow2.f32 v55  }
0x3b3: {  	v31 =	vpop (erf)  }
0x3b4: {  	v1 =	vpop (erf)  }
0x3b5: {  	[tilespmem:$0x1F490] =	vst v1;
	v1 =	vpop (erf)  }
0x3b6: {  	[tilespmem:$0x1F4A0] =	vst v1;
	v1 =	vld [tilespmem:$0x1FB40];
	_ =	sdelay $0x4  }
0x3b7: {  	v26 =	vpop (erf);
	v24 =	vsub.f32 $0.0e+00, v1  }
0x3b8: {  	v55 =	vadd.f32 $1.000000000e+00, v26  }
0x3b9: {  	v24 =	vmul.f32 $1.442695020e+00, v24  }
0x3ba: {  	(erf) = vrcp.f32 v55  }
0x3bb: {  	(erf) = vpow2.f32 v24;
	_ =	sdelay $0x7  }
0x3bc: {  	v1 =	vpop (erf)  }
0x3bd: {  	v26 =	vpop (erf)  }
0x3be: {  	v55 =	vadd.f32 $1.000000000e+00, v26;
	_ =	sdelay $0x1  }
0x3bf: {  	(erf) = vrcp.f32 v55;
	_ =	sdelay $0x8  }
0x3c0: {  	v60 =	vsub.f32 $0.0e+00, v60;
	[tilespmem:$0x1F470] =	vst v1;
	v1 =	vpop (erf)  }
0x3c1: {  	[tilespmem:$0x1F480] =	vst v1;
	v1 =	vld [tilespmem:$0x1FBA0]  }
0x3c2: {  	v24 =	vmul.f32 $1.442695020e+00, v60;
	_ =	sdelay $0x1  }
0x3c3: {  	(erf) = vpow2.f32 v24;
	_ =	sdelay $0x1  }
0x3c4: {  	v55 =	vmul.f32 $1.442695020e+00, v1;
	v1 =	vld [tilespmem:$0x1FB80];
	_ =	sdelay $0x4  }
0x3c5: {  	v60 =	vsub.f32 $0.0e+00, v1;
	v1 =	vld [tilespmem:$0x1FBC0];
	_ =	sdelay $0x1  }
0x3c6: {  	v24 =	vpop (erf)  }
0x3c7: {  	v24 =	vadd.f32 $1.000000000e+00, v24;
	_ =	sdelay $0x1  }
0x3c8: {  	(erf) = vrcp.f32 v24;
	v24 =	vmul.f32 $1.442695020e+00, v1  }
0x3c9: {  	(erf) = vpow2.f32 v55  }
0x3ca: {  	(erf) = vpow2.f32 v24;
	_ =	sdelay $0x2  }
0x3cb: {  	v60 =	vmul.f32 $1.442695020e+00, v60;
	_ =	sdelay $0x2  }
0x3cc: {  	(erf) = vpow2.f32 v60  }
0x3cd: {  	v60 =	vpop (erf)  }
0x3ce: {  	v1 =	vpop (erf)  }
0x3cf: {  	[tilespmem:$0x1F4B0] =	vst v1;
	v1 =	vpop (erf)  }
0x3d0: {  	[tilespmem:$0x1F4C0] =	vst v1;
	v1 =	vld [tilespmem:$0x1FB90];
	_ =	sdelay $0x4  }
0x3d1: {  	v55 =	vpop (erf);
	v24 =	vsub.f32 $0.0e+00, v1  }
0x3d2: {  	v55 =	vadd.f32 $1.000000000e+00, v55  }
0x3d3: {  	v24 =	vmul.f32 $1.442695020e+00, v24  }
0x3d4: {  	(erf) = vrcp.f32 v55  }
0x3d5: {  	(erf) = vpow2.f32 v24;
	_ =	sdelay $0x7  }
0x3d6: {  	v1 =	vpop (erf)  }
0x3d7: {  	v26 =	vpop (erf)  }
0x3d8: {  	v55 =	vadd.f32 $1.000000000e+00, v26;
	_ =	sdelay $0x1  }
0x3d9: {  	(erf) = vrcp.f32 v55;
	_ =	sdelay $0x3  }
0x3da: {  	[tilespmem:$0x1F4D0] =	vst v1;
	v1 =	vld [tilespmem:$0x1FC20];
	_ =	sdelay $0x4  }
0x3db: {  	v24 =	vsub.f32 $0.0e+00, v1;
	v1 =	vpop (erf)  }
0x3dc: {  	[tilespmem:$0x1F4E0] =	vst v1;
	v1 =	vld [tilespmem:$0x1FBF0]  }
0x3dd: {  	v24 =	vmul.f32 $1.442695020e+00, v24;
	_ =	sdelay $0x1  }
0x3de: {  	(erf) = vpow2.f32 v24;
	_ =	sdelay $0x1  }
0x3df: {  	v55 =	vmul.f32 $1.442695020e+00, v1;
	v1 =	vld [tilespmem:$0x1FBD0];
	_ =	sdelay $0x4  }
0x3e0: {  	v9 =	vsub.f32 $0.0e+00, v1;
	v1 =	vld [tilespmem:$0x1FC10];
	_ =	sdelay $0x1  }
0x3e1: {  	v24 =	vpop (erf)  }
0x3e2: {  	v24 =	vadd.f32 $1.000000000e+00, v24;
	_ =	sdelay $0x1  }
0x3e3: {  	(erf) = vrcp.f32 v24;
	v24 =	vmul.f32 $1.442695020e+00, v1  }
0x3e4: {  	(erf) = vpow2.f32 v55  }
0x3e5: {  	(erf) = vpow2.f32 v24;
	_ =	sdelay $0x3  }
0x3e6: {  	v9 =	vmul.f32 $1.442695020e+00, v9;
	_ =	sdelay $0x1  }
0x3e7: {  	(erf) = vpow2.f32 v9  }
0x3e8: {  	v55 =	vpop (erf)  }
0x3e9: {  	v1 =	vpop (erf)  }
0x3ea: {  	[tilespmem:$0x1F510] =	vst v1;
	v1 =	vpop (erf)  }
0x3eb: {  	[tilespmem:$0x1F520] =	vst v1;
	v1 =	vld [tilespmem:$0x1FBE0];
	_ =	sdelay $0x4  }
0x3ec: {  	v24 =	vpop (erf);
	v9 =	vsub.f32 $0.0e+00, v1  }
0x3ed: {  	v24 =	vadd.f32 $1.000000000e+00, v24  }
0x3ee: {  	v9 =	vmul.f32 $1.442695020e+00, v9  }
0x3ef: {  	(erf) = vrcp.f32 v24  }
0x3f0: {  	(erf) = vpow2.f32 v9;
	_ =	sdelay $0x7  }
0x3f1: {  	v1 =	vpop (erf)  }
0x3f2: {  	v24 =	vpop (erf)  }
0x3f3: {  	v24 =	vadd.f32 $1.000000000e+00, v24;
	_ =	sdelay $0x1  }
0x3f4: {  	(erf) = vrcp.f32 v24;
	_ =	sdelay $0x3  }
0x3f5: {  	[tilespmem:$0x1F4F0] =	vst v1;
	v1 =	vld [tilespmem:$0x1FC80];
	_ =	sdelay $0x4  }
0x3f6: {  	v9 =	vsub.f32 $0.0e+00, v1;
	v1 =	vpop (erf)  }
0x3f7: {  	[tilespmem:$0x1F500] =	vst v1;
	v1 =	vld [tilespmem:$0x1FC60]  }
0x3f8: {  	v9 =	vmul.f32 $1.442695020e+00, v9;
	_ =	sdelay $0x1  }
0x3f9: {  	(erf) = vpow2.f32 v9;
	_ =	sdelay $0x1  }
0x3fa: {  	v24 =	vmul.f32 $1.442695020e+00, v1;
	v1 =	vld [tilespmem:$0x1FC40];
	_ =	sdelay $0x4  }
0x3fb: {  	v26 =	vsub.f32 $0.0e+00, v1;
	v1 =	vld [tilespmem:$0x1FC70];
	_ =	sdelay $0x1  }
0x3fc: {  	v9 =	vpop (erf)  }
0x3fd: {  	v9 =	vadd.f32 $1.000000000e+00, v9;
	_ =	sdelay $0x1  }
0x3fe: {  	(erf) = vrcp.f32 v9;
	v9 =	vmul.f32 $1.442695020e+00, v1  }
0x3ff: {  	(erf) = vpow2.f32 v24  }
0x400: {  	(erf) = vpow2.f32 v9;
	_ =	sdelay $0x2  }
0x401: {  	v24 =	vmul.f32 $1.442695020e+00, v26;
	_ =	sdelay $0x2  }
0x402: {  	(erf) = vpow2.f32 v24  }
0x403: {  	v24 =	vpop (erf)  }
0x404: {  	v1 =	vpop (erf)  }
0x405: {  	[tilespmem:$0x1F550] =	vst v1;
	v1 =	vpop (erf)  }
0x406: {  	[tilespmem:$0x1F560] =	vst v1;
	v1 =	vld [tilespmem:$0x1FC50];
	_ =	sdelay $0x4  }
0x407: {  	v26 =	vpop (erf);
	v9 =	vsub.f32 $0.0e+00, v1  }
0x408: {  	v26 =	vadd.f32 $1.000000000e+00, v26  }
0x409: {  	v9 =	vmul.f32 $1.442695020e+00, v9  }
0x40a: {  	(erf) = vrcp.f32 v26  }
0x40b: {  	(erf) = vpow2.f32 v9;
	_ =	sdelay $0x7  }
0x40c: {  	v1 =	vpop (erf)  }
0x40d: {  	v26 =	vpop (erf)  }
0x40e: {  	v9 =	vsub.f32 $0.0e+00, v19;
	v19 =	vadd.f32 $1.000000000e+00, v26;
	_ =	sdelay $0x1  }
0x40f: {  	(erf) = vrcp.f32 v19;
	_ =	sdelay $0x8  }
0x410: {  	[tilespmem:$0x1F530] =	vst v1;
	v1 =	vpop (erf)  }
0x411: {  	[tilespmem:$0x1F540] =	vst v1;
	v1 =	vld [tilespmem:$0x1F920]  }
0x412: {  	v9 =	vmul.f32 $1.442695020e+00, v9;
	_ =	sdelay $0x1  }
0x413: {  	(erf) = vpow2.f32 v9;
	_ =	sdelay $0x1  }
0x414: {  	v19 =	vmul.f32 $1.442695020e+00, v1;
	v1 =	vld [tilespmem:$0x1F900];
	_ =	sdelay $0x4  }
0x415: {  	v26 =	vsub.f32 $0.0e+00, v1;
	v1 =	vld [tilespmem:$0x1F930];
	_ =	sdelay $0x1  }
0x416: {  	v9 =	vpop (erf)  }
0x417: {  	v9 =	vadd.f32 $1.000000000e+00, v9;
	_ =	sdelay $0x1  }
0x418: {  	(erf) = vrcp.f32 v9;
	v9 =	vmul.f32 $1.442695020e+00, v1  }
0x419: {  	(erf) = vpow2.f32 v19  }
0x41a: {  	(erf) = vpow2.f32 v9;
	_ =	sdelay $0x2  }
0x41b: {  	v26 =	vmul.f32 $1.442695020e+00, v26;
	_ =	sdelay $0x2  }
0x41c: {  	(erf) = vpow2.f32 v26  }
0x41d: {  	v26 =	vpop (erf)  }
0x41e: {  	v1 =	vpop (erf)  }
0x41f: {  	[tilespmem:$0x1F590] =	vst v1;
	v1 =	vpop (erf)  }
0x420: {  	[tilespmem:$0x1F5A0] =	vst v1;
	v1 =	vld [tilespmem:$0x1F910];
	_ =	sdelay $0x4  }
0x421: {  	v19 =	vpop (erf);
	v9 =	vsub.f32 $0.0e+00, v1  }
0x422: {  	v19 =	vadd.f32 $1.000000000e+00, v19  }
0x423: {  	v9 =	vmul.f32 $1.442695020e+00, v9  }
0x424: {  	(erf) = vrcp.f32 v19  }
0x425: {  	(erf) = vpow2.f32 v9;
	_ =	sdelay $0x7  }
0x426: {  	v1 =	vpop (erf)  }
0x427: {  	v9 =	vsub.f32 $0.0e+00, v10;
	v10 =	vpop (erf)  }
0x428: {  	v10 =	vadd.f32 $1.000000000e+00, v10;
	_ =	sdelay $0x1  }
0x429: {  	(erf) = vrcp.f32 v10;
	_ =	sdelay $0x8  }
0x42a: {  	[tilespmem:$0x1F570] =	vst v1;
	v1 =	vpop (erf)  }
0x42b: {  	[tilespmem:$0x1F580] =	vst v1;
	v1 =	vld [tilespmem:$0x1F970]  }
0x42c: {  	v9 =	vmul.f32 $1.442695020e+00, v9;
	_ =	sdelay $0x1  }
0x42d: {  	(erf) = vpow2.f32 v9;
	_ =	sdelay $0x1  }
0x42e: {  	v10 =	vmul.f32 $1.442695020e+00, v1;
	v1 =	vld [tilespmem:$0x1F940];
	_ =	sdelay $0x4  }
0x42f: {  	v19 =	vsub.f32 $0.0e+00, v1;
	v1 =	vld [tilespmem:$0x1F980];
	_ =	sdelay $0x1  }
0x430: {  	v9 =	vpop (erf)  }
0x431: {  	v9 =	vadd.f32 $1.000000000e+00, v9;
	_ =	sdelay $0x1  }
0x432: {  	(erf) = vrcp.f32 v9;
	v9 =	vmul.f32 $1.442695020e+00, v1  }
0x433: {  	(erf) = vpow2.f32 v10  }
0x434: {  	(erf) = vpow2.f32 v9;
	_ =	sdelay $0x3  }
0x435: {  	v10 =	vmul.f32 $1.442695020e+00, v19;
	_ =	sdelay $0x1  }
0x436: {  	(erf) = vpow2.f32 v10  }
0x437: {  	v19 =	vpop (erf)  }
0x438: {  	v1 =	vpop (erf)  }
0x439: {  	[tilespmem:$0x1F5D0] =	vst v1;
	v1 =	vpop (erf)  }
0x43a: {  	[tilespmem:$0x1F5E0] =	vst v1;
	v1 =	vld [tilespmem:$0x1F950];
	_ =	sdelay $0x4  }
0x43b: {  	v10 =	vpop (erf);
	v9 =	vsub.f32 $0.0e+00, v1  }
0x43c: {  	v10 =	vadd.f32 $1.000000000e+00, v10  }
0x43d: {  	v9 =	vmul.f32 $1.442695020e+00, v9  }
0x43e: {  	(erf) = vrcp.f32 v10  }
0x43f: {  	(erf) = vpow2.f32 v9;
	_ =	sdelay $0x7  }
0x440: {  	v1 =	vpop (erf)  }
0x441: {  	v10 =	vpop (erf)  }
0x442: {  	v10 =	vadd.f32 $1.000000000e+00, v10;
	_ =	sdelay $0x1  }
0x443: {  	(erf) = vrcp.f32 v10;
	_ =	sdelay $0x8  }
0x444: {  	v9 =	vsub.f32 $0.0e+00, v13;
	[tilespmem:$0x1F5B0] =	vst v1;
	v1 =	vpop (erf)  }
0x445: {  	[tilespmem:$0x1F5C0] =	vst v1;
	v1 =	vld [tilespmem:$0x1F9B0]  }
0x446: {  	v9 =	vmul.f32 $1.442695020e+00, v9;
	_ =	sdelay $0x1  }
0x447: {  	(erf) = vpow2.f32 v9;
	_ =	sdelay $0x1  }
0x448: {  	v10 =	vmul.f32 $1.442695020e+00, v1;
	v1 =	vld [tilespmem:$0x1F990];
	_ =	sdelay $0x4  }
0x449: {  	v13 =	vsub.f32 $0.0e+00, v1;
	v1 =	vld [tilespmem:$0x1F9D0];
	_ =	sdelay $0x1  }
0x44a: {  	v9 =	vpop (erf)  }
0x44b: {  	v9 =	vadd.f32 $1.000000000e+00, v9;
	_ =	sdelay $0x1  }
0x44c: {  	(erf) = vrcp.f32 v9;
	v9 =	vmul.f32 $1.442695020e+00, v1  }
0x44d: {  	(erf) = vpow2.f32 v10  }
0x44e: {  	(erf) = vpow2.f32 v9;
	_ =	sdelay $0x3  }
0x44f: {  	v10 =	vmul.f32 $1.442695020e+00, v13;
	_ =	sdelay $0x1  }
0x450: {  	(erf) = vpow2.f32 v10  }
0x451: {  	v13 =	vpop (erf)  }
0x452: {  	v1 =	vpop (erf)  }
0x453: {  	[tilespmem:$0x1F610] =	vst v1;
	v1 =	vpop (erf)  }
0x454: {  	[tilespmem:$0x1F620] =	vst v1;
	v1 =	vld [tilespmem:$0x1F9A0];
	_ =	sdelay $0x4  }
0x455: {  	v10 =	vpop (erf);
	v9 =	vsub.f32 $0.0e+00, v1  }
0x456: {  	v10 =	vadd.f32 $1.000000000e+00, v10  }
0x457: {  	v9 =	vmul.f32 $1.442695020e+00, v9  }
0x458: {  	(erf) = vrcp.f32 v10  }
0x459: {  	(erf) = vpow2.f32 v9;
	_ =	sdelay $0x7  }
0x45a: {  	v1 =	vpop (erf)  }
0x45b: {  	v10 =	vpop (erf)  }
0x45c: {  	v10 =	vadd.f32 $1.000000000e+00, v10;
	_ =	sdelay $0x1  }
0x45d: {  	[tilespmem:$0x1F5F0] =	vst v1;
	v1 =	vld [tilespmem:$0x1FA40];
	(erf) = vrcp.f32 v10;
	_ =	sdelay $0x4  }
0x45e: {  	v9 =	vsub.f32 $0.0e+00, v1;
	_ =	sdelay $0x1  }
0x45f: {  	v9 =	vmul.f32 $1.442695020e+00, v9;
	_ =	sdelay $0x1  }
0x460: {  	(erf) = vpow2.f32 v9;
	v1 =	vpop (erf)  }
0x461: {  	[tilespmem:$0x1F600] =	vst v1;
	v1 =	vld [tilespmem:$0x1FA10];
	_ =	sdelay $0x4  }
0x462: {  	v10 =	vmul.f32 $1.442695020e+00, v1;
	v1 =	vld [tilespmem:$0x1F9F0]  }
0x463: {  	v2 =	vld [tilespmem:$0x1FA30];
	_ =	sdelay $0x1  }
0x464: {  	v9 =	vpop (erf)  }
0x465: {  	v9 =	vadd.f32 $1.000000000e+00, v9  }
0x466: {  	v1 =	vsub.f32 $0.0e+00, v1  }
0x467: {  	(erf) = vrcp.f32 v9;
	v9 =	vmul.f32 $1.442695020e+00, v2  }
0x468: {  	(erf) = vpow2.f32 v10;
	v1 =	vmul.f32 $1.442695020e+00, v1  }
0x469: {  	(erf) = vpow2.f32 v9  }
0x46a: {  	(erf) = vpow2.f32 v1;
	_ =	sdelay $0x5  }
0x46b: {  	v9 =	vpop (erf)  }
0x46c: {  	v1 =	vpop (erf)  }
0x46d: {  	[tilespmem:$0x1F650] =	vst v1;
	v1 =	vpop (erf)  }
0x46e: {  	[tilespmem:$0x1F660] =	vst v1;
	v1 =	vld [tilespmem:$0x1FA00];
	v10 =	vpop (erf)  }
0x46f: {  	v10 =	vadd.f32 $1.000000000e+00, v10;
	_ =	sdelay $0x1  }
0x470: {  	(erf) = vrcp.f32 v10;
	_ =	sdelay $0x1  }
0x471: {  	v1 =	vsub.f32 $0.0e+00, v1;
	_ =	sdelay $0x1  }
0x472: {  	v1 =	vmul.f32 $1.442695020e+00, v1;
	_ =	sdelay $0x1  }
0x473: {  	(erf) = vpow2.f32 v1;
	_ =	sdelay $0x2  }
0x474: {  	v1 =	vpop (erf)  }
0x475: {  	[tilespmem:$0x1F630] =	vst v1;
	v1 =	vld [tilespmem:$0x1FAA0];
	_ =	sdelay $0x4  }
0x476: {  	v10 =	vpop (erf);
	v1 =	vsub.f32 $0.0e+00, v1  }
0x477: {  	v10 =	vadd.f32 $1.000000000e+00, v10  }
0x478: {  	v1 =	vmul.f32 $1.442695020e+00, v1  }
0x479: {  	(erf) = vrcp.f32 v10  }
0x47a: {  	(erf) = vpow2.f32 v1;
	_ =	sdelay $0x5  }
0x47b: {  	v2 =	vld [tilespmem:$0x1FA80];
	_ =	sdelay $0x1  }
0x47c: {  	v1 =	vpop (erf)  }
0x47d: {  	[tilespmem:$0x1F640] =	vst v1;
	v1 =	vpop (erf)  }
0x47e: {  	v1 =	vadd.f32 $1.000000000e+00, v1  }
0x47f: {  	v10 =	vmul.f32 $1.442695020e+00, v2;
	v2 =	vld [tilespmem:$0x1FA60]  }
0x480: {  	(erf) = vrcp.f32 v1;
	v1 =	vld [tilespmem:$0x1FA90]  }
0x481: {  	(erf) = vpow2.f32 v10;
	_ =	sdelay $0x2  }
0x482: {  	v2 =	vsub.f32 $0.0e+00, v2  }
0x483: {  	v1 =	vmul.f32 $1.442695020e+00, v1  }
0x484: {  	v2 =	vmul.f32 $1.442695020e+00, v2  }
0x485: {  	(erf) = vpow2.f32 v1  }
0x486: {  	(erf) = vpow2.f32 v2  }
0x487: {  	v1 =	vmul.f32 v57, v57;
	v10 =	vpop (erf)  }
0x488: {  	v2 =	vpop (erf)  }
0x489: {  	v1 =	vadd.f32 v1, v16;
	[tilespmem:$0x1F670] =	vst v2;
	v2 =	vmul.f32 v54, v54  }
0x48a: {  	v54 =	vld [tilespmem:$0x1FA70]  }
0x48b: {  	v1 =	vadd.f32 v2, v1;
	v2 =	vmul.f32 v51, v51;
	_ =	sdelay $0x1  }
0x48c: {  	v1 =	vadd.f32 v2, v1;
	v2 =	vmul.f32 v53, v53  }
0x48d: {  	v57 =	vpop (erf)  }
0x48e: {  	v16 =	vsub.f32 $0.0e+00, v54;
	v54 =	vpop (erf);
	v1 =	vadd.f32 v2, v1;
	v2 =	vmul.f32 v32, v32  }
0x48f: {  	v54 =	vadd.f32 $1.000000000e+00, v54  }
0x490: {  	v16 =	vmul.f32 $1.442695020e+00, v16;
	v1 =	vadd.f32 v2, v1;
	v2 =	vmul.f32 v29, v29  }
0x491: {  	(erf) = vrcp.f32 v54  }
0x492: {  	(erf) = vpow2.f32 v16;
	v1 =	vadd.f32 v2, v1;
	v2 =	vmul.f32 v30, v30;
	v30 =	vld [tilespmem:$0x1FCA0]  }
0x493: {  	v32 =	vld [tilespmem:$0x1FCB0]  }
0x494: {  	v53 =	vld [tilespmem:$0x1F730];
	_ =	sdelay $0x1  }
0x495: {  	v43 =	vmul.f32 v43, v43  }
0x496: {  	v27 =	vmul.f32 $1.190000060e+00, v27;
	v30 =	vmul.f32 $6.400000000e+01, v30  }
0x497: {  	v29 =	vmul.f32 $6.400000000e+01, v32;
	v1 =	vadd.f32 v2, v1;
	v2 =	vmul.f32 v41, v41  }
0x498: {  	v28 =	vmul.f32 $1.980000020e+00, v28;
	v41 =	vsub.f32 $0.0e+00, v53;
	v51 =	vtrunc.f32 v30  }
0x499: {  	v1 =	vadd.f32 v2, v1;
	v16 =	vpop (erf);
	v32 =	vcvt.f32.s32 v51;
	v51 =	vtrunc.f32 v29  }
0x49a: {  	v41 =	vmul.f32 $1.442695020e+00, v41;
	v53 =	vpop (erf);
	v2 =	vcvt.f32.s32 v51  }
0x49b: {  	v1 =	vadd.f32 v43, v1;
	v54 =	vadd.f32 $1.000000000e+00, v53;
	vm6 =	vgt.s32 v32, $0x0  }
0x49c: {  	v51 =	vmul.f32 v48, v48;
	v32 =	vnsel vm6, $0x0, v32;
	vm6 =	vgt.s32 v2, $0x0  }
0x49d: {  	v53 =	vadd.f32 $-1.190000060e+00, v27;
	(erf) = vrcp.f32 v54;
	v2 =	vnsel vm6, $0x0, v2  }
0x49e: {  	v32 =	vmin.u32 v32, $0x3F;
	(erf) = vpow2.f32 v41;
	v2 =	vmin.u32 v2, $0x3F  }
0x49f: {  	v27 =	vsub.f32 v27, v40;
	v43 =	vcvt.s32.f32 v32;
	v32 =	vcvt.s32.f32 v2  }
0x4a0: {  	v1 =	vadd.f32 v51, v1;
	v54 =	vadd.f32 $-1.980000020e+00, v28;
	v2 =	vmul.f32 v44, v44  }
0x4a1: {  	v23 =	vadd.f32 v43, v23;
	v21 =	vadd.f32 v32, v21  }
0x4a2: {  	v20 =	vadd.f32 v43, v20;
	v1 =	vadd.f32 v2, v1;
	v2 =	vmul.f32 v46, v46  }
0x4a3: {  	v23 =	vsub.f32 v23, v30;
	v21 =	vsub.f32 v21, v29  }
0x4a4: {  	v18 =	vadd.f32 v32, v18;
	v1 =	vadd.f32 v2, v1;
	v2 =	vmul.f32 v50, v50  }
0x4a5: {  	v20 =	vsub.f32 v20, v30;
	v50 =	vld [tilespmem:$0x1F710];
	v23 =	vmul.f32 v23, v23;
	v21 =	vmul.f32 v21, v21  }
0x4a6: {  	v51 =	vld [tilespmem:$0x1F6F0];
	v18 =	vsub.f32 v18, v29;
	v1 =	vadd.f32 v2, v1;
	v44 =	vpop (erf)  }
0x4a7: {  	v2 =	vadd.f32 v21, v23;
	v21 =	vmul.f32 v53, v53;
	v23 =	vmul.f32 v54, v54;
	v48 =	vpop (erf);
	v53 =	vld [tilespmem:$0x1F720]  }
0x4a8: {  	v27 =	vmul.f32 v27, v27;
	v20 =	vmul.f32 v20, v20;
	v41 =	vadd.f32 $1.000000000e+00, v48  }
0x4a9: {  	v46 =	vld [tilespmem:$0x1FC90];
	v18 =	vmul.f32 v18, v18;
	v21 =	vadd.f32 v23, v21;
	v23 =	vsub.f32 v28, v39  }
0x4aa: {  	v25 =	vmul.f32 $2.789999960e+00, v25;
	v2 =	vadd.f32 v2, v27;
	v27 =	vmul.f32 $1.442695020e+00, v50  }
0x4ab: {  	v18 =	vadd.f32 v18, v20;
	(erf) = vrcp.f32 v41;
	v20 =	vmul.f32 v23, v23  }
0x4ac: {  	v28 =	vsub.f32 $0.0e+00, v51;
	v50 =	vld [tilespmem:$0x1F400];
	(erf) = vpow2.f32 v27;
	v27 =	vmul.f32 $1.442695020e+00, v53  }
0x4ad: {  	v54 =	vsub.f32 v25, v40;
	v2 =	vadd.f32 v2, v20;
	v20 =	vmul.f32 $4.590000150e+00, v47  }
0x4ae: {  	v23 =	vmul.f32 $1.442695020e+00, v28;
	(erf) = vpow2.f32 v27;
	v27 =	vsub.f32 v15, v46  }
0x4af: {  	v48 =	vmul.f32 v54, v54;
	v53 =	vld [tilespmem:$0x1FCD0];
	v51 =	vadd.f32 $-4.590000150e+00, v20;
	v20 =	vsub.f32 v20, v39  }
0x4b0: {  	v25 =	vadd.f32 $-2.789999960e+00, v25;
	(erf) = vpow2.f32 v23;
	v23 =	vmul.f32 v27, v27  }
0x4b1: {  	v18 =	vadd.f32 v18, v48;
	v27 =	vmul.f32 v50, v50;
	v20 =	vmul.f32 v20, v20  }
0x4b2: {  	v54 =	vnsel vm3, $0x0, v21;
	v21 =	vmul.f32 v42, v42;
	v15 =	vmul.f32 v15, v15  }
0x4b3: {  	v47 =	vmul.f32 v12, v12;
	v50 =	vadd.f32 v27, v1;
	v1 =	vadd.f32 v18, v20  }
0x4b4: {  	v15 =	vnsel vm3, $0x0, v15;
	v41 =	vsub.f32 v42, v53;
	v42 =	vnsel vm4, $0x0, v21  }
0x4b5: {  	v2 =	vnsel vm3, $0x0, v2;
	v15 =	vadd.f32 v42, v15;
	v1 =	vnsel vm4, $0x0, v1  }
0x4b6: {  	v25 =	vmul.f32 v25, v25;
	v1 =	vadd.f32 v1, v2;
	v2 =	vnsel vm2, $0x0, v47  }
0x4b7: {  	v28 =	vmul.f32 v51, v51;
	v41 =	vmul.f32 v41, v41;
	v2 =	vadd.f32 v2, v15;
	v15 =	vld [tilespmem:$0x1F700];
	_ =	sdelay $0x1  }
0x4b8: {  	v45 =	vadd.f32 v43, v45;
	v48 =	vld [tilespmem:$0x1FD50];
	v23 =	vnsel vm3, $0x0, v23;
	v25 =	vadd.f32 v28, v25;
	v21 =	vpop (erf)  }
0x4b9: {  	v22 =	vadd.f32 v32, v22;
	v42 =	vpop (erf);
	v20 =	vnsel vm4, $0x0, v41  }
0x4ba: {  	v45 =	vsub.f32 v45, v30;
	v25 =	vnsel vm4, $0x0, v25;
	v18 =	vadd.f32 v20, v23;
	v41 =	vpop (erf)  }
0x4bb: {  	v20 =	vadd.f32 v25, v54;
	v23 =	vpop (erf);
	v15 =	vsub.f32 $0.0e+00, v15  }
0x4bc: {  	v54 =	vadd.f32 v32, v49;
	v23 =	vadd.f32 $1.000000000e+00, v23  }
0x4bd: {  	v12 =	vsub.f32 v12, v48;
	v53 =	vadd.f32 v43, v52;
	v15 =	vmul.f32 $1.442695020e+00, v15  }
0x4be: {  	v51 =	vmul.f32 $4.530000210e+00, v58;
	v28 =	vsub.f32 v54, v29;
	(erf) = vrcp.f32 v23  }
0x4bf: {  	v23 =	vmul.f32 $8.920000070e+00, v62;
	(erf) = vpow2.f32 v15;
	v15 =	vsub.f32 v53, v30  }
0x4c0: {  	v48 =	vmul.f32 $8.060000410e+00, v56;
	v58 =	vadd.f32 $-4.530000210e+00, v51;
	v25 =	vsub.f32 v51, v40  }
0x4c1: {  	v28 =	vmul.f32 v28, v28;
	v62 =	vadd.f32 $-8.920000070e+00, v23;
	v15 =	vmul.f32 v15, v15  }
0x4c2: {  	v22 =	vsub.f32 v22, v29;
	v27 =	vmul.f32 v58, v58;
	v25 =	vmul.f32 v25, v25  }
0x4c3: {  	v23 =	vsub.f32 v23, v39;
	v46 =	vmul.f32 v62, v62;
	v15 =	vadd.f32 v28, v15  }
0x4c4: {  	v22 =	vmul.f32 v22, v22;
	v49 =	vmul.f32 v45, v45;
	v51 =	vsub.f32 v48, v40  }
0x4c5: {  	v23 =	vmul.f32 v23, v23;
	v27 =	vadd.f32 v46, v27;
	v15 =	vadd.f32 v15, v25  }
0x4c6: {  	v22 =	vadd.f32 v22, v49;
	v53 =	vmul.f32 v51, v51  }
0x4c7: {  	v52 =	vnsel vm2, $0x0, v27;
	v15 =	vadd.f32 v15, v23;
	v23 =	vld [tilespmem:$0x1FDA0]  }
0x4c8: {  	v54 =	vadd.f32 v52, v20;
	v20 =	vadd.f32 v22, v53;
	v22 =	vmul.f32 $5.289999960e+00, v63;
	_ =	sdelay $0x1  }
0x4c9: {  	v56 =	vadd.f32 $-8.060000410e+00, v48;
	v62 =	vadd.f32 $-5.289999960e+00, v22  }
0x4ca: {  	v22 =	vsub.f32 v22, v39  }
0x4cb: {  	v25 =	vmul.f32 v56, v56;
	v28 =	vmul.f32 v62, v62;
	v23 =	vsub.f32 v17, v23;
	_ =	sdelay $0x1  }
0x4cc: {  	v22 =	vmul.f32 v22, v22;
	v25 =	vadd.f32 v28, v25;
	v23 =	vmul.f32 v23, v23  }
0x4cd: {  	v51 =	vld [tilespmem:$0x1FAC0]  }
0x4ce: {  	v63 =	vld [tilespmem:$0x1F790];
	v20 =	vadd.f32 v20, v22;
	v22 =	vnsel vm13, $0x0, v23;
	v23 =	vnsel vm13, $0x0, v25  }
0x4cf: {  	v12 =	vmul.f32 v12, v12;
	v53 =	vadd.f32 v23, v54;
	v54 =	vld [tilespmem:$0x1FE10]  }
0x4d0: {  	v58 =	vnsel vm2, $0x0, v15  }
0x4d1: {  	v12 =	vnsel vm2, $0x0, v12;
	v1 =	vadd.f32 v58, v1;
	v17 =	vmul.f32 v17, v17  }
0x4d2: {  	v12 =	vadd.f32 v12, v18;
	v52 =	vmul.f32 v7, v7;
	v20 =	vnsel vm13, $0x0, v20  }
0x4d3: {  	v27 =	vmul.f32 $6.400000000e+01, v51;
	v1 =	vadd.f32 v20, v1;
	v20 =	vld [tilespmem:$0x1FDE0];
	v17 =	vnsel vm13, $0x0, v17  }
0x4d4: {  	v45 =	vsub.f32 $0.0e+00, v63;
	v2 =	vadd.f32 v17, v2;
	vm6 =	vnez.u8 v54  }
0x4d5: {  	v15 =	vpop (erf);
	v12 =	vadd.f32 v22, v12;
	v22 =	vtrunc.f32 v27;
	v18 =	vnsel vm6, $0x0, v52  }
0x4d6: {  	v48 =	vpop (erf);
	v18 =	vadd.f32 v18, v2;
	v2 =	vcvt.f32.s32 v22;
	v22 =	vld [tilespmem:$0x1F410]  }
0x4d7: {  	v49 =	vmul.f32 $1.442695020e+00, v45;
	v46 =	vadd.f32 $1.000000000e+00, v48;
	v23 =	vld [tilespmem:$0x1F420]  }
0x4d8: {  	v7 =	vsub.f32 v7, v20;
	v20 =	vadd.f32 v43, v61;
	vm13 =	vgt.s32 v2, $0x0  }
0x4d9: {  	(erf) = vrcp.f32 v46;
	v58 =	vnsel vm13, $0x0, v2;
	v2 =	vadd.f32 v32, v59  }
0x4da: {  	(erf) = vpow2.f32 v49;
	v20 =	vsub.f32 v20, v30  }
0x4db: {  	v56 =	vld [tilespmem:$0x1FAD0];
	v22 =	vmul.f32 $1.031999970e+01, v22;
	v29 =	vsub.f32 v2, v29  }
0x4dc: {  	v20 =	vmul.f32 v20, v20;
	v23 =	vmul.f32 $1.064999960e+01, v23  }
0x4dd: {  	v61 =	vadd.f32 $-1.031999970e+01, v22;
	v22 =	vsub.f32 v22, v40;
	v29 =	vmul.f32 v29, v29  }
0x4de: {  	v7 =	vmul.f32 v7, v7;
	v62 =	vadd.f32 $-1.064999960e+01, v23  }
0x4df: {  	v49 =	vld [tilespmem:$0x1FAB0];
	v23 =	vsub.f32 v23, v39;
	v20 =	vadd.f32 v29, v20;
	v22 =	vmul.f32 v22, v22  }
0x4e0: {  	v28 =	vmul.f32 $6.400000000e+01, v56;
	v46 =	vld [tilespmem:$0x1F770];
	v7 =	vnsel vm6, $0x0, v7;
	v30 =	vmul.f32 v62, v62  }
0x4e1: {  	v32 =	vmul.f32 v61, v61;
	v20 =	vadd.f32 v20, v22;
	v22 =	vmul.f32 v23, v23  }
0x4e2: {  	v63 =	vtrunc.f32 v28;
	v12 =	vadd.f32 v7, v12;
	v2 =	vpop (erf)  }
0x4e3: {  	v43 =	vcvt.f32.s32 v63;
	v45 =	vpop (erf);
	v30 =	vadd.f32 v30, v32;
	v7 =	vadd.f32 v20, v22  }
0x4e4: {  	v25 =	vsub.f32 v8, v49;
	v8 =	vmul.f32 v8, v8;
	v40 =	vadd.f32 $1.000000000e+00, v45;
	v23 =	vld [tilespmem:$0x1F780]  }
0x4e5: {  	v29 =	vmul.f32 $1.442695020e+00, v46;
	v20 =	vnsel vm6, $0x0, v30;
	v7 =	vnsel vm6, $0x0, v7  }
0x4e6: {  	v47 =	vld [tilespmem:$0x1F740];
	v17 =	vadd.f32 v20, v53;
	v20 =	vadd.f32 v7, v1;
	v1 =	vnsel vm15, $0x0, v8  }
0x4e7: {  	(erf) = vrcp.f32 v40;
	v22 =	vmin.u32 v58, $0x3F;
	v18 =	vadd.f32 v1, v18;
	v1 =	vld [tilespmem:$0x1F450]  }
0x4e8: {  	(erf) = vpow2.f32 v29;
	v29 =	vcvt.s32.f32 v22;
	v22 =	vld [tilespmem:$0x1F440]  }
0x4e9: {  	vm4 =	vgt.s32 v43, $0x0;
	v23 =	vmul.f32 $1.442695020e+00, v23;
	v8 =	vld [tilespmem:$0x1F430]  }
0x4ea: {  	v43 =	vnsel vm4, $0x0, v43  }
0x4eb: {  	v32 =	vsub.f32 $0.0e+00, v47;
	(erf) = vpow2.f32 v23;
	v23 =	vmin.u32 v43, $0x3F  }
0x4ec: {  	v30 =	vcvt.s32.f32 v23;
	v23 =	vmul.f32 $1.190000060e+00, v1;
	v1 =	vld [tilespmem:$0x1F460]  }
0x4ed: {  	v48 =	vmul.f32 $1.442695020e+00, v32  }
0x4ee: {  	v59 =	vld [tilespmem:$0x1F750];
	v8 =	vadd.f32 v29, v8;
	v22 =	vadd.f32 v30, v22  }
0x4ef: {  	(erf) = vpow2.f32 v48  }
0x4f0: {  	v8 =	vsub.f32 v8, v27;
	v22 =	vsub.f32 v22, v28  }
0x4f1: {  	v7 =	vmul.f32 v25, v25;
	v53 =	vadd.f32 $-1.190000060e+00, v23;
	v51 =	vmul.f32 $1.980000020e+00, v1  }
0x4f2: {  	v23 =	vsub.f32 v23, v36;
	v56 =	vmul.f32 v8, v8;
	v22 =	vmul.f32 v22, v22  }
0x4f3: {  	v45 =	vld [tilespmem:$0x1F480];
	v40 =	vsub.f32 $0.0e+00, v59;
	v54 =	vadd.f32 $-1.980000020e+00, v51  }
0x4f4: {  	v52 =	vnsel vm15, $0x0, v7;
	v43 =	vld [tilespmem:$0x1F470];
	v23 =	vmul.f32 v23, v23;
	v22 =	vadd.f32 v22, v56  }
0x4f5: {  	v32 =	vadd.f32 v52, v12;
	v12 =	vmul.f32 v53, v53;
	v1 =	vpop (erf);
	v58 =	vmul.f32 v54, v54  }
0x4f6: {  	v46 =	vld [tilespmem:$0x1F490];
	v7 =	vpop (erf);
	v22 =	vadd.f32 v22, v23;
	v23 =	vsub.f32 v51, v35  }
0x4f7: {  	v8 =	vpop (erf);
	v12 =	vadd.f32 v58, v12  }
0x4f8: {  	v63 =	vmul.f32 $1.442695020e+00, v40;
	v40 =	vadd.f32 v30, v45;
	v61 =	vpop (erf);
	v23 =	vmul.f32 v23, v23  }
0x4f9: {  	v39 =	vadd.f32 v29, v43;
	v62 =	vadd.f32 $1.000000000e+00, v61;
	v12 =	vnsel vm15, $0x0, v12  }
0x4fa: {  	v17 =	vadd.f32 v12, v17;
	v12 =	vadd.f32 v22, v23;
	v22 =	vld [tilespmem:$0x1F4A0]  }
0x4fb: {  	v25 =	vmul.f32 $2.789999960e+00, v46;
	(erf) = vrcp.f32 v62  }
0x4fc: {  	v40 =	vsub.f32 v40, v28;
	v39 =	vsub.f32 v39, v27;
	(erf) = vpow2.f32 v63  }
0x4fd: {  	v48 =	vadd.f32 $-2.789999960e+00, v25  }
0x4fe: {  	v47 =	vmul.f32 v40, v40;
	v23 =	vmul.f32 v39, v39;
	v12 =	vnsel vm15, $0x0, v12  }
0x4ff: {  	v25 =	vsub.f32 v25, v36;
	v20 =	vadd.f32 v12, v20;
	v12 =	vld [tilespmem:$0x1FAE0];
	v22 =	vmul.f32 $4.590000150e+00, v22  }
0x500: {  	v23 =	vadd.f32 v47, v23  }
0x501: {  	v25 =	vmul.f32 v25, v25;
	v49 =	vadd.f32 $-4.590000150e+00, v22;
	v22 =	vsub.f32 v22, v35  }
0x502: {  	v58 =	vld [tilespmem:$0x1F7F0]  }
0x503: {  	v23 =	vadd.f32 v23, v25;
	v22 =	vmul.f32 v22, v22  }
0x504: {  	v51 =	vmul.f32 v48, v48;
	v53 =	vsub.f32 v31, v12;
	v12 =	vpop (erf);
	v52 =	vmul.f32 v49, v49  }
0x505: {  	v48 =	vld [tilespmem:$0x1F4D0];
	v59 =	vpop (erf);
	v22 =	vadd.f32 v23, v22  }
0x506: {  	v62 =	vld [tilespmem:$0x1F4C0];
	v39 =	vadd.f32 v52, v51;
	v23 =	vadd.f32 $1.000000000e+00, v59  }
0x507: {  	v54 =	vmul.f32 v31, v31;
	v40 =	vsub.f32 $0.0e+00, v58;
	v49 =	vld [tilespmem:$0x1F4E0];
	v22 =	vnsel vm0, $0x0, v22  }
0x508: {  	(erf) = vrcp.f32 v23;
	v23 =	vnsel vm0, $0x0, v39;
	v22 =	vadd.f32 v22, v20;
	v20 =	vld [tilespmem:$0x1FB50]  }
0x509: {  	v56 =	vmul.f32 v53, v53;
	v17 =	vadd.f32 v23, v17;
	v23 =	vld [tilespmem:$0x1F4B0]  }
0x50a: {  	v25 =	vnsel vm0, $0x0, v54;
	v40 =	vmul.f32 $1.442695020e+00, v40  }
0x50b: {  	v18 =	vadd.f32 v25, v18;
	v31 =	vnsel vm0, $0x0, v56  }
0x50c: {  	v61 =	vadd.f32 v31, v32;
	v39 =	vadd.f32 v29, v48;
	(erf) = vpow2.f32 v40  }
0x50d: {  	v63 =	vmul.f32 v60, v60;
	v40 =	vadd.f32 v30, v49;
	v20 =	vsub.f32 v60, v20  }
0x50e: {  	v31 =	vmul.f32 $8.920000070e+00, v62;
	v39 =	vsub.f32 v39, v27;
	v23 =	vmul.f32 $4.530000210e+00, v23  }
0x50f: {  	v32 =	vnsel vm8, $0x0, v63;
	v40 =	vsub.f32 v40, v28;
	v20 =	vmul.f32 v20, v20  }
0x510: {  	v56 =	vld [tilespmem:$0x1F4F0];
	v52 =	vadd.f32 $-8.920000070e+00, v31;
	v39 =	vmul.f32 v39, v39;
	v51 =	vadd.f32 $-4.530000210e+00, v23  }
0x511: {  	v58 =	vld [tilespmem:$0x1F500];
	v40 =	vmul.f32 v40, v40;
	v23 =	vsub.f32 v23, v36;
	v20 =	vnsel vm8, $0x0, v20  }
0x512: {  	v59 =	vld [tilespmem:$0x1F7C0];
	v18 =	vadd.f32 v32, v18;
	v45 =	vmul.f32 v52, v52;
	v43 =	vmul.f32 v51, v51  }
0x513: {  	v31 =	vsub.f32 v31, v35;
	v39 =	vadd.f32 v40, v39;
	v23 =	vmul.f32 v23, v23  }
0x514: {  	v32 =	vadd.f32 v20, v61;
	v53 =	vadd.f32 v45, v43;
	v20 =	vpop (erf)  }
0x515: {  	v63 =	vld [tilespmem:$0x1F7E0];
	v31 =	vmul.f32 v31, v31;
	v43 =	vadd.f32 v29, v56;
	v23 =	vadd.f32 v39, v23;
	v54 =	vpop (erf)  }
0x516: {  	v51 =	vmul.f32 v55, v55;
	v61 =	vld [tilespmem:$0x1F7A0];
	v39 =	vadd.f32 v30, v58;
	v40 =	vadd.f32 $1.000000000e+00, v54  }
0x517: {  	v46 =	vld [tilespmem:$0x1F520];
	v45 =	vmul.f32 $1.442695020e+00, v59;
	v59 =	vmul.f32 v24, v24;
	v60 =	vsub.f32 v43, v27  }
0x518: {  	v47 =	vld [tilespmem:$0x1FBB0];
	v25 =	vnsel vm8, $0x0, v53;
	v39 =	vsub.f32 v39, v28;
	(erf) = vrcp.f32 v40  }
0x519: {  	v23 =	vadd.f32 v23, v31;
	v17 =	vadd.f32 v25, v17;
	(erf) = vpow2.f32 v45;
	v45 =	vld [tilespmem:$0x1F510]  }
0x51a: {  	v54 =	vnsel vm9, $0x0, v51;
	v62 =	vmul.f32 v39, v39;
	v39 =	vmul.f32 $1.442695020e+00, v63  }
0x51b: {  	v43 =	vsub.f32 $0.0e+00, v61;
	v23 =	vnsel vm8, $0x0, v23;
	v61 =	vld [tilespmem:$0x1FC30];
	v40 =	vmul.f32 v60, v60  }
0x51c: {  	v18 =	vadd.f32 v54, v18;
	(erf) = vpow2.f32 v39;
	v39 =	vmul.f32 $5.289999960e+00, v46;
	v46 =	vld [tilespmem:$0x1F530]  }
0x51d: {  	v43 =	vmul.f32 $1.442695020e+00, v43;
	v25 =	vadd.f32 v62, v40;
	v40 =	vsub.f32 v55, v47;
	v47 =	vld [tilespmem:$0x1F540]  }
0x51e: {  	v52 =	vadd.f32 v23, v22;
	v62 =	vld [tilespmem:$0x1F7B0];
	v49 =	vadd.f32 $-5.289999960e+00, v39;
	v31 =	vmul.f32 $8.060000410e+00, v45  }
0x51f: {  	(erf) = vpow2.f32 v43;
	v39 =	vsub.f32 v39, v35;
	v55 =	vmul.f32 v40, v40  }
0x520: {  	vm6 =	vnez.u8 v61;
	v45 =	vmul.f32 v49, v49;
	v49 =	vld [tilespmem:$0x1F550];
	v48 =	vsub.f32 v31, v36  }
0x521: {  	v23 =	vmul.f32 v39, v39;
	v56 =	vnsel vm9, $0x0, v55;
	v29 =	vadd.f32 v29, v46  }
0x522: {  	v30 =	vadd.f32 v30, v47;
	v31 =	vadd.f32 $-8.060000410e+00, v31;
	v43 =	vmul.f32 v48, v48  }
0x523: {  	v39 =	vnsel vm6, $0x0, v59;
	v40 =	vsub.f32 $0.0e+00, v62;
	v27 =	vsub.f32 v29, v27  }
0x524: {  	v51 =	vld [tilespmem:$0x1F560];
	v28 =	vsub.f32 v30, v28;
	v31 =	vmul.f32 v31, v31;
	v22 =	vadd.f32 v25, v43  }
0x525: {  	v18 =	vadd.f32 v39, v18;
	v48 =	vld [tilespmem:$0x1FC00];
	v39 =	vmul.f32 $1.031999970e+01, v49;
	v27 =	vmul.f32 v27, v27  }
0x526: {  	v55 =	vmul.f32 v28, v28;
	v49 =	vld [tilespmem:$0x1F860];
	v53 =	vadd.f32 v45, v31;
	v23 =	vadd.f32 v22, v23  }
0x527: {  	v31 =	vadd.f32 v56, v32;
	v54 =	vsub.f32 v39, v36  }
0x528: {  	v27 =	vadd.f32 v55, v27;
	v58 =	vnsel vm9, $0x0, v53;
	v53 =	vadd.f32 $-1.031999970e+01, v39;
	v22 =	vpop (erf)  }
0x529: {  	v17 =	vadd.f32 v58, v17;
	v58 =	vld [tilespmem:$0x1F8D0];
	v36 =	vmul.f32 v54, v54;
	v60 =	vnsel vm9, $0x0, v23;
	v25 =	vpop (erf)  }
0x52a: {  	v40 =	vmul.f32 $1.442695020e+00, v40;
	v24 =	vsub.f32 v24, v48;
	v32 =	vadd.f32 v60, v52;
	v23 =	vpop (erf)  }
0x52b: {  	v52 =	vmul.f32 $1.064999960e+01, v51;
	v60 =	vld [tilespmem:$0x1F8E0];
	v27 =	vadd.f32 v27, v36;
	v36 =	vsub.f32 $0.0e+00, v49;
	v63 =	vpop (erf)  }
0x52c: {  	v56 =	vmul.f32 v53, v53;
	v24 =	vmul.f32 v24, v24;
	v45 =	vadd.f32 $1.000000000e+00, v63  }
0x52d: {  	v59 =	vadd.f32 $-1.064999960e+01, v52;
	v30 =	vsub.f32 v52, v35;
	v52 =	vmul.f32 $1.442695020e+00, v36  }
0x52e: {  	v28 =	vmul.f32 $6.400000000e+01, v58;
	(erf) = vrcp.f32 v45  }
0x52f: {  	v61 =	vmul.f32 v59, v59;
	(erf) = vpow2.f32 v40  }
0x530: {  	v29 =	vmul.f32 $6.400000000e+01, v60;
	v62 =	vtrunc.f32 v28  }
0x531: {  	v53 =	vld [tilespmem:$0x1F570];
	v24 =	vnsel vm6, $0x0, v24;
	v30 =	vmul.f32 v30, v30;
	v63 =	vcvt.f32.s32 v62  }
0x532: {  	v43 =	vadd.f32 v24, v31;
	v59 =	vld [tilespmem:$0x1F5A0];
	v46 =	vadd.f32 v61, v56;
	v45 =	vtrunc.f32 v29  }
0x533: {  	v60 =	vld [tilespmem:$0x1F8C0];
	v27 =	vadd.f32 v27, v30;
	v39 =	vcvt.f32.s32 v45;
	vm8 =	vgt.s32 v63, $0x0  }
0x534: {  	v56 =	vmul.f32 v26, v26;
	v40 =	vnsel vm6, $0x0, v46;
	v47 =	vnsel vm8, $0x0, v63  }
0x535: {  	v54 =	vld [tilespmem:$0x1F580];
	v27 =	vnsel vm6, $0x0, v27;
	vm9 =	vgt.s32 v39, $0x0;
	v30 =	vmin.u32 v47, $0x3F  }
0x536: {  	v17 =	vadd.f32 v40, v17;
	v48 =	vnsel vm9, $0x0, v39;
	v30 =	vcvt.s32.f32 v30  }
0x537: {  	v58 =	vld [tilespmem:$0x1F590];
	v27 =	vadd.f32 v27, v32;
	v40 =	vmul.f32 $1.980000020e+00, v59;
	v35 =	vmin.u32 v48, $0x3F;
	v24 =	vpop (erf)  }
0x538: {  	v26 =	vsub.f32 v26, v60;
	v31 =	vcvt.s32.f32 v35;
	v36 =	vadd.f32 v30, v53;
	v53 =	vld [tilespmem:$0x1F5C0];
	v51 =	vpop (erf)  }
0x539: {  	v62 =	vadd.f32 $-1.980000020e+00, v40;
	v39 =	vadd.f32 $1.000000000e+00, v51  }
0x53a: {  	v40 =	vsub.f32 v40, v33;
	v26 =	vmul.f32 v26, v26;
	v35 =	vadd.f32 v31, v54  }
0x53b: {  	v55 =	vsub.f32 v36, v28;
	v36 =	vnsel vm14, $0x0, v56;
	v51 =	vld [tilespmem:$0x1F5B0];
	(erf) = vrcp.f32 v39  }
0x53c: {  	v35 =	vsub.f32 v35, v29;
	v39 =	vmul.f32 $1.190000060e+00, v58;
	(erf) = vpow2.f32 v52  }
0x53d: {  	v48 =	vmul.f32 v62, v62;
	v18 =	vadd.f32 v36, v18;
	v45 =	vadd.f32 v31, v53  }
0x53e: {  	v32 =	vmul.f32 v55, v55;
	v55 =	vld [tilespmem:$0x1F830];
	v35 =	vmul.f32 v35, v35;
	v63 =	vsub.f32 v39, v34  }
0x53f: {  	v49 =	vmul.f32 v40, v40;
	v61 =	vadd.f32 $-1.190000060e+00, v39;
	v56 =	vsub.f32 v45, v29  }
0x540: {  	v32 =	vadd.f32 v35, v32;
	v39 =	vadd.f32 v30, v51;
	v36 =	vmul.f32 v63, v63;
	v63 =	vld [tilespmem:$0x1F8F0]  }
0x541: {  	v26 =	vnsel vm14, $0x0, v26;
	v47 =	vmul.f32 v61, v61;
	v59 =	vmul.f32 v56, v56;
	v56 =	vld [tilespmem:$0x1F5F0]  }
0x542: {  	v62 =	vmul.f32 v19, v19;
	v61 =	vld [tilespmem:$0x1F5D0];
	v54 =	vsub.f32 v39, v28;
	v32 =	vadd.f32 v32, v36  }
0x543: {  	v43 =	vadd.f32 v26, v43;
	v39 =	vmul.f32 $1.442695020e+00, v55;
	v35 =	vadd.f32 v48, v47  }
0x544: {  	v60 =	vld [tilespmem:$0x1F850];
	v48 =	vnsel vm10, $0x0, v62;
	v58 =	vmul.f32 v54, v54;
	v32 =	vadd.f32 v32, v49;
	v26 =	vpop (erf)  }
0x545: {  	v18 =	vadd.f32 v48, v18;
	v35 =	vnsel vm14, $0x0, v35;
	v49 =	vld [tilespmem:$0x1F5E0];
	v19 =	vsub.f32 v19, v63;
	v52 =	vpop (erf)  }
0x546: {  	v36 =	vadd.f32 v30, v56;
	v32 =	vnsel vm14, $0x0, v32;
	v40 =	vadd.f32 $1.000000000e+00, v52;
	v52 =	vld [tilespmem:$0x1F810]  }
0x547: {  	v56 =	vmul.f32 v13, v13;
	v27 =	vadd.f32 v32, v27;
	v32 =	vmul.f32 $2.789999960e+00, v61  }
0x548: {  	v17 =	vadd.f32 v35, v17;
	v19 =	vmul.f32 v19, v19;
	(erf) = vrcp.f32 v40  }
0x549: {  	v35 =	vadd.f32 v59, v58;
	v58 =	vld [tilespmem:$0x1F600];
	(erf) = vpow2.f32 v39;
	v39 =	vmul.f32 $1.442695020e+00, v60  }
0x54a: {  	v36 =	vsub.f32 v36, v28;
	v46 =	vnsel vm11, $0x0, v56;
	v51 =	vsub.f32 v32, v34  }
0x54b: {  	(erf) = vpow2.f32 v39;
	v39 =	vmul.f32 $4.590000150e+00, v49;
	v45 =	vsub.f32 $0.0e+00, v52  }
0x54c: {  	v18 =	vadd.f32 v46, v18;
	v32 =	vadd.f32 $-2.789999960e+00, v32;
	v40 =	vmul.f32 v51, v51;
	v51 =	vld [tilespmem:$0x1F620]  }
0x54d: {  	v59 =	vld [tilespmem:$0x1F610];
	v63 =	vmul.f32 v36, v36;
	v53 =	vadd.f32 $-4.590000150e+00, v39;
	v54 =	vmul.f32 $1.442695020e+00, v45  }
0x54e: {  	v32 =	vmul.f32 v32, v32;
	v39 =	vsub.f32 v39, v33;
	v45 =	vadd.f32 v31, v58  }
0x54f: {  	v19 =	vnsel vm10, $0x0, v19;
	v55 =	vmul.f32 v53, v53;
	(erf) = vpow2.f32 v54  }
0x550: {  	v35 =	vadd.f32 v35, v40;
	v39 =	vmul.f32 v39, v39;
	v60 =	vsub.f32 v45, v29;
	v54 =	vld [tilespmem:$0x1F960]  }
0x551: {  	v43 =	vadd.f32 v19, v43;
	v52 =	vmul.f32 $8.920000070e+00, v51;
	v32 =	vadd.f32 v55, v32  }
0x552: {  	v35 =	vadd.f32 v35, v39;
	v39 =	vmul.f32 $4.530000210e+00, v59;
	v48 =	vmul.f32 v60, v60;
	v59 =	vld [tilespmem:$0x1F820]  }
0x553: {  	v58 =	vadd.f32 $-8.920000070e+00, v52;
	v45 =	vsub.f32 v52, v33;
	v61 =	vnsel vm10, $0x0, v32  }
0x554: {  	v62 =	vnsel vm10, $0x0, v35;
	v49 =	vsub.f32 v39, v34;
	v39 =	vadd.f32 $-4.530000210e+00, v39  }
0x555: {  	v19 =	vpop (erf);
	v36 =	vmul.f32 v58, v58;
	v32 =	vadd.f32 v62, v27;
	v55 =	vsub.f32 v13, v54;
	v62 =	vld [tilespmem:$0x1F630]  }
0x556: {  	v35 =	vadd.f32 v48, v63;
	v63 =	vld [tilespmem:$0x1F640];
	v27 =	vpop (erf);
	v53 =	vmul.f32 v49, v49;
	v39 =	vmul.f32 v39, v39  }
0x557: {  	v51 =	vld [tilespmem:$0x1F650];
	v17 =	vadd.f32 v61, v17;
	v13 =	vpop (erf);
	v40 =	vmul.f32 v55, v55;
	v47 =	vsub.f32 $0.0e+00, v59  }
0x558: {  	v52 =	vld [tilespmem:$0x1F660];
	v45 =	vmul.f32 v45, v45;
	v35 =	vadd.f32 v35, v53;
	v36 =	vadd.f32 v36, v39;
	v60 =	vpop (erf)  }
0x559: {  	v55 =	vld [tilespmem:$0x1F9E0];
	v47 =	vmul.f32 $1.442695020e+00, v47;
	v61 =	vnsel vm11, $0x0, v40;
	v48 =	vadd.f32 $1.000000000e+00, v60  }
0x55a: {  	v53 =	vld [tilespmem:$0x1F9C0];
	v35 =	vadd.f32 v35, v45;
	v36 =	vnsel vm11, $0x0, v36;
	v40 =	vadd.f32 v30, v62  }
0x55b: {  	v45 =	vadd.f32 v31, v63;
	v39 =	vadd.f32 v61, v43;
	(erf) = vrcp.f32 v48  }
0x55c: {  	v17 =	vadd.f32 v36, v17;
	v35 =	vnsel vm11, $0x0, v35;
	(erf) = vpow2.f32 v47  }
0x55d: {  	v48 =	vmul.f32 v9, v9;
	v40 =	vsub.f32 v40, v28;
	v49 =	vsub.f32 v45, v29  }
0x55e: {  	v45 =	vmul.f32 $5.289999960e+00, v52;
	v32 =	vadd.f32 v35, v32;
	v35 =	vmul.f32 $8.060000410e+00, v51  }
0x55f: {  	vm10 =	vnez.u8 v55;
	v9 =	vsub.f32 v9, v53;
	v43 =	vmul.f32 v49, v49;
	v49 =	vld [tilespmem:$0x1FA20]  }
0x560: {  	v40 =	vmul.f32 v40, v40;
	v56 =	vadd.f32 $-5.289999960e+00, v45;
	v54 =	vadd.f32 $-8.060000410e+00, v35  }
0x561: {  	v53 =	vld [tilespmem:$0x1FA50];
	v36 =	vnsel vm10, $0x0, v48;
	v45 =	vsub.f32 v45, v33;
	v58 =	vmul.f32 v9, v9  }
0x562: {  	v40 =	vadd.f32 v43, v40;
	v43 =	vmul.f32 v56, v56;
	v59 =	vmul.f32 v54, v54  }
0x563: {  	v35 =	vsub.f32 v35, v34;
	v18 =	vadd.f32 v36, v18;
	v60 =	vmul.f32 v45, v45  }
0x564: {  	v63 =	vnsel vm10, $0x0, v58;
	v36 =	vadd.f32 v43, v59;
	v43 =	vsub.f32 v10, v49;
	v9 =	vpop (erf)  }
0x565: {  	v35 =	vmul.f32 v35, v35;
	v39 =	vadd.f32 v63, v39;
	v10 =	vmul.f32 v10, v10;
	v61 =	vpop (erf)  }
0x566: {  	vm11 =	vnez.u8 v53;
	v51 =	vmul.f32 v43, v43;
	v45 =	vadd.f32 $1.000000000e+00, v61  }
0x567: {  	v35 =	vadd.f32 v40, v35;
	v36 =	vnsel vm10, $0x0, v36;
	v10 =	vnsel vm11, $0x0, v10  }
0x568: {  	v62 =	vld [tilespmem:$0x1F8B0];
	(erf) = vrcp.f32 v45;
	v45 =	vadd.f32 v10, v18;
	v10 =	vnsel vm11, $0x0, v51  }
0x569: {  	v17 =	vadd.f32 v36, v17;
	v36 =	vadd.f32 v10, v39;
	v10 =	vld [tilespmem:$0x1F6C0];
	_ =	sdelay $0x1  }
0x56a: {  	v52 =	vld [tilespmem:$0x1F670];
	v35 =	vadd.f32 v35, v60;
	_ =	sdelay $0x1  }
0x56b: {  	v16 =	vadd.f32 v30, v16;
	v35 =	vnsel vm10, $0x0, v35  }
0x56c: {  	v46 =	vsub.f32 $0.0e+00, v62;
	v35 =	vadd.f32 v35, v32;
	v32 =	vmul.f32 $6.400000000e+01, v10;
	v10 =	vld [tilespmem:$0x1F6D0]  }
0x56d: {  	v54 =	vmul.f32 $1.064999960e+01, v57  }
0x56e: {  	v16 =	vsub.f32 v16, v28;
	v48 =	vmul.f32 $1.442695020e+00, v46;
	v40 =	vmul.f32 $1.031999970e+01, v52  }
0x56f: {  	v7 =	vmul.f32 $2.789999960e+00, v7;
	v8 =	vmul.f32 $4.590000150e+00, v8;
	v56 =	vadd.f32 $-1.064999960e+01, v54  }
0x570: {  	v16 =	vmul.f32 v16, v16;
	v55 =	vadd.f32 $-1.031999970e+01, v40;
	(erf) = vpow2.f32 v48  }
0x571: {  	v31 =	vadd.f32 v31, v44;
	v57 =	vmul.f32 v56, v56;
	v10 =	vmul.f32 $6.400000000e+01, v10  }
0x572: {  	v18 =	vmul.f32 v55, v55;
	v58 =	vtrunc.f32 v32  }
0x573: {  	v60 =	vsub.f32 v31, v29;
	v39 =	vcvt.f32.s32 v58;
	v59 =	vtrunc.f32 v10  }
0x574: {  	v46 =	vsub.f32 v54, v33;
	v62 =	vsub.f32 v40, v34;
	v61 =	vcvt.f32.s32 v59  }
0x575: {  	v30 =	vadd.f32 v57, v18;
	v18 =	vmul.f32 v60, v60;
	vm13 =	vgt.s32 v39, $0x0  }
0x576: {  	v49 =	vld [tilespmem:$0x1F8A0];
	v31 =	vmul.f32 v62, v62;
	v63 =	vnsel vm13, $0x0, v39;
	vm14 =	vgt.s32 v61, $0x0  }
0x577: {  	v51 =	vld [tilespmem:$0x1F870];
	v18 =	vadd.f32 v18, v16;
	v47 =	vmin.u32 v63, $0x3F;
	v29 =	vnsel vm14, $0x0, v61  }
0x578: {  	v54 =	vmul.f32 $1.190000060e+00, v42;
	v48 =	vld [tilespmem:$0x1F890];
	v28 =	vpop (erf);
	v16 =	vcvt.s32.f32 v47;
	v29 =	vmin.u32 v29, $0x3F  }
0x579: {  	v42 =	vadd.f32 $-4.590000150e+00, v8;
	v31 =	vadd.f32 v18, v31;
	v44 =	vpop (erf);
	v18 =	vcvt.s32.f32 v29  }
0x57a: {  	v25 =	vmul.f32 $4.530000210e+00, v25;
	v39 =	vadd.f32 $1.000000000e+00, v44;
	v15 =	vadd.f32 v16, v15  }
0x57b: {  	v33 =	vmul.f32 v46, v46;
	v34 =	vmul.f32 $1.442695020e+00, v49;
	v58 =	vld [tilespmem:$0x1F6B0];
	v2 =	vadd.f32 v18, v2  }
0x57c: {  	(erf) = vrcp.f32 v39;
	v39 =	vsub.f32 $0.0e+00, v51;
	v15 =	vsub.f32 v15, v32  }
0x57d: {  	v55 =	vmul.f32 $1.980000020e+00, v41;
	v29 =	vmul.f32 $1.442695020e+00, v48;
	v2 =	vsub.f32 v2, v10  }
0x57e: {  	v8 =	vsub.f32 v8, v37;
	v53 =	vmul.f32 $1.442695020e+00, v39;
	v15 =	vmul.f32 v15, v15  }
0x57f: {  	v56 =	vsub.f32 v54, v38;
	(erf) = vpow2.f32 v29;
	v2 =	vmul.f32 v2, v2  }
0x580: {  	v57 =	vadd.f32 $-1.980000020e+00, v55;
	(erf) = vpow2.f32 v34;
	v34 =	vsub.f32 v21, v58  }
0x581: {  	(erf) = vpow2.f32 v53;
	v2 =	vadd.f32 v2, v15;
	v15 =	vsub.f32 v55, v37  }
0x582: {  	v52 =	vadd.f32 v31, v33;
	v33 =	vadd.f32 $-1.190000060e+00, v54;
	v31 =	vmul.f32 v56, v56  }
0x583: {  	v41 =	vadd.f32 $-2.789999960e+00, v7;
	v60 =	vmul.f32 v34, v34;
	v15 =	vmul.f32 v15, v15  }
0x584: {  	v7 =	vsub.f32 v7, v38;
	v33 =	vmul.f32 v33, v33;
	v39 =	vmul.f32 v57, v57  }
0x585: {  	v12 =	vadd.f32 v16, v12;
	v2 =	vadd.f32 v2, v31;
	v31 =	vnsel vm1, $0x0, v60  }
0x586: {  	v23 =	vmul.f32 $8.920000070e+00, v23;
	v59 =	vadd.f32 v39, v33;
	v31 =	vadd.f32 v31, v36;
	v36 =	vld [tilespmem:$0x1F880]  }
0x587: {  	v30 =	vnsel vm11, $0x0, v30;
	v20 =	vadd.f32 v18, v20;
	v2 =	vadd.f32 v2, v15;
	v15 =	vpop (erf)  }
0x588: {  	v43 =	vmul.f32 v42, v42;
	v17 =	vadd.f32 v30, v17;
	v12 =	vsub.f32 v12, v32;
	v61 =	vpop (erf)  }
0x589: {  	v30 =	vnsel vm1, $0x0, v59;
	v29 =	vnsel vm11, $0x0, v52;
	v20 =	vsub.f32 v20, v10;
	v62 =	vpop (erf)  }
0x58a: {  	v12 =	vmul.f32 v12, v12;
	v17 =	vadd.f32 v30, v17;
	v29 =	vadd.f32 v29, v35;
	v35 =	vpop (erf)  }
0x58b: {  	v40 =	vld [tilespmem:$0x1F6E0];
	v20 =	vmul.f32 v20, v20;
	v30 =	vadd.f32 $1.000000000e+00, v35;
	v35 =	vsub.f32 $0.0e+00, v36  }
0x58c: {  	v8 =	vmul.f32 v8, v8;
	v7 =	vmul.f32 v7, v7;
	v26 =	vadd.f32 v18, v26  }
0x58d: {  	v24 =	vadd.f32 v16, v24;
	v12 =	vadd.f32 v20, v12;
	v39 =	vmul.f32 $1.442695020e+00, v35  }
0x58e: {  	v63 =	vmul.f32 v1, v1;
	v44 =	vsub.f32 v26, v10;
	(erf) = vrcp.f32 v30  }
0x58f: {  	v7 =	vadd.f32 v12, v7;
	v12 =	vsub.f32 v24, v32;
	(erf) = vpow2.f32 v39  }
0x590: {  	v1 =	vsub.f32 v1, v40;
	v48 =	vadd.f32 $-8.920000070e+00, v23;
	v20 =	vmul.f32 v41, v41  }
0x591: {  	v7 =	vadd.f32 v7, v8;
	v8 =	vmul.f32 v12, v12;
	v12 =	vmul.f32 v44, v44  }
0x592: {  	v51 =	vmul.f32 $8.060000410e+00, v27;
	v23 =	vsub.f32 v23, v37;
	v20 =	vadd.f32 v43, v20  }
0x593: {  	v47 =	vld [tilespmem:$0x1F760];
	v21 =	vmul.f32 v21, v21;
	v8 =	vadd.f32 v12, v8;
	v12 =	vsub.f32 v25, v38  }
0x594: {  	v1 =	vmul.f32 v1, v1;
	v9 =	vadd.f32 v16, v9;
	v23 =	vmul.f32 v23, v23  }
0x595: {  	v21 =	vnsel vm1, $0x0, v21;
	v20 =	vnsel vm7, $0x0, v20;
	v12 =	vmul.f32 v12, v12  }
0x596: {  	v21 =	vadd.f32 v21, v45;
	v17 =	vadd.f32 v20, v17;
	v2 =	vnsel vm1, $0x0, v2  }
0x597: {  	v2 =	vadd.f32 v2, v29;
	v29 =	vnsel vm7, $0x0, v63;
	v8 =	vadd.f32 v8, v12;
	v45 =	vpop (erf)  }
0x598: {  	v1 =	vnsel vm7, $0x0, v1;
	v21 =	vadd.f32 v29, v21;
	v29 =	vsub.f32 v22, v47;
	v46 =	vpop (erf)  }
0x599: {  	v7 =	vnsel vm7, $0x0, v7;
	v8 =	vadd.f32 v8, v23;
	v24 =	vadd.f32 $1.000000000e+00, v46  }
0x59a: {  	v25 =	vadd.f32 $-4.530000210e+00, v25;
	v22 =	vmul.f32 v22, v22;
	v2 =	vadd.f32 v7, v2  }
0x59b: {  	v12 =	vmul.f32 v29, v29;
	v8 =	vnsel vm12, $0x0, v8;
	(erf) = vrcp.f32 v24  }
0x59c: {  	v20 =	vmul.f32 v25, v25;
	v2 =	vadd.f32 v8, v2;
	v8 =	vld [tilespmem:$0x1F800];
	v24 =	vmul.f32 v48, v48  }
0x59d: {  	v9 =	vsub.f32 v9, v32;
	v1 =	vadd.f32 v1, v31;
	v12 =	vnsel vm12, $0x0, v12  }
0x59e: {  	v49 =	vld [tilespmem:$0x1F7D0];
	v7 =	vadd.f32 v24, v20;
	v20 =	vnsel vm12, $0x0, v22;
	v22 =	vadd.f32 v18, v28  }
0x59f: {  	v9 =	vmul.f32 v9, v9;
	v58 =	vmul.f32 $1.031999970e+01, v61;
	v1 =	vadd.f32 v12, v1  }
0x5a0: {  	v12 =	vmul.f32 v19, v19;
	v20 =	vadd.f32 v20, v21;
	v21 =	vsub.f32 v22, v10  }
0x5a1: {  	v53 =	vsub.f32 v51, v38;
	v59 =	vsub.f32 v58, v38;
	vm15 =	vnez.u8 v8  }
0x5a2: {  	v8 =	vnsel vm15, $0x0, v12;
	v7 =	vnsel vm12, $0x0, v7;
	v12 =	vmul.f32 v21, v21  }
0x5a3: {  	v7 =	vadd.f32 v7, v17;
	v17 =	vsub.f32 v19, v49  }
0x5a4: {  	v13 =	vmul.f32 $5.289999960e+00, v13;
	v19 =	vadd.f32 $-8.060000410e+00, v51;
	v9 =	vadd.f32 v12, v9;
	v52 =	vpop (erf)  }
0x5a5: {  	v61 =	vld [tilespmem:$0x1F840];
	v12 =	vadd.f32 v16, v45;
	v16 =	vadd.f32 v18, v52  }
0x5a6: {  	v8 =	vadd.f32 v8, v20;
	v20 =	vadd.f32 $-5.289999960e+00, v13;
	v54 =	vmul.f32 v17, v17  }
0x5a7: {  	v55 =	vmul.f32 v19, v19;
	v12 =	vsub.f32 v12, v32;
	v10 =	vsub.f32 v16, v10  }
0x5a8: {  	v13 =	vsub.f32 v13, v37;
	v56 =	vmul.f32 v20, v20;
	v18 =	vmul.f32 v53, v53  }
0x5a9: {  	v17 =	vadd.f32 $-1.031999970e+01, v58;
	v12 =	vmul.f32 v12, v12;
	v10 =	vmul.f32 v10, v10  }
0x5aa: {  	v13 =	vmul.f32 v13, v13;
	v19 =	vsub.f32 v15, v61;
	v9 =	vadd.f32 v9, v18  }
0x5ab: {  	v57 =	vadd.f32 v56, v55;
	v10 =	vadd.f32 v10, v12;
	v12 =	vmul.f32 $1.064999960e+01, v62  }
0x5ac: {  	v15 =	vmul.f32 v15, v15;
	v16 =	vnsel vm15, $0x0, v54;
	v9 =	vadd.f32 v9, v13  }
0x5ad: {  	v13 =	vnsel vm15, $0x0, v57;
	v60 =	vsub.f32 v12, v37;
	v12 =	vadd.f32 $-1.064999960e+01, v12  }
0x5ae: {  	v1 =	vadd.f32 v16, v1;
	v16 =	vmul.f32 v59, v59;
	v7 =	vadd.f32 v13, v7  }
0x5af: {  	v13 =	vmul.f32 v17, v17;
	v9 =	vnsel vm15, $0x0, v9;
	v12 =	vmul.f32 v12, v12  }
0x5b0: {  	v62 =	vmul.f32 v19, v19;
	v2 =	vadd.f32 v9, v2;
	v10 =	vadd.f32 v10, v16  }
0x5b1: {  	v63 =	vmul.f32 v60, v60;
	v9 =	vadd.f32 v12, v13;
	v12 =	vnsel vm5, $0x0, v15  }
0x5b2: {  	v8 =	vadd.f32 v12, v8;
	v12 =	vnsel vm5, $0x0, v62  }
0x5b3: {  	v10 =	vadd.f32 v10, v63;
	v1 =	vadd.f32 v12, v1;
	v12 =	vld [tilespmem:$0x1F680];
	_ =	sdelay $0x1  }
0x5b4: {  	v10 =	vnsel vm5, $0x0, v10;
	[tilespmem:$0x12990] =	vst v1;
	v1 =	vld [tilespmem:$0x1F690]  }
0x5b5: {  	v2 =	vadd.f32 v10, v2;
	_ =	sdelay $0x1  }
0x5b6: {  	v21 =	vimm.f32 $0.0e+00;
	[tilespmem:$0x129B0] =	vst v2;
	v2 =	vld [tilespmem:$0x1F6A0];
	v12 =	vmul.f32 v12, v12  }
0x5b7: {  	[tilespmem:$0x129E0] =	vst v21;
	v9 =	vnsel vm5, $0x0, v9  }
0x5b8: {  	v7 =	vadd.f32 v9, v7;
	[tilespmem:$0x12980] =	vst v8;
	v8 =	vadd.f32 v12, v50;
	v1 =	vmul.f32 v1, v1  }
0x5b9: {  	[tilespmem:$0x129F0] =	vst v21  }
0x5ba: {  	s16 =	sadd.s32 $0x1, s16;
	[tilespmem:$0x129A0] =	vst v7;
	v1 =	vadd.f32 v1, v8  }
0x5bb: {  	p0 =	sne.s32 s16, s15;
	[tilespmem:$0x129C0] =	vst v2  }
.Ltmp7:
0x5bc: {  	s1 =	simm.s32 $0x12980;
	[tilespmem:$0x129D0] =	vst v1;
	(pc) =	sbr.rel @p0 .LBB2_1-.Ltmp7, $4  }
0x5bd: {  	[hbm4b:s14+s3] =	stream.linear.scatter [tilespmem:s1], [sflag:$0x5], $0x80, $0x38;
	[tilespmem:$0x12A00] =	vst v63  }
0x5be: {  	_ =	swait.ge [sflag:s21], $0x80  }
0x5bf: {  	[sflag:s21] =	ssyncset.done $0x0  }
0x5c0: {  	[sflag:s21] =	ssyncadd.s32 $0xFFFFFF80  }
0x5c1: {  	_ =	sfence.sel $0x180000  }
0x5c2: {  	[bflag:$0x0] =	sbarrier.arrive $0xFFFF  }
0x5c3: {  	_ =	strace $0x90000047  }
0x5c4: {  	s0 =	stileid.u32;
	[bflag:$0x2] =	sbarrier.arrive $0xFFFF  }
0x5c5: {  	p0 =	sne.s32 s0, $0x0;
	s0 =	rddreg [dreg:$0x5]  }
0x5c6: {  	s0 =	sadd.s32 @!p0 $0x100000, s0  }
0x5c7: {  	[sflag:s0] =	ssyncadd.tile.s32 @!p0 $0x1;
	_ =	shalt  }
.Lfunc_end2:
_tile_overlayer_lowered:
.L_overlay_start_2:
0x5c8: {  	(tag) =	ssettag $0x2  }
0x5c9: {  	s0 =	rddreg [dreg:$0x0];
	s2 =	stileid.u32  }
0x5ca: {  	s1 =	rddreg [dreg:$0x1];
	p0 =	sne.s32 s2, $0x0  }
0x5cb: {  	s3 =	rddreg [dreg:$0x2];
	[bflag:$0x3] =	sbarrier.arrive $0xFFFF;
	s2 =	simm.s32 @!p0 $0x1C05  }
0x5cc: {  	[timem:s3], [sflag:s2] =	dma.local @!p0 [hbm:s0], s1  }
0x5cd: {  	s0 =	simm.s32 @!p0 $0x5  }
0x5ce: {  	_ =	swait.ge @!p0 [sflag:s0], s1  }
0x5cf: {  	s1 =	ssub.s32 @!p0 $0x0, s1;
	[sflag:s0] =	ssyncset.done @!p0 $0x0  }
0x5d0: {  	[sflag:s0] =	ssyncadd.s32 @!p0 s1  }
0x5d1: {  	[bflag:$0x3] =	sbarrier.arrive $0xFFFF  }
0x5d2: {  	_ =	shalt  }

</sc_bundles>
